<compile_context>
chip_gen: v7x
topology: tpu7x:2x2x1
jax: 0.10.2.dev20260603
libtpu: 0.0.44.dev20260713+nightly
codegen_flags: <defaults>
</compile_context>

<pallas_src>
import functools

import jax
import jax.numpy as jnp
from jax import lax
from jax.experimental import pallas as pl
from jax.experimental.pallas import tpu as pltpu
from jax.experimental.pallas import tpu_sc as plsc

B_, L_, D_ = 4, 2048, 1024
E_, K_ = 64, 2
T_ = B_ * L_
N_ = T_ * K_

TM = 256
SMAX = N_ // TM + E_
NP_ = SMAX * TM

TG = 512
NT = T_ // TG


def _gate_kernel(x_ref, wg_ref, g0_ref, g1_ref, s0_ref, s1_ref, meta_ref,
                 tril_ref, trilE_ref, i0s, i1s, r0s, r1s, g0s, g1s, cnt_ref):
    s = pl.program_id(0)
    b = jnp.where(s < NT, s, s - NT)

    @pl.when(s == 0)
    def _():
        row = lax.broadcasted_iota(jnp.int32, (TG, TG), 0)
        cc = lax.broadcasted_iota(jnp.int32, (TG, TG), 1)
        tril_ref[...] = (row > cc).astype(jnp.float32)
        er = lax.broadcasted_iota(jnp.int32, (E_, E_), 0)
        ec = lax.broadcasted_iota(jnp.int32, (E_, E_), 1)
        trilE_ref[...] = (er < ec).astype(jnp.float32)

    @pl.when(s < NT)
    def _():
        logits = jnp.dot(x_ref[...], wg_ref[...],
                         preferred_element_type=jnp.float32)
        sig = jax.nn.sigmoid(logits)
        col = lax.broadcasted_iota(jnp.int32, (TG, E_), 1)
        m1 = jnp.max(sig, axis=1, keepdims=True)
        i1 = jnp.min(jnp.where(sig == m1, col, E_), axis=1, keepdims=True)
        sig2 = jnp.where(col == i1, -1.0, sig)
        m2 = jnp.max(sig2, axis=1, keepdims=True)
        i2 = jnp.min(jnp.where(sig2 == m2, col, E_), axis=1, keepdims=True)
        o1 = (col == i1).astype(jnp.float32)
        o2 = (col == i2).astype(jnp.float32)
        o = o1 + o2
        cex = jnp.dot(tril_ref[...], o,
                      preferred_element_type=jnp.float32)
        prev = jnp.where(s == 0, 0.0, cnt_ref[...])
        r1 = jnp.sum((cex + prev) * o1, axis=1, keepdims=True)
        r2 = jnp.sum((cex + prev) * o2, axis=1, keepdims=True)
        i0s[b] = i1
        i1s[b] = i2
        r0s[b] = r1
        r1s[b] = r2
        g0s[b] = m1
        g1s[b] = m2
        cnt_ref[...] = prev + jnp.sum(o, axis=0, keepdims=True)

    @pl.when(s >= NT)
    def _():
        @pl.when(s == NT)
        def _():
            counts = cnt_ref[...]
            tcnt = jnp.floor((counts + (TM - 1)) * (1.0 / TM))
            base = jnp.dot(tcnt, trilE_ref[...],
                           preferred_element_type=jnp.float32)
            stot = jnp.sum(tcnt)
            s2 = lax.broadcasted_iota(jnp.int32, (SMAX, E_), 0).astype(jnp.float32)
            in_e = (s2 >= base) & (s2 < base + tcnt)
            eidsf = lax.broadcasted_iota(jnp.int32, (SMAX, E_), 1).astype(jnp.float32)
            gid = jnp.sum(jnp.where(in_e, eidsf, 0.0), axis=1)
            validv = jnp.sum(in_e.astype(jnp.float32), axis=1)
            sv1 = lax.broadcasted_iota(jnp.int32, (SMAX,), 0).astype(jnp.float32)
            lg = jnp.sum(jnp.where(sv1 == (stot - 1.0), gid, 0.0))
            meta_ref[0, :] = jnp.where(validv > 0, sv1, stot - 1.0).astype(jnp.int32)
            meta_ref[1, :] = jnp.where(validv > 0, gid, lg).astype(jnp.int32)
            meta_ref[2, :] = validv.astype(jnp.int32)
            cnt_ref[...] = base * TM

        col = lax.broadcasted_iota(jnp.int32, (TG, E_), 1)
        opad = cnt_ref[...]
        oh0 = (i0s[b] == col).astype(jnp.float32)
        oh1 = (i1s[b] == col).astype(jnp.float32)
        slot0 = jnp.sum(oh0 * opad, axis=1, keepdims=True) + r0s[b]
        slot1 = jnp.sum(oh1 * opad, axis=1, keepdims=True) + r1s[b]
        s0_ref[...] = jnp.reshape(slot0, (TG,)).astype(jnp.int32)
        s1_ref[...] = jnp.reshape(slot1, (TG,)).astype(jnp.int32)
        g0_ref[...] = jnp.reshape(g0s[b], (TG,))
        g1_ref[...] = jnp.reshape(g1s[b], (TG,))


def _gate(xf, wg):
    vec = pl.BlockSpec((TG,), lambda s: (jnp.where(s < NT, s, s - NT),))
    return pl.pallas_call(
        _gate_kernel,
        grid=(2 * NT,),
        in_specs=[
            pl.BlockSpec((TG, D_), lambda s: (jnp.where(s < NT, s, 0), 0)),
            pl.BlockSpec((D_, E_), lambda s: (0, 0)),
        ],
        out_specs=[vec, vec, vec, vec,
                   pl.BlockSpec((3, SMAX), lambda s: (0, 0))],
        out_shape=[
            jax.ShapeDtypeStruct((T_,), jnp.float32),
            jax.ShapeDtypeStruct((T_,), jnp.float32),
            jax.ShapeDtypeStruct((T_,), jnp.int32),
            jax.ShapeDtypeStruct((T_,), jnp.int32),
            jax.ShapeDtypeStruct((3, SMAX), jnp.int32),
        ],
        scratch_shapes=[
            pltpu.VMEM((TG, TG), jnp.float32),
            pltpu.VMEM((E_, E_), jnp.float32),
            pltpu.VMEM((NT, TG, 1), jnp.int32),
            pltpu.VMEM((NT, TG, 1), jnp.int32),
            pltpu.VMEM((NT, TG, 1), jnp.float32),
            pltpu.VMEM((NT, TG, 1), jnp.float32),
            pltpu.VMEM((NT, TG, 1), jnp.float32),
            pltpu.VMEM((NT, TG, 1), jnp.float32),
            pltpu.VMEM((1, E_), jnp.float32),
        ],
    )(xf, wg)


def _gmm_kernel(m_ref, x_ref, w_ref, y_ref):
    s = pl.program_id(0)

    @pl.when(m_ref[2, s] == 1)
    def _():
        y_ref[...] = jnp.dot(x_ref[...].astype(jnp.bfloat16),
                             w_ref[0].astype(jnp.bfloat16),
                             preferred_element_type=jnp.float32)


def _gmm(meta, xs, we):
    grid_spec = pltpu.PrefetchScalarGridSpec(
        num_scalar_prefetch=1,
        grid=(SMAX,),
        in_specs=[
            pl.BlockSpec((TM, D_), lambda s, m: (m[0, s], 0)),
            pl.BlockSpec((1, D_, D_), lambda s, m: (m[1, s], 0, 0)),
        ],
        out_specs=pl.BlockSpec((TM, D_), lambda s, m: (m[0, s], 0)),
    )
    return pl.pallas_call(
        _gmm_kernel,
        grid_spec=grid_spec,
        out_shape=jax.ShapeDtypeStruct((NP_, D_), jnp.float32),
    )(meta, xs, we)


_NC, _NS = 2, 16
NW = _NC * _NS
TPW = T_ // NW
SB = 32
NSB = TPW // SB
_mesh = functools.partial(
    plsc.VectorSubcoreMesh, core_axis_name="c", subcore_axis_name="s")


def _dispatch(x2d, s0r, s1r):
    @functools.partial(
        pl.kernel,
        mesh=_mesh(),
        out_type=jax.ShapeDtypeStruct((NP_, D_), jnp.float32),
        scratch_types=[
            pltpu.VMEM((NSB, SB), jnp.int32), pltpu.VMEM((NSB, SB), jnp.int32),
            pltpu.VMEM((SB, D_), jnp.float32),
            pltpu.VMEM((SB, D_), jnp.float32),
            pltpu.SemaphoreType.DMA, pltpu.SemaphoreType.DMA,
            pltpu.SemaphoreType.DMA, pltpu.SemaphoreType.DMA,
        ],
    )
    def disp(x_hbm, s0_hbm, s1_hbm, xs_hbm,
             s0m, s1m, rows_a, rows_b, semA0, semA1, semB0, semB1):
        wid = lax.axis_index("s") * _NC + lax.axis_index("c")
        tb0 = wid * TPW
        rows = (rows_a, rows_b)
        sem0 = (semA0, semB0)
        sem1 = (semA1, semB1)
        pltpu.sync_copy(s0_hbm.at[wid], s0m)
        pltpu.sync_copy(s1_hbm.at[wid], s1m)

        def stage(b, st):
            @pl.when(b >= 2)
            def _():
                pltpu.make_async_copy(
                    rows[st], xs_hbm.at[s0m.at[b - 2]], sem0[st]).wait()
                pltpu.make_async_copy(
                    rows[st], xs_hbm.at[s1m.at[b - 2]], sem1[st]).wait()
            pltpu.sync_copy(x_hbm.at[pl.ds(tb0 + b * SB, SB)], rows[st])
            pltpu.async_copy(rows[st], xs_hbm.at[s0m.at[b]], sem0[st])
            pltpu.async_copy(rows[st], xs_hbm.at[s1m.at[b]], sem1[st])

        def body(b2, carry):
            stage(b2 * 2, 0)
            stage(b2 * 2 + 1, 1)
            return carry

        lax.fori_loop(0, NSB // 2, body, 0)
        for st in range(2):
            b = NSB - 2 + st
            pltpu.make_async_copy(rows[st], xs_hbm.at[s0m.at[b]], sem0[st]).wait()
            pltpu.make_async_copy(rows[st], xs_hbm.at[s1m.at[b]], sem1[st]).wait()

    return disp(x2d, s0r, s1r)


SB2 = 16
NSB2 = TPW // SB2


def _splat(vec16, lane16):
    dnums = lax.GatherDimensionNumbers(
        offset_dims=(), collapsed_slice_dims=(0,), start_index_map=(0,))
    return lax.gather(vec16, lane16[:, None], dnums, slice_sizes=(1,),
                      mode=lax.GatherScatterMode.PROMISE_IN_BOUNDS)


def _combine(ys, s0, s1, g0, g1):
    @functools.partial(
        pl.kernel,
        mesh=_mesh(),
        out_type=jax.ShapeDtypeStruct((T_, D_), jnp.float32),
        scratch_types=[
            pltpu.VMEM((TPW,), jnp.int32), pltpu.VMEM((TPW,), jnp.int32),
            pltpu.VMEM((TPW,), jnp.float32), pltpu.VMEM((TPW,), jnp.float32),
            pltpu.VMEM((SB2, D_), jnp.float32),
            pltpu.VMEM((SB2, D_), jnp.float32),
            pltpu.VMEM((SB2, D_), jnp.float32),
            pltpu.VMEM((SB2, D_), jnp.float32),
            pltpu.VMEM((SB2, D_), jnp.float32),
            pltpu.SemaphoreType.DMA, pltpu.SemaphoreType.DMA,
            pltpu.SemaphoreType.DMA, pltpu.SemaphoreType.DMA,
        ],
    )
    def comb(ys_hbm, s0_hbm, s1_hbm, g0_hbm, g1_hbm, out_hbm,
             s0w, s1w, g0w, g1w, r0a, r1a, r0b, r1b, o_v,
             semA0, semA1, semB0, semB1):
        wid = lax.axis_index("s") * _NC + lax.axis_index("c")
        tb0 = wid * TPW
        r0v = (r0a, r0b)
        r1v = (r1a, r1b)
        sem0 = (semA0, semB0)
        sem1 = (semA1, semB1)
        pltpu.sync_copy(s0_hbm.at[pl.ds(tb0, TPW)], s0w)
        pltpu.sync_copy(s1_hbm.at[pl.ds(tb0, TPW)], s1w)
        pltpu.sync_copy(g0_hbm.at[pl.ds(tb0, TPW)], g0w)
        pltpu.sync_copy(g1_hbm.at[pl.ds(tb0, TPW)], g1w)

        def issue(b, st):
            pltpu.async_copy(
                ys_hbm.at[s0w.at[pl.ds(b * SB2, SB2)]], r0v[st], sem0[st])
            pltpu.async_copy(
                ys_hbm.at[s1w.at[pl.ds(b * SB2, SB2)]], r1v[st], sem1[st])

        def stage(b, st):
            @pl.when(b + 1 < NSB2)
            def _():
                issue(b + 1, st ^ 1)
            pltpu.make_async_copy(
                ys_hbm.at[s0w.at[pl.ds(b * SB2, SB2)]], r0v[st], sem0[st]).wait()
            pltpu.make_async_copy(
                ys_hbm.at[s1w.at[pl.ds(b * SB2, SB2)]], r1v[st], sem1[st]).wait()

            def row_body(i, carry):
                lane = jnp.full((16,), i, jnp.int32) & jnp.full((16,), 15, jnp.int32)
                ga = _splat(g0w[pl.ds(b * SB2, 16)], lane)
                gb = _splat(g1w[pl.ds(b * SB2, 16)], lane)
                for c in range(D_ // 16):
                    sl = pl.ds(c * 16, 16)
                    o_v[i, sl] = ga * r0v[st][i, sl] + gb * r1v[st][i, sl]
                return carry

            lax.fori_loop(0, SB2, row_body, 0)
            pltpu.sync_copy(o_v, out_hbm.at[pl.ds(tb0 + b * SB2, SB2)])

        issue(0, 0)

        def body(b2, carry):
            stage(b2 * 2, 0)
            stage(b2 * 2 + 1, 1)
            return carry

        lax.fori_loop(0, NSB2 // 2, body, 0)

    return comb(ys, s0, s1, g0, g1)


def kernel(x, Wg, We):
    xf = x.reshape(T_, D_)
    g0, g1, slot0, slot1, meta = _gate(xf, Wg)
    xs = _dispatch(xf, slot0.reshape(NW, NSB, SB), slot1.reshape(NW, NSB, SB))
    ys = _gmm(meta, xs, We)
    out = _combine(ys, slot0, slot1, g0, g1)
    return out.reshape(B_, L_, D_)

# --- scband reference (transcript-rebuilt; emitter-appended) ---
"""Pipeline reference for scband-token-choice-mo-e-85109071937953 (READ-ONLY COPY).

The authoritative reference and input builder live on the scoring server;
editing this copy changes nothing except your own understanding.
"""

import jax, jax.numpy as jnp
import numpy as np

B, L, D = 4, 2048, 1024
E, K = 64, 2

def setup_inputs(seed: int = 0) -> dict:
    key = jax.random.key(seed)
    k1, k2, k3 = jax.random.split(key, 3)
    x = jax.random.normal(k1, (B, L, D), dtype=jnp.float32)
    Wg = jax.random.normal(k2, (D, E), dtype=jnp.float32) * 0.02
    We = jax.random.normal(k3, (E, D, D), dtype=jnp.float32) * 0.02
    return {"x": x, "Wg": Wg, "We": We}

def reference(x, Wg, We):
    b, l, d = x.shape
    T = b * l
    xf = x.reshape(T, d)
    # gate: sigmoid(x @ Wg) then top-k expert selection per token
    S = jax.nn.sigmoid(xf @ Wg)
    G, I = jax.lax.top_k(S, K)  # G: [T, K] gate weights, I: [T, K] expert ids
    final = jnp.zeros((T, d), dtype=x.dtype)
    for e in range(We.shape[0]):
        # gate weight for tokens routed to expert e (zero if not routed)
        w = jnp.sum(jnp.where(I == e, G, jnp.zeros_like(G)), axis=1)
        cur = xf @ We[e]                             # expert e = Linear(d, d, bias=False)
        cur = cur * w[:, None]                       # scale by gate weight
        final = final + cur                          # combine
    return final.reshape(b, l, d)

if __name__ == "__main__":
    import jax
    _d = setup_inputs()
    print(jax.jit(kernel)(*tuple(_d.values())))

</pallas_src>

<mosaic_0001>
#map = affine_map<(d0, d1) -> (0, 0)>
#map1 = affine_map<(d0, d1) -> (0, 0, 0)>
module attributes {stable_mosaic.version = 14 : i64} {
  func.func @disp(%arg0: i32, %arg1: i32, %arg2: memref<8192x1024xf32, #tpu.memory_space<hbm>>, %arg3: memref<32x8x32xi32, #tpu.memory_space<hbm>>, %arg4: memref<32x8x32xi32, #tpu.memory_space<hbm>>, %arg5: memref<32768x1024xf32, #tpu.memory_space<hbm>>, %arg6: memref<8x32xi32, #tpu.memory_space<vmem>>, %arg7: memref<8x32xi32, #tpu.memory_space<vmem>>, %arg8: memref<32x1024xf32, #tpu.memory_space<vmem>>, %arg9: memref<32x1024xf32, #tpu.memory_space<vmem>>, %arg10: memref<!tpu.dma_semaphore, #tpu.memory_space<semaphore_mem>>, %arg11: memref<!tpu.dma_semaphore, #tpu.memory_space<semaphore_mem>>, %arg12: memref<!tpu.dma_semaphore, #tpu.memory_space<semaphore_mem>>, %arg13: memref<!tpu.dma_semaphore, #tpu.memory_space<semaphore_mem>>) attributes {dimension_semantics = [#tpu.dimension_semantics<core_parallel>, #tpu.dimension_semantics<subcore_parallel>], iteration_bounds = array<i64: 2, 16>, scalar_prefetch = 0 : i64, scratch_operands = 8 : i64, tpu.core_type = #tpu.core_type<sc_vector_subcore>, window_params = [{transform_indices = #map}, {transform_indices = #map1}, {transform_indices = #map1}, {transform_indices = #map}]} {
    %mul3A = arith.constant 2 : i32
    %mul3A_0 = arith.muli %arg1, %mul3A : i32
    %add3A = arith.addi %mul3A_0, %arg0 : i32
    %mul3A_1 = arith.constant 256 : i32
    %mul3A_2 = arith.muli %add3A, %mul3A_1 : i32
    "tpu.region"() ({
      %run_scoped3A = tpu.sem_alloc : memref<!tpu.dma_semaphore, #tpu.memory_space<semaphore_mem>>
      %dma_start3A = arith.constant 0 : i32
      %dma_start3A_35 = arith.constant 0 : i32
      %dma_start3A_36 = tpu.memref_slice %arg3[%add3A, %dma_start3A, %dma_start3A_35] : memref<32x8x32xi32, #tpu.memory_space<hbm>> -> memref<1x8x32xi32, #tpu.memory_space<hbm>>
      %dma_start3A_37 = tpu.memref_squeeze %dma_start3A_36 : memref<1x8x32xi32, #tpu.memory_space<hbm>> -> memref<8x32xi32, #tpu.memory_space<hbm>>
      %dma_start3A_38 = arith.constant 0 : i32
      %dma_start3A_39 = arith.constant 0 : i32
      %dma_start3A_40 = tpu.memref_slice %arg3[%add3A, %dma_start3A_38, %dma_start3A_39] : memref<32x8x32xi32, #tpu.memory_space<hbm>> -> memref<1x8x32xi32, #tpu.memory_space<hbm>>
      %dma_start3A_41 = tpu.memref_squeeze %dma_start3A_40 : memref<1x8x32xi32, #tpu.memory_space<hbm>> -> memref<8x32xi32, #tpu.memory_space<hbm>>
      tpu.enqueue_dma source(%dma_start3A_41 : memref<8x32xi32, #tpu.memory_space<hbm>>) target(%arg6 : memref<8x32xi32, #tpu.memory_space<vmem>>) target_semaphore(%run_scoped3A : memref<!tpu.dma_semaphore, #tpu.memory_space<semaphore_mem>>)
      %dma_wait3A_42 = arith.constant 0 : i32
      %dma_wait3A_43 = arith.constant 0 : i32
      %dma_wait3A_44 = tpu.memref_slice %arg3[%add3A, %dma_wait3A_42, %dma_wait3A_43] : memref<32x8x32xi32, #tpu.memory_space<hbm>> -> memref<1x8x32xi32, #tpu.memory_space<hbm>>
      %dma_wait3A_45 = tpu.memref_squeeze %dma_wait3A_44 : memref<1x8x32xi32, #tpu.memory_space<hbm>> -> memref<8x32xi32, #tpu.memory_space<hbm>>
      %dma_wait3A_46 = arith.constant 0 : i32
      %dma_wait3A_47 = arith.constant 0 : i32
      %dma_wait3A_48 = tpu.memref_slice %arg3[%add3A, %dma_wait3A_46, %dma_wait3A_47] : memref<32x8x32xi32, #tpu.memory_space<hbm>> -> memref<1x8x32xi32, #tpu.memory_space<hbm>>
      %dma_wait3A_49 = tpu.memref_squeeze %dma_wait3A_48 : memref<1x8x32xi32, #tpu.memory_space<hbm>> -> memref<8x32xi32, #tpu.memory_space<hbm>>
      tpu.wait_dma2 semaphore(%run_scoped3A : memref<!tpu.dma_semaphore, #tpu.memory_space<semaphore_mem>>) src(%dma_wait3A_49 : memref<8x32xi32, #tpu.memory_space<hbm>>) dst(%arg6 : memref<8x32xi32, #tpu.memory_space<vmem>>)
      tpu.yield
    }) : () -> ()
    "tpu.region"() ({
      %run_scoped3A = tpu.sem_alloc : memref<!tpu.dma_semaphore, #tpu.memory_space<semaphore_mem>>
      %dma_start3A = arith.constant 0 : i32
      %dma_start3A_35 = arith.constant 0 : i32
      %dma_start3A_36 = tpu.memref_slice %arg4[%add3A, %dma_start3A, %dma_start3A_35] : memref<32x8x32xi32, #tpu.memory_space<hbm>> -> memref<1x8x32xi32, #tpu.memory_space<hbm>>
      %dma_start3A_37 = tpu.memref_squeeze %dma_start3A_36 : memref<1x8x32xi32, #tpu.memory_space<hbm>> -> memref<8x32xi32, #tpu.memory_space<hbm>>
      %dma_start3A_38 = arith.constant 0 : i32
      %dma_start3A_39 = arith.constant 0 : i32
      %dma_start3A_40 = tpu.memref_slice %arg4[%add3A, %dma_start3A_38, %dma_start3A_39] : memref<32x8x32xi32, #tpu.memory_space<hbm>> -> memref<1x8x32xi32, #tpu.memory_space<hbm>>
      %dma_start3A_41 = tpu.memref_squeeze %dma_start3A_40 : memref<1x8x32xi32, #tpu.memory_space<hbm>> -> memref<8x32xi32, #tpu.memory_space<hbm>>
      tpu.enqueue_dma source(%dma_start3A_41 : memref<8x32xi32, #tpu.memory_space<hbm>>) target(%arg7 : memref<8x32xi32, #tpu.memory_space<vmem>>) target_semaphore(%run_scoped3A : memref<!tpu.dma_semaphore, #tpu.memory_space<semaphore_mem>>)
      %dma_wait3A_42 = arith.constant 0 : i32
      %dma_wait3A_43 = arith.constant 0 : i32
      %dma_wait3A_44 = tpu.memref_slice %arg4[%add3A, %dma_wait3A_42, %dma_wait3A_43] : memref<32x8x32xi32, #tpu.memory_space<hbm>> -> memref<1x8x32xi32, #tpu.memory_space<hbm>>
      %dma_wait3A_45 = tpu.memref_squeeze %dma_wait3A_44 : memref<1x8x32xi32, #tpu.memory_space<hbm>> -> memref<8x32xi32, #tpu.memory_space<hbm>>
      %dma_wait3A_46 = arith.constant 0 : i32
      %dma_wait3A_47 = arith.constant 0 : i32
      %dma_wait3A_48 = tpu.memref_slice %arg4[%add3A, %dma_wait3A_46, %dma_wait3A_47] : memref<32x8x32xi32, #tpu.memory_space<hbm>> -> memref<1x8x32xi32, #tpu.memory_space<hbm>>
      %dma_wait3A_49 = tpu.memref_squeeze %dma_wait3A_48 : memref<1x8x32xi32, #tpu.memory_space<hbm>> -> memref<8x32xi32, #tpu.memory_space<hbm>>
      tpu.wait_dma2 semaphore(%run_scoped3A : memref<!tpu.dma_semaphore, #tpu.memory_space<semaphore_mem>>) src(%dma_wait3A_49 : memref<8x32xi32, #tpu.memory_space<hbm>>) dst(%arg7 : memref<8x32xi32, #tpu.memory_space<vmem>>)
      tpu.yield
    }) : () -> ()
    %scan3A = arith.constant 0 : i32
    %scan3A_3 = arith.constant 0 : i32
    %scan3A_4 = arith.constant 4 : i32
    %scan3A_5 = arith.addi %scan3A_3, %scan3A_4 : i32
    %scan3A_6 = arith.constant 1 : i32
    scf.for %scan3A_35 = %scan3A_3 to %scan3A_5 step %scan3A_6  : i32 {
      %mul3A_36 = arith.constant 2 : i32
      %mul3A_37 = arith.muli %scan3A_35, %mul3A_36 : i32
      %ge3A = arith.constant 2 : i32
      %ge3A_38 = arith.cmpi sge, %mul3A_37, %ge3A : i32
      %convert_element_type3A = arith.extui %ge3A_38 : i1 to i32
      %cond3A = arith.constant 0 : i32
      %cond3A_39 = arith.cmpi ne, %convert_element_type3A, %cond3A : i32
      scf.if %cond3A_39 {
        %sub3A = arith.constant 2 : i32
        %sub3A_78 = arith.subi %mul3A_37, %sub3A : i32
        %dma_wait3A_79 = arith.constant 0 : i32
        %dma_wait3A_80 = tpu.memref_slice %arg6[%sub3A_78, %dma_wait3A_79] : memref<8x32xi32, #tpu.memory_space<vmem>> -> memref<1x32xi32, #tpu.memory_space<vmem>>
        %dma_wait3A_81 = tpu.memref_squeeze %dma_wait3A_80 : memref<1x32xi32, #tpu.memory_space<vmem>> -> memref<32xi32, #tpu.memory_space<vmem>>
        %dma_wait3A_82 = arith.constant 0 : i32
        %dma_wait3A_83 = arith.constant 0 : i32
        %dma_wait3A_84 = tpu.memref_slice %arg5[%dma_wait3A_82, %dma_wait3A_83] : memref<32768x1024xf32, #tpu.memory_space<hbm>> -> memref<32768x1024xf32, #tpu.memory_space<hbm>>
        tpu.wait_indirect_dma semaphore(%arg10 : memref<!tpu.dma_semaphore, #tpu.memory_space<semaphore_mem>>) src(%arg8 : memref<32x1024xf32, #tpu.memory_space<vmem>>) dst(%dma_wait3A_84 : memref<32768x1024xf32, #tpu.memory_space<hbm>>)
        %sub3A_85 = arith.constant 2 : i32
        %sub3A_86 = arith.subi %mul3A_37, %sub3A_85 : i32
        %dma_wait3A_87 = arith.constant 0 : i32
        %dma_wait3A_88 = tpu.memref_slice %arg7[%sub3A_86, %dma_wait3A_87] : memref<8x32xi32, #tpu.memory_space<vmem>> -> memref<1x32xi32, #tpu.memory_space<vmem>>
        %dma_wait3A_89 = tpu.memref_squeeze %dma_wait3A_88 : memref<1x32xi32, #tpu.memory_space<vmem>> -> memref<32xi32, #tpu.memory_space<vmem>>
        %dma_wait3A_90 = arith.constant 0 : i32
        %dma_wait3A_91 = arith.constant 0 : i32
        %dma_wait3A_92 = tpu.memref_slice %arg5[%dma_wait3A_90, %dma_wait3A_91] : memref<32768x1024xf32, #tpu.memory_space<hbm>> -> memref<32768x1024xf32, #tpu.memory_space<hbm>>
        tpu.wait_indirect_dma semaphore(%arg11 : memref<!tpu.dma_semaphore, #tpu.memory_space<semaphore_mem>>) src(%arg8 : memref<32x1024xf32, #tpu.memory_space<vmem>>) dst(%dma_wait3A_92 : memref<32768x1024xf32, #tpu.memory_space<hbm>>)
      } else {
      }
      %mul3A_40 = arith.constant 32 : i32
      %mul3A_41 = arith.muli %mul3A_37, %mul3A_40 : i32
      %add3A_42 = arith.addi %mul3A_2, %mul3A_41 : i32
      "tpu.region"() ({
        %run_scoped3A = tpu.sem_alloc : memref<!tpu.dma_semaphore, #tpu.memory_space<semaphore_mem>>
        %dma_start3A_78 = arith.constant 0 : i32
        %dma_start3A_79 = tpu.memref_slice %arg2[%add3A_42, %dma_start3A_78] : memref<8192x1024xf32, #tpu.memory_space<hbm>> -> memref<32x1024xf32, #tpu.memory_space<hbm>>
        %dma_start3A_80 = arith.constant 0 : i32
        %dma_start3A_81 = tpu.memref_slice %arg2[%add3A_42, %dma_start3A_80] : memref<8192x1024xf32, #tpu.memory_space<hbm>> -> memref<32x1024xf32, #tpu.memory_space<hbm>>
        tpu.enqueue_dma source(%dma_start3A_81 : memref<32x1024xf32, #tpu.memory_space<hbm>>) target(%arg8 : memref<32x1024xf32, #tpu.memory_space<vmem>>) target_semaphore(%run_scoped3A : memref<!tpu.dma_semaphore, #tpu.memory_space<semaphore_mem>>)
        %dma_wait3A_82 = arith.constant 0 : i32
        %dma_wait3A_83 = tpu.memref_slice %arg2[%add3A_42, %dma_wait3A_82] : memref<8192x1024xf32, #tpu.memory_space<hbm>> -> memref<32x1024xf32, #tpu.memory_space<hbm>>
        %dma_wait3A_84 = arith.constant 0 : i32
        %dma_wait3A_85 = tpu.memref_slice %arg2[%add3A_42, %dma_wait3A_84] : memref<8192x1024xf32, #tpu.memory_space<hbm>> -> memref<32x1024xf32, #tpu.memory_space<hbm>>
        tpu.wait_dma2 semaphore(%run_scoped3A : memref<!tpu.dma_semaphore, #tpu.memory_space<semaphore_mem>>) src(%dma_wait3A_85 : memref<32x1024xf32, #tpu.memory_space<hbm>>) dst(%arg8 : memref<32x1024xf32, #tpu.memory_space<vmem>>)
        tpu.yield
      }) : () -> ()
      %dma_start3A = arith.constant 0 : i32
      %dma_start3A_43 = tpu.memref_slice %arg6[%mul3A_37, %dma_start3A] : memref<8x32xi32, #tpu.memory_space<vmem>> -> memref<1x32xi32, #tpu.memory_space<vmem>>
      %dma_start3A_44 = tpu.memref_squeeze %dma_start3A_43 : memref<1x32xi32, #tpu.memory_space<vmem>> -> memref<32xi32, #tpu.memory_space<vmem>>
      %dma_start3A_45 = arith.constant 0 : i32
      %dma_start3A_46 = arith.constant 0 : i32
      %dma_start3A_47 = tpu.memref_slice %arg5[%dma_start3A_45, %dma_start3A_46] : memref<32768x1024xf32, #tpu.memory_space<hbm>> -> memref<32768x1024xf32, #tpu.memory_space<hbm>>
      tpu.enqueue_indirect_dma source(%arg8 : memref<32x1024xf32, #tpu.memory_space<vmem>>) target(%dma_start3A_47 : memref<32768x1024xf32, #tpu.memory_space<hbm>>) offsets(%dma_start3A_44 : memref<32xi32, #tpu.memory_space<vmem>>) semaphore(%arg10 : memref<!tpu.dma_semaphore, #tpu.memory_space<semaphore_mem>>)
      %dma_start3A_48 = arith.constant 0 : i32
      %dma_start3A_49 = tpu.memref_slice %arg7[%mul3A_37, %dma_start3A_48] : memref<8x32xi32, #tpu.memory_space<vmem>> -> memref<1x32xi32, #tpu.memory_space<vmem>>
      %dma_start3A_50 = tpu.memref_squeeze %dma_start3A_49 : memref<1x32xi32, #tpu.memory_space<vmem>> -> memref<32xi32, #tpu.memory_space<vmem>>
      %dma_start3A_51 = arith.constant 0 : i32
      %dma_start3A_52 = arith.constant 0 : i32
      %dma_start3A_53 = tpu.memref_slice %arg5[%dma_start3A_51, %dma_start3A_52] : memref<32768x1024xf32, #tpu.memory_space<hbm>> -> memref<32768x1024xf32, #tpu.memory_space<hbm>>
      tpu.enqueue_indirect_dma source(%arg8 : memref<32x1024xf32, #tpu.memory_space<vmem>>) target(%dma_start3A_53 : memref<32768x1024xf32, #tpu.memory_space<hbm>>) offsets(%dma_start3A_50 : memref<32xi32, #tpu.memory_space<vmem>>) semaphore(%arg11 : memref<!tpu.dma_semaphore, #tpu.memory_space<semaphore_mem>>)
      %mul3A_54 = arith.constant 2 : i32
      %mul3A_55 = arith.muli %scan3A_35, %mul3A_54 : i32
      %add3A_56 = arith.constant 1 : i32
      %add3A_57 = arith.addi %mul3A_55, %add3A_56 : i32
      %ge3A_58 = arith.constant 2 : i32
      %ge3A_59 = arith.cmpi sge, %add3A_57, %ge3A_58 : i32
      %convert_element_type3A_60 = arith.extui %ge3A_59 : i1 to i32
      %cond3A_61 = arith.constant 0 : i32
      %cond3A_62 = arith.cmpi ne, %convert_element_type3A_60, %cond3A_61 : i32
      scf.if %cond3A_62 {
        %sub3A = arith.constant 2 : i32
        %sub3A_78 = arith.subi %add3A_57, %sub3A : i32
        %dma_wait3A_79 = arith.constant 0 : i32
        %dma_wait3A_80 = tpu.memref_slice %arg6[%sub3A_78, %dma_wait3A_79] : memref<8x32xi32, #tpu.memory_space<vmem>> -> memref<1x32xi32, #tpu.memory_space<vmem>>
        %dma_wait3A_81 = tpu.memref_squeeze %dma_wait3A_80 : memref<1x32xi32, #tpu.memory_space<vmem>> -> memref<32xi32, #tpu.memory_space<vmem>>
        %dma_wait3A_82 = arith.constant 0 : i32
        %dma_wait3A_83 = arith.constant 0 : i32
        %dma_wait3A_84 = tpu.memref_slice %arg5[%dma_wait3A_82, %dma_wait3A_83] : memref<32768x1024xf32, #tpu.memory_space<hbm>> -> memref<32768x1024xf32, #tpu.memory_space<hbm>>
        tpu.wait_indirect_dma semaphore(%arg12 : memref<!tpu.dma_semaphore, #tpu.memory_space<semaphore_mem>>) src(%arg9 : memref<32x1024xf32, #tpu.memory_space<vmem>>) dst(%dma_wait3A_84 : memref<32768x1024xf32, #tpu.memory_space<hbm>>)
        %sub3A_85 = arith.constant 2 : i32
        %sub3A_86 = arith.subi %add3A_57, %sub3A_85 : i32
        %dma_wait3A_87 = arith.constant 0 : i32
        %dma_wait3A_88 = tpu.memref_slice %arg7[%sub3A_86, %dma_wait3A_87] : memref<8x32xi32, #tpu.memory_space<vmem>> -> memref<1x32xi32, #tpu.memory_space<vmem>>
        %dma_wait3A_89 = tpu.memref_squeeze %dma_wait3A_88 : memref<1x32xi32, #tpu.memory_space<vmem>> -> memref<32xi32, #tpu.memory_space<vmem>>
        %dma_wait3A_90 = arith.constant 0 : i32
        %dma_wait3A_91 = arith.constant 0 : i32
        %dma_wait3A_92 = tpu.memref_slice %arg5[%dma_wait3A_90, %dma_wait3A_91] : memref<32768x1024xf32, #tpu.memory_space<hbm>> -> memref<32768x1024xf32, #tpu.memory_space<hbm>>
        tpu.wait_indirect_dma semaphore(%arg13 : memref<!tpu.dma_semaphore, #tpu.memory_space<semaphore_mem>>) src(%arg9 : memref<32x1024xf32, #tpu.memory_space<vmem>>) dst(%dma_wait3A_92 : memref<32768x1024xf32, #tpu.memory_space<hbm>>)
      } else {
      }
      %mul3A_63 = arith.constant 32 : i32
      %mul3A_64 = arith.muli %add3A_57, %mul3A_63 : i32
      %add3A_65 = arith.addi %mul3A_2, %mul3A_64 : i32
      "tpu.region"() ({
        %run_scoped3A = tpu.sem_alloc : memref<!tpu.dma_semaphore, #tpu.memory_space<semaphore_mem>>
        %dma_start3A_78 = arith.constant 0 : i32
        %dma_start3A_79 = tpu.memref_slice %arg2[%add3A_65, %dma_start3A_78] : memref<8192x1024xf32, #tpu.memory_space<hbm>> -> memref<32x1024xf32, #tpu.memory_space<hbm>>
        %dma_start3A_80 = arith.constant 0 : i32
        %dma_start3A_81 = tpu.memref_slice %arg2[%add3A_65, %dma_start3A_80] : memref<8192x1024xf32, #tpu.memory_space<hbm>> -> memref<32x1024xf32, #tpu.memory_space<hbm>>
        tpu.enqueue_dma source(%dma_start3A_81 : memref<32x1024xf32, #tpu.memory_space<hbm>>) target(%arg9 : memref<32x1024xf32, #tpu.memory_space<vmem>>) target_semaphore(%run_scoped3A : memref<!tpu.dma_semaphore, #tpu.memory_space<semaphore_mem>>)
        %dma_wait3A_82 = arith.constant 0 : i32
        %dma_wait3A_83 = tpu.memref_slice %arg2[%add3A_65, %dma_wait3A_82] : memref<8192x1024xf32, #tpu.memory_space<hbm>> -> memref<32x1024xf32, #tpu.memory_space<hbm>>
        %dma_wait3A_84 = arith.constant 0 : i32
        %dma_wait3A_85 = tpu.memref_slice %arg2[%add3A_65, %dma_wait3A_84] : memref<8192x1024xf32, #tpu.memory_space<hbm>> -> memref<32x1024xf32, #tpu.memory_space<hbm>>
        tpu.wait_dma2 semaphore(%run_scoped3A : memref<!tpu.dma_semaphore, #tpu.memory_space<semaphore_mem>>) src(%dma_wait3A_85 : memref<32x1024xf32, #tpu.memory_space<hbm>>) dst(%arg9 : memref<32x1024xf32, #tpu.memory_space<vmem>>)
        tpu.yield
      }) : () -> ()
      %dma_start3A_66 = arith.constant 0 : i32
      %dma_start3A_67 = tpu.memref_slice %arg6[%add3A_57, %dma_start3A_66] : memref<8x32xi32, #tpu.memory_space<vmem>> -> memref<1x32xi32, #tpu.memory_space<vmem>>
      %dma_start3A_68 = tpu.memref_squeeze %dma_start3A_67 : memref<1x32xi32, #tpu.memory_space<vmem>> -> memref<32xi32, #tpu.memory_space<vmem>>
      %dma_start3A_69 = arith.constant 0 : i32
      %dma_start3A_70 = arith.constant 0 : i32
      %dma_start3A_71 = tpu.memref_slice %arg5[%dma_start3A_69, %dma_start3A_70] : memref<32768x1024xf32, #tpu.memory_space<hbm>> -> memref<32768x1024xf32, #tpu.memory_space<hbm>>
      tpu.enqueue_indirect_dma source(%arg9 : memref<32x1024xf32, #tpu.memory_space<vmem>>) target(%dma_start3A_71 : memref<32768x1024xf32, #tpu.memory_space<hbm>>) offsets(%dma_start3A_68 : memref<32xi32, #tpu.memory_space<vmem>>) semaphore(%arg12 : memref<!tpu.dma_semaphore, #tpu.memory_space<semaphore_mem>>)
      %dma_start3A_72 = arith.constant 0 : i32
      %dma_start3A_73 = tpu.memref_slice %arg7[%add3A_57, %dma_start3A_72] : memref<8x32xi32, #tpu.memory_space<vmem>> -> memref<1x32xi32, #tpu.memory_space<vmem>>
      %dma_start3A_74 = tpu.memref_squeeze %dma_start3A_73 : memref<1x32xi32, #tpu.memory_space<vmem>> -> memref<32xi32, #tpu.memory_space<vmem>>
      %dma_start3A_75 = arith.constant 0 : i32
      %dma_start3A_76 = arith.constant 0 : i32
      %dma_start3A_77 = tpu.memref_slice %arg5[%dma_start3A_75, %dma_start3A_76] : memref<32768x1024xf32, #tpu.memory_space<hbm>> -> memref<32768x1024xf32, #tpu.memory_space<hbm>>
      tpu.enqueue_indirect_dma source(%arg9 : memref<32x1024xf32, #tpu.memory_space<vmem>>) target(%dma_start3A_77 : memref<32768x1024xf32, #tpu.memory_space<hbm>>) offsets(%dma_start3A_74 : memref<32xi32, #tpu.memory_space<vmem>>) semaphore(%arg13 : memref<!tpu.dma_semaphore, #tpu.memory_space<semaphore_mem>>)
    }
    %scan3A_7 = arith.constant 4 : i32
    %dma_wait3A = arith.constant 6 : i32
    %dma_wait3A_8 = arith.constant 0 : i32
    %dma_wait3A_9 = tpu.memref_slice %arg6[%dma_wait3A, %dma_wait3A_8] : memref<8x32xi32, #tpu.memory_space<vmem>> -> memref<1x32xi32, #tpu.memory_space<vmem>>
    %dma_wait3A_10 = tpu.memref_squeeze %dma_wait3A_9 : memref<1x32xi32, #tpu.memory_space<vmem>> -> memref<32xi32, #tpu.memory_space<vmem>>
    %dma_wait3A_11 = arith.constant 0 : i32
    %dma_wait3A_12 = arith.constant 0 : i32
    %dma_wait3A_13 = tpu.memref_slice %arg5[%dma_wait3A_11, %dma_wait3A_12] : memref<32768x1024xf32, #tpu.memory_space<hbm>> -> memref<32768x1024xf32, #tpu.memory_space<hbm>>
    tpu.wait_indirect_dma semaphore(%arg10 : memref<!tpu.dma_semaphore, #tpu.memory_space<semaphore_mem>>) src(%arg8 : memref<32x1024xf32, #tpu.memory_space<vmem>>) dst(%dma_wait3A_13 : memref<32768x1024xf32, #tpu.memory_space<hbm>>)
    %dma_wait3A_14 = arith.constant 6 : i32
    %dma_wait3A_15 = arith.constant 0 : i32
    %dma_wait3A_16 = tpu.memref_slice %arg7[%dma_wait3A_14, %dma_wait3A_15] : memref<8x32xi32, #tpu.memory_space<vmem>> -> memref<1x32xi32, #tpu.memory_space<vmem>>
    %dma_wait3A_17 = tpu.memref_squeeze %dma_wait3A_16 : memref<1x32xi32, #tpu.memory_space<vmem>> -> memref<32xi32, #tpu.memory_space<vmem>>
    %dma_wait3A_18 = arith.constant 0 : i32
    %dma_wait3A_19 = arith.constant 0 : i32
    %dma_wait3A_20 = tpu.memref_slice %arg5[%dma_wait3A_18, %dma_wait3A_19] : memref<32768x1024xf32, #tpu.memory_space<hbm>> -> memref<32768x1024xf32, #tpu.memory_space<hbm>>
    tpu.wait_indirect_dma semaphore(%arg11 : memref<!tpu.dma_semaphore, #tpu.memory_space<semaphore_mem>>) src(%arg8 : memref<32x1024xf32, #tpu.memory_space<vmem>>) dst(%dma_wait3A_20 : memref<32768x1024xf32, #tpu.memory_space<hbm>>)
    %dma_wait3A_21 = arith.constant 7 : i32
    %dma_wait3A_22 = arith.constant 0 : i32
    %dma_wait3A_23 = tpu.memref_slice %arg6[%dma_wait3A_21, %dma_wait3A_22] : memref<8x32xi32, #tpu.memory_space<vmem>> -> memref<1x32xi32, #tpu.memory_space<vmem>>
    %dma_wait3A_24 = tpu.memref_squeeze %dma_wait3A_23 : memref<1x32xi32, #tpu.memory_space<vmem>> -> memref<32xi32, #tpu.memory_space<vmem>>
    %dma_wait3A_25 = arith.constant 0 : i32
    %dma_wait3A_26 = arith.constant 0 : i32
    %dma_wait3A_27 = tpu.memref_slice %arg5[%dma_wait3A_25, %dma_wait3A_26] : memref<32768x1024xf32, #tpu.memory_space<hbm>> -> memref<32768x1024xf32, #tpu.memory_space<hbm>>
    tpu.wait_indirect_dma semaphore(%arg12 : memref<!tpu.dma_semaphore, #tpu.memory_space<semaphore_mem>>) src(%arg9 : memref<32x1024xf32, #tpu.memory_space<vmem>>) dst(%dma_wait3A_27 : memref<32768x1024xf32, #tpu.memory_space<hbm>>)
    %dma_wait3A_28 = arith.constant 7 : i32
    %dma_wait3A_29 = arith.constant 0 : i32
    %dma_wait3A_30 = tpu.memref_slice %arg7[%dma_wait3A_28, %dma_wait3A_29] : memref<8x32xi32, #tpu.memory_space<vmem>> -> memref<1x32xi32, #tpu.memory_space<vmem>>
    %dma_wait3A_31 = tpu.memref_squeeze %dma_wait3A_30 : memref<1x32xi32, #tpu.memory_space<vmem>> -> memref<32xi32, #tpu.memory_space<vmem>>
    %dma_wait3A_32 = arith.constant 0 : i32
    %dma_wait3A_33 = arith.constant 0 : i32
    %dma_wait3A_34 = tpu.memref_slice %arg5[%dma_wait3A_32, %dma_wait3A_33] : memref<32768x1024xf32, #tpu.memory_space<hbm>> -> memref<32768x1024xf32, #tpu.memory_space<hbm>>
    tpu.wait_indirect_dma semaphore(%arg13 : memref<!tpu.dma_semaphore, #tpu.memory_space<semaphore_mem>>) src(%arg9 : memref<32x1024xf32, #tpu.memory_space<vmem>>) dst(%dma_wait3A_34 : memref<32768x1024xf32, #tpu.memory_space<hbm>>)
    return
  }
}

#map = affine_map<(d0, d1) -> (0, 0)>
#map1 = affine_map<(d0, d1) -> (0)>
module attributes {stable_mosaic.version = 14 : i64} {
  func.func @comb(%arg0: i32, %arg1: i32, %arg2: memref<32768x1024xf32, #tpu.memory_space<hbm>>, %arg3: memref<8192xi32, #tpu.memory_space<hbm>>, %arg4: memref<8192xi32, #tpu.memory_space<hbm>>, %arg5: memref<8192xf32, #tpu.memory_space<hbm>>, %arg6: memref<8192xf32, #tpu.memory_space<hbm>>, %arg7: memref<8192x1024xf32, #tpu.memory_space<hbm>>, %arg8: memref<256xi32, #tpu.memory_space<vmem>>, %arg9: memref<256xi32, #tpu.memory_space<vmem>>, %arg10: memref<256xf32, #tpu.memory_space<vmem>>, %arg11: memref<256xf32, #tpu.memory_space<vmem>>, %arg12: memref<16x1024xf32, #tpu.memory_space<vmem>>, %arg13: memref<16x1024xf32, #tpu.memory_space<vmem>>, %arg14: memref<16x1024xf32, #tpu.memory_space<vmem>>, %arg15: memref<16x1024xf32, #tpu.memory_space<vmem>>, %arg16: memref<16x1024xf32, #tpu.memory_space<vmem>>, %arg17: memref<!tpu.dma_semaphore, #tpu.memory_space<semaphore_mem>>, %arg18: memref<!tpu.dma_semaphore, #tpu.memory_space<semaphore_mem>>, %arg19: memref<!tpu.dma_semaphore, #tpu.memory_space<semaphore_mem>>, %arg20: memref<!tpu.dma_semaphore, #tpu.memory_space<semaphore_mem>>) attributes {dimension_semantics = [#tpu.dimension_semantics<core_parallel>, #tpu.dimension_semantics<subcore_parallel>], iteration_bounds = array<i64: 2, 16>, scalar_prefetch = 0 : i64, scratch_operands = 13 : i64, tpu.core_type = #tpu.core_type<sc_vector_subcore>, window_params = [{transform_indices = #map}, {transform_indices = #map1}, {transform_indices = #map1}, {transform_indices = #map1}, {transform_indices = #map1}, {transform_indices = #map}]} {
    %mul3A = arith.constant 2 : i32
    %mul3A_0 = arith.muli %arg1, %mul3A : i32
    %add3A = arith.addi %mul3A_0, %arg0 : i32
    %mul3A_1 = arith.constant 256 : i32
    %mul3A_2 = arith.muli %add3A, %mul3A_1 : i32
    "tpu.region"() ({
      %run_scoped3A = tpu.sem_alloc : memref<!tpu.dma_semaphore, #tpu.memory_space<semaphore_mem>>
      %dma_start3A_17 = tpu.memref_slice %arg3[%mul3A_2] : memref<8192xi32, #tpu.memory_space<hbm>> -> memref<256xi32, #tpu.memory_space<hbm>>
      %dma_start3A_18 = tpu.memref_slice %arg3[%mul3A_2] : memref<8192xi32, #tpu.memory_space<hbm>> -> memref<256xi32, #tpu.memory_space<hbm>>
      tpu.enqueue_dma source(%dma_start3A_18 : memref<256xi32, #tpu.memory_space<hbm>>) target(%arg8 : memref<256xi32, #tpu.memory_space<vmem>>) target_semaphore(%run_scoped3A : memref<!tpu.dma_semaphore, #tpu.memory_space<semaphore_mem>>)
      %dma_wait3A = tpu.memref_slice %arg3[%mul3A_2] : memref<8192xi32, #tpu.memory_space<hbm>> -> memref<256xi32, #tpu.memory_space<hbm>>
      %dma_wait3A_19 = tpu.memref_slice %arg3[%mul3A_2] : memref<8192xi32, #tpu.memory_space<hbm>> -> memref<256xi32, #tpu.memory_space<hbm>>
      tpu.wait_dma2 semaphore(%run_scoped3A : memref<!tpu.dma_semaphore, #tpu.memory_space<semaphore_mem>>) src(%dma_wait3A_19 : memref<256xi32, #tpu.memory_space<hbm>>) dst(%arg8 : memref<256xi32, #tpu.memory_space<vmem>>)
      tpu.yield
    }) : () -> ()
    "tpu.region"() ({
      %run_scoped3A = tpu.sem_alloc : memref<!tpu.dma_semaphore, #tpu.memory_space<semaphore_mem>>
      %dma_start3A_17 = tpu.memref_slice %arg4[%mul3A_2] : memref<8192xi32, #tpu.memory_space<hbm>> -> memref<256xi32, #tpu.memory_space<hbm>>
      %dma_start3A_18 = tpu.memref_slice %arg4[%mul3A_2] : memref<8192xi32, #tpu.memory_space<hbm>> -> memref<256xi32, #tpu.memory_space<hbm>>
      tpu.enqueue_dma source(%dma_start3A_18 : memref<256xi32, #tpu.memory_space<hbm>>) target(%arg9 : memref<256xi32, #tpu.memory_space<vmem>>) target_semaphore(%run_scoped3A : memref<!tpu.dma_semaphore, #tpu.memory_space<semaphore_mem>>)
      %dma_wait3A = tpu.memref_slice %arg4[%mul3A_2] : memref<8192xi32, #tpu.memory_space<hbm>> -> memref<256xi32, #tpu.memory_space<hbm>>
      %dma_wait3A_19 = tpu.memref_slice %arg4[%mul3A_2] : memref<8192xi32, #tpu.memory_space<hbm>> -> memref<256xi32, #tpu.memory_space<hbm>>
      tpu.wait_dma2 semaphore(%run_scoped3A : memref<!tpu.dma_semaphore, #tpu.memory_space<semaphore_mem>>) src(%dma_wait3A_19 : memref<256xi32, #tpu.memory_space<hbm>>) dst(%arg9 : memref<256xi32, #tpu.memory_space<vmem>>)
      tpu.yield
    }) : () -> ()
    "tpu.region"() ({
      %run_scoped3A = tpu.sem_alloc : memref<!tpu.dma_semaphore, #tpu.memory_space<semaphore_mem>>
      %dma_start3A_17 = tpu.memref_slice %arg5[%mul3A_2] : memref<8192xf32, #tpu.memory_space<hbm>> -> memref<256xf32, #tpu.memory_space<hbm>>
      %dma_start3A_18 = tpu.memref_slice %arg5[%mul3A_2] : memref<8192xf32, #tpu.memory_space<hbm>> -> memref<256xf32, #tpu.memory_space<hbm>>
      tpu.enqueue_dma source(%dma_start3A_18 : memref<256xf32, #tpu.memory_space<hbm>>) target(%arg10 : memref<256xf32, #tpu.memory_space<vmem>>) target_semaphore(%run_scoped3A : memref<!tpu.dma_semaphore, #tpu.memory_space<semaphore_mem>>)
      %dma_wait3A = tpu.memref_slice %arg5[%mul3A_2] : memref<8192xf32, #tpu.memory_space<hbm>> -> memref<256xf32, #tpu.memory_space<hbm>>
      %dma_wait3A_19 = tpu.memref_slice %arg5[%mul3A_2] : memref<8192xf32, #tpu.memory_space<hbm>> -> memref<256xf32, #tpu.memory_space<hbm>>
      tpu.wait_dma2 semaphore(%run_scoped3A : memref<!tpu.dma_semaphore, #tpu.memory_space<semaphore_mem>>) src(%dma_wait3A_19 : memref<256xf32, #tpu.memory_space<hbm>>) dst(%arg10 : memref<256xf32, #tpu.memory_space<vmem>>)
      tpu.yield
    }) : () -> ()
    "tpu.region"() ({
      %run_scoped3A = tpu.sem_alloc : memref<!tpu.dma_semaphore, #tpu.memory_space<semaphore_mem>>
      %dma_start3A_17 = tpu.memref_slice %arg6[%mul3A_2] : memref<8192xf32, #tpu.memory_space<hbm>> -> memref<256xf32, #tpu.memory_space<hbm>>
      %dma_start3A_18 = tpu.memref_slice %arg6[%mul3A_2] : memref<8192xf32, #tpu.memory_space<hbm>> -> memref<256xf32, #tpu.memory_space<hbm>>
      tpu.enqueue_dma source(%dma_start3A_18 : memref<256xf32, #tpu.memory_space<hbm>>) target(%arg11 : memref<256xf32, #tpu.memory_space<vmem>>) target_semaphore(%run_scoped3A : memref<!tpu.dma_semaphore, #tpu.memory_space<semaphore_mem>>)
      %dma_wait3A = tpu.memref_slice %arg6[%mul3A_2] : memref<8192xf32, #tpu.memory_space<hbm>> -> memref<256xf32, #tpu.memory_space<hbm>>
      %dma_wait3A_19 = tpu.memref_slice %arg6[%mul3A_2] : memref<8192xf32, #tpu.memory_space<hbm>> -> memref<256xf32, #tpu.memory_space<hbm>>
      tpu.wait_dma2 semaphore(%run_scoped3A : memref<!tpu.dma_semaphore, #tpu.memory_space<semaphore_mem>>) src(%dma_wait3A_19 : memref<256xf32, #tpu.memory_space<hbm>>) dst(%arg11 : memref<256xf32, #tpu.memory_space<vmem>>)
      tpu.yield
    }) : () -> ()
    %dma_start3A = arith.constant 0 : i32
    %dma_start3A_3 = tpu.memref_slice %arg8[%dma_start3A] : memref<256xi32, #tpu.memory_space<vmem>> -> memref<16xi32, #tpu.memory_space<vmem>>
    %dma_start3A_4 = arith.constant 0 : i32
    %dma_start3A_5 = arith.constant 0 : i32
    %dma_start3A_6 = tpu.memref_slice %arg2[%dma_start3A_4, %dma_start3A_5] : memref<32768x1024xf32, #tpu.memory_space<hbm>> -> memref<32768x1024xf32, #tpu.memory_space<hbm>>
    tpu.enqueue_indirect_dma source(%dma_start3A_6 : memref<32768x1024xf32, #tpu.memory_space<hbm>>) target(%arg12 : memref<16x1024xf32, #tpu.memory_space<vmem>>) offsets(%dma_start3A_3 : memref<16xi32, #tpu.memory_space<vmem>>) semaphore(%arg17 : memref<!tpu.dma_semaphore, #tpu.memory_space<semaphore_mem>>)
    %dma_start3A_7 = arith.constant 0 : i32
    %dma_start3A_8 = tpu.memref_slice %arg9[%dma_start3A_7] : memref<256xi32, #tpu.memory_space<vmem>> -> memref<16xi32, #tpu.memory_space<vmem>>
    %dma_start3A_9 = arith.constant 0 : i32
    %dma_start3A_10 = arith.constant 0 : i32
    %dma_start3A_11 = tpu.memref_slice %arg2[%dma_start3A_9, %dma_start3A_10] : memref<32768x1024xf32, #tpu.memory_space<hbm>> -> memref<32768x1024xf32, #tpu.memory_space<hbm>>
    tpu.enqueue_indirect_dma source(%dma_start3A_11 : memref<32768x1024xf32, #tpu.memory_space<hbm>>) target(%arg13 : memref<16x1024xf32, #tpu.memory_space<vmem>>) offsets(%dma_start3A_8 : memref<16xi32, #tpu.memory_space<vmem>>) semaphore(%arg18 : memref<!tpu.dma_semaphore, #tpu.memory_space<semaphore_mem>>)
    %scan3A = arith.constant 0 : i32
    %scan3A_12 = arith.constant 0 : i32
    %scan3A_13 = arith.constant 8 : i32
    %scan3A_14 = arith.addi %scan3A_12, %scan3A_13 : i32
    %scan3A_15 = arith.constant 1 : i32
    scf.for %scan3A_17 = %scan3A_12 to %scan3A_14 step %scan3A_15  : i32 {
      %mul3A_18 = arith.constant 2 : i32
      %mul3A_19 = arith.muli %scan3A_17, %mul3A_18 : i32
      %add3A_20 = arith.constant 1 : i32
      %add3A_21 = arith.addi %mul3A_19, %add3A_20 : i32
      %lt3A = arith.constant 16 : i32
      %lt3A_22 = arith.cmpi slt, %add3A_21, %lt3A : i32
      %convert_element_type3A = arith.extui %lt3A_22 : i1 to i32
      %cond3A = arith.constant 0 : i32
      %cond3A_23 = arith.cmpi ne, %convert_element_type3A, %cond3A : i32
      scf.if %cond3A_23 {
        %add3A_76 = arith.constant 1 : i32
        %add3A_77 = arith.addi %mul3A_19, %add3A_76 : i32
        %mul3A_78 = arith.constant 16 : i32
        %mul3A_79 = arith.muli %add3A_77, %mul3A_78 : i32
        %dma_start3A_80 = tpu.memref_slice %arg8[%mul3A_79] : memref<256xi32, #tpu.memory_space<vmem>> -> memref<16xi32, #tpu.memory_space<vmem>>
        %dma_start3A_81 = arith.constant 0 : i32
        %dma_start3A_82 = arith.constant 0 : i32
        %dma_start3A_83 = tpu.memref_slice %arg2[%dma_start3A_81, %dma_start3A_82] : memref<32768x1024xf32, #tpu.memory_space<hbm>> -> memref<32768x1024xf32, #tpu.memory_space<hbm>>
        tpu.enqueue_indirect_dma source(%dma_start3A_83 : memref<32768x1024xf32, #tpu.memory_space<hbm>>) target(%arg14 : memref<16x1024xf32, #tpu.memory_space<vmem>>) offsets(%dma_start3A_80 : memref<16xi32, #tpu.memory_space<vmem>>) semaphore(%arg19 : memref<!tpu.dma_semaphore, #tpu.memory_space<semaphore_mem>>)
        %mul3A_84 = arith.constant 16 : i32
        %mul3A_85 = arith.muli %add3A_77, %mul3A_84 : i32
        %dma_start3A_86 = tpu.memref_slice %arg9[%mul3A_85] : memref<256xi32, #tpu.memory_space<vmem>> -> memref<16xi32, #tpu.memory_space<vmem>>
        %dma_start3A_87 = arith.constant 0 : i32
        %dma_start3A_88 = arith.constant 0 : i32
        %dma_start3A_89 = tpu.memref_slice %arg2[%dma_start3A_87, %dma_start3A_88] : memref<32768x1024xf32, #tpu.memory_space<hbm>> -> memref<32768x1024xf32, #tpu.memory_space<hbm>>
        tpu.enqueue_indirect_dma source(%dma_start3A_89 : memref<32768x1024xf32, #tpu.memory_space<hbm>>) target(%arg15 : memref<16x1024xf32, #tpu.memory_space<vmem>>) offsets(%dma_start3A_86 : memref<16xi32, #tpu.memory_space<vmem>>) semaphore(%arg20 : memref<!tpu.dma_semaphore, #tpu.memory_space<semaphore_mem>>)
      } else {
      }
      %mul3A_24 = arith.constant 16 : i32
      %mul3A_25 = arith.muli %mul3A_19, %mul3A_24 : i32
      %dma_wait3A = tpu.memref_slice %arg8[%mul3A_25] : memref<256xi32, #tpu.memory_space<vmem>> -> memref<16xi32, #tpu.memory_space<vmem>>
      %dma_wait3A_26 = arith.constant 0 : i32
      %dma_wait3A_27 = arith.constant 0 : i32
      %dma_wait3A_28 = tpu.memref_slice %arg2[%dma_wait3A_26, %dma_wait3A_27] : memref<32768x1024xf32, #tpu.memory_space<hbm>> -> memref<32768x1024xf32, #tpu.memory_space<hbm>>
      tpu.wait_indirect_dma semaphore(%arg17 : memref<!tpu.dma_semaphore, #tpu.memory_space<semaphore_mem>>) src(%dma_wait3A_28 : memref<32768x1024xf32, #tpu.memory_space<hbm>>) dst(%arg12 : memref<16x1024xf32, #tpu.memory_space<vmem>>)
      %mul3A_29 = arith.constant 16 : i32
      %mul3A_30 = arith.muli %mul3A_19, %mul3A_29 : i32
      %dma_wait3A_31 = tpu.memref_slice %arg9[%mul3A_30] : memref<256xi32, #tpu.memory_space<vmem>> -> memref<16xi32, #tpu.memory_space<vmem>>
      %dma_wait3A_32 = arith.constant 0 : i32
      %dma_wait3A_33 = arith.constant 0 : i32
      %dma_wait3A_34 = tpu.memref_slice %arg2[%dma_wait3A_32, %dma_wait3A_33] : memref<32768x1024xf32, #tpu.memory_space<hbm>> -> memref<32768x1024xf32, #tpu.memory_space<hbm>>
      tpu.wait_indirect_dma semaphore(%arg18 : memref<!tpu.dma_semaphore, #tpu.memory_space<semaphore_mem>>) src(%dma_wait3A_34 : memref<32768x1024xf32, #tpu.memory_space<hbm>>) dst(%arg13 : memref<16x1024xf32, #tpu.memory_space<vmem>>)
      %scan3A_35 = arith.constant 0 : i32
      %scan3A_36 = arith.constant 0 : i32
      %scan3A_37 = arith.constant 16 : i32
      %scan3A_38 = arith.addi %scan3A_36, %scan3A_37 : i32
      %scan3A_39 = arith.constant 1 : i32
      scf.for %scan3A_76 = %scan3A_36 to %scan3A_38 step %scan3A_39  : i32 {
        %broadcast_in_dim3A = vector.broadcast %scan3A_76 : i32 to vector<16xi32>
        %broadcast_in_dim3A_77 = arith.constant 15 : i32
        %broadcast_in_dim3A_78 = vector.broadcast %broadcast_in_dim3A_77 : i32 to vector<16xi32>
        %and3A = arith.andi %broadcast_in_dim3A, %broadcast_in_dim3A_78 : vector<16xi32>
        %mul3A_79 = arith.constant 16 : i32
        %mul3A_80 = arith.muli %mul3A_19, %mul3A_79 : i32
        %get3A = arith.index_cast %mul3A_80 : i32 to index
        %get3A_81 = tpu.vector_load %arg10[%get3A] {strides = array<i32>} : memref<256xf32, #tpu.memory_space<vmem>>, vector<16xf32>,
        %get3A_82 = vector.shape_cast %get3A_81 : vector<16xf32> to vector<16xf32>
        %broadcast_in_dim3A_83 = vector.shape_cast %and3A : vector<16xi32> to vector<16x1xi32>
        %gather3A = vector.shape_cast %broadcast_in_dim3A_83 : vector<16x1xi32> to vector<16xi32>
        %gather3A_84 = tpu.dynamic_gather %get3A_82[%gather3A] in [0] : vector<16xf32>, vector<16xi32> -> vector<16xf32>
        %mul3A_85 = arith.constant 16 : i32
        %mul3A_86 = arith.muli %mul3A_19, %mul3A_85 : i32
        %get3A_87 = arith.index_cast %mul3A_86 : i32 to index
        %get3A_88 = tpu.vector_load %arg11[%get3A_87] {strides = array<i32>} : memref<256xf32, #tpu.memory_space<vmem>>, vector<16xf32>,
        %get3A_89 = vector.shape_cast %get3A_88 : vector<16xf32> to vector<16xf32>
        %broadcast_in_dim3A_90 = vector.shape_cast %and3A : vector<16xi32> to vector<16x1xi32>
        %gather3A_91 = vector.shape_cast %broadcast_in_dim3A_90 : vector<16x1xi32> to vector<16xi32>
        %gather3A_92 = tpu.dynamic_gather %get3A_89[%gather3A_91] in [0] : vector<16xf32>, vector<16xi32> -> vector<16xf32>
        %get3A_93 = arith.index_cast %scan3A_76 : i32 to index
        %get3A_94 = arith.constant 0 : index
        %get3A_95 = tpu.vector_load %arg12[%get3A_93, %get3A_94] {strides = array<i32>} : memref<16x1024xf32, #tpu.memory_space<vmem>>, vector<1x16xf32>,
        %get3A_96 = vector.shape_cast %get3A_95 : vector<1x16xf32> to vector<16xf32>
        %mul3A_97 = arith.mulf %gather3A_84, %get3A_96 : vector<16xf32>
        %get3A_98 = arith.index_cast %scan3A_76 : i32 to index
        %get3A_99 = arith.constant 0 : index
        %get3A_100 = tpu.vector_load %arg13[%get3A_98, %get3A_99] {strides = array<i32>} : memref<16x1024xf32, #tpu.memory_space<vmem>>, vector<1x16xf32>,
        %get3A_101 = vector.shape_cast %get3A_100 : vector<1x16xf32> to vector<16xf32>
        %mul3A_102 = arith.mulf %gather3A_92, %get3A_101 : vector<16xf32>
        %add3A_103 = arith.addf %mul3A_97, %mul3A_102 : vector<16xf32>
        %swap3A = arith.index_cast %scan3A_76 : i32 to index
        %swap3A_104 = arith.constant 0 : index
        %swap3A_105 = tpu.vector_load %arg16[%swap3A, %swap3A_104] {strides = array<i32>} : memref<16x1024xf32, #tpu.memory_space<vmem>>, vector<1x16xf32>,
        %swap3A_106 = vector.shape_cast %swap3A_105 : vector<1x16xf32> to vector<16xf32>
        %swap3A_107 = vector.shape_cast %add3A_103 : vector<16xf32> to vector<1x16xf32>
        tpu.vector_store %arg16[%swap3A, %swap3A_104], %swap3A_107 {strides = array<i32>} : memref<16x1024xf32, #tpu.memory_space<vmem>>, vector<1x16xf32>,
        %get3A_108 = arith.index_cast %scan3A_76 : i32 to index
        %get3A_109 = arith.constant 16 : index
        %get3A_110 = tpu.vector_load %arg12[%get3A_108, %get3A_109] {strides = array<i32>} : memref<16x1024xf32, #tpu.memory_space<vmem>>, vector<1x16xf32>,
        %get3A_111 = vector.shape_cast %get3A_110 : vector<1x16xf32> to vector<16xf32>
        %mul3A_112 = arith.mulf %gather3A_84, %get3A_111 : vector<16xf32>
        %get3A_113 = arith.index_cast %scan3A_76 : i32 to index
        %get3A_114 = arith.constant 16 : index
        %get3A_115 = tpu.vector_load %arg13[%get3A_113, %get3A_114] {strides = array<i32>} : memref<16x1024xf32, #tpu.memory_space<vmem>>, vector<1x16xf32>,
        %get3A_116 = vector.shape_cast %get3A_115 : vector<1x16xf32> to vector<16xf32>
        %mul3A_117 = arith.mulf %gather3A_92, %get3A_116 : vector<16xf32>
        %add3A_118 = arith.addf %mul3A_112, %mul3A_117 : vector<16xf32>
        %swap3A_119 = arith.index_cast %scan3A_76 : i32 to index
        %swap3A_120 = arith.constant 16 : index
        %swap3A_121 = tpu.vector_load %arg16[%swap3A_119, %swap3A_120] {strides = array<i32>} : memref<16x1024xf32, #tpu.memory_space<vmem>>, vector<1x16xf32>,
        %swap3A_122 = vector.shape_cast %swap3A_121 : vector<1x16xf32> to vector<16xf32>
        %swap3A_123 = vector.shape_cast %add3A_118 : vector<16xf32> to vector<1x16xf32>
        tpu.vector_store %arg16[%swap3A_119, %swap3A_120], %swap3A_123 {strides = array<i32>} : memref<16x1024xf32, #tpu.memory_space<vmem>>, vector<1x16xf32>,
        %get3A_124 = arith.index_cast %scan3A_76 : i32 to index
        %get3A_125 = arith.constant 32 : index
        %get3A_126 = tpu.vector_load %arg12[%get3A_124, %get3A_125] {strides = array<i32>} : memref<16x1024xf32, #tpu.memory_space<vmem>>, vector<1x16xf32>,
        %get3A_127 = vector.shape_cast %get3A_126 : vector<1x16xf32> to vector<16xf32>
        %mul3A_128 = arith.mulf %gather3A_84, %get3A_127 : vector<16xf32>
        %get3A_129 = arith.index_cast %scan3A_76 : i32 to index
        %get3A_130 = arith.constant 32 : index
        %get3A_131 = tpu.vector_load %arg13[%get3A_129, %get3A_130] {strides = array<i32>} : memref<16x1024xf32, #tpu.memory_space<vmem>>, vector<1x16xf32>,
        %get3A_132 = vector.shape_cast %get3A_131 : vector<1x16xf32> to vector<16xf32>
        %mul3A_133 = arith.mulf %gather3A_92, %get3A_132 : vector<16xf32>
        %add3A_134 = arith.addf %mul3A_128, %mul3A_133 : vector<16xf32>
        %swap3A_135 = arith.index_cast %scan3A_76 : i32 to index
        %swap3A_136 = arith.constant 32 : index
        %swap3A_137 = tpu.vector_load %arg16[%swap3A_135, %swap3A_136] {strides = array<i32>} : memref<16x1024xf32, #tpu.memory_space<vmem>>, vector<1x16xf32>,
        %swap3A_138 = vector.shape_cast %swap3A_137 : vector<1x16xf32> to vector<16xf32>
        %swap3A_139 = vector.shape_cast %add3A_134 : vector<16xf32> to vector<1x16xf32>
        tpu.vector_store %arg16[%swap3A_135, %swap3A_136], %swap3A_139 {strides = array<i32>} : memref<16x1024xf32, #tpu.memory_space<vmem>>, vector<1x16xf32>,
        %get3A_140 = arith.index_cast %scan3A_76 : i32 to index
        %get3A_141 = arith.constant 48 : index
        %get3A_142 = tpu.vector_load %arg12[%get3A_140, %get3A_141] {strides = array<i32>} : memref<16x1024xf32, #tpu.memory_space<vmem>>, vector<1x16xf32>,
        %get3A_143 = vector.shape_cast %get3A_142 : vector<1x16xf32> to vector<16xf32>
        %mul3A_144 = arith.mulf %gather3A_84, %get3A_143 : vector<16xf32>
        %get3A_145 = arith.index_cast %scan3A_76 : i32 to index
        %get3A_146 = arith.constant 48 : index
        %get3A_147 = tpu.vector_load %arg13[%get3A_145, %get3A_146] {strides = array<i32>} : memref<16x1024xf32, #tpu.memory_space<vmem>>, vector<1x16xf32>,
        %get3A_148 = vector.shape_cast %get3A_147 : vector<1x16xf32> to vector<16xf32>
        %mul3A_149 = arith.mulf %gather3A_92, %get3A_148 : vector<16xf32>
        %add3A_150 = arith.addf %mul3A_144, %mul3A_149 : vector<16xf32>
        %swap3A_151 = arith.index_cast %scan3A_76 : i32 to index
        %swap3A_152 = arith.constant 48 : index
        %swap3A_153 = tpu.vector_load %arg16[%swap3A_151, %swap3A_152] {strides = array<i32>} : memref<16x1024xf32, #tpu.memory_space<vmem>>, vector<1x16xf32>,
        %swap3A_154 = vector.shape_cast %swap3A_153 : vector<1x16xf32> to vector<16xf32>
        %swap3A_155 = vector.shape_cast %add3A_150 : vector<16xf32> to vector<1x16xf32>
        tpu.vector_store %arg16[%swap3A_151, %swap3A_152], %swap3A_155 {strides = array<i32>} : memref<16x1024xf32, #tpu.memory_space<vmem>>, vector<1x16xf32>,
        %get3A_156 = arith.index_cast %scan3A_76 : i32 to index
        %get3A_157 = arith.constant 64 : index
        %get3A_158 = tpu.vector_load %arg12[%get3A_156, %get3A_157] {strides = array<i32>} : memref<16x1024xf32, #tpu.memory_space<vmem>>, vector<1x16xf32>,
        %get3A_159 = vector.shape_cast %get3A_158 : vector<1x16xf32> to vector<16xf32>
        %mul3A_160 = arith.mulf %gather3A_84, %get3A_159 : vector<16xf32>
        %get3A_161 = arith.index_cast %scan3A_76 : i32 to index
        %get3A_162 = arith.constant 64 : index
        %get3A_163 = tpu.vector_load %arg13[%get3A_161, %get3A_162] {strides = array<i32>} : memref<16x1024xf32, #tpu.memory_space<vmem>>, vector<1x16xf32>,
        %get3A_164 = vector.shape_cast %get3A_163 : vector<1x16xf32> to vector<16xf32>
        %mul3A_165 = arith.mulf %gather3A_92, %get3A_164 : vector<16xf32>
        %add3A_166 = arith.addf %mul3A_160, %mul3A_165 : vector<16xf32>
        %swap3A_167 = arith.index_cast %scan3A_76 : i32 to index
        %swap3A_168 = arith.constant 64 : index
        %swap3A_169 = tpu.vector_load %arg16[%swap3A_167, %swap3A_168] {strides = array<i32>} : memref<16x1024xf32, #tpu.memory_space<vmem>>, vector<1x16xf32>,
        %swap3A_170 = vector.shape_cast %swap3A_169 : vector<1x16xf32> to vector<16xf32>
        %swap3A_171 = vector.shape_cast %add3A_166 : vector<16xf32> to vector<1x16xf32>
        tpu.vector_store %arg16[%swap3A_167, %swap3A_168], %swap3A_171 {strides = array<i32>} : memref<16x1024xf32, #tpu.memory_space<vmem>>, vector<1x16xf32>,
        %get3A_172 = arith.index_cast %scan3A_76 : i32 to index
        %get3A_173 = arith.constant 80 : index
        %get3A_174 = tpu.vector_load %arg12[%get3A_172, %get3A_173] {strides = array<i32>} : memref<16x1024xf32, #tpu.memory_space<vmem>>, vector<1x16xf32>,
        %get3A_175 = vector.shape_cast %get3A_174 : vector<1x16xf32> to vector<16xf32>
        %mul3A_176 = arith.mulf %gather3A_84, %get3A_175 : vector<16xf32>
        %get3A_177 = arith.index_cast %scan3A_76 : i32 to index
        %get3A_178 = arith.constant 80 : index
        %get3A_179 = tpu.vector_load %arg13[%get3A_177, %get3A_178] {strides = array<i32>} : memref<16x1024xf32, #tpu.memory_space<vmem>>, vector<1x16xf32>,
        %get3A_180 = vector.shape_cast %get3A_179 : vector<1x16xf32> to vector<16xf32>
        %mul3A_181 = arith.mulf %gather3A_92, %get3A_180 : vector<16xf32>
        %add3A_182 = arith.addf %mul3A_176, %mul3A_181 : vector<16xf32>
        %swap3A_183 = arith.index_cast %scan3A_76 : i32 to index
        %swap3A_184 = arith.constant 80 : index
        %swap3A_185 = tpu.vector_load %arg16[%swap3A_183, %swap3A_184] {strides = array<i32>} : memref<16x1024xf32, #tpu.memory_space<vmem>>, vector<1x16xf32>,
        %swap3A_186 = vector.shape_cast %swap3A_185 : vector<1x16xf32> to vector<16xf32>
        %swap3A_187 = vector.shape_cast %add3A_182 : vector<16xf32> to vector<1x16xf32>
        tpu.vector_store %arg16[%swap3A_183, %swap3A_184], %swap3A_187 {strides = array<i32>} : memref<16x1024xf32, #tpu.memory_space<vmem>>, vector<1x16xf32>,
        %get3A_188 = arith.index_cast %scan3A_76 : i32 to index
        %get3A_189 = arith.constant 96 : index
        %get3A_190 = tpu.vector_load %arg12[%get3A_188, %get3A_189] {strides = array<i32>} : memref<16x1024xf32, #tpu.memory_space<vmem>>, vector<1x16xf32>,
        %get3A_191 = vector.shape_cast %get3A_190 : vector<1x16xf32> to vector<16xf32>
        %mul3A_192 = arith.mulf %gather3A_84, %get3A_191 : vector<16xf32>
        %get3A_193 = arith.index_cast %scan3A_76 : i32 to index
        %get3A_194 = arith.constant 96 : index
        %get3A_195 = tpu.vector_load %arg13[%get3A_193, %get3A_194] {strides = array<i32>} : memref<16x1024xf32, #tpu.memory_space<vmem>>, vector<1x16xf32>,
        %get3A_196 = vector.shape_cast %get3A_195 : vector<1x16xf32> to vector<16xf32>
        %mul3A_197 = arith.mulf %gather3A_92, %get3A_196 : vector<16xf32>
        %add3A_198 = arith.addf %mul3A_192, %mul3A_197 : vector<16xf32>
        %swap3A_199 = arith.index_cast %scan3A_76 : i32 to index
        %swap3A_200 = arith.constant 96 : index
        %swap3A_201 = tpu.vector_load %arg16[%swap3A_199, %swap3A_200] {strides = array<i32>} : memref<16x1024xf32, #tpu.memory_space<vmem>>, vector<1x16xf32>,
        %swap3A_202 = vector.shape_cast %swap3A_201 : vector<1x16xf32> to vector<16xf32>
        %swap3A_203 = vector.shape_cast %add3A_198 : vector<16xf32> to vector<1x16xf32>
        tpu.vector_store %arg16[%swap3A_199, %swap3A_200], %swap3A_203 {strides = array<i32>} : memref<16x1024xf32, #tpu.memory_space<vmem>>, vector<1x16xf32>,
        %get3A_204 = arith.index_cast %scan3A_76 : i32 to index
        %get3A_205 = arith.constant 112 : index
        %get3A_206 = tpu.vector_load %arg12[%get3A_204, %get3A_205] {strides = array<i32>} : memref<16x1024xf32, #tpu.memory_space<vmem>>, vector<1x16xf32>,
        %get3A_207 = vector.shape_cast %get3A_206 : vector<1x16xf32> to vector<16xf32>
        %mul3A_208 = arith.mulf %gather3A_84, %get3A_207 : vector<16xf32>
        %get3A_209 = arith.index_cast %scan3A_76 : i32 to index
        %get3A_210 = arith.constant 112 : index
        %get3A_211 = tpu.vector_load %arg13[%get3A_209, %get3A_210] {strides = array<i32>} : memref<16x1024xf32, #tpu.memory_space<vmem>>, vector<1x16xf32>,
        %get3A_212 = vector.shape_cast %get3A_211 : vector<1x16xf32> to vector<16xf32>
        %mul3A_213 = arith.mulf %gather3A_92, %get3A_212 : vector<16xf32>
        %add3A_214 = arith.addf %mul3A_208, %mul3A_213 : vector<16xf32>
        %swap3A_215 = arith.index_cast %scan3A_76 : i32 to index
        %swap3A_216 = arith.constant 112 : index
        %swap3A_217 = tpu.vector_load %arg16[%swap3A_215, %swap3A_216] {strides = array<i32>} : memref<16x1024xf32, #tpu.memory_space<vmem>>, vector<1x16xf32>,
        %swap3A_218 = vector.shape_cast %swap3A_217 : vector<1x16xf32> to vector<16xf32>
        %swap3A_219 = vector.shape_cast %add3A_214 : vector<16xf32> to vector<1x16xf32>
        tpu.vector_store %arg16[%swap3A_215, %swap3A_216], %swap3A_219 {strides = array<i32>} : memref<16x1024xf32, #tpu.memory_space<vmem>>, vector<1x16xf32>,
        %get3A_220 = arith.index_cast %scan3A_76 : i32 to index
        %get3A_221 = arith.constant 128 : index
        %get3A_222 = tpu.vector_load %arg12[%get3A_220, %get3A_221] {strides = array<i32>} : memref<16x1024xf32, #tpu.memory_space<vmem>>, vector<1x16xf32>,
        %get3A_223 = vector.shape_cast %get3A_222 : vector<1x16xf32> to vector<16xf32>
        %mul3A_224 = arith.mulf %gather3A_84, %get3A_223 : vector<16xf32>
        %get3A_225 = arith.index_cast %scan3A_76 : i32 to index
        %get3A_226 = arith.constant 128 : index
        %get3A_227 = tpu.vector_load %arg13[%get3A_225, %get3A_226] {strides = array<i32>} : memref<16x1024xf32, #tpu.memory_space<vmem>>, vector<1x16xf32>,
        %get3A_228 = vector.shape_cast %get3A_227 : vector<1x16xf32> to vector<16xf32>
        %mul3A_229 = arith.mulf %gather3A_92, %get3A_228 : vector<16xf32>
        %add3A_230 = arith.addf %mul3A_224, %mul3A_229 : vector<16xf32>
        %swap3A_231 = arith.index_cast %scan3A_76 : i32 to index
        %swap3A_232 = arith.constant 128 : index
        %swap3A_233 = tpu.vector_load %arg16[%swap3A_231, %swap3A_232] {strides = array<i32>} : memref<16x1024xf32, #tpu.memory_space<vmem>>, vector<1x16xf32>,
        %swap3A_234 = vector.shape_cast %swap3A_233 : vector<1x16xf32> to vector<16xf32>
        %swap3A_235 = vector.shape_cast %add3A_230 : vector<16xf32> to vector<1x16xf32>
        tpu.vector_store %arg16[%swap3A_231, %swap3A_232], %swap3A_235 {strides = array<i32>} : memref<16x1024xf32, #tpu.memory_space<vmem>>, vector<1x16xf32>,
        %get3A_236 = arith.index_cast %scan3A_76 : i32 to index
        %get3A_237 = arith.constant 144 : index
        %get3A_238 = tpu.vector_load %arg12[%get3A_236, %get3A_237] {strides = array<i32>} : memref<16x1024xf32, #tpu.memory_space<vmem>>, vector<1x16xf32>,
        %get3A_239 = vector.shape_cast %get3A_238 : vector<1x16xf32> to vector<16xf32>
        %mul3A_240 = arith.mulf %gather3A_84, %get3A_239 : vector<16xf32>
        %get3A_241 = arith.index_cast %scan3A_76 : i32 to index
        %get3A_242 = arith.constant 144 : index
        %get3A_243 = tpu.vector_load %arg13[%get3A_241, %get3A_242] {strides = array<i32>} : memref<16x1024xf32, #tpu.memory_space<vmem>>, vector<1x16xf32>,
        %get3A_244 = vector.shape_cast %get3A_243 : vector<1x16xf32> to vector<16xf32>
        %mul3A_245 = arith.mulf %gather3A_92, %get3A_244 : vector<16xf32>
        %add3A_246 = arith.addf %mul3A_240, %mul3A_245 : vector<16xf32>
        %swap3A_247 = arith.index_cast %scan3A_76 : i32 to index
        %swap3A_248 = arith.constant 144 : index
        %swap3A_249 = tpu.vector_load %arg16[%swap3A_247, %swap3A_248] {strides = array<i32>} : memref<16x1024xf32, #tpu.memory_space<vmem>>, vector<1x16xf32>,
        %swap3A_250 = vector.shape_cast %swap3A_249 : vector<1x16xf32> to vector<16xf32>
        %swap3A_251 = vector.shape_cast %add3A_246 : vector<16xf32> to vector<1x16xf32>
        tpu.vector_store %arg16[%swap3A_247, %swap3A_248], %swap3A_251 {strides = array<i32>} : memref<16x1024xf32, #tpu.memory_space<vmem>>, vector<1x16xf32>,
        %get3A_252 = arith.index_cast %scan3A_76 : i32 to index
        %get3A_253 = arith.constant 160 : index
        %get3A_254 = tpu.vector_load %arg12[%get3A_252, %get3A_253] {strides = array<i32>} : memref<16x1024xf32, #tpu.memory_space<vmem>>, vector<1x16xf32>,
        %get3A_255 = vector.shape_cast %get3A_254 : vector<1x16xf32> to vector<16xf32>
        %mul3A_256 = arith.mulf %gather3A_84, %get3A_255 : vector<16xf32>
        %get3A_257 = arith.index_cast %scan3A_76 : i32 to index
        %get3A_258 = arith.constant 160 : index
        %get3A_259 = tpu.vector_load %arg13[%get3A_257, %get3A_258] {strides = array<i32>} : memref<16x1024xf32, #tpu.memory_space<vmem>>, vector<1x16xf32>,
        %get3A_260 = vector.shape_cast %get3A_259 : vector<1x16xf32> to vector<16xf32>
        %mul3A_261 = arith.mulf %gather3A_92, %get3A_260 : vector<16xf32>
        %add3A_262 = arith.addf %mul3A_256, %mul3A_261 : vector<16xf32>
        %swap3A_263 = arith.index_cast %scan3A_76 : i32 to index
        %swap3A_264 = arith.constant 160 : index
        %swap3A_265 = tpu.vector_load %arg16[%swap3A_263, %swap3A_264] {strides = array<i32>} : memref<16x1024xf32, #tpu.memory_space<vmem>>, vector<1x16xf32>,
        %swap3A_266 = vector.shape_cast %swap3A_265 : vector<1x16xf32> to vector<16xf32>
        %swap3A_267 = vector.shape_cast %add3A_262 : vector<16xf32> to vector<1x16xf32>
        tpu.vector_store %arg16[%swap3A_263, %swap3A_264], %swap3A_267 {strides = array<i32>} : memref<16x1024xf32, #tpu.memory_space<vmem>>, vector<1x16xf32>,
        %get3A_268 = arith.index_cast %scan3A_76 : i32 to index
        %get3A_269 = arith.constant 176 : index
        %get3A_270 = tpu.vector_load %arg12[%get3A_268, %get3A_269] {strides = array<i32>} : memref<16x1024xf32, #tpu.memory_space<vmem>>, vector<1x16xf32>,
        %get3A_271 = vector.shape_cast %get3A_270 : vector<1x16xf32> to vector<16xf32>
        %mul3A_272 = arith.mulf %gather3A_84, %get3A_271 : vector<16xf32>
        %get3A_273 = arith.index_cast %scan3A_76 : i32 to index
        %get3A_274 = arith.constant 176 : index
        %get3A_275 = tpu.vector_load %arg13[%get3A_273, %get3A_274] {strides = array<i32>} : memref<16x1024xf32, #tpu.memory_space<vmem>>, vector<1x16xf32>,
        %get3A_276 = vector.shape_cast %get3A_275 : vector<1x16xf32> to vector<16xf32>
        %mul3A_277 = arith.mulf %gather3A_92, %get3A_276 : vector<16xf32>
        %add3A_278 = arith.addf %mul3A_272, %mul3A_277 : vector<16xf32>
        %swap3A_279 = arith.index_cast %scan3A_76 : i32 to index
        %swap3A_280 = arith.constant 176 : index
        %swap3A_281 = tpu.vector_load %arg16[%swap3A_279, %swap3A_280] {strides = array<i32>} : memref<16x1024xf32, #tpu.memory_space<vmem>>, vector<1x16xf32>,
        %swap3A_282 = vector.shape_cast %swap3A_281 : vector<1x16xf32> to vector<16xf32>
        %swap3A_283 = vector.shape_cast %add3A_278 : vector<16xf32> to vector<1x16xf32>
        tpu.vector_store %arg16[%swap3A_279, %swap3A_280], %swap3A_283 {strides = array<i32>} : memref<16x1024xf32, #tpu.memory_space<vmem>>, vector<1x16xf32>,
        %get3A_284 = arith.index_cast %scan3A_76 : i32 to index
        %get3A_285 = arith.constant 192 : index
        %get3A_286 = tpu.vector_load %arg12[%get3A_284, %get3A_285] {strides = array<i32>} : memref<16x1024xf32, #tpu.memory_space<vmem>>, vector<1x16xf32>,
        %get3A_287 = vector.shape_cast %get3A_286 : vector<1x16xf32> to vector<16xf32>
        %mul3A_288 = arith.mulf %gather3A_84, %get3A_287 : vector<16xf32>
        %get3A_289 = arith.index_cast %scan3A_76 : i32 to index
        %get3A_290 = arith.constant 192 : index
        %get3A_291 = tpu.vector_load %arg13[%get3A_289, %get3A_290] {strides = array<i32>} : memref<16x1024xf32, #tpu.memory_space<vmem>>, vector<1x16xf32>,
        %get3A_292 = vector.shape_cast %get3A_291 : vector<1x16xf32> to vector<16xf32>
        %mul3A_293 = arith.mulf %gather3A_92, %get3A_292 : vector<16xf32>
        %add3A_294 = arith.addf %mul3A_288, %mul3A_293 : vector<16xf32>
        %swap3A_295 = arith.index_cast %scan3A_76 : i32 to index
        %swap3A_296 = arith.constant 192 : index
        %swap3A_297 = tpu.vector_load %arg16[%swap3A_295, %swap3A_296] {strides = array<i32>} : memref<16x1024xf32, #tpu.memory_space<vmem>>, vector<1x16xf32>,
        %swap3A_298 = vector.shape_cast %swap3A_297 : vector<1x16xf32> to vector<16xf32>
        %swap3A_299 = vector.shape_cast %add3A_294 : vector<16xf32> to vector<1x16xf32>
        tpu.vector_store %arg16[%swap3A_295, %swap3A_296], %swap3A_299 {strides = array<i32>} : memref<16x1024xf32, #tpu.memory_space<vmem>>, vector<1x16xf32>,
        %get3A_300 = arith.index_cast %scan3A_76 : i32 to index
        %get3A_301 = arith.constant 208 : index
        %get3A_302 = tpu.vector_load %arg12[%get3A_300, %get3A_301] {strides = array<i32>} : memref<16x1024xf32, #tpu.memory_space<vmem>>, vector<1x16xf32>,
        %get3A_303 = vector.shape_cast %get3A_302 : vector<1x16xf32> to vector<16xf32>
        %mul3A_304 = arith.mulf %gather3A_84, %get3A_303 : vector<16xf32>
        %get3A_305 = arith.index_cast %scan3A_76 : i32 to index
        %get3A_306 = arith.constant 208 : index
        %get3A_307 = tpu.vector_load %arg13[%get3A_305, %get3A_306] {strides = array<i32>} : memref<16x1024xf32, #tpu.memory_space<vmem>>, vector<1x16xf32>,
        %get3A_308 = vector.shape_cast %get3A_307 : vector<1x16xf32> to vector<16xf32>
        %mul3A_309 = arith.mulf %gather3A_92, %get3A_308 : vector<16xf32>
        %add3A_310 = arith.addf %mul3A_304, %mul3A_309 : vector<16xf32>
        %swap3A_311 = arith.index_cast %scan3A_76 : i32 to index
        %swap3A_312 = arith.constant 208 : index
        %swap3A_313 = tpu.vector_load %arg16[%swap3A_311, %swap3A_312] {strides = array<i32>} : memref<16x1024xf32, #tpu.memory_space<vmem>>, vector<1x16xf32>,
        %swap3A_314 = vector.shape_cast %swap3A_313 : vector<1x16xf32> to vector<16xf32>
        %swap3A_315 = vector.shape_cast %add3A_310 : vector<16xf32> to vector<1x16xf32>
        tpu.vector_store %arg16[%swap3A_311, %swap3A_312], %swap3A_315 {strides = array<i32>} : memref<16x1024xf32, #tpu.memory_space<vmem>>, vector<1x16xf32>,
        %get3A_316 = arith.index_cast %scan3A_76 : i32 to index
        %get3A_317 = arith.constant 224 : index
        %get3A_318 = tpu.vector_load %arg12[%get3A_316, %get3A_317] {strides = array<i32>} : memref<16x1024xf32, #tpu.memory_space<vmem>>, vector<1x16xf32>,
        %get3A_319 = vector.shape_cast %get3A_318 : vector<1x16xf32> to vector<16xf32>
        %mul3A_320 = arith.mulf %gather3A_84, %get3A_319 : vector<16xf32>
        %get3A_321 = arith.index_cast %scan3A_76 : i32 to index
        %get3A_322 = arith.constant 224 : index
        %get3A_323 = tpu.vector_load %arg13[%get3A_321, %get3A_322] {strides = array<i32>} : memref<16x1024xf32, #tpu.memory_space<vmem>>, vector<1x16xf32>,
        %get3A_324 = vector.shape_cast %get3A_323 : vector<1x16xf32> to vector<16xf32>
        %mul3A_325 = arith.mulf %gather3A_92, %get3A_324 : vector<16xf32>
        %add3A_326 = arith.addf %mul3A_320, %mul3A_325 : vector<16xf32>
        %swap3A_327 = arith.index_cast %scan3A_76 : i32 to index
        %swap3A_328 = arith.constant 224 : index
        %swap3A_329 = tpu.vector_load %arg16[%swap3A_327, %swap3A_328] {strides = array<i32>} : memref<16x1024xf32, #tpu.memory_space<vmem>>, vector<1x16xf32>,
        %swap3A_330 = vector.shape_cast %swap3A_329 : vector<1x16xf32> to vector<16xf32>
        %swap3A_331 = vector.shape_cast %add3A_326 : vector<16xf32> to vector<1x16xf32>
        tpu.vector_store %arg16[%swap3A_327, %swap3A_328], %swap3A_331 {strides = array<i32>} : memref<16x1024xf32, #tpu.memory_space<vmem>>, vector<1x16xf32>,
        %get3A_332 = arith.index_cast %scan3A_76 : i32 to index
        %get3A_333 = arith.constant 240 : index
        %get3A_334 = tpu.vector_load %arg12[%get3A_332, %get3A_333] {strides = array<i32>} : memref<16x1024xf32, #tpu.memory_space<vmem>>, vector<1x16xf32>,
        %get3A_335 = vector.shape_cast %get3A_334 : vector<1x16xf32> to vector<16xf32>
        %mul3A_336 = arith.mulf %gather3A_84, %get3A_335 : vector<16xf32>
        %get3A_337 = arith.index_cast %scan3A_76 : i32 to index
        %get3A_338 = arith.constant 240 : index
        %get3A_339 = tpu.vector_load %arg13[%get3A_337, %get3A_338] {strides = array<i32>} : memref<16x1024xf32, #tpu.memory_space<vmem>>, vector<1x16xf32>,
        %get3A_340 = vector.shape_cast %get3A_339 : vector<1x16xf32> to vector<16xf32>
        %mul3A_341 = arith.mulf %gather3A_92, %get3A_340 : vector<16xf32>
        %add3A_342 = arith.addf %mul3A_336, %mul3A_341 : vector<16xf32>
        %swap3A_343 = arith.index_cast %scan3A_76 : i32 to index
        %swap3A_344 = arith.constant 240 : index
        %swap3A_345 = tpu.vector_load %arg16[%swap3A_343, %swap3A_344] {strides = array<i32>} : memref<16x1024xf32, #tpu.memory_space<vmem>>, vector<1x16xf32>,
        %swap3A_346 = vector.shape_cast %swap3A_345 : vector<1x16xf32> to vector<16xf32>
        %swap3A_347 = vector.shape_cast %add3A_342 : vector<16xf32> to vector<1x16xf32>
        tpu.vector_store %arg16[%swap3A_343, %swap3A_344], %swap3A_347 {strides = array<i32>} : memref<16x1024xf32, #tpu.memory_space<vmem>>, vector<1x16xf32>,
        %get3A_348 = arith.index_cast %scan3A_76 : i32 to index
        %get3A_349 = arith.constant 256 : index
        %get3A_350 = tpu.vector_load %arg12[%get3A_348, %get3A_349] {strides = array<i32>} : memref<16x1024xf32, #tpu.memory_space<vmem>>, vector<1x16xf32>,
        %get3A_351 = vector.shape_cast %get3A_350 : vector<1x16xf32> to vector<16xf32>
        %mul3A_352 = arith.mulf %gather3A_84, %get3A_351 : vector<16xf32>
        %get3A_353 = arith.index_cast %scan3A_76 : i32 to index
        %get3A_354 = arith.constant 256 : index
        %get3A_355 = tpu.vector_load %arg13[%get3A_353, %get3A_354] {strides = array<i32>} : memref<16x1024xf32, #tpu.memory_space<vmem>>, vector<1x16xf32>,
        %get3A_356 = vector.shape_cast %get3A_355 : vector<1x16xf32> to vector<16xf32>
        %mul3A_357 = arith.mulf %gather3A_92, %get3A_356 : vector<16xf32>
        %add3A_358 = arith.addf %mul3A_352, %mul3A_357 : vector<16xf32>
        %swap3A_359 = arith.index_cast %scan3A_76 : i32 to index
        %swap3A_360 = arith.constant 256 : index
        %swap3A_361 = tpu.vector_load %arg16[%swap3A_359, %swap3A_360] {strides = array<i32>} : memref<16x1024xf32, #tpu.memory_space<vmem>>, vector<1x16xf32>,
        %swap3A_362 = vector.shape_cast %swap3A_361 : vector<1x16xf32> to vector<16xf32>
        %swap3A_363 = vector.shape_cast %add3A_358 : vector<16xf32> to vector<1x16xf32>
        tpu.vector_store %arg16[%swap3A_359, %swap3A_360], %swap3A_363 {strides = array<i32>} : memref<16x1024xf32, #tpu.memory_space<vmem>>, vector<1x16xf32>,
        %get3A_364 = arith.index_cast %scan3A_76 : i32 to index
        %get3A_365 = arith.constant 272 : index
        %get3A_366 = tpu.vector_load %arg12[%get3A_364, %get3A_365] {strides = array<i32>} : memref<16x1024xf32, #tpu.memory_space<vmem>>, vector<1x16xf32>,
        %get3A_367 = vector.shape_cast %get3A_366 : vector<1x16xf32> to vector<16xf32>
        %mul3A_368 = arith.mulf %gather3A_84, %get3A_367 : vector<16xf32>
        %get3A_369 = arith.index_cast %scan3A_76 : i32 to index
        %get3A_370 = arith.constant 272 : index
        %get3A_371 = tpu.vector_load %arg13[%get3A_369, %get3A_370] {strides = array<i32>} : memref<16x1024xf32, #tpu.memory_space<vmem>>, vector<1x16xf32>,
        %get3A_372 = vector.shape_cast %get3A_371 : vector<1x16xf32> to vector<16xf32>
        %mul3A_373 = arith.mulf %gather3A_92, %get3A_372 : vector<16xf32>
        %add3A_374 = arith.addf %mul3A_368, %mul3A_373 : vector<16xf32>
        %swap3A_375 = arith.index_cast %scan3A_76 : i32 to index
        %swap3A_376 = arith.constant 272 : index
        %swap3A_377 = tpu.vector_load %arg16[%swap3A_375, %swap3A_376] {strides = array<i32>} : memref<16x1024xf32, #tpu.memory_space<vmem>>, vector<1x16xf32>,
        %swap3A_378 = vector.shape_cast %swap3A_377 : vector<1x16xf32> to vector<16xf32>
        %swap3A_379 = vector.shape_cast %add3A_374 : vector<16xf32> to vector<1x16xf32>
        tpu.vector_store %arg16[%swap3A_375, %swap3A_376], %swap3A_379 {strides = array<i32>} : memref<16x1024xf32, #tpu.memory_space<vmem>>, vector<1x16xf32>,
        %get3A_380 = arith.index_cast %scan3A_76 : i32 to index
        %get3A_381 = arith.constant 288 : index
        %get3A_382 = tpu.vector_load %arg12[%get3A_380, %get3A_381] {strides = array<i32>} : memref<16x1024xf32, #tpu.memory_space<vmem>>, vector<1x16xf32>,
        %get3A_383 = vector.shape_cast %get3A_382 : vector<1x16xf32> to vector<16xf32>
        %mul3A_384 = arith.mulf %gather3A_84, %get3A_383 : vector<16xf32>
        %get3A_385 = arith.index_cast %scan3A_76 : i32 to index
        %get3A_386 = arith.constant 288 : index
        %get3A_387 = tpu.vector_load %arg13[%get3A_385, %get3A_386] {strides = array<i32>} : memref<16x1024xf32, #tpu.memory_space<vmem>>, vector<1x16xf32>,
        %get3A_388 = vector.shape_cast %get3A_387 : vector<1x16xf32> to vector<16xf32>
        %mul3A_389 = arith.mulf %gather3A_92, %get3A_388 : vector<16xf32>
        %add3A_390 = arith.addf %mul3A_384, %mul3A_389 : vector<16xf32>
        %swap3A_391 = arith.index_cast %scan3A_76 : i32 to index
        %swap3A_392 = arith.constant 288 : index
        %swap3A_393 = tpu.vector_load %arg16[%swap3A_391, %swap3A_392] {strides = array<i32>} : memref<16x1024xf32, #tpu.memory_space<vmem>>, vector<1x16xf32>,
        %swap3A_394 = vector.shape_cast %swap3A_393 : vector<1x16xf32> to vector<16xf32>
        %swap3A_395 = vector.shape_cast %add3A_390 : vector<16xf32> to vector<1x16xf32>
        tpu.vector_store %arg16[%swap3A_391, %swap3A_392], %swap3A_395 {strides = array<i32>} : memref<16x1024xf32, #tpu.memory_space<vmem>>, vector<1x16xf32>,
        %get3A_396 = arith.index_cast %scan3A_76 : i32 to index
        %get3A_397 = arith.constant 304 : index
        %get3A_398 = tpu.vector_load %arg12[%get3A_396, %get3A_397] {strides = array<i32>} : memref<16x1024xf32, #tpu.memory_space<vmem>>, vector<1x16xf32>,
        %get3A_399 = vector.shape_cast %get3A_398 : vector<1x16xf32> to vector<16xf32>
        %mul3A_400 = arith.mulf %gather3A_84, %get3A_399 : vector<16xf32>
        %get3A_401 = arith.index_cast %scan3A_76 : i32 to index
        %get3A_402 = arith.constant 304 : index
        %get3A_403 = tpu.vector_load %arg13[%get3A_401, %get3A_402] {strides = array<i32>} : memref<16x1024xf32, #tpu.memory_space<vmem>>, vector<1x16xf32>,
        %get3A_404 = vector.shape_cast %get3A_403 : vector<1x16xf32> to vector<16xf32>
        %mul3A_405 = arith.mulf %gather3A_92, %get3A_404 : vector<16xf32>
        %add3A_406 = arith.addf %mul3A_400, %mul3A_405 : vector<16xf32>
        %swap3A_407 = arith.index_cast %scan3A_76 : i32 to index
        %swap3A_408 = arith.constant 304 : index
        %swap3A_409 = tpu.vector_load %arg16[%swap3A_407, %swap3A_408] {strides = array<i32>} : memref<16x1024xf32, #tpu.memory_space<vmem>>, vector<1x16xf32>,
        %swap3A_410 = vector.shape_cast %swap3A_409 : vector<1x16xf32> to vector<16xf32>
        %swap3A_411 = vector.shape_cast %add3A_406 : vector<16xf32> to vector<1x16xf32>
        tpu.vector_store %arg16[%swap3A_407, %swap3A_408], %swap3A_411 {strides = array<i32>} : memref<16x1024xf32, #tpu.memory_space<vmem>>, vector<1x16xf32>,
        %get3A_412 = arith.index_cast %scan3A_76 : i32 to index
        %get3A_413 = arith.constant 320 : index
        %get3A_414 = tpu.vector_load %arg12[%get3A_412, %get3A_413] {strides = array<i32>} : memref<16x1024xf32, #tpu.memory_space<vmem>>, vector<1x16xf32>,
        %get3A_415 = vector.shape_cast %get3A_414 : vector<1x16xf32> to vector<16xf32>
        %mul3A_416 = arith.mulf %gather3A_84, %get3A_415 : vector<16xf32>
        %get3A_417 = arith.index_cast %scan3A_76 : i32 to index
        %get3A_418 = arith.constant 320 : index
        %get3A_419 = tpu.vector_load %arg13[%get3A_417, %get3A_418] {strides = array<i32>} : memref<16x1024xf32, #tpu.memory_space<vmem>>, vector<1x16xf32>,
        %get3A_420 = vector.shape_cast %get3A_419 : vector<1x16xf32> to vector<16xf32>
        %mul3A_421 = arith.mulf %gather3A_92, %get3A_420 : vector<16xf32>
        %add3A_422 = arith.addf %mul3A_416, %mul3A_421 : vector<16xf32>
        %swap3A_423 = arith.index_cast %scan3A_76 : i32 to index
        %swap3A_424 = arith.constant 320 : index
        %swap3A_425 = tpu.vector_load %arg16[%swap3A_423, %swap3A_424] {strides = array<i32>} : memref<16x1024xf32, #tpu.memory_space<vmem>>, vector<1x16xf32>,
        %swap3A_426 = vector.shape_cast %swap3A_425 : vector<1x16xf32> to vector<16xf32>
        %swap3A_427 = vector.shape_cast %add3A_422 : vector<16xf32> to vector<1x16xf32>
        tpu.vector_store %arg16[%swap3A_423, %swap3A_424], %swap3A_427 {strides = array<i32>} : memref<16x1024xf32, #tpu.memory_space<vmem>>, vector<1x16xf32>,
        %get3A_428 = arith.index_cast %scan3A_76 : i32 to index
        %get3A_429 = arith.constant 336 : index
        %get3A_430 = tpu.vector_load %arg12[%get3A_428, %get3A_429] {strides = array<i32>} : memref<16x1024xf32, #tpu.memory_space<vmem>>, vector<1x16xf32>,
        %get3A_431 = vector.shape_cast %get3A_430 : vector<1x16xf32> to vector<16xf32>
        %mul3A_432 = arith.mulf %gather3A_84, %get3A_431 : vector<16xf32>
        %get3A_433 = arith.index_cast %scan3A_76 : i32 to index
        %get3A_434 = arith.constant 336 : index
        %get3A_435 = tpu.vector_load %arg13[%get3A_433, %get3A_434] {strides = array<i32>} : memref<16x1024xf32, #tpu.memory_space<vmem>>, vector<1x16xf32>,
        %get3A_436 = vector.shape_cast %get3A_435 : vector<1x16xf32> to vector<16xf32>
        %mul3A_437 = arith.mulf %gather3A_92, %get3A_436 : vector<16xf32>
        %add3A_438 = arith.addf %mul3A_432, %mul3A_437 : vector<16xf32>
        %swap3A_439 = arith.index_cast %scan3A_76 : i32 to index
        %swap3A_440 = arith.constant 336 : index
        %swap3A_441 = tpu.vector_load %arg16[%swap3A_439, %swap3A_440] {strides = array<i32>} : memref<16x1024xf32, #tpu.memory_space<vmem>>, vector<1x16xf32>,
        %swap3A_442 = vector.shape_cast %swap3A_441 : vector<1x16xf32> to vector<16xf32>
        %swap3A_443 = vector.shape_cast %add3A_438 : vector<16xf32> to vector<1x16xf32>
        tpu.vector_store %arg16[%swap3A_439, %swap3A_440], %swap3A_443 {strides = array<i32>} : memref<16x1024xf32, #tpu.memory_space<vmem>>, vector<1x16xf32>,
        %get3A_444 = arith.index_cast %scan3A_76 : i32 to index
        %get3A_445 = arith.constant 352 : index
        %get3A_446 = tpu.vector_load %arg12[%get3A_444, %get3A_445] {strides = array<i32>} : memref<16x1024xf32, #tpu.memory_space<vmem>>, vector<1x16xf32>,
        %get3A_447 = vector.shape_cast %get3A_446 : vector<1x16xf32> to vector<16xf32>
        %mul3A_448 = arith.mulf %gather3A_84, %get3A_447 : vector<16xf32>
        %get3A_449 = arith.index_cast %scan3A_76 : i32 to index
        %get3A_450 = arith.constant 352 : index
        %get3A_451 = tpu.vector_load %arg13[%get3A_449, %get3A_450] {strides = array<i32>} : memref<16x1024xf32, #tpu.memory_space<vmem>>, vector<1x16xf32>,
        %get3A_452 = vector.shape_cast %get3A_451 : vector<1x16xf32> to vector<16xf32>
        %mul3A_453 = arith.mulf %gather3A_92, %get3A_452 : vector<16xf32>
        %add3A_454 = arith.addf %mul3A_448, %mul3A_453 : vector<16xf32>
        %swap3A_455 = arith.index_cast %scan3A_76 : i32 to index
        %swap3A_456 = arith.constant 352 : index
        %swap3A_457 = tpu.vector_load %arg16[%swap3A_455, %swap3A_456] {strides = array<i32>} : memref<16x1024xf32, #tpu.memory_space<vmem>>, vector<1x16xf32>,
        %swap3A_458 = vector.shape_cast %swap3A_457 : vector<1x16xf32> to vector<16xf32>
        %swap3A_459 = vector.shape_cast %add3A_454 : vector<16xf32> to vector<1x16xf32>
        tpu.vector_store %arg16[%swap3A_455, %swap3A_456], %swap3A_459 {strides = array<i32>} : memref<16x1024xf32, #tpu.memory_space<vmem>>, vector<1x16xf32>,
        %get3A_460 = arith.index_cast %scan3A_76 : i32 to index
        %get3A_461 = arith.constant 368 : index
        %get3A_462 = tpu.vector_load %arg12[%get3A_460, %get3A_461] {strides = array<i32>} : memref<16x1024xf32, #tpu.memory_space<vmem>>, vector<1x16xf32>,
        %get3A_463 = vector.shape_cast %get3A_462 : vector<1x16xf32> to vector<16xf32>
        %mul3A_464 = arith.mulf %gather3A_84, %get3A_463 : vector<16xf32>
        %get3A_465 = arith.index_cast %scan3A_76 : i32 to index
        %get3A_466 = arith.constant 368 : index
        %get3A_467 = tpu.vector_load %arg13[%get3A_465, %get3A_466] {strides = array<i32>} : memref<16x1024xf32, #tpu.memory_space<vmem>>, vector<1x16xf32>,
        %get3A_468 = vector.shape_cast %get3A_467 : vector<1x16xf32> to vector<16xf32>
        %mul3A_469 = arith.mulf %gather3A_92, %get3A_468 : vector<16xf32>
        %add3A_470 = arith.addf %mul3A_464, %mul3A_469 : vector<16xf32>
        %swap3A_471 = arith.index_cast %scan3A_76 : i32 to index
        %swap3A_472 = arith.constant 368 : index
        %swap3A_473 = tpu.vector_load %arg16[%swap3A_471, %swap3A_472] {strides = array<i32>} : memref<16x1024xf32, #tpu.memory_space<vmem>>, vector<1x16xf32>,
        %swap3A_474 = vector.shape_cast %swap3A_473 : vector<1x16xf32> to vector<16xf32>
        %swap3A_475 = vector.shape_cast %add3A_470 : vector<16xf32> to vector<1x16xf32>
        tpu.vector_store %arg16[%swap3A_471, %swap3A_472], %swap3A_475 {strides = array<i32>} : memref<16x1024xf32, #tpu.memory_space<vmem>>, vector<1x16xf32>,
        %get3A_476 = arith.index_cast %scan3A_76 : i32 to index
        %get3A_477 = arith.constant 384 : index
        %get3A_478 = tpu.vector_load %arg12[%get3A_476, %get3A_477] {strides = array<i32>} : memref<16x1024xf32, #tpu.memory_space<vmem>>, vector<1x16xf32>,
        %get3A_479 = vector.shape_cast %get3A_478 : vector<1x16xf32> to vector<16xf32>
        %mul3A_480 = arith.mulf %gather3A_84, %get3A_479 : vector<16xf32>
        %get3A_481 = arith.index_cast %scan3A_76 : i32 to index
        %get3A_482 = arith.constant 384 : index
        %get3A_483 = tpu.vector_load %arg13[%get3A_481, %get3A_482] {strides = array<i32>} : memref<16x1024xf32, #tpu.memory_space<vmem>>, vector<1x16xf32>,
        %get3A_484 = vector.shape_cast %get3A_483 : vector<1x16xf32> to vector<16xf32>
        %mul3A_485 = arith.mulf %gather3A_92, %get3A_484 : vector<16xf32>
        %add3A_486 = arith.addf %mul3A_480, %mul3A_485 : vector<16xf32>
        %swap3A_487 = arith.index_cast %scan3A_76 : i32 to index
        %swap3A_488 = arith.constant 384 : index
        %swap3A_489 = tpu.vector_load %arg16[%swap3A_487, %swap3A_488] {strides = array<i32>} : memref<16x1024xf32, #tpu.memory_space<vmem>>, vector<1x16xf32>,
        %swap3A_490 = vector.shape_cast %swap3A_489 : vector<1x16xf32> to vector<16xf32>
        %swap3A_491 = vector.shape_cast %add3A_486 : vector<16xf32> to vector<1x16xf32>
        tpu.vector_store %arg16[%swap3A_487, %swap3A_488], %swap3A_491 {strides = array<i32>} : memref<16x1024xf32, #tpu.memory_space<vmem>>, vector<1x16xf32>,
        %get3A_492 = arith.index_cast %scan3A_76 : i32 to index
        %get3A_493 = arith.constant 400 : index
        %get3A_494 = tpu.vector_load %arg12[%get3A_492, %get3A_493] {strides = array<i32>} : memref<16x1024xf32, #tpu.memory_space<vmem>>, vector<1x16xf32>,
        %get3A_495 = vector.shape_cast %get3A_494 : vector<1x16xf32> to vector<16xf32>
        %mul3A_496 = arith.mulf %gather3A_84, %get3A_495 : vector<16xf32>
        %get3A_497 = arith.index_cast %scan3A_76 : i32 to index
        %get3A_498 = arith.constant 400 : index
        %get3A_499 = tpu.vector_load %arg13[%get3A_497, %get3A_498] {strides = array<i32>} : memref<16x1024xf32, #tpu.memory_space<vmem>>, vector<1x16xf32>,
        %get3A_500 = vector.shape_cast %get3A_499 : vector<1x16xf32> to vector<16xf32>
        %mul3A_501 = arith.mulf %gather3A_92, %get3A_500 : vector<16xf32>
        %add3A_502 = arith.addf %mul3A_496, %mul3A_501 : vector<16xf32>
        %swap3A_503 = arith.index_cast %scan3A_76 : i32 to index
        %swap3A_504 = arith.constant 400 : index
        %swap3A_505 = tpu.vector_load %arg16[%swap3A_503, %swap3A_504] {strides = array<i32>} : memref<16x1024xf32, #tpu.memory_space<vmem>>, vector<1x16xf32>,
        %swap3A_506 = vector.shape_cast %swap3A_505 : vector<1x16xf32> to vector<16xf32>
        %swap3A_507 = vector.shape_cast %add3A_502 : vector<16xf32> to vector<1x16xf32>
        tpu.vector_store %arg16[%swap3A_503, %swap3A_504], %swap3A_507 {strides = array<i32>} : memref<16x1024xf32, #tpu.memory_space<vmem>>, vector<1x16xf32>,
        %get3A_508 = arith.index_cast %scan3A_76 : i32 to index
        %get3A_509 = arith.constant 416 : index
        %get3A_510 = tpu.vector_load %arg12[%get3A_508, %get3A_509] {strides = array<i32>} : memref<16x1024xf32, #tpu.memory_space<vmem>>, vector<1x16xf32>,
        %get3A_511 = vector.shape_cast %get3A_510 : vector<1x16xf32> to vector<16xf32>
        %mul3A_512 = arith.mulf %gather3A_84, %get3A_511 : vector<16xf32>
        %get3A_513 = arith.index_cast %scan3A_76 : i32 to index
        %get3A_514 = arith.constant 416 : index
        %get3A_515 = tpu.vector_load %arg13[%get3A_513, %get3A_514] {strides = array<i32>} : memref<16x1024xf32, #tpu.memory_space<vmem>>, vector<1x16xf32>,
        %get3A_516 = vector.shape_cast %get3A_515 : vector<1x16xf32> to vector<16xf32>
        %mul3A_517 = arith.mulf %gather3A_92, %get3A_516 : vector<16xf32>
        %add3A_518 = arith.addf %mul3A_512, %mul3A_517 : vector<16xf32>
        %swap3A_519 = arith.index_cast %scan3A_76 : i32 to index
        %swap3A_520 = arith.constant 416 : index
        %swap3A_521 = tpu.vector_load %arg16[%swap3A_519, %swap3A_520] {strides = array<i32>} : memref<16x1024xf32, #tpu.memory_space<vmem>>, vector<1x16xf32>,
        %swap3A_522 = vector.shape_cast %swap3A_521 : vector<1x16xf32> to vector<16xf32>
        %swap3A_523 = vector.shape_cast %add3A_518 : vector<16xf32> to vector<1x16xf32>
        tpu.vector_store %arg16[%swap3A_519, %swap3A_520], %swap3A_523 {strides = array<i32>} : memref<16x1024xf32, #tpu.memory_space<vmem>>, vector<1x16xf32>,
        %get3A_524 = arith.index_cast %scan3A_76 : i32 to index
        %get3A_525 = arith.constant 432 : index
        %get3A_526 = tpu.vector_load %arg12[%get3A_524, %get3A_525] {strides = array<i32>} : memref<16x1024xf32, #tpu.memory_space<vmem>>, vector<1x16xf32>,
        %get3A_527 = vector.shape_cast %get3A_526 : vector<1x16xf32> to vector<16xf32>
        %mul3A_528 = arith.mulf %gather3A_84, %get3A_527 : vector<16xf32>
        %get3A_529 = arith.index_cast %scan3A_76 : i32 to index
        %get3A_530 = arith.constant 432 : index
        %get3A_531 = tpu.vector_load %arg13[%get3A_529, %get3A_530] {strides = array<i32>} : memref<16x1024xf32, #tpu.memory_space<vmem>>, vector<1x16xf32>,
        %get3A_532 = vector.shape_cast %get3A_531 : vector<1x16xf32> to vector<16xf32>
        %mul3A_533 = arith.mulf %gather3A_92, %get3A_532 : vector<16xf32>
        %add3A_534 = arith.addf %mul3A_528, %mul3A_533 : vector<16xf32>
        %swap3A_535 = arith.index_cast %scan3A_76 : i32 to index
        %swap3A_536 = arith.constant 432 : index
        %swap3A_537 = tpu.vector_load %arg16[%swap3A_535, %swap3A_536] {strides = array<i32>} : memref<16x1024xf32, #tpu.memory_space<vmem>>, vector<1x16xf32>,
        %swap3A_538 = vector.shape_cast %swap3A_537 : vector<1x16xf32> to vector<16xf32>
        %swap3A_539 = vector.shape_cast %add3A_534 : vector<16xf32> to vector<1x16xf32>
        tpu.vector_store %arg16[%swap3A_535, %swap3A_536], %swap3A_539 {strides = array<i32>} : memref<16x1024xf32, #tpu.memory_space<vmem>>, vector<1x16xf32>,
        %get3A_540 = arith.index_cast %scan3A_76 : i32 to index
        %get3A_541 = arith.constant 448 : index
        %get3A_542 = tpu.vector_load %arg12[%get3A_540, %get3A_541] {strides = array<i32>} : memref<16x1024xf32, #tpu.memory_space<vmem>>, vector<1x16xf32>,
        %get3A_543 = vector.shape_cast %get3A_542 : vector<1x16xf32> to vector<16xf32>
        %mul3A_544 = arith.mulf %gather3A_84, %get3A_543 : vector<16xf32>
        %get3A_545 = arith.index_cast %scan3A_76 : i32 to index
        %get3A_546 = arith.constant 448 : index
        %get3A_547 = tpu.vector_load %arg13[%get3A_545, %get3A_546] {strides = array<i32>} : memref<16x1024xf32, #tpu.memory_space<vmem>>, vector<1x16xf32>,
        %get3A_548 = vector.shape_cast %get3A_547 : vector<1x16xf32> to vector<16xf32>
        %mul3A_549 = arith.mulf %gather3A_92, %get3A_548 : vector<16xf32>
        %add3A_550 = arith.addf %mul3A_544, %mul3A_549 : vector<16xf32>
        %swap3A_551 = arith.index_cast %scan3A_76 : i32 to index
        %swap3A_552 = arith.constant 448 : index
        %swap3A_553 = tpu.vector_load %arg16[%swap3A_551, %swap3A_552] {strides = array<i32>} : memref<16x1024xf32, #tpu.memory_space<vmem>>, vector<1x16xf32>,
        %swap3A_554 = vector.shape_cast %swap3A_553 : vector<1x16xf32> to vector<16xf32>
        %swap3A_555 = vector.shape_cast %add3A_550 : vector<16xf32> to vector<1x16xf32>
        tpu.vector_store %arg16[%swap3A_551, %swap3A_552], %swap3A_555 {strides = array<i32>} : memref<16x1024xf32, #tpu.memory_space<vmem>>, vector<1x16xf32>,
        %get3A_556 = arith.index_cast %scan3A_76 : i32 to index
        %get3A_557 = arith.constant 464 : index
        %get3A_558 = tpu.vector_load %arg12[%get3A_556, %get3A_557] {strides = array<i32>} : memref<16x1024xf32, #tpu.memory_space<vmem>>, vector<1x16xf32>,
        %get3A_559 = vector.shape_cast %get3A_558 : vector<1x16xf32> to vector<16xf32>
        %mul3A_560 = arith.mulf %gather3A_84, %get3A_559 : vector<16xf32>
        %get3A_561 = arith.index_cast %scan3A_76 : i32 to index
        %get3A_562 = arith.constant 464 : index
        %get3A_563 = tpu.vector_load %arg13[%get3A_561, %get3A_562] {strides = array<i32>} : memref<16x1024xf32, #tpu.memory_space<vmem>>, vector<1x16xf32>,
        %get3A_564 = vector.shape_cast %get3A_563 : vector<1x16xf32> to vector<16xf32>
        %mul3A_565 = arith.mulf %gather3A_92, %get3A_564 : vector<16xf32>
        %add3A_566 = arith.addf %mul3A_560, %mul3A_565 : vector<16xf32>
        %swap3A_567 = arith.index_cast %scan3A_76 : i32 to index
        %swap3A_568 = arith.constant 464 : index
        %swap3A_569 = tpu.vector_load %arg16[%swap3A_567, %swap3A_568] {strides = array<i32>} : memref<16x1024xf32, #tpu.memory_space<vmem>>, vector<1x16xf32>,
        %swap3A_570 = vector.shape_cast %swap3A_569 : vector<1x16xf32> to vector<16xf32>
        %swap3A_571 = vector.shape_cast %add3A_566 : vector<16xf32> to vector<1x16xf32>
        tpu.vector_store %arg16[%swap3A_567, %swap3A_568], %swap3A_571 {strides = array<i32>} : memref<16x1024xf32, #tpu.memory_space<vmem>>, vector<1x16xf32>,
        %get3A_572 = arith.index_cast %scan3A_76 : i32 to index
        %get3A_573 = arith.constant 480 : index
        %get3A_574 = tpu.vector_load %arg12[%get3A_572, %get3A_573] {strides = array<i32>} : memref<16x1024xf32, #tpu.memory_space<vmem>>, vector<1x16xf32>,
        %get3A_575 = vector.shape_cast %get3A_574 : vector<1x16xf32> to vector<16xf32>
        %mul3A_576 = arith.mulf %gather3A_84, %get3A_575 : vector<16xf32>
        %get3A_577 = arith.index_cast %scan3A_76 : i32 to index
        %get3A_578 = arith.constant 480 : index
        %get3A_579 = tpu.vector_load %arg13[%get3A_577, %get3A_578] {strides = array<i32>} : memref<16x1024xf32, #tpu.memory_space<vmem>>, vector<1x16xf32>,
        %get3A_580 = vector.shape_cast %get3A_579 : vector<1x16xf32> to vector<16xf32>
        %mul3A_581 = arith.mulf %gather3A_92, %get3A_580 : vector<16xf32>
        %add3A_582 = arith.addf %mul3A_576, %mul3A_581 : vector<16xf32>
        %swap3A_583 = arith.index_cast %scan3A_76 : i32 to index
        %swap3A_584 = arith.constant 480 : index
        %swap3A_585 = tpu.vector_load %arg16[%swap3A_583, %swap3A_584] {strides = array<i32>} : memref<16x1024xf32, #tpu.memory_space<vmem>>, vector<1x16xf32>,
        %swap3A_586 = vector.shape_cast %swap3A_585 : vector<1x16xf32> to vector<16xf32>
        %swap3A_587 = vector.shape_cast %add3A_582 : vector<16xf32> to vector<1x16xf32>
        tpu.vector_store %arg16[%swap3A_583, %swap3A_584], %swap3A_587 {strides = array<i32>} : memref<16x1024xf32, #tpu.memory_space<vmem>>, vector<1x16xf32>,
        %get3A_588 = arith.index_cast %scan3A_76 : i32 to index
        %get3A_589 = arith.constant 496 : index
        %get3A_590 = tpu.vector_load %arg12[%get3A_588, %get3A_589] {strides = array<i32>} : memref<16x1024xf32, #tpu.memory_space<vmem>>, vector<1x16xf32>,
        %get3A_591 = vector.shape_cast %get3A_590 : vector<1x16xf32> to vector<16xf32>
        %mul3A_592 = arith.mulf %gather3A_84, %get3A_591 : vector<16xf32>
        %get3A_593 = arith.index_cast %scan3A_76 : i32 to index
        %get3A_594 = arith.constant 496 : index
        %get3A_595 = tpu.vector_load %arg13[%get3A_593, %get3A_594] {strides = array<i32>} : memref<16x1024xf32, #tpu.memory_space<vmem>>, vector<1x16xf32>,
        %get3A_596 = vector.shape_cast %get3A_595 : vector<1x16xf32> to vector<16xf32>
        %mul3A_597 = arith.mulf %gather3A_92, %get3A_596 : vector<16xf32>
        %add3A_598 = arith.addf %mul3A_592, %mul3A_597 : vector<16xf32>
        %swap3A_599 = arith.index_cast %scan3A_76 : i32 to index
        %swap3A_600 = arith.constant 496 : index
        %swap3A_601 = tpu.vector_load %arg16[%swap3A_599, %swap3A_600] {strides = array<i32>} : memref<16x1024xf32, #tpu.memory_space<vmem>>, vector<1x16xf32>,
        %swap3A_602 = vector.shape_cast %swap3A_601 : vector<1x16xf32> to vector<16xf32>
        %swap3A_603 = vector.shape_cast %add3A_598 : vector<16xf32> to vector<1x16xf32>
        tpu.vector_store %arg16[%swap3A_599, %swap3A_600], %swap3A_603 {strides = array<i32>} : memref<16x1024xf32, #tpu.memory_space<vmem>>, vector<1x16xf32>,
        %get3A_604 = arith.index_cast %scan3A_76 : i32 to index
        %get3A_605 = arith.constant 512 : index
        %get3A_606 = tpu.vector_load %arg12[%get3A_604, %get3A_605] {strides = array<i32>} : memref<16x1024xf32, #tpu.memory_space<vmem>>, vector<1x16xf32>,
        %get3A_607 = vector.shape_cast %get3A_606 : vector<1x16xf32> to vector<16xf32>
        %mul3A_608 = arith.mulf %gather3A_84, %get3A_607 : vector<16xf32>
        %get3A_609 = arith.index_cast %scan3A_76 : i32 to index
        %get3A_610 = arith.constant 512 : index
        %get3A_611 = tpu.vector_load %arg13[%get3A_609, %get3A_610] {strides = array<i32>} : memref<16x1024xf32, #tpu.memory_space<vmem>>, vector<1x16xf32>,
        %get3A_612 = vector.shape_cast %get3A_611 : vector<1x16xf32> to vector<16xf32>
        %mul3A_613 = arith.mulf %gather3A_92, %get3A_612 : vector<16xf32>
        %add3A_614 = arith.addf %mul3A_608, %mul3A_613 : vector<16xf32>
        %swap3A_615 = arith.index_cast %scan3A_76 : i32 to index
        %swap3A_616 = arith.constant 512 : index
        %swap3A_617 = tpu.vector_load %arg16[%swap3A_615, %swap3A_616] {strides = array<i32>} : memref<16x1024xf32, #tpu.memory_space<vmem>>, vector<1x16xf32>,
        %swap3A_618 = vector.shape_cast %swap3A_617 : vector<1x16xf32> to vector<16xf32>
        %swap3A_619 = vector.shape_cast %add3A_614 : vector<16xf32> to vector<1x16xf32>
        tpu.vector_store %arg16[%swap3A_615, %swap3A_616], %swap3A_619 {strides = array<i32>} : memref<16x1024xf32, #tpu.memory_space<vmem>>, vector<1x16xf32>,
        %get3A_620 = arith.index_cast %scan3A_76 : i32 to index
        %get3A_621 = arith.constant 528 : index
        %get3A_622 = tpu.vector_load %arg12[%get3A_620, %get3A_621] {strides = array<i32>} : memref<16x1024xf32, #tpu.memory_space<vmem>>, vector<1x16xf32>,
        %get3A_623 = vector.shape_cast %get3A_622 : vector<1x16xf32> to vector<16xf32>
        %mul3A_624 = arith.mulf %gather3A_84, %get3A_623 : vector<16xf32>
        %get3A_625 = arith.index_cast %scan3A_76 : i32 to index
        %get3A_626 = arith.constant 528 : index
        %get3A_627 = tpu.vector_load %arg13[%get3A_625, %get3A_626] {strides = array<i32>} : memref<16x1024xf32, #tpu.memory_space<vmem>>, vector<1x16xf32>,
        %get3A_628 = vector.shape_cast %get3A_627 : vector<1x16xf32> to vector<16xf32>
        %mul3A_629 = arith.mulf %gather3A_92, %get3A_628 : vector<16xf32>
        %add3A_630 = arith.addf %mul3A_624, %mul3A_629 : vector<16xf32>
        %swap3A_631 = arith.index_cast %scan3A_76 : i32 to index
        %swap3A_632 = arith.constant 528 : index
        %swap3A_633 = tpu.vector_load %arg16[%swap3A_631, %swap3A_632] {strides = array<i32>} : memref<16x1024xf32, #tpu.memory_space<vmem>>, vector<1x16xf32>,
        %swap3A_634 = vector.shape_cast %swap3A_633 : vector<1x16xf32> to vector<16xf32>
        %swap3A_635 = vector.shape_cast %add3A_630 : vector<16xf32> to vector<1x16xf32>
        tpu.vector_store %arg16[%swap3A_631, %swap3A_632], %swap3A_635 {strides = array<i32>} : memref<16x1024xf32, #tpu.memory_space<vmem>>, vector<1x16xf32>,
        %get3A_636 = arith.index_cast %scan3A_76 : i32 to index
        %get3A_637 = arith.constant 544 : index
        %get3A_638 = tpu.vector_load %arg12[%get3A_636, %get3A_637] {strides = array<i32>} : memref<16x1024xf32, #tpu.memory_space<vmem>>, vector<1x16xf32>,
        %get3A_639 = vector.shape_cast %get3A_638 : vector<1x16xf32> to vector<16xf32>
        %mul3A_640 = arith.mulf %gather3A_84, %get3A_639 : vector<16xf32>
        %get3A_641 = arith.index_cast %scan3A_76 : i32 to index
        %get3A_642 = arith.constant 544 : index
        %get3A_643 = tpu.vector_load %arg13[%get3A_641, %get3A_642] {strides = array<i32>} : memref<16x1024xf32, #tpu.memory_space<vmem>>, vector<1x16xf32>,
        %get3A_644 = vector.shape_cast %get3A_643 : vector<1x16xf32> to vector<16xf32>
        %mul3A_645 = arith.mulf %gather3A_92, %get3A_644 : vector<16xf32>
        %add3A_646 = arith.addf %mul3A_640, %mul3A_645 : vector<16xf32>
        %swap3A_647 = arith.index_cast %scan3A_76 : i32 to index
        %swap3A_648 = arith.constant 544 : index
        %swap3A_649 = tpu.vector_load %arg16[%swap3A_647, %swap3A_648] {strides = array<i32>} : memref<16x1024xf32, #tpu.memory_space<vmem>>, vector<1x16xf32>,
        %swap3A_650 = vector.shape_cast %swap3A_649 : vector<1x16xf32> to vector<16xf32>
        %swap3A_651 = vector.shape_cast %add3A_646 : vector<16xf32> to vector<1x16xf32>
        tpu.vector_store %arg16[%swap3A_647, %swap3A_648], %swap3A_651 {strides = array<i32>} : memref<16x1024xf32, #tpu.memory_space<vmem>>, vector<1x16xf32>,
        %get3A_652 = arith.index_cast %scan3A_76 : i32 to index
        %get3A_653 = arith.constant 560 : index
        %get3A_654 = tpu.vector_load %arg12[%get3A_652, %get3A_653] {strides = array<i32>} : memref<16x1024xf32, #tpu.memory_space<vmem>>, vector<1x16xf32>,
        %get3A_655 = vector.shape_cast %get3A_654 : vector<1x16xf32> to vector<16xf32>
        %mul3A_656 = arith.mulf %gather3A_84, %get3A_655 : vector<16xf32>
        %get3A_657 = arith.index_cast %scan3A_76 : i32 to index
        %get3A_658 = arith.constant 560 : index
        %get3A_659 = tpu.vector_load %arg13[%get3A_657, %get3A_658] {strides = array<i32>} : memref<16x1024xf32, #tpu.memory_space<vmem>>, vector<1x16xf32>,
        %get3A_660 = vector.shape_cast %get3A_659 : vector<1x16xf32> to vector<16xf32>
        %mul3A_661 = arith.mulf %gather3A_92, %get3A_660 : vector<16xf32>
        %add3A_662 = arith.addf %mul3A_656, %mul3A_661 : vector<16xf32>
        %swap3A_663 = arith.index_cast %scan3A_76 : i32 to index
        %swap3A_664 = arith.constant 560 : index
        %swap3A_665 = tpu.vector_load %arg16[%swap3A_663, %swap3A_664] {strides = array<i32>} : memref<16x1024xf32, #tpu.memory_space<vmem>>, vector<1x16xf32>,
        %swap3A_666 = vector.shape_cast %swap3A_665 : vector<1x16xf32> to vector<16xf32>
        %swap3A_667 = vector.shape_cast %add3A_662 : vector<16xf32> to vector<1x16xf32>
        tpu.vector_store %arg16[%swap3A_663, %swap3A_664], %swap3A_667 {strides = array<i32>} : memref<16x1024xf32, #tpu.memory_space<vmem>>, vector<1x16xf32>,
        %get3A_668 = arith.index_cast %scan3A_76 : i32 to index
        %get3A_669 = arith.constant 576 : index
        %get3A_670 = tpu.vector_load %arg12[%get3A_668, %get3A_669] {strides = array<i32>} : memref<16x1024xf32, #tpu.memory_space<vmem>>, vector<1x16xf32>,
        %get3A_671 = vector.shape_cast %get3A_670 : vector<1x16xf32> to vector<16xf32>
        %mul3A_672 = arith.mulf %gather3A_84, %get3A_671 : vector<16xf32>
        %get3A_673 = arith.index_cast %scan3A_76 : i32 to index
        %get3A_674 = arith.constant 576 : index
        %get3A_675 = tpu.vector_load %arg13[%get3A_673, %get3A_674] {strides = array<i32>} : memref<16x1024xf32, #tpu.memory_space<vmem>>, vector<1x16xf32>,
        %get3A_676 = vector.shape_cast %get3A_675 : vector<1x16xf32> to vector<16xf32>
        %mul3A_677 = arith.mulf %gather3A_92, %get3A_676 : vector<16xf32>
        %add3A_678 = arith.addf %mul3A_672, %mul3A_677 : vector<16xf32>
        %swap3A_679 = arith.index_cast %scan3A_76 : i32 to index
        %swap3A_680 = arith.constant 576 : index
        %swap3A_681 = tpu.vector_load %arg16[%swap3A_679, %swap3A_680] {strides = array<i32>} : memref<16x1024xf32, #tpu.memory_space<vmem>>, vector<1x16xf32>,
        %swap3A_682 = vector.shape_cast %swap3A_681 : vector<1x16xf32> to vector<16xf32>
        %swap3A_683 = vector.shape_cast %add3A_678 : vector<16xf32> to vector<1x16xf32>
        tpu.vector_store %arg16[%swap3A_679, %swap3A_680], %swap3A_683 {strides = array<i32>} : memref<16x1024xf32, #tpu.memory_space<vmem>>, vector<1x16xf32>,
        %get3A_684 = arith.index_cast %scan3A_76 : i32 to index
        %get3A_685 = arith.constant 592 : index
        %get3A_686 = tpu.vector_load %arg12[%get3A_684, %get3A_685] {strides = array<i32>} : memref<16x1024xf32, #tpu.memory_space<vmem>>, vector<1x16xf32>,
        %get3A_687 = vector.shape_cast %get3A_686 : vector<1x16xf32> to vector<16xf32>
        %mul3A_688 = arith.mulf %gather3A_84, %get3A_687 : vector<16xf32>
        %get3A_689 = arith.index_cast %scan3A_76 : i32 to index
        %get3A_690 = arith.constant 592 : index
        %get3A_691 = tpu.vector_load %arg13[%get3A_689, %get3A_690] {strides = array<i32>} : memref<16x1024xf32, #tpu.memory_space<vmem>>, vector<1x16xf32>,
        %get3A_692 = vector.shape_cast %get3A_691 : vector<1x16xf32> to vector<16xf32>
        %mul3A_693 = arith.mulf %gather3A_92, %get3A_692 : vector<16xf32>
        %add3A_694 = arith.addf %mul3A_688, %mul3A_693 : vector<16xf32>
        %swap3A_695 = arith.index_cast %scan3A_76 : i32 to index
        %swap3A_696 = arith.constant 592 : index
        %swap3A_697 = tpu.vector_load %arg16[%swap3A_695, %swap3A_696] {strides = array<i32>} : memref<16x1024xf32, #tpu.memory_space<vmem>>, vector<1x16xf32>,
        %swap3A_698 = vector.shape_cast %swap3A_697 : vector<1x16xf32> to vector<16xf32>
        %swap3A_699 = vector.shape_cast %add3A_694 : vector<16xf32> to vector<1x16xf32>
        tpu.vector_store %arg16[%swap3A_695, %swap3A_696], %swap3A_699 {strides = array<i32>} : memref<16x1024xf32, #tpu.memory_space<vmem>>, vector<1x16xf32>,
        %get3A_700 = arith.index_cast %scan3A_76 : i32 to index
        %get3A_701 = arith.constant 608 : index
        %get3A_702 = tpu.vector_load %arg12[%get3A_700, %get3A_701] {strides = array<i32>} : memref<16x1024xf32, #tpu.memory_space<vmem>>, vector<1x16xf32>,
        %get3A_703 = vector.shape_cast %get3A_702 : vector<1x16xf32> to vector<16xf32>
        %mul3A_704 = arith.mulf %gather3A_84, %get3A_703 : vector<16xf32>
        %get3A_705 = arith.index_cast %scan3A_76 : i32 to index
        %get3A_706 = arith.constant 608 : index
        %get3A_707 = tpu.vector_load %arg13[%get3A_705, %get3A_706] {strides = array<i32>} : memref<16x1024xf32, #tpu.memory_space<vmem>>, vector<1x16xf32>,
        %get3A_708 = vector.shape_cast %get3A_707 : vector<1x16xf32> to vector<16xf32>
        %mul3A_709 = arith.mulf %gather3A_92, %get3A_708 : vector<16xf32>
        %add3A_710 = arith.addf %mul3A_704, %mul3A_709 : vector<16xf32>
        %swap3A_711 = arith.index_cast %scan3A_76 : i32 to index
        %swap3A_712 = arith.constant 608 : index
        %swap3A_713 = tpu.vector_load %arg16[%swap3A_711, %swap3A_712] {strides = array<i32>} : memref<16x1024xf32, #tpu.memory_space<vmem>>, vector<1x16xf32>,
        %swap3A_714 = vector.shape_cast %swap3A_713 : vector<1x16xf32> to vector<16xf32>
        %swap3A_715 = vector.shape_cast %add3A_710 : vector<16xf32> to vector<1x16xf32>
        tpu.vector_store %arg16[%swap3A_711, %swap3A_712], %swap3A_715 {strides = array<i32>} : memref<16x1024xf32, #tpu.memory_space<vmem>>, vector<1x16xf32>,
        %get3A_716 = arith.index_cast %scan3A_76 : i32 to index
        %get3A_717 = arith.constant 624 : index
        %get3A_718 = tpu.vector_load %arg12[%get3A_716, %get3A_717] {strides = array<i32>} : memref<16x1024xf32, #tpu.memory_space<vmem>>, vector<1x16xf32>,
        %get3A_719 = vector.shape_cast %get3A_718 : vector<1x16xf32> to vector<16xf32>
        %mul3A_720 = arith.mulf %gather3A_84, %get3A_719 : vector<16xf32>
        %get3A_721 = arith.index_cast %scan3A_76 : i32 to index
        %get3A_722 = arith.constant 624 : index
        %get3A_723 = tpu.vector_load %arg13[%get3A_721, %get3A_722] {strides = array<i32>} : memref<16x1024xf32, #tpu.memory_space<vmem>>, vector<1x16xf32>,
        %get3A_724 = vector.shape_cast %get3A_723 : vector<1x16xf32> to vector<16xf32>
        %mul3A_725 = arith.mulf %gather3A_92, %get3A_724 : vector<16xf32>
        %add3A_726 = arith.addf %mul3A_720, %mul3A_725 : vector<16xf32>
        %swap3A_727 = arith.index_cast %scan3A_76 : i32 to index
        %swap3A_728 = arith.constant 624 : index
        %swap3A_729 = tpu.vector_load %arg16[%swap3A_727, %swap3A_728] {strides = array<i32>} : memref<16x1024xf32, #tpu.memory_space<vmem>>, vector<1x16xf32>,
        %swap3A_730 = vector.shape_cast %swap3A_729 : vector<1x16xf32> to vector<16xf32>
        %swap3A_731 = vector.shape_cast %add3A_726 : vector<16xf32> to vector<1x16xf32>
        tpu.vector_store %arg16[%swap3A_727, %swap3A_728], %swap3A_731 {strides = array<i32>} : memref<16x1024xf32, #tpu.memory_space<vmem>>, vector<1x16xf32>,
        %get3A_732 = arith.index_cast %scan3A_76 : i32 to index
        %get3A_733 = arith.constant 640 : index
        %get3A_734 = tpu.vector_load %arg12[%get3A_732, %get3A_733] {strides = array<i32>} : memref<16x1024xf32, #tpu.memory_space<vmem>>, vector<1x16xf32>,
        %get3A_735 = vector.shape_cast %get3A_734 : vector<1x16xf32> to vector<16xf32>
        %mul3A_736 = arith.mulf %gather3A_84, %get3A_735 : vector<16xf32>
        %get3A_737 = arith.index_cast %scan3A_76 : i32 to index
        %get3A_738 = arith.constant 640 : index
        %get3A_739 = tpu.vector_load %arg13[%get3A_737, %get3A_738] {strides = array<i32>} : memref<16x1024xf32, #tpu.memory_space<vmem>>, vector<1x16xf32>,
        %get3A_740 = vector.shape_cast %get3A_739 : vector<1x16xf32> to vector<16xf32>
        %mul3A_741 = arith.mulf %gather3A_92, %get3A_740 : vector<16xf32>
        %add3A_742 = arith.addf %mul3A_736, %mul3A_741 : vector<16xf32>
        %swap3A_743 = arith.index_cast %scan3A_76 : i32 to index
        %swap3A_744 = arith.constant 640 : index
        %swap3A_745 = tpu.vector_load %arg16[%swap3A_743, %swap3A_744] {strides = array<i32>} : memref<16x1024xf32, #tpu.memory_space<vmem>>, vector<1x16xf32>,
        %swap3A_746 = vector.shape_cast %swap3A_745 : vector<1x16xf32> to vector<16xf32>
        %swap3A_747 = vector.shape_cast %add3A_742 : vector<16xf32> to vector<1x16xf32>
        tpu.vector_store %arg16[%swap3A_743, %swap3A_744], %swap3A_747 {strides = array<i32>} : memref<16x1024xf32, #tpu.memory_space<vmem>>, vector<1x16xf32>,
        %get3A_748 = arith.index_cast %scan3A_76 : i32 to index
        %get3A_749 = arith.constant 656 : index
        %get3A_750 = tpu.vector_load %arg12[%get3A_748, %get3A_749] {strides = array<i32>} : memref<16x1024xf32, #tpu.memory_space<vmem>>, vector<1x16xf32>,
        %get3A_751 = vector.shape_cast %get3A_750 : vector<1x16xf32> to vector<16xf32>
        %mul3A_752 = arith.mulf %gather3A_84, %get3A_751 : vector<16xf32>
        %get3A_753 = arith.index_cast %scan3A_76 : i32 to index
        %get3A_754 = arith.constant 656 : index
        %get3A_755 = tpu.vector_load %arg13[%get3A_753, %get3A_754] {strides = array<i32>} : memref<16x1024xf32, #tpu.memory_space<vmem>>, vector<1x16xf32>,
        %get3A_756 = vector.shape_cast %get3A_755 : vector<1x16xf32> to vector<16xf32>
        %mul3A_757 = arith.mulf %gather3A_92, %get3A_756 : vector<16xf32>
        %add3A_758 = arith.addf %mul3A_752, %mul3A_757 : vector<16xf32>
        %swap3A_759 = arith.index_cast %scan3A_76 : i32 to index
        %swap3A_760 = arith.constant 656 : index
        %swap3A_761 = tpu.vector_load %arg16[%swap3A_759, %swap3A_760] {strides = array<i32>} : memref<16x1024xf32, #tpu.memory_space<vmem>>, vector<1x16xf32>,
        %swap3A_762 = vector.shape_cast %swap3A_761 : vector<1x16xf32> to vector<16xf32>
        %swap3A_763 = vector.shape_cast %add3A_758 : vector<16xf32> to vector<1x16xf32>
        tpu.vector_store %arg16[%swap3A_759, %swap3A_760], %swap3A_763 {strides = array<i32>} : memref<16x1024xf32, #tpu.memory_space<vmem>>, vector<1x16xf32>,
        %get3A_764 = arith.index_cast %scan3A_76 : i32 to index
        %get3A_765 = arith.constant 672 : index
        %get3A_766 = tpu.vector_load %arg12[%get3A_764, %get3A_765] {strides = array<i32>} : memref<16x1024xf32, #tpu.memory_space<vmem>>, vector<1x16xf32>,
        %get3A_767 = vector.shape_cast %get3A_766 : vector<1x16xf32> to vector<16xf32>
        %mul3A_768 = arith.mulf %gather3A_84, %get3A_767 : vector<16xf32>
        %get3A_769 = arith.index_cast %scan3A_76 : i32 to index
        %get3A_770 = arith.constant 672 : index
        %get3A_771 = tpu.vector_load %arg13[%get3A_769, %get3A_770] {strides = array<i32>} : memref<16x1024xf32, #tpu.memory_space<vmem>>, vector<1x16xf32>,
        %get3A_772 = vector.shape_cast %get3A_771 : vector<1x16xf32> to vector<16xf32>
        %mul3A_773 = arith.mulf %gather3A_92, %get3A_772 : vector<16xf32>
        %add3A_774 = arith.addf %mul3A_768, %mul3A_773 : vector<16xf32>
        %swap3A_775 = arith.index_cast %scan3A_76 : i32 to index
        %swap3A_776 = arith.constant 672 : index
        %swap3A_777 = tpu.vector_load %arg16[%swap3A_775, %swap3A_776] {strides = array<i32>} : memref<16x1024xf32, #tpu.memory_space<vmem>>, vector<1x16xf32>,
        %swap3A_778 = vector.shape_cast %swap3A_777 : vector<1x16xf32> to vector<16xf32>
        %swap3A_779 = vector.shape_cast %add3A_774 : vector<16xf32> to vector<1x16xf32>
        tpu.vector_store %arg16[%swap3A_775, %swap3A_776], %swap3A_779 {strides = array<i32>} : memref<16x1024xf32, #tpu.memory_space<vmem>>, vector<1x16xf32>,
        %get3A_780 = arith.index_cast %scan3A_76 : i32 to index
        %get3A_781 = arith.constant 688 : index
        %get3A_782 = tpu.vector_load %arg12[%get3A_780, %get3A_781] {strides = array<i32>} : memref<16x1024xf32, #tpu.memory_space<vmem>>, vector<1x16xf32>,
        %get3A_783 = vector.shape_cast %get3A_782 : vector<1x16xf32> to vector<16xf32>
        %mul3A_784 = arith.mulf %gather3A_84, %get3A_783 : vector<16xf32>
        %get3A_785 = arith.index_cast %scan3A_76 : i32 to index
        %get3A_786 = arith.constant 688 : index
        %get3A_787 = tpu.vector_load %arg13[%get3A_785, %get3A_786] {strides = array<i32>} : memref<16x1024xf32, #tpu.memory_space<vmem>>, vector<1x16xf32>,
        %get3A_788 = vector.shape_cast %get3A_787 : vector<1x16xf32> to vector<16xf32>
        %mul3A_789 = arith.mulf %gather3A_92, %get3A_788 : vector<16xf32>
        %add3A_790 = arith.addf %mul3A_784, %mul3A_789 : vector<16xf32>
        %swap3A_791 = arith.index_cast %scan3A_76 : i32 to index
        %swap3A_792 = arith.constant 688 : index
        %swap3A_793 = tpu.vector_load %arg16[%swap3A_791, %swap3A_792] {strides = array<i32>} : memref<16x1024xf32, #tpu.memory_space<vmem>>, vector<1x16xf32>,
        %swap3A_794 = vector.shape_cast %swap3A_793 : vector<1x16xf32> to vector<16xf32>
        %swap3A_795 = vector.shape_cast %add3A_790 : vector<16xf32> to vector<1x16xf32>
        tpu.vector_store %arg16[%swap3A_791, %swap3A_792], %swap3A_795 {strides = array<i32>} : memref<16x1024xf32, #tpu.memory_space<vmem>>, vector<1x16xf32>,
        %get3A_796 = arith.index_cast %scan3A_76 : i32 to index
        %get3A_797 = arith.constant 704 : index
        %get3A_798 = tpu.vector_load %arg12[%get3A_796, %get3A_797] {strides = array<i32>} : memref<16x1024xf32, #tpu.memory_space<vmem>>, vector<1x16xf32>,
        %get3A_799 = vector.shape_cast %get3A_798 : vector<1x16xf32> to vector<16xf32>
        %mul3A_800 = arith.mulf %gather3A_84, %get3A_799 : vector<16xf32>
        %get3A_801 = arith.index_cast %scan3A_76 : i32 to index
        %get3A_802 = arith.constant 704 : index
        %get3A_803 = tpu.vector_load %arg13[%get3A_801, %get3A_802] {strides = array<i32>} : memref<16x1024xf32, #tpu.memory_space<vmem>>, vector<1x16xf32>,
        %get3A_804 = vector.shape_cast %get3A_803 : vector<1x16xf32> to vector<16xf32>
        %mul3A_805 = arith.mulf %gather3A_92, %get3A_804 : vector<16xf32>
        %add3A_806 = arith.addf %mul3A_800, %mul3A_805 : vector<16xf32>
        %swap3A_807 = arith.index_cast %scan3A_76 : i32 to index
        %swap3A_808 = arith.constant 704 : index
        %swap3A_809 = tpu.vector_load %arg16[%swap3A_807, %swap3A_808] {strides = array<i32>} : memref<16x1024xf32, #tpu.memory_space<vmem>>, vector<1x16xf32>,
        %swap3A_810 = vector.shape_cast %swap3A_809 : vector<1x16xf32> to vector<16xf32>
        %swap3A_811 = vector.shape_cast %add3A_806 : vector<16xf32> to vector<1x16xf32>
        tpu.vector_store %arg16[%swap3A_807, %swap3A_808], %swap3A_811 {strides = array<i32>} : memref<16x1024xf32, #tpu.memory_space<vmem>>, vector<1x16xf32>,
        %get3A_812 = arith.index_cast %scan3A_76 : i32 to index
        %get3A_813 = arith.constant 720 : index
        %get3A_814 = tpu.vector_load %arg12[%get3A_812, %get3A_813] {strides = array<i32>} : memref<16x1024xf32, #tpu.memory_space<vmem>>, vector<1x16xf32>,
        %get3A_815 = vector.shape_cast %get3A_814 : vector<1x16xf32> to vector<16xf32>
        %mul3A_816 = arith.mulf %gather3A_84, %get3A_815 : vector<16xf32>
        %get3A_817 = arith.index_cast %scan3A_76 : i32 to index
        %get3A_818 = arith.constant 720 : index
        %get3A_819 = tpu.vector_load %arg13[%get3A_817, %get3A_818] {strides = array<i32>} : memref<16x1024xf32, #tpu.memory_space<vmem>>, vector<1x16xf32>,
        %get3A_820 = vector.shape_cast %get3A_819 : vector<1x16xf32> to vector<16xf32>
        %mul3A_821 = arith.mulf %gather3A_92, %get3A_820 : vector<16xf32>
        %add3A_822 = arith.addf %mul3A_816, %mul3A_821 : vector<16xf32>
        %swap3A_823 = arith.index_cast %scan3A_76 : i32 to index
        %swap3A_824 = arith.constant 720 : index
        %swap3A_825 = tpu.vector_load %arg16[%swap3A_823, %swap3A_824] {strides = array<i32>} : memref<16x1024xf32, #tpu.memory_space<vmem>>, vector<1x16xf32>,
        %swap3A_826 = vector.shape_cast %swap3A_825 : vector<1x16xf32> to vector<16xf32>
        %swap3A_827 = vector.shape_cast %add3A_822 : vector<16xf32> to vector<1x16xf32>
        tpu.vector_store %arg16[%swap3A_823, %swap3A_824], %swap3A_827 {strides = array<i32>} : memref<16x1024xf32, #tpu.memory_space<vmem>>, vector<1x16xf32>,
        %get3A_828 = arith.index_cast %scan3A_76 : i32 to index
        %get3A_829 = arith.constant 736 : index
        %get3A_830 = tpu.vector_load %arg12[%get3A_828, %get3A_829] {strides = array<i32>} : memref<16x1024xf32, #tpu.memory_space<vmem>>, vector<1x16xf32>,
        %get3A_831 = vector.shape_cast %get3A_830 : vector<1x16xf32> to vector<16xf32>
        %mul3A_832 = arith.mulf %gather3A_84, %get3A_831 : vector<16xf32>
        %get3A_833 = arith.index_cast %scan3A_76 : i32 to index
        %get3A_834 = arith.constant 736 : index
        %get3A_835 = tpu.vector_load %arg13[%get3A_833, %get3A_834] {strides = array<i32>} : memref<16x1024xf32, #tpu.memory_space<vmem>>, vector<1x16xf32>,
        %get3A_836 = vector.shape_cast %get3A_835 : vector<1x16xf32> to vector<16xf32>
        %mul3A_837 = arith.mulf %gather3A_92, %get3A_836 : vector<16xf32>
        %add3A_838 = arith.addf %mul3A_832, %mul3A_837 : vector<16xf32>
        %swap3A_839 = arith.index_cast %scan3A_76 : i32 to index
        %swap3A_840 = arith.constant 736 : index
        %swap3A_841 = tpu.vector_load %arg16[%swap3A_839, %swap3A_840] {strides = array<i32>} : memref<16x1024xf32, #tpu.memory_space<vmem>>, vector<1x16xf32>,
        %swap3A_842 = vector.shape_cast %swap3A_841 : vector<1x16xf32> to vector<16xf32>
        %swap3A_843 = vector.shape_cast %add3A_838 : vector<16xf32> to vector<1x16xf32>
        tpu.vector_store %arg16[%swap3A_839, %swap3A_840], %swap3A_843 {strides = array<i32>} : memref<16x1024xf32, #tpu.memory_space<vmem>>, vector<1x16xf32>,
        %get3A_844 = arith.index_cast %scan3A_76 : i32 to index
        %get3A_845 = arith.constant 752 : index
        %get3A_846 = tpu.vector_load %arg12[%get3A_844, %get3A_845] {strides = array<i32>} : memref<16x1024xf32, #tpu.memory_space<vmem>>, vector<1x16xf32>,
        %get3A_847 = vector.shape_cast %get3A_846 : vector<1x16xf32> to vector<16xf32>
        %mul3A_848 = arith.mulf %gather3A_84, %get3A_847 : vector<16xf32>
        %get3A_849 = arith.index_cast %scan3A_76 : i32 to index
        %get3A_850 = arith.constant 752 : index
        %get3A_851 = tpu.vector_load %arg13[%get3A_849, %get3A_850] {strides = array<i32>} : memref<16x1024xf32, #tpu.memory_space<vmem>>, vector<1x16xf32>,
        %get3A_852 = vector.shape_cast %get3A_851 : vector<1x16xf32> to vector<16xf32>
        %mul3A_853 = arith.mulf %gather3A_92, %get3A_852 : vector<16xf32>
        %add3A_854 = arith.addf %mul3A_848, %mul3A_853 : vector<16xf32>
        %swap3A_855 = arith.index_cast %scan3A_76 : i32 to index
        %swap3A_856 = arith.constant 752 : index
        %swap3A_857 = tpu.vector_load %arg16[%swap3A_855, %swap3A_856] {strides = array<i32>} : memref<16x1024xf32, #tpu.memory_space<vmem>>, vector<1x16xf32>,
        %swap3A_858 = vector.shape_cast %swap3A_857 : vector<1x16xf32> to vector<16xf32>
        %swap3A_859 = vector.shape_cast %add3A_854 : vector<16xf32> to vector<1x16xf32>
        tpu.vector_store %arg16[%swap3A_855, %swap3A_856], %swap3A_859 {strides = array<i32>} : memref<16x1024xf32, #tpu.memory_space<vmem>>, vector<1x16xf32>,
        %get3A_860 = arith.index_cast %scan3A_76 : i32 to index
        %get3A_861 = arith.constant 768 : index
        %get3A_862 = tpu.vector_load %arg12[%get3A_860, %get3A_861] {strides = array<i32>} : memref<16x1024xf32, #tpu.memory_space<vmem>>, vector<1x16xf32>,
        %get3A_863 = vector.shape_cast %get3A_862 : vector<1x16xf32> to vector<16xf32>
        %mul3A_864 = arith.mulf %gather3A_84, %get3A_863 : vector<16xf32>
        %get3A_865 = arith.index_cast %scan3A_76 : i32 to index
        %get3A_866 = arith.constant 768 : index
        %get3A_867 = tpu.vector_load %arg13[%get3A_865, %get3A_866] {strides = array<i32>} : memref<16x1024xf32, #tpu.memory_space<vmem>>, vector<1x16xf32>,
        %get3A_868 = vector.shape_cast %get3A_867 : vector<1x16xf32> to vector<16xf32>
        %mul3A_869 = arith.mulf %gather3A_92, %get3A_868 : vector<16xf32>
        %add3A_870 = arith.addf %mul3A_864, %mul3A_869 : vector<16xf32>
        %swap3A_871 = arith.index_cast %scan3A_76 : i32 to index
        %swap3A_872 = arith.constant 768 : index
        %swap3A_873 = tpu.vector_load %arg16[%swap3A_871, %swap3A_872] {strides = array<i32>} : memref<16x1024xf32, #tpu.memory_space<vmem>>, vector<1x16xf32>,
        %swap3A_874 = vector.shape_cast %swap3A_873 : vector<1x16xf32> to vector<16xf32>
        %swap3A_875 = vector.shape_cast %add3A_870 : vector<16xf32> to vector<1x16xf32>
        tpu.vector_store %arg16[%swap3A_871, %swap3A_872], %swap3A_875 {strides = array<i32>} : memref<16x1024xf32, #tpu.memory_space<vmem>>, vector<1x16xf32>,
        %get3A_876 = arith.index_cast %scan3A_76 : i32 to index
        %get3A_877 = arith.constant 784 : index
        %get3A_878 = tpu.vector_load %arg12[%get3A_876, %get3A_877] {strides = array<i32>} : memref<16x1024xf32, #tpu.memory_space<vmem>>, vector<1x16xf32>,
        %get3A_879 = vector.shape_cast %get3A_878 : vector<1x16xf32> to vector<16xf32>
        %mul3A_880 = arith.mulf %gather3A_84, %get3A_879 : vector<16xf32>
        %get3A_881 = arith.index_cast %scan3A_76 : i32 to index
        %get3A_882 = arith.constant 784 : index
        %get3A_883 = tpu.vector_load %arg13[%get3A_881, %get3A_882] {strides = array<i32>} : memref<16x1024xf32, #tpu.memory_space<vmem>>, vector<1x16xf32>,
        %get3A_884 = vector.shape_cast %get3A_883 : vector<1x16xf32> to vector<16xf32>
        %mul3A_885 = arith.mulf %gather3A_92, %get3A_884 : vector<16xf32>
        %add3A_886 = arith.addf %mul3A_880, %mul3A_885 : vector<16xf32>
        %swap3A_887 = arith.index_cast %scan3A_76 : i32 to index
        %swap3A_888 = arith.constant 784 : index
        %swap3A_889 = tpu.vector_load %arg16[%swap3A_887, %swap3A_888] {strides = array<i32>} : memref<16x1024xf32, #tpu.memory_space<vmem>>, vector<1x16xf32>,
        %swap3A_890 = vector.shape_cast %swap3A_889 : vector<1x16xf32> to vector<16xf32>
        %swap3A_891 = vector.shape_cast %add3A_886 : vector<16xf32> to vector<1x16xf32>
        tpu.vector_store %arg16[%swap3A_887, %swap3A_888], %swap3A_891 {strides = array<i32>} : memref<16x1024xf32, #tpu.memory_space<vmem>>, vector<1x16xf32>,
        %get3A_892 = arith.index_cast %scan3A_76 : i32 to index
        %get3A_893 = arith.constant 800 : index
        %get3A_894 = tpu.vector_load %arg12[%get3A_892, %get3A_893] {strides = array<i32>} : memref<16x1024xf32, #tpu.memory_space<vmem>>, vector<1x16xf32>,
        %get3A_895 = vector.shape_cast %get3A_894 : vector<1x16xf32> to vector<16xf32>
        %mul3A_896 = arith.mulf %gather3A_84, %get3A_895 : vector<16xf32>
        %get3A_897 = arith.index_cast %scan3A_76 : i32 to index
        %get3A_898 = arith.constant 800 : index
        %get3A_899 = tpu.vector_load %arg13[%get3A_897, %get3A_898] {strides = array<i32>} : memref<16x1024xf32, #tpu.memory_space<vmem>>, vector<1x16xf32>,
        %get3A_900 = vector.shape_cast %get3A_899 : vector<1x16xf32> to vector<16xf32>
        %mul3A_901 = arith.mulf %gather3A_92, %get3A_900 : vector<16xf32>
        %add3A_902 = arith.addf %mul3A_896, %mul3A_901 : vector<16xf32>
        %swap3A_903 = arith.index_cast %scan3A_76 : i32 to index
        %swap3A_904 = arith.constant 800 : index
        %swap3A_905 = tpu.vector_load %arg16[%swap3A_903, %swap3A_904] {strides = array<i32>} : memref<16x1024xf32, #tpu.memory_space<vmem>>, vector<1x16xf32>,
        %swap3A_906 = vector.shape_cast %swap3A_905 : vector<1x16xf32> to vector<16xf32>
        %swap3A_907 = vector.shape_cast %add3A_902 : vector<16xf32> to vector<1x16xf32>
        tpu.vector_store %arg16[%swap3A_903, %swap3A_904], %swap3A_907 {strides = array<i32>} : memref<16x1024xf32, #tpu.memory_space<vmem>>, vector<1x16xf32>,
        %get3A_908 = arith.index_cast %scan3A_76 : i32 to index
        %get3A_909 = arith.constant 816 : index
        %get3A_910 = tpu.vector_load %arg12[%get3A_908, %get3A_909] {strides = array<i32>} : memref<16x1024xf32, #tpu.memory_space<vmem>>, vector<1x16xf32>,
        %get3A_911 = vector.shape_cast %get3A_910 : vector<1x16xf32> to vector<16xf32>
        %mul3A_912 = arith.mulf %gather3A_84, %get3A_911 : vector<16xf32>
        %get3A_913 = arith.index_cast %scan3A_76 : i32 to index
        %get3A_914 = arith.constant 816 : index
        %get3A_915 = tpu.vector_load %arg13[%get3A_913, %get3A_914] {strides = array<i32>} : memref<16x1024xf32, #tpu.memory_space<vmem>>, vector<1x16xf32>,
        %get3A_916 = vector.shape_cast %get3A_915 : vector<1x16xf32> to vector<16xf32>
        %mul3A_917 = arith.mulf %gather3A_92, %get3A_916 : vector<16xf32>
        %add3A_918 = arith.addf %mul3A_912, %mul3A_917 : vector<16xf32>
        %swap3A_919 = arith.index_cast %scan3A_76 : i32 to index
        %swap3A_920 = arith.constant 816 : index
        %swap3A_921 = tpu.vector_load %arg16[%swap3A_919, %swap3A_920] {strides = array<i32>} : memref<16x1024xf32, #tpu.memory_space<vmem>>, vector<1x16xf32>,
        %swap3A_922 = vector.shape_cast %swap3A_921 : vector<1x16xf32> to vector<16xf32>
        %swap3A_923 = vector.shape_cast %add3A_918 : vector<16xf32> to vector<1x16xf32>
        tpu.vector_store %arg16[%swap3A_919, %swap3A_920], %swap3A_923 {strides = array<i32>} : memref<16x1024xf32, #tpu.memory_space<vmem>>, vector<1x16xf32>,
        %get3A_924 = arith.index_cast %scan3A_76 : i32 to index
        %get3A_925 = arith.constant 832 : index
        %get3A_926 = tpu.vector_load %arg12[%get3A_924, %get3A_925] {strides = array<i32>} : memref<16x1024xf32, #tpu.memory_space<vmem>>, vector<1x16xf32>,
        %get3A_927 = vector.shape_cast %get3A_926 : vector<1x16xf32> to vector<16xf32>
        %mul3A_928 = arith.mulf %gather3A_84, %get3A_927 : vector<16xf32>
        %get3A_929 = arith.index_cast %scan3A_76 : i32 to index
        %get3A_930 = arith.constant 832 : index
        %get3A_931 = tpu.vector_load %arg13[%get3A_929, %get3A_930] {strides = array<i32>} : memref<16x1024xf32, #tpu.memory_space<vmem>>, vector<1x16xf32>,
        %get3A_932 = vector.shape_cast %get3A_931 : vector<1x16xf32> to vector<16xf32>
        %mul3A_933 = arith.mulf %gather3A_92, %get3A_932 : vector<16xf32>
        %add3A_934 = arith.addf %mul3A_928, %mul3A_933 : vector<16xf32>
        %swap3A_935 = arith.index_cast %scan3A_76 : i32 to index
        %swap3A_936 = arith.constant 832 : index
        %swap3A_937 = tpu.vector_load %arg16[%swap3A_935, %swap3A_936] {strides = array<i32>} : memref<16x1024xf32, #tpu.memory_space<vmem>>, vector<1x16xf32>,
        %swap3A_938 = vector.shape_cast %swap3A_937 : vector<1x16xf32> to vector<16xf32>
        %swap3A_939 = vector.shape_cast %add3A_934 : vector<16xf32> to vector<1x16xf32>
        tpu.vector_store %arg16[%swap3A_935, %swap3A_936], %swap3A_939 {strides = array<i32>} : memref<16x1024xf32, #tpu.memory_space<vmem>>, vector<1x16xf32>,
        %get3A_940 = arith.index_cast %scan3A_76 : i32 to index
        %get3A_941 = arith.constant 848 : index
        %get3A_942 = tpu.vector_load %arg12[%get3A_940, %get3A_941] {strides = array<i32>} : memref<16x1024xf32, #tpu.memory_space<vmem>>, vector<1x16xf32>,
        %get3A_943 = vector.shape_cast %get3A_942 : vector<1x16xf32> to vector<16xf32>
        %mul3A_944 = arith.mulf %gather3A_84, %get3A_943 : vector<16xf32>
        %get3A_945 = arith.index_cast %scan3A_76 : i32 to index
        %get3A_946 = arith.constant 848 : index
        %get3A_947 = tpu.vector_load %arg13[%get3A_945, %get3A_946] {strides = array<i32>} : memref<16x1024xf32, #tpu.memory_space<vmem>>, vector<1x16xf32>,
        %get3A_948 = vector.shape_cast %get3A_947 : vector<1x16xf32> to vector<16xf32>
        %mul3A_949 = arith.mulf %gather3A_92, %get3A_948 : vector<16xf32>
        %add3A_950 = arith.addf %mul3A_944, %mul3A_949 : vector<16xf32>
        %swap3A_951 = arith.index_cast %scan3A_76 : i32 to index
        %swap3A_952 = arith.constant 848 : index
        %swap3A_953 = tpu.vector_load %arg16[%swap3A_951, %swap3A_952] {strides = array<i32>} : memref<16x1024xf32, #tpu.memory_space<vmem>>, vector<1x16xf32>,
        %swap3A_954 = vector.shape_cast %swap3A_953 : vector<1x16xf32> to vector<16xf32>
        %swap3A_955 = vector.shape_cast %add3A_950 : vector<16xf32> to vector<1x16xf32>
        tpu.vector_store %arg16[%swap3A_951, %swap3A_952], %swap3A_955 {strides = array<i32>} : memref<16x1024xf32, #tpu.memory_space<vmem>>, vector<1x16xf32>,
        %get3A_956 = arith.index_cast %scan3A_76 : i32 to index
        %get3A_957 = arith.constant 864 : index
        %get3A_958 = tpu.vector_load %arg12[%get3A_956, %get3A_957] {strides = array<i32>} : memref<16x1024xf32, #tpu.memory_space<vmem>>, vector<1x16xf32>,
        %get3A_959 = vector.shape_cast %get3A_958 : vector<1x16xf32> to vector<16xf32>
        %mul3A_960 = arith.mulf %gather3A_84, %get3A_959 : vector<16xf32>
        %get3A_961 = arith.index_cast %scan3A_76 : i32 to index
        %get3A_962 = arith.constant 864 : index
        %get3A_963 = tpu.vector_load %arg13[%get3A_961, %get3A_962] {strides = array<i32>} : memref<16x1024xf32, #tpu.memory_space<vmem>>, vector<1x16xf32>,
        %get3A_964 = vector.shape_cast %get3A_963 : vector<1x16xf32> to vector<16xf32>
        %mul3A_965 = arith.mulf %gather3A_92, %get3A_964 : vector<16xf32>
        %add3A_966 = arith.addf %mul3A_960, %mul3A_965 : vector<16xf32>
        %swap3A_967 = arith.index_cast %scan3A_76 : i32 to index
        %swap3A_968 = arith.constant 864 : index
        %swap3A_969 = tpu.vector_load %arg16[%swap3A_967, %swap3A_968] {strides = array<i32>} : memref<16x1024xf32, #tpu.memory_space<vmem>>, vector<1x16xf32>,
        %swap3A_970 = vector.shape_cast %swap3A_969 : vector<1x16xf32> to vector<16xf32>
        %swap3A_971 = vector.shape_cast %add3A_966 : vector<16xf32> to vector<1x16xf32>
        tpu.vector_store %arg16[%swap3A_967, %swap3A_968], %swap3A_971 {strides = array<i32>} : memref<16x1024xf32, #tpu.memory_space<vmem>>, vector<1x16xf32>,
        %get3A_972 = arith.index_cast %scan3A_76 : i32 to index
        %get3A_973 = arith.constant 880 : index
        %get3A_974 = tpu.vector_load %arg12[%get3A_972, %get3A_973] {strides = array<i32>} : memref<16x1024xf32, #tpu.memory_space<vmem>>, vector<1x16xf32>,
        %get3A_975 = vector.shape_cast %get3A_974 : vector<1x16xf32> to vector<16xf32>
        %mul3A_976 = arith.mulf %gather3A_84, %get3A_975 : vector<16xf32>
        %get3A_977 = arith.index_cast %scan3A_76 : i32 to index
        %get3A_978 = arith.constant 880 : index
        %get3A_979 = tpu.vector_load %arg13[%get3A_977, %get3A_978] {strides = array<i32>} : memref<16x1024xf32, #tpu.memory_space<vmem>>, vector<1x16xf32>,
        %get3A_980 = vector.shape_cast %get3A_979 : vector<1x16xf32> to vector<16xf32>
        %mul3A_981 = arith.mulf %gather3A_92, %get3A_980 : vector<16xf32>
        %add3A_982 = arith.addf %mul3A_976, %mul3A_981 : vector<16xf32>
        %swap3A_983 = arith.index_cast %scan3A_76 : i32 to index
        %swap3A_984 = arith.constant 880 : index
        %swap3A_985 = tpu.vector_load %arg16[%swap3A_983, %swap3A_984] {strides = array<i32>} : memref<16x1024xf32, #tpu.memory_space<vmem>>, vector<1x16xf32>,
        %swap3A_986 = vector.shape_cast %swap3A_985 : vector<1x16xf32> to vector<16xf32>
        %swap3A_987 = vector.shape_cast %add3A_982 : vector<16xf32> to vector<1x16xf32>
        tpu.vector_store %arg16[%swap3A_983, %swap3A_984], %swap3A_987 {strides = array<i32>} : memref<16x1024xf32, #tpu.memory_space<vmem>>, vector<1x16xf32>,
        %get3A_988 = arith.index_cast %scan3A_76 : i32 to index
        %get3A_989 = arith.constant 896 : index
        %get3A_990 = tpu.vector_load %arg12[%get3A_988, %get3A_989] {strides = array<i32>} : memref<16x1024xf32, #tpu.memory_space<vmem>>, vector<1x16xf32>,
        %get3A_991 = vector.shape_cast %get3A_990 : vector<1x16xf32> to vector<16xf32>
        %mul3A_992 = arith.mulf %gather3A_84, %get3A_991 : vector<16xf32>
        %get3A_993 = arith.index_cast %scan3A_76 : i32 to index
        %get3A_994 = arith.constant 896 : index
        %get3A_995 = tpu.vector_load %arg13[%get3A_993, %get3A_994] {strides = array<i32>} : memref<16x1024xf32, #tpu.memory_space<vmem>>, vector<1x16xf32>,
        %get3A_996 = vector.shape_cast %get3A_995 : vector<1x16xf32> to vector<16xf32>
        %mul3A_997 = arith.mulf %gather3A_92, %get3A_996 : vector<16xf32>
        %add3A_998 = arith.addf %mul3A_992, %mul3A_997 : vector<16xf32>
        %swap3A_999 = arith.index_cast %scan3A_76 : i32 to index
        %swap3A_1000 = arith.constant 896 : index
        %swap3A_1001 = tpu.vector_load %arg16[%swap3A_999, %swap3A_1000] {strides = array<i32>} : memref<16x1024xf32, #tpu.memory_space<vmem>>, vector<1x16xf32>,
        %swap3A_1002 = vector.shape_cast %swap3A_1001 : vector<1x16xf32> to vector<16xf32>
        %swap3A_1003 = vector.shape_cast %add3A_998 : vector<16xf32> to vector<1x16xf32>
        tpu.vector_store %arg16[%swap3A_999, %swap3A_1000], %swap3A_1003 {strides = array<i32>} : memref<16x1024xf32, #tpu.memory_space<vmem>>, vector<1x16xf32>,
        %get3A_1004 = arith.index_cast %scan3A_76 : i32 to index
        %get3A_1005 = arith.constant 912 : index
        %get3A_1006 = tpu.vector_load %arg12[%get3A_1004, %get3A_1005] {strides = array<i32>} : memref<16x1024xf32, #tpu.memory_space<vmem>>, vector<1x16xf32>,
        %get3A_1007 = vector.shape_cast %get3A_1006 : vector<1x16xf32> to vector<16xf32>
        %mul3A_1008 = arith.mulf %gather3A_84, %get3A_1007 : vector<16xf32>
        %get3A_1009 = arith.index_cast %scan3A_76 : i32 to index
        %get3A_1010 = arith.constant 912 : index
        %get3A_1011 = tpu.vector_load %arg13[%get3A_1009, %get3A_1010] {strides = array<i32>} : memref<16x1024xf32, #tpu.memory_space<vmem>>, vector<1x16xf32>,
        %get3A_1012 = vector.shape_cast %get3A_1011 : vector<1x16xf32> to vector<16xf32>
        %mul3A_1013 = arith.mulf %gather3A_92, %get3A_1012 : vector<16xf32>
        %add3A_1014 = arith.addf %mul3A_1008, %mul3A_1013 : vector<16xf32>
        %swap3A_1015 = arith.index_cast %scan3A_76 : i32 to index
        %swap3A_1016 = arith.constant 912 : index
        %swap3A_1017 = tpu.vector_load %arg16[%swap3A_1015, %swap3A_1016] {strides = array<i32>} : memref<16x1024xf32, #tpu.memory_space<vmem>>, vector<1x16xf32>,
        %swap3A_1018 = vector.shape_cast %swap3A_1017 : vector<1x16xf32> to vector<16xf32>
        %swap3A_1019 = vector.shape_cast %add3A_1014 : vector<16xf32> to vector<1x16xf32>
        tpu.vector_store %arg16[%swap3A_1015, %swap3A_1016], %swap3A_1019 {strides = array<i32>} : memref<16x1024xf32, #tpu.memory_space<vmem>>, vector<1x16xf32>,
        %get3A_1020 = arith.index_cast %scan3A_76 : i32 to index
        %get3A_1021 = arith.constant 928 : index
        %get3A_1022 = tpu.vector_load %arg12[%get3A_1020, %get3A_1021] {strides = array<i32>} : memref<16x1024xf32, #tpu.memory_space<vmem>>, vector<1x16xf32>,
        %get3A_1023 = vector.shape_cast %get3A_1022 : vector<1x16xf32> to vector<16xf32>
        %mul3A_1024 = arith.mulf %gather3A_84, %get3A_1023 : vector<16xf32>
        %get3A_1025 = arith.index_cast %scan3A_76 : i32 to index
        %get3A_1026 = arith.constant 928 : index
        %get3A_1027 = tpu.vector_load %arg13[%get3A_1025, %get3A_1026] {strides = array<i32>} : memref<16x1024xf32, #tpu.memory_space<vmem>>, vector<1x16xf32>,
        %get3A_1028 = vector.shape_cast %get3A_1027 : vector<1x16xf32> to vector<16xf32>
        %mul3A_1029 = arith.mulf %gather3A_92, %get3A_1028 : vector<16xf32>
        %add3A_1030 = arith.addf %mul3A_1024, %mul3A_1029 : vector<16xf32>
        %swap3A_1031 = arith.index_cast %scan3A_76 : i32 to index
        %swap3A_1032 = arith.constant 928 : index
        %swap3A_1033 = tpu.vector_load %arg16[%swap3A_1031, %swap3A_1032] {strides = array<i32>} : memref<16x1024xf32, #tpu.memory_space<vmem>>, vector<1x16xf32>,
        %swap3A_1034 = vector.shape_cast %swap3A_1033 : vector<1x16xf32> to vector<16xf32>
        %swap3A_1035 = vector.shape_cast %add3A_1030 : vector<16xf32> to vector<1x16xf32>
        tpu.vector_store %arg16[%swap3A_1031, %swap3A_1032], %swap3A_1035 {strides = array<i32>} : memref<16x1024xf32, #tpu.memory_space<vmem>>, vector<1x16xf32>,
        %get3A_1036 = arith.index_cast %scan3A_76 : i32 to index
        %get3A_1037 = arith.constant 944 : index
        %get3A_1038 = tpu.vector_load %arg12[%get3A_1036, %get3A_1037] {strides = array<i32>} : memref<16x1024xf32, #tpu.memory_space<vmem>>, vector<1x16xf32>,
        %get3A_1039 = vector.shape_cast %get3A_1038 : vector<1x16xf32> to vector<16xf32>
        %mul3A_1040 = arith.mulf %gather3A_84, %get3A_1039 : vector<16xf32>
        %get3A_1041 = arith.index_cast %scan3A_76 : i32 to index
        %get3A_1042 = arith.constant 944 : index
        %get3A_1043 = tpu.vector_load %arg13[%get3A_1041, %get3A_1042] {strides = array<i32>} : memref<16x1024xf32, #tpu.memory_space<vmem>>, vector<1x16xf32>,
        %get3A_1044 = vector.shape_cast %get3A_1043 : vector<1x16xf32> to vector<16xf32>
        %mul3A_1045 = arith.mulf %gather3A_92, %get3A_1044 : vector<16xf32>
        %add3A_1046 = arith.addf %mul3A_1040, %mul3A_1045 : vector<16xf32>
        %swap3A_1047 = arith.index_cast %scan3A_76 : i32 to index
        %swap3A_1048 = arith.constant 944 : index
        %swap3A_1049 = tpu.vector_load %arg16[%swap3A_1047, %swap3A_1048] {strides = array<i32>} : memref<16x1024xf32, #tpu.memory_space<vmem>>, vector<1x16xf32>,
        %swap3A_1050 = vector.shape_cast %swap3A_1049 : vector<1x16xf32> to vector<16xf32>
        %swap3A_1051 = vector.shape_cast %add3A_1046 : vector<16xf32> to vector<1x16xf32>
        tpu.vector_store %arg16[%swap3A_1047, %swap3A_1048], %swap3A_1051 {strides = array<i32>} : memref<16x1024xf32, #tpu.memory_space<vmem>>, vector<1x16xf32>,
        %get3A_1052 = arith.index_cast %scan3A_76 : i32 to index
        %get3A_1053 = arith.constant 960 : index
        %get3A_1054 = tpu.vector_load %arg12[%get3A_1052, %get3A_1053] {strides = array<i32>} : memref<16x1024xf32, #tpu.memory_space<vmem>>, vector<1x16xf32>,
        %get3A_1055 = vector.shape_cast %get3A_1054 : vector<1x16xf32> to vector<16xf32>
        %mul3A_1056 = arith.mulf %gather3A_84, %get3A_1055 : vector<16xf32>
        %get3A_1057 = arith.index_cast %scan3A_76 : i32 to index
        %get3A_1058 = arith.constant 960 : index
        %get3A_1059 = tpu.vector_load %arg13[%get3A_1057, %get3A_1058] {strides = array<i32>} : memref<16x1024xf32, #tpu.memory_space<vmem>>, vector<1x16xf32>,
        %get3A_1060 = vector.shape_cast %get3A_1059 : vector<1x16xf32> to vector<16xf32>
        %mul3A_1061 = arith.mulf %gather3A_92, %get3A_1060 : vector<16xf32>
        %add3A_1062 = arith.addf %mul3A_1056, %mul3A_1061 : vector<16xf32>
        %swap3A_1063 = arith.index_cast %scan3A_76 : i32 to index
        %swap3A_1064 = arith.constant 960 : index
        %swap3A_1065 = tpu.vector_load %arg16[%swap3A_1063, %swap3A_1064] {strides = array<i32>} : memref<16x1024xf32, #tpu.memory_space<vmem>>, vector<1x16xf32>,
        %swap3A_1066 = vector.shape_cast %swap3A_1065 : vector<1x16xf32> to vector<16xf32>
        %swap3A_1067 = vector.shape_cast %add3A_1062 : vector<16xf32> to vector<1x16xf32>
        tpu.vector_store %arg16[%swap3A_1063, %swap3A_1064], %swap3A_1067 {strides = array<i32>} : memref<16x1024xf32, #tpu.memory_space<vmem>>, vector<1x16xf32>,
        %get3A_1068 = arith.index_cast %scan3A_76 : i32 to index
        %get3A_1069 = arith.constant 976 : index
        %get3A_1070 = tpu.vector_load %arg12[%get3A_1068, %get3A_1069] {strides = array<i32>} : memref<16x1024xf32, #tpu.memory_space<vmem>>, vector<1x16xf32>,
        %get3A_1071 = vector.shape_cast %get3A_1070 : vector<1x16xf32> to vector<16xf32>
        %mul3A_1072 = arith.mulf %gather3A_84, %get3A_1071 : vector<16xf32>
        %get3A_1073 = arith.index_cast %scan3A_76 : i32 to index
        %get3A_1074 = arith.constant 976 : index
        %get3A_1075 = tpu.vector_load %arg13[%get3A_1073, %get3A_1074] {strides = array<i32>} : memref<16x1024xf32, #tpu.memory_space<vmem>>, vector<1x16xf32>,
        %get3A_1076 = vector.shape_cast %get3A_1075 : vector<1x16xf32> to vector<16xf32>
        %mul3A_1077 = arith.mulf %gather3A_92, %get3A_1076 : vector<16xf32>
        %add3A_1078 = arith.addf %mul3A_1072, %mul3A_1077 : vector<16xf32>
        %swap3A_1079 = arith.index_cast %scan3A_76 : i32 to index
        %swap3A_1080 = arith.constant 976 : index
        %swap3A_1081 = tpu.vector_load %arg16[%swap3A_1079, %swap3A_1080] {strides = array<i32>} : memref<16x1024xf32, #tpu.memory_space<vmem>>, vector<1x16xf32>,
        %swap3A_1082 = vector.shape_cast %swap3A_1081 : vector<1x16xf32> to vector<16xf32>
        %swap3A_1083 = vector.shape_cast %add3A_1078 : vector<16xf32> to vector<1x16xf32>
        tpu.vector_store %arg16[%swap3A_1079, %swap3A_1080], %swap3A_1083 {strides = array<i32>} : memref<16x1024xf32, #tpu.memory_space<vmem>>, vector<1x16xf32>,
        %get3A_1084 = arith.index_cast %scan3A_76 : i32 to index
        %get3A_1085 = arith.constant 992 : index
        %get3A_1086 = tpu.vector_load %arg12[%get3A_1084, %get3A_1085] {strides = array<i32>} : memref<16x1024xf32, #tpu.memory_space<vmem>>, vector<1x16xf32>,
        %get3A_1087 = vector.shape_cast %get3A_1086 : vector<1x16xf32> to vector<16xf32>
        %mul3A_1088 = arith.mulf %gather3A_84, %get3A_1087 : vector<16xf32>
        %get3A_1089 = arith.index_cast %scan3A_76 : i32 to index
        %get3A_1090 = arith.constant 992 : index
        %get3A_1091 = tpu.vector_load %arg13[%get3A_1089, %get3A_1090] {strides = array<i32>} : memref<16x1024xf32, #tpu.memory_space<vmem>>, vector<1x16xf32>,
        %get3A_1092 = vector.shape_cast %get3A_1091 : vector<1x16xf32> to vector<16xf32>
        %mul3A_1093 = arith.mulf %gather3A_92, %get3A_1092 : vector<16xf32>
        %add3A_1094 = arith.addf %mul3A_1088, %mul3A_1093 : vector<16xf32>
        %swap3A_1095 = arith.index_cast %scan3A_76 : i32 to index
        %swap3A_1096 = arith.constant 992 : index
        %swap3A_1097 = tpu.vector_load %arg16[%swap3A_1095, %swap3A_1096] {strides = array<i32>} : memref<16x1024xf32, #tpu.memory_space<vmem>>, vector<1x16xf32>,
        %swap3A_1098 = vector.shape_cast %swap3A_1097 : vector<1x16xf32> to vector<16xf32>
        %swap3A_1099 = vector.shape_cast %add3A_1094 : vector<16xf32> to vector<1x16xf32>
        tpu.vector_store %arg16[%swap3A_1095, %swap3A_1096], %swap3A_1099 {strides = array<i32>} : memref<16x1024xf32, #tpu.memory_space<vmem>>, vector<1x16xf32>,
        %get3A_1100 = arith.index_cast %scan3A_76 : i32 to index
        %get3A_1101 = arith.constant 1008 : index
        %get3A_1102 = tpu.vector_load %arg12[%get3A_1100, %get3A_1101] {strides = array<i32>} : memref<16x1024xf32, #tpu.memory_space<vmem>>, vector<1x16xf32>,
        %get3A_1103 = vector.shape_cast %get3A_1102 : vector<1x16xf32> to vector<16xf32>
        %mul3A_1104 = arith.mulf %gather3A_84, %get3A_1103 : vector<16xf32>
        %get3A_1105 = arith.index_cast %scan3A_76 : i32 to index
        %get3A_1106 = arith.constant 1008 : index
        %get3A_1107 = tpu.vector_load %arg13[%get3A_1105, %get3A_1106] {strides = array<i32>} : memref<16x1024xf32, #tpu.memory_space<vmem>>, vector<1x16xf32>,
        %get3A_1108 = vector.shape_cast %get3A_1107 : vector<1x16xf32> to vector<16xf32>
        %mul3A_1109 = arith.mulf %gather3A_92, %get3A_1108 : vector<16xf32>
        %add3A_1110 = arith.addf %mul3A_1104, %mul3A_1109 : vector<16xf32>
        %swap3A_1111 = arith.index_cast %scan3A_76 : i32 to index
        %swap3A_1112 = arith.constant 1008 : index
        %swap3A_1113 = tpu.vector_load %arg16[%swap3A_1111, %swap3A_1112] {strides = array<i32>} : memref<16x1024xf32, #tpu.memory_space<vmem>>, vector<1x16xf32>,
        %swap3A_1114 = vector.shape_cast %swap3A_1113 : vector<1x16xf32> to vector<16xf32>
        %swap3A_1115 = vector.shape_cast %add3A_1110 : vector<16xf32> to vector<1x16xf32>
        tpu.vector_store %arg16[%swap3A_1111, %swap3A_1112], %swap3A_1115 {strides = array<i32>} : memref<16x1024xf32, #tpu.memory_space<vmem>>, vector<1x16xf32>,
      }
      %scan3A_40 = arith.constant 16 : i32
      %mul3A_41 = arith.constant 16 : i32
      %mul3A_42 = arith.muli %mul3A_19, %mul3A_41 : i32
      %add3A_43 = arith.addi %mul3A_2, %mul3A_42 : i32
      "tpu.region"() ({
        %run_scoped3A = tpu.sem_alloc : memref<!tpu.dma_semaphore, #tpu.memory_space<semaphore_mem>>
        %dma_start3A_76 = arith.constant 0 : i32
        %dma_start3A_77 = tpu.memref_slice %arg7[%add3A_43, %dma_start3A_76] : memref<8192x1024xf32, #tpu.memory_space<hbm>> -> memref<16x1024xf32, #tpu.memory_space<hbm>>
        %dma_start3A_78 = arith.constant 0 : i32
        %dma_start3A_79 = tpu.memref_slice %arg7[%add3A_43, %dma_start3A_78] : memref<8192x1024xf32, #tpu.memory_space<hbm>> -> memref<16x1024xf32, #tpu.memory_space<hbm>>
        tpu.enqueue_dma source(%arg16 : memref<16x1024xf32, #tpu.memory_space<vmem>>) target(%dma_start3A_79 : memref<16x1024xf32, #tpu.memory_space<hbm>>) target_semaphore(%run_scoped3A : memref<!tpu.dma_semaphore, #tpu.memory_space<semaphore_mem>>)
        %dma_wait3A_80 = arith.constant 0 : i32
        %dma_wait3A_81 = tpu.memref_slice %arg7[%add3A_43, %dma_wait3A_80] : memref<8192x1024xf32, #tpu.memory_space<hbm>> -> memref<16x1024xf32, #tpu.memory_space<hbm>>
        %dma_wait3A_82 = arith.constant 0 : i32
        %dma_wait3A_83 = tpu.memref_slice %arg7[%add3A_43, %dma_wait3A_82] : memref<8192x1024xf32, #tpu.memory_space<hbm>> -> memref<16x1024xf32, #tpu.memory_space<hbm>>
        tpu.wait_dma2 semaphore(%run_scoped3A : memref<!tpu.dma_semaphore, #tpu.memory_space<semaphore_mem>>) src(%arg16 : memref<16x1024xf32, #tpu.memory_space<vmem>>) dst(%dma_wait3A_83 : memref<16x1024xf32, #tpu.memory_space<hbm>>)
        tpu.yield
      }) : () -> ()
      %mul3A_44 = arith.constant 2 : i32
      %mul3A_45 = arith.muli %scan3A_17, %mul3A_44 : i32
      %add3A_46 = arith.constant 1 : i32
      %add3A_47 = arith.addi %mul3A_45, %add3A_46 : i32
      %add3A_48 = arith.constant 1 : i32
      %add3A_49 = arith.addi %add3A_47, %add3A_48 : i32
      %lt3A_50 = arith.constant 16 : i32
      %lt3A_51 = arith.cmpi slt, %add3A_49, %lt3A_50 : i32
      %convert_element_type3A_52 = arith.extui %lt3A_51 : i1 to i32
      %cond3A_53 = arith.constant 0 : i32
      %cond3A_54 = arith.cmpi ne, %convert_element_type3A_52, %cond3A_53 : i32
      scf.if %cond3A_54 {
        %add3A_76 = arith.constant 1 : i32
        %add3A_77 = arith.addi %add3A_47, %add3A_76 : i32
        %mul3A_78 = arith.constant 16 : i32
        %mul3A_79 = arith.muli %add3A_77, %mul3A_78 : i32
        %dma_start3A_80 = tpu.memref_slice %arg8[%mul3A_79] : memref<256xi32, #tpu.memory_space<vmem>> -> memref<16xi32, #tpu.memory_space<vmem>>
        %dma_start3A_81 = arith.constant 0 : i32
        %dma_start3A_82 = arith.constant 0 : i32
        %dma_start3A_83 = tpu.memref_slice %arg2[%dma_start3A_81, %dma_start3A_82] : memref<32768x1024xf32, #tpu.memory_space<hbm>> -> memref<32768x1024xf32, #tpu.memory_space<hbm>>
        tpu.enqueue_indirect_dma source(%dma_start3A_83 : memref<32768x1024xf32, #tpu.memory_space<hbm>>) target(%arg12 : memref<16x1024xf32, #tpu.memory_space<vmem>>) offsets(%dma_start3A_80 : memref<16xi32, #tpu.memory_space<vmem>>) semaphore(%arg17 : memref<!tpu.dma_semaphore, #tpu.memory_space<semaphore_mem>>)
        %mul3A_84 = arith.constant 16 : i32
        %mul3A_85 = arith.muli %add3A_77, %mul3A_84 : i32
        %dma_start3A_86 = tpu.memref_slice %arg9[%mul3A_85] : memref<256xi32, #tpu.memory_space<vmem>> -> memref<16xi32, #tpu.memory_space<vmem>>
        %dma_start3A_87 = arith.constant 0 : i32
        %dma_start3A_88 = arith.constant 0 : i32
        %dma_start3A_89 = tpu.memref_slice %arg2[%dma_start3A_87, %dma_start3A_88] : memref<32768x1024xf32, #tpu.memory_space<hbm>> -> memref<32768x1024xf32, #tpu.memory_space<hbm>>
        tpu.enqueue_indirect_dma source(%dma_start3A_89 : memref<32768x1024xf32, #tpu.memory_space<hbm>>) target(%arg13 : memref<16x1024xf32, #tpu.memory_space<vmem>>) offsets(%dma_start3A_86 : memref<16xi32, #tpu.memory_space<vmem>>) semaphore(%arg18 : memref<!tpu.dma_semaphore, #tpu.memory_space<semaphore_mem>>)
      } else {
      }
      %mul3A_55 = arith.constant 16 : i32
      %mul3A_56 = arith.muli %add3A_47, %mul3A_55 : i32
      %dma_wait3A_57 = tpu.memref_slice %arg8[%mul3A_56] : memref<256xi32, #tpu.memory_space<vmem>> -> memref<16xi32, #tpu.memory_space<vmem>>
      %dma_wait3A_58 = arith.constant 0 : i32
      %dma_wait3A_59 = arith.constant 0 : i32
      %dma_wait3A_60 = tpu.memref_slice %arg2[%dma_wait3A_58, %dma_wait3A_59] : memref<32768x1024xf32, #tpu.memory_space<hbm>> -> memref<32768x1024xf32, #tpu.memory_space<hbm>>
      tpu.wait_indirect_dma semaphore(%arg19 : memref<!tpu.dma_semaphore, #tpu.memory_space<semaphore_mem>>) src(%dma_wait3A_60 : memref<32768x1024xf32, #tpu.memory_space<hbm>>) dst(%arg14 : memref<16x1024xf32, #tpu.memory_space<vmem>>)
      %mul3A_61 = arith.constant 16 : i32
      %mul3A_62 = arith.muli %add3A_47, %mul3A_61 : i32
      %dma_wait3A_63 = tpu.memref_slice %arg9[%mul3A_62] : memref<256xi32, #tpu.memory_space<vmem>> -> memref<16xi32, #tpu.memory_space<vmem>>
      %dma_wait3A_64 = arith.constant 0 : i32
      %dma_wait3A_65 = arith.constant 0 : i32
      %dma_wait3A_66 = tpu.memref_slice %arg2[%dma_wait3A_64, %dma_wait3A_65] : memref<32768x1024xf32, #tpu.memory_space<hbm>> -> memref<32768x1024xf32, #tpu.memory_space<hbm>>
      tpu.wait_indirect_dma semaphore(%arg20 : memref<!tpu.dma_semaphore, #tpu.memory_space<semaphore_mem>>) src(%dma_wait3A_66 : memref<32768x1024xf32, #tpu.memory_space<hbm>>) dst(%arg15 : memref<16x1024xf32, #tpu.memory_space<vmem>>)
      %scan3A_67 = arith.constant 0 : i32
      %scan3A_68 = arith.constant 0 : i32
      %scan3A_69 = arith.constant 16 : i32
      %scan3A_70 = arith.addi %scan3A_68, %scan3A_69 : i32
      %scan3A_71 = arith.constant 1 : i32
      scf.for %scan3A_76 = %scan3A_68 to %scan3A_70 step %scan3A_71  : i32 {
        %broadcast_in_dim3A = vector.broadcast %scan3A_76 : i32 to vector<16xi32>
        %broadcast_in_dim3A_77 = arith.constant 15 : i32
        %broadcast_in_dim3A_78 = vector.broadcast %broadcast_in_dim3A_77 : i32 to vector<16xi32>
        %and3A = arith.andi %broadcast_in_dim3A, %broadcast_in_dim3A_78 : vector<16xi32>
        %mul3A_79 = arith.constant 16 : i32
        %mul3A_80 = arith.muli %add3A_47, %mul3A_79 : i32
        %get3A = arith.index_cast %mul3A_80 : i32 to index
        %get3A_81 = tpu.vector_load %arg10[%get3A] {strides = array<i32>} : memref<256xf32, #tpu.memory_space<vmem>>, vector<16xf32>,
        %get3A_82 = vector.shape_cast %get3A_81 : vector<16xf32> to vector<16xf32>
        %broadcast_in_dim3A_83 = vector.shape_cast %and3A : vector<16xi32> to vector<16x1xi32>
        %gather3A = vector.shape_cast %broadcast_in_dim3A_83 : vector<16x1xi32> to vector<16xi32>
        %gather3A_84 = tpu.dynamic_gather %get3A_82[%gather3A] in [0] : vector<16xf32>, vector<16xi32> -> vector<16xf32>
        %mul3A_85 = arith.constant 16 : i32
        %mul3A_86 = arith.muli %add3A_47, %mul3A_85 : i32
        %get3A_87 = arith.index_cast %mul3A_86 : i32 to index
        %get3A_88 = tpu.vector_load %arg11[%get3A_87] {strides = array<i32>} : memref<256xf32, #tpu.memory_space<vmem>>, vector<16xf32>,
        %get3A_89 = vector.shape_cast %get3A_88 : vector<16xf32> to vector<16xf32>
        %broadcast_in_dim3A_90 = vector.shape_cast %and3A : vector<16xi32> to vector<16x1xi32>
        %gather3A_91 = vector.shape_cast %broadcast_in_dim3A_90 : vector<16x1xi32> to vector<16xi32>
        %gather3A_92 = tpu.dynamic_gather %get3A_89[%gather3A_91] in [0] : vector<16xf32>, vector<16xi32> -> vector<16xf32>
        %get3A_93 = arith.index_cast %scan3A_76 : i32 to index
        %get3A_94 = arith.constant 0 : index
        %get3A_95 = tpu.vector_load %arg14[%get3A_93, %get3A_94] {strides = array<i32>} : memref<16x1024xf32, #tpu.memory_space<vmem>>, vector<1x16xf32>,
        %get3A_96 = vector.shape_cast %get3A_95 : vector<1x16xf32> to vector<16xf32>
        %mul3A_97 = arith.mulf %gather3A_84, %get3A_96 : vector<16xf32>
        %get3A_98 = arith.index_cast %scan3A_76 : i32 to index
        %get3A_99 = arith.constant 0 : index
        %get3A_100 = tpu.vector_load %arg15[%get3A_98, %get3A_99] {strides = array<i32>} : memref<16x1024xf32, #tpu.memory_space<vmem>>, vector<1x16xf32>,
        %get3A_101 = vector.shape_cast %get3A_100 : vector<1x16xf32> to vector<16xf32>
        %mul3A_102 = arith.mulf %gather3A_92, %get3A_101 : vector<16xf32>
        %add3A_103 = arith.addf %mul3A_97, %mul3A_102 : vector<16xf32>
        %swap3A = arith.index_cast %scan3A_76 : i32 to index
        %swap3A_104 = arith.constant 0 : index
        %swap3A_105 = tpu.vector_load %arg16[%swap3A, %swap3A_104] {strides = array<i32>} : memref<16x1024xf32, #tpu.memory_space<vmem>>, vector<1x16xf32>,
        %swap3A_106 = vector.shape_cast %swap3A_105 : vector<1x16xf32> to vector<16xf32>
        %swap3A_107 = vector.shape_cast %add3A_103 : vector<16xf32> to vector<1x16xf32>
        tpu.vector_store %arg16[%swap3A, %swap3A_104], %swap3A_107 {strides = array<i32>} : memref<16x1024xf32, #tpu.memory_space<vmem>>, vector<1x16xf32>,
        %get3A_108 = arith.index_cast %scan3A_76 : i32 to index
        %get3A_109 = arith.constant 16 : index
        %get3A_110 = tpu.vector_load %arg14[%get3A_108, %get3A_109] {strides = array<i32>} : memref<16x1024xf32, #tpu.memory_space<vmem>>, vector<1x16xf32>,
        %get3A_111 = vector.shape_cast %get3A_110 : vector<1x16xf32> to vector<16xf32>
        %mul3A_112 = arith.mulf %gather3A_84, %get3A_111 : vector<16xf32>
        %get3A_113 = arith.index_cast %scan3A_76 : i32 to index
        %get3A_114 = arith.constant 16 : index
        %get3A_115 = tpu.vector_load %arg15[%get3A_113, %get3A_114] {strides = array<i32>} : memref<16x1024xf32, #tpu.memory_space<vmem>>, vector<1x16xf32>,
        %get3A_116 = vector.shape_cast %get3A_115 : vector<1x16xf32> to vector<16xf32>
        %mul3A_117 = arith.mulf %gather3A_92, %get3A_116 : vector<16xf32>
        %add3A_118 = arith.addf %mul3A_112, %mul3A_117 : vector<16xf32>
        %swap3A_119 = arith.index_cast %scan3A_76 : i32 to index
        %swap3A_120 = arith.constant 16 : index
        %swap3A_121 = tpu.vector_load %arg16[%swap3A_119, %swap3A_120] {strides = array<i32>} : memref<16x1024xf32, #tpu.memory_space<vmem>>, vector<1x16xf32>,
        %swap3A_122 = vector.shape_cast %swap3A_121 : vector<1x16xf32> to vector<16xf32>
        %swap3A_123 = vector.shape_cast %add3A_118 : vector<16xf32> to vector<1x16xf32>
        tpu.vector_store %arg16[%swap3A_119, %swap3A_120], %swap3A_123 {strides = array<i32>} : memref<16x1024xf32, #tpu.memory_space<vmem>>, vector<1x16xf32>,
        %get3A_124 = arith.index_cast %scan3A_76 : i32 to index
        %get3A_125 = arith.constant 32 : index
        %get3A_126 = tpu.vector_load %arg14[%get3A_124, %get3A_125] {strides = array<i32>} : memref<16x1024xf32, #tpu.memory_space<vmem>>, vector<1x16xf32>,
        %get3A_127 = vector.shape_cast %get3A_126 : vector<1x16xf32> to vector<16xf32>
        %mul3A_128 = arith.mulf %gather3A_84, %get3A_127 : vector<16xf32>
        %get3A_129 = arith.index_cast %scan3A_76 : i32 to index
        %get3A_130 = arith.constant 32 : index
        %get3A_131 = tpu.vector_load %arg15[%get3A_129, %get3A_130] {strides = array<i32>} : memref<16x1024xf32, #tpu.memory_space<vmem>>, vector<1x16xf32>,
        %get3A_132 = vector.shape_cast %get3A_131 : vector<1x16xf32> to vector<16xf32>
        %mul3A_133 = arith.mulf %gather3A_92, %get3A_132 : vector<16xf32>
        %add3A_134 = arith.addf %mul3A_128, %mul3A_133 : vector<16xf32>
        %swap3A_135 = arith.index_cast %scan3A_76 : i32 to index
        %swap3A_136 = arith.constant 32 : index
        %swap3A_137 = tpu.vector_load %arg16[%swap3A_135, %swap3A_136] {strides = array<i32>} : memref<16x1024xf32, #tpu.memory_space<vmem>>, vector<1x16xf32>,
        %swap3A_138 = vector.shape_cast %swap3A_137 : vector<1x16xf32> to vector<16xf32>
        %swap3A_139 = vector.shape_cast %add3A_134 : vector<16xf32> to vector<1x16xf32>
        tpu.vector_store %arg16[%swap3A_135, %swap3A_136], %swap3A_139 {strides = array<i32>} : memref<16x1024xf32, #tpu.memory_space<vmem>>, vector<1x16xf32>,
        %get3A_140 = arith.index_cast %scan3A_76 : i32 to index
        %get3A_141 = arith.constant 48 : index
        %get3A_142 = tpu.vector_load %arg14[%get3A_140, %get3A_141] {strides = array<i32>} : memref<16x1024xf32, #tpu.memory_space<vmem>>, vector<1x16xf32>,
        %get3A_143 = vector.shape_cast %get3A_142 : vector<1x16xf32> to vector<16xf32>
        %mul3A_144 = arith.mulf %gather3A_84, %get3A_143 : vector<16xf32>
        %get3A_145 = arith.index_cast %scan3A_76 : i32 to index
        %get3A_146 = arith.constant 48 : index
        %get3A_147 = tpu.vector_load %arg15[%get3A_145, %get3A_146] {strides = array<i32>} : memref<16x1024xf32, #tpu.memory_space<vmem>>, vector<1x16xf32>,
        %get3A_148 = vector.shape_cast %get3A_147 : vector<1x16xf32> to vector<16xf32>
        %mul3A_149 = arith.mulf %gather3A_92, %get3A_148 : vector<16xf32>
        %add3A_150 = arith.addf %mul3A_144, %mul3A_149 : vector<16xf32>
        %swap3A_151 = arith.index_cast %scan3A_76 : i32 to index
        %swap3A_152 = arith.constant 48 : index
        %swap3A_153 = tpu.vector_load %arg16[%swap3A_151, %swap3A_152] {strides = array<i32>} : memref<16x1024xf32, #tpu.memory_space<vmem>>, vector<1x16xf32>,
        %swap3A_154 = vector.shape_cast %swap3A_153 : vector<1x16xf32> to vector<16xf32>
        %swap3A_155 = vector.shape_cast %add3A_150 : vector<16xf32> to vector<1x16xf32>
        tpu.vector_store %arg16[%swap3A_151, %swap3A_152], %swap3A_155 {strides = array<i32>} : memref<16x1024xf32, #tpu.memory_space<vmem>>, vector<1x16xf32>,
        %get3A_156 = arith.index_cast %scan3A_76 : i32 to index
        %get3A_157 = arith.constant 64 : index
        %get3A_158 = tpu.vector_load %arg14[%get3A_156, %get3A_157] {strides = array<i32>} : memref<16x1024xf32, #tpu.memory_space<vmem>>, vector<1x16xf32>,
        %get3A_159 = vector.shape_cast %get3A_158 : vector<1x16xf32> to vector<16xf32>
        %mul3A_160 = arith.mulf %gather3A_84, %get3A_159 : vector<16xf32>
        %get3A_161 = arith.index_cast %scan3A_76 : i32 to index
        %get3A_162 = arith.constant 64 : index
        %get3A_163 = tpu.vector_load %arg15[%get3A_161, %get3A_162] {strides = array<i32>} : memref<16x1024xf32, #tpu.memory_space<vmem>>, vector<1x16xf32>,
        %get3A_164 = vector.shape_cast %get3A_163 : vector<1x16xf32> to vector<16xf32>
        %mul3A_165 = arith.mulf %gather3A_92, %get3A_164 : vector<16xf32>
        %add3A_166 = arith.addf %mul3A_160, %mul3A_165 : vector<16xf32>
        %swap3A_167 = arith.index_cast %scan3A_76 : i32 to index
        %swap3A_168 = arith.constant 64 : index
        %swap3A_169 = tpu.vector_load %arg16[%swap3A_167, %swap3A_168] {strides = array<i32>} : memref<16x1024xf32, #tpu.memory_space<vmem>>, vector<1x16xf32>,
        %swap3A_170 = vector.shape_cast %swap3A_169 : vector<1x16xf32> to vector<16xf32>
        %swap3A_171 = vector.shape_cast %add3A_166 : vector<16xf32> to vector<1x16xf32>
        tpu.vector_store %arg16[%swap3A_167, %swap3A_168], %swap3A_171 {strides = array<i32>} : memref<16x1024xf32, #tpu.memory_space<vmem>>, vector<1x16xf32>,
        %get3A_172 = arith.index_cast %scan3A_76 : i32 to index
        %get3A_173 = arith.constant 80 : index
        %get3A_174 = tpu.vector_load %arg14[%get3A_172, %get3A_173] {strides = array<i32>} : memref<16x1024xf32, #tpu.memory_space<vmem>>, vector<1x16xf32>,
        %get3A_175 = vector.shape_cast %get3A_174 : vector<1x16xf32> to vector<16xf32>
        %mul3A_176 = arith.mulf %gather3A_84, %get3A_175 : vector<16xf32>
        %get3A_177 = arith.index_cast %scan3A_76 : i32 to index
        %get3A_178 = arith.constant 80 : index
        %get3A_179 = tpu.vector_load %arg15[%get3A_177, %get3A_178] {strides = array<i32>} : memref<16x1024xf32, #tpu.memory_space<vmem>>, vector<1x16xf32>,
        %get3A_180 = vector.shape_cast %get3A_179 : vector<1x16xf32> to vector<16xf32>
        %mul3A_181 = arith.mulf %gather3A_92, %get3A_180 : vector<16xf32>
        %add3A_182 = arith.addf %mul3A_176, %mul3A_181 : vector<16xf32>
        %swap3A_183 = arith.index_cast %scan3A_76 : i32 to index
        %swap3A_184 = arith.constant 80 : index
        %swap3A_185 = tpu.vector_load %arg16[%swap3A_183, %swap3A_184] {strides = array<i32>} : memref<16x1024xf32, #tpu.memory_space<vmem>>, vector<1x16xf32>,
        %swap3A_186 = vector.shape_cast %swap3A_185 : vector<1x16xf32> to vector<16xf32>
        %swap3A_187 = vector.shape_cast %add3A_182 : vector<16xf32> to vector<1x16xf32>
        tpu.vector_store %arg16[%swap3A_183, %swap3A_184], %swap3A_187 {strides = array<i32>} : memref<16x1024xf32, #tpu.memory_space<vmem>>, vector<1x16xf32>,
        %get3A_188 = arith.index_cast %scan3A_76 : i32 to index
        %get3A_189 = arith.constant 96 : index
        %get3A_190 = tpu.vector_load %arg14[%get3A_188, %get3A_189] {strides = array<i32>} : memref<16x1024xf32, #tpu.memory_space<vmem>>, vector<1x16xf32>,
        %get3A_191 = vector.shape_cast %get3A_190 : vector<1x16xf32> to vector<16xf32>
        %mul3A_192 = arith.mulf %gather3A_84, %get3A_191 : vector<16xf32>
        %get3A_193 = arith.index_cast %scan3A_76 : i32 to index
        %get3A_194 = arith.constant 96 : index
        %get3A_195 = tpu.vector_load %arg15[%get3A_193, %get3A_194] {strides = array<i32>} : memref<16x1024xf32, #tpu.memory_space<vmem>>, vector<1x16xf32>,
        %get3A_196 = vector.shape_cast %get3A_195 : vector<1x16xf32> to vector<16xf32>
        %mul3A_197 = arith.mulf %gather3A_92, %get3A_196 : vector<16xf32>
        %add3A_198 = arith.addf %mul3A_192, %mul3A_197 : vector<16xf32>
        %swap3A_199 = arith.index_cast %scan3A_76 : i32 to index
        %swap3A_200 = arith.constant 96 : index
        %swap3A_201 = tpu.vector_load %arg16[%swap3A_199, %swap3A_200] {strides = array<i32>} : memref<16x1024xf32, #tpu.memory_space<vmem>>, vector<1x16xf32>,
        %swap3A_202 = vector.shape_cast %swap3A_201 : vector<1x16xf32> to vector<16xf32>
        %swap3A_203 = vector.shape_cast %add3A_198 : vector<16xf32> to vector<1x16xf32>
        tpu.vector_store %arg16[%swap3A_199, %swap3A_200], %swap3A_203 {strides = array<i32>} : memref<16x1024xf32, #tpu.memory_space<vmem>>, vector<1x16xf32>,
        %get3A_204 = arith.index_cast %scan3A_76 : i32 to index
        %get3A_205 = arith.constant 112 : index
        %get3A_206 = tpu.vector_load %arg14[%get3A_204, %get3A_205] {strides = array<i32>} : memref<16x1024xf32, #tpu.memory_space<vmem>>, vector<1x16xf32>,
        %get3A_207 = vector.shape_cast %get3A_206 : vector<1x16xf32> to vector<16xf32>
        %mul3A_208 = arith.mulf %gather3A_84, %get3A_207 : vector<16xf32>
        %get3A_209 = arith.index_cast %scan3A_76 : i32 to index
        %get3A_210 = arith.constant 112 : index
        %get3A_211 = tpu.vector_load %arg15[%get3A_209, %get3A_210] {strides = array<i32>} : memref<16x1024xf32, #tpu.memory_space<vmem>>, vector<1x16xf32>,
        %get3A_212 = vector.shape_cast %get3A_211 : vector<1x16xf32> to vector<16xf32>
        %mul3A_213 = arith.mulf %gather3A_92, %get3A_212 : vector<16xf32>
        %add3A_214 = arith.addf %mul3A_208, %mul3A_213 : vector<16xf32>
        %swap3A_215 = arith.index_cast %scan3A_76 : i32 to index
        %swap3A_216 = arith.constant 112 : index
        %swap3A_217 = tpu.vector_load %arg16[%swap3A_215, %swap3A_216] {strides = array<i32>} : memref<16x1024xf32, #tpu.memory_space<vmem>>, vector<1x16xf32>,
        %swap3A_218 = vector.shape_cast %swap3A_217 : vector<1x16xf32> to vector<16xf32>
        %swap3A_219 = vector.shape_cast %add3A_214 : vector<16xf32> to vector<1x16xf32>
        tpu.vector_store %arg16[%swap3A_215, %swap3A_216], %swap3A_219 {strides = array<i32>} : memref<16x1024xf32, #tpu.memory_space<vmem>>, vector<1x16xf32>,
        %get3A_220 = arith.index_cast %scan3A_76 : i32 to index
        %get3A_221 = arith.constant 128 : index
        %get3A_222 = tpu.vector_load %arg14[%get3A_220, %get3A_221] {strides = array<i32>} : memref<16x1024xf32, #tpu.memory_space<vmem>>, vector<1x16xf32>,
        %get3A_223 = vector.shape_cast %get3A_222 : vector<1x16xf32> to vector<16xf32>
        %mul3A_224 = arith.mulf %gather3A_84, %get3A_223 : vector<16xf32>
        %get3A_225 = arith.index_cast %scan3A_76 : i32 to index
        %get3A_226 = arith.constant 128 : index
        %get3A_227 = tpu.vector_load %arg15[%get3A_225, %get3A_226] {strides = array<i32>} : memref<16x1024xf32, #tpu.memory_space<vmem>>, vector<1x16xf32>,
        %get3A_228 = vector.shape_cast %get3A_227 : vector<1x16xf32> to vector<16xf32>
        %mul3A_229 = arith.mulf %gather3A_92, %get3A_228 : vector<16xf32>
        %add3A_230 = arith.addf %mul3A_224, %mul3A_229 : vector<16xf32>
        %swap3A_231 = arith.index_cast %scan3A_76 : i32 to index
        %swap3A_232 = arith.constant 128 : index
        %swap3A_233 = tpu.vector_load %arg16[%swap3A_231, %swap3A_232] {strides = array<i32>} : memref<16x1024xf32, #tpu.memory_space<vmem>>, vector<1x16xf32>,
        %swap3A_234 = vector.shape_cast %swap3A_233 : vector<1x16xf32> to vector<16xf32>
        %swap3A_235 = vector.shape_cast %add3A_230 : vector<16xf32> to vector<1x16xf32>
        tpu.vector_store %arg16[%swap3A_231, %swap3A_232], %swap3A_235 {strides = array<i32>} : memref<16x1024xf32, #tpu.memory_space<vmem>>, vector<1x16xf32>,
        %get3A_236 = arith.index_cast %scan3A_76 : i32 to index
        %get3A_237 = arith.constant 144 : index
        %get3A_238 = tpu.vector_load %arg14[%get3A_236, %get3A_237] {strides = array<i32>} : memref<16x1024xf32, #tpu.memory_space<vmem>>, vector<1x16xf32>,
        %get3A_239 = vector.shape_cast %get3A_238 : vector<1x16xf32> to vector<16xf32>
        %mul3A_240 = arith.mulf %gather3A_84, %get3A_239 : vector<16xf32>
        %get3A_241 = arith.index_cast %scan3A_76 : i32 to index
        %get3A_242 = arith.constant 144 : index
        %get3A_243 = tpu.vector_load %arg15[%get3A_241, %get3A_242] {strides = array<i32>} : memref<16x1024xf32, #tpu.memory_space<vmem>>, vector<1x16xf32>,
        %get3A_244 = vector.shape_cast %get3A_243 : vector<1x16xf32> to vector<16xf32>
        %mul3A_245 = arith.mulf %gather3A_92, %get3A_244 : vector<16xf32>
        %add3A_246 = arith.addf %mul3A_240, %mul3A_245 : vector<16xf32>
        %swap3A_247 = arith.index_cast %scan3A_76 : i32 to index
        %swap3A_248 = arith.constant 144 : index
        %swap3A_249 = tpu.vector_load %arg16[%swap3A_247, %swap3A_248] {strides = array<i32>} : memref<16x1024xf32, #tpu.memory_space<vmem>>, vector<1x16xf32>,
        %swap3A_250 = vector.shape_cast %swap3A_249 : vector<1x16xf32> to vector<16xf32>
        %swap3A_251 = vector.shape_cast %add3A_246 : vector<16xf32> to vector<1x16xf32>
        tpu.vector_store %arg16[%swap3A_247, %swap3A_248], %swap3A_251 {strides = array<i32>} : memref<16x1024xf32, #tpu.memory_space<vmem>>, vector<1x16xf32>,
        %get3A_252 = arith.index_cast %scan3A_76 : i32 to index
        %get3A_253 = arith.constant 160 : index
        %get3A_254 = tpu.vector_load %arg14[%get3A_252, %get3A_253] {strides = array<i32>} : memref<16x1024xf32, #tpu.memory_space<vmem>>, vector<1x16xf32>,
        %get3A_255 = vector.shape_cast %get3A_254 : vector<1x16xf32> to vector<16xf32>
        %mul3A_256 = arith.mulf %gather3A_84, %get3A_255 : vector<16xf32>
        %get3A_257 = arith.index_cast %scan3A_76 : i32 to index
        %get3A_258 = arith.constant 160 : index
        %get3A_259 = tpu.vector_load %arg15[%get3A_257, %get3A_258] {strides = array<i32>} : memref<16x1024xf32, #tpu.memory_space<vmem>>, vector<1x16xf32>,
        %get3A_260 = vector.shape_cast %get3A_259 : vector<1x16xf32> to vector<16xf32>
        %mul3A_261 = arith.mulf %gather3A_92, %get3A_260 : vector<16xf32>
        %add3A_262 = arith.addf %mul3A_256, %mul3A_261 : vector<16xf32>
        %swap3A_263 = arith.index_cast %scan3A_76 : i32 to index
        %swap3A_264 = arith.constant 160 : index
        %swap3A_265 = tpu.vector_load %arg16[%swap3A_263, %swap3A_264] {strides = array<i32>} : memref<16x1024xf32, #tpu.memory_space<vmem>>, vector<1x16xf32>,
        %swap3A_266 = vector.shape_cast %swap3A_265 : vector<1x16xf32> to vector<16xf32>
        %swap3A_267 = vector.shape_cast %add3A_262 : vector<16xf32> to vector<1x16xf32>
        tpu.vector_store %arg16[%swap3A_263, %swap3A_264], %swap3A_267 {strides = array<i32>} : memref<16x1024xf32, #tpu.memory_space<vmem>>, vector<1x16xf32>,
        %get3A_268 = arith.index_cast %scan3A_76 : i32 to index
        %get3A_269 = arith.constant 176 : index
        %get3A_270 = tpu.vector_load %arg14[%get3A_268, %get3A_269] {strides = array<i32>} : memref<16x1024xf32, #tpu.memory_space<vmem>>, vector<1x16xf32>,
        %get3A_271 = vector.shape_cast %get3A_270 : vector<1x16xf32> to vector<16xf32>
        %mul3A_272 = arith.mulf %gather3A_84, %get3A_271 : vector<16xf32>
        %get3A_273 = arith.index_cast %scan3A_76 : i32 to index
        %get3A_274 = arith.constant 176 : index
        %get3A_275 = tpu.vector_load %arg15[%get3A_273, %get3A_274] {strides = array<i32>} : memref<16x1024xf32, #tpu.memory_space<vmem>>, vector<1x16xf32>,
        %get3A_276 = vector.shape_cast %get3A_275 : vector<1x16xf32> to vector<16xf32>
        %mul3A_277 = arith.mulf %gather3A_92, %get3A_276 : vector<16xf32>
        %add3A_278 = arith.addf %mul3A_272, %mul3A_277 : vector<16xf32>
        %swap3A_279 = arith.index_cast %scan3A_76 : i32 to index
        %swap3A_280 = arith.constant 176 : index
        %swap3A_281 = tpu.vector_load %arg16[%swap3A_279, %swap3A_280] {strides = array<i32>} : memref<16x1024xf32, #tpu.memory_space<vmem>>, vector<1x16xf32>,
        %swap3A_282 = vector.shape_cast %swap3A_281 : vector<1x16xf32> to vector<16xf32>
        %swap3A_283 = vector.shape_cast %add3A_278 : vector<16xf32> to vector<1x16xf32>
        tpu.vector_store %arg16[%swap3A_279, %swap3A_280], %swap3A_283 {strides = array<i32>} : memref<16x1024xf32, #tpu.memory_space<vmem>>, vector<1x16xf32>,
        %get3A_284 = arith.index_cast %scan3A_76 : i32 to index
        %get3A_285 = arith.constant 192 : index
        %get3A_286 = tpu.vector_load %arg14[%get3A_284, %get3A_285] {strides = array<i32>} : memref<16x1024xf32, #tpu.memory_space<vmem>>, vector<1x16xf32>,
        %get3A_287 = vector.shape_cast %get3A_286 : vector<1x16xf32> to vector<16xf32>
        %mul3A_288 = arith.mulf %gather3A_84, %get3A_287 : vector<16xf32>
        %get3A_289 = arith.index_cast %scan3A_76 : i32 to index
        %get3A_290 = arith.constant 192 : index
        %get3A_291 = tpu.vector_load %arg15[%get3A_289, %get3A_290] {strides = array<i32>} : memref<16x1024xf32, #tpu.memory_space<vmem>>, vector<1x16xf32>,
        %get3A_292 = vector.shape_cast %get3A_291 : vector<1x16xf32> to vector<16xf32>
        %mul3A_293 = arith.mulf %gather3A_92, %get3A_292 : vector<16xf32>
        %add3A_294 = arith.addf %mul3A_288, %mul3A_293 : vector<16xf32>
        %swap3A_295 = arith.index_cast %scan3A_76 : i32 to index
        %swap3A_296 = arith.constant 192 : index
        %swap3A_297 = tpu.vector_load %arg16[%swap3A_295, %swap3A_296] {strides = array<i32>} : memref<16x1024xf32, #tpu.memory_space<vmem>>, vector<1x16xf32>,
        %swap3A_298 = vector.shape_cast %swap3A_297 : vector<1x16xf32> to vector<16xf32>
        %swap3A_299 = vector.shape_cast %add3A_294 : vector<16xf32> to vector<1x16xf32>
        tpu.vector_store %arg16[%swap3A_295, %swap3A_296], %swap3A_299 {strides = array<i32>} : memref<16x1024xf32, #tpu.memory_space<vmem>>, vector<1x16xf32>,
        %get3A_300 = arith.index_cast %scan3A_76 : i32 to index
        %get3A_301 = arith.constant 208 : index
        %get3A_302 = tpu.vector_load %arg14[%get3A_300, %get3A_301] {strides = array<i32>} : memref<16x1024xf32, #tpu.memory_space<vmem>>, vector<1x16xf32>,
        %get3A_303 = vector.shape_cast %get3A_302 : vector<1x16xf32> to vector<16xf32>
        %mul3A_304 = arith.mulf %gather3A_84, %get3A_303 : vector<16xf32>
        %get3A_305 = arith.index_cast %scan3A_76 : i32 to index
        %get3A_306 = arith.constant 208 : index
        %get3A_307 = tpu.vector_load %arg15[%get3A_305, %get3A_306] {strides = array<i32>} : memref<16x1024xf32, #tpu.memory_space<vmem>>, vector<1x16xf32>,
        %get3A_308 = vector.shape_cast %get3A_307 : vector<1x16xf32> to vector<16xf32>
        %mul3A_309 = arith.mulf %gather3A_92, %get3A_308 : vector<16xf32>
        %add3A_310 = arith.addf %mul3A_304, %mul3A_309 : vector<16xf32>
        %swap3A_311 = arith.index_cast %scan3A_76 : i32 to index
        %swap3A_312 = arith.constant 208 : index
        %swap3A_313 = tpu.vector_load %arg16[%swap3A_311, %swap3A_312] {strides = array<i32>} : memref<16x1024xf32, #tpu.memory_space<vmem>>, vector<1x16xf32>,
        %swap3A_314 = vector.shape_cast %swap3A_313 : vector<1x16xf32> to vector<16xf32>
        %swap3A_315 = vector.shape_cast %add3A_310 : vector<16xf32> to vector<1x16xf32>
        tpu.vector_store %arg16[%swap3A_311, %swap3A_312], %swap3A_315 {strides = array<i32>} : memref<16x1024xf32, #tpu.memory_space<vmem>>, vector<1x16xf32>,
        %get3A_316 = arith.index_cast %scan3A_76 : i32 to index
        %get3A_317 = arith.constant 224 : index
        %get3A_318 = tpu.vector_load %arg14[%get3A_316, %get3A_317] {strides = array<i32>} : memref<16x1024xf32, #tpu.memory_space<vmem>>, vector<1x16xf32>,
        %get3A_319 = vector.shape_cast %get3A_318 : vector<1x16xf32> to vector<16xf32>
        %mul3A_320 = arith.mulf %gather3A_84, %get3A_319 : vector<16xf32>
        %get3A_321 = arith.index_cast %scan3A_76 : i32 to index
        %get3A_322 = arith.constant 224 : index
        %get3A_323 = tpu.vector_load %arg15[%get3A_321, %get3A_322] {strides = array<i32>} : memref<16x1024xf32, #tpu.memory_space<vmem>>, vector<1x16xf32>,
        %get3A_324 = vector.shape_cast %get3A_323 : vector<1x16xf32> to vector<16xf32>
        %mul3A_325 = arith.mulf %gather3A_92, %get3A_324 : vector<16xf32>
        %add3A_326 = arith.addf %mul3A_320, %mul3A_325 : vector<16xf32>
        %swap3A_327 = arith.index_cast %scan3A_76 : i32 to index
        %swap3A_328 = arith.constant 224 : index
        %swap3A_329 = tpu.vector_load %arg16[%swap3A_327, %swap3A_328] {strides = array<i32>} : memref<16x1024xf32, #tpu.memory_space<vmem>>, vector<1x16xf32>,
        %swap3A_330 = vector.shape_cast %swap3A_329 : vector<1x16xf32> to vector<16xf32>
        %swap3A_331 = vector.shape_cast %add3A_326 : vector<16xf32> to vector<1x16xf32>
        tpu.vector_store %arg16[%swap3A_327, %swap3A_328], %swap3A_331 {strides = array<i32>} : memref<16x1024xf32, #tpu.memory_space<vmem>>, vector<1x16xf32>,
        %get3A_332 = arith.index_cast %scan3A_76 : i32 to index
        %get3A_333 = arith.constant 240 : index
        %get3A_334 = tpu.vector_load %arg14[%get3A_332, %get3A_333] {strides = array<i32>} : memref<16x1024xf32, #tpu.memory_space<vmem>>, vector<1x16xf32>,
        %get3A_335 = vector.shape_cast %get3A_334 : vector<1x16xf32> to vector<16xf32>
        %mul3A_336 = arith.mulf %gather3A_84, %get3A_335 : vector<16xf32>
        %get3A_337 = arith.index_cast %scan3A_76 : i32 to index
        %get3A_338 = arith.constant 240 : index
        %get3A_339 = tpu.vector_load %arg15[%get3A_337, %get3A_338] {strides = array<i32>} : memref<16x1024xf32, #tpu.memory_space<vmem>>, vector<1x16xf32>,
        %get3A_340 = vector.shape_cast %get3A_339 : vector<1x16xf32> to vector<16xf32>
        %mul3A_341 = arith.mulf %gather3A_92, %get3A_340 : vector<16xf32>
        %add3A_342 = arith.addf %mul3A_336, %mul3A_341 : vector<16xf32>
        %swap3A_343 = arith.index_cast %scan3A_76 : i32 to index
        %swap3A_344 = arith.constant 240 : index
        %swap3A_345 = tpu.vector_load %arg16[%swap3A_343, %swap3A_344] {strides = array<i32>} : memref<16x1024xf32, #tpu.memory_space<vmem>>, vector<1x16xf32>,
        %swap3A_346 = vector.shape_cast %swap3A_345 : vector<1x16xf32> to vector<16xf32>
        %swap3A_347 = vector.shape_cast %add3A_342 : vector<16xf32> to vector<1x16xf32>
        tpu.vector_store %arg16[%swap3A_343, %swap3A_344], %swap3A_347 {strides = array<i32>} : memref<16x1024xf32, #tpu.memory_space<vmem>>, vector<1x16xf32>,
        %get3A_348 = arith.index_cast %scan3A_76 : i32 to index
        %get3A_349 = arith.constant 256 : index
        %get3A_350 = tpu.vector_load %arg14[%get3A_348, %get3A_349] {strides = array<i32>} : memref<16x1024xf32, #tpu.memory_space<vmem>>, vector<1x16xf32>,
        %get3A_351 = vector.shape_cast %get3A_350 : vector<1x16xf32> to vector<16xf32>
        %mul3A_352 = arith.mulf %gather3A_84, %get3A_351 : vector<16xf32>
        %get3A_353 = arith.index_cast %scan3A_76 : i32 to index
        %get3A_354 = arith.constant 256 : index
        %get3A_355 = tpu.vector_load %arg15[%get3A_353, %get3A_354] {strides = array<i32>} : memref<16x1024xf32, #tpu.memory_space<vmem>>, vector<1x16xf32>,
        %get3A_356 = vector.shape_cast %get3A_355 : vector<1x16xf32> to vector<16xf32>
        %mul3A_357 = arith.mulf %gather3A_92, %get3A_356 : vector<16xf32>
        %add3A_358 = arith.addf %mul3A_352, %mul3A_357 : vector<16xf32>
        %swap3A_359 = arith.index_cast %scan3A_76 : i32 to index
        %swap3A_360 = arith.constant 256 : index
        %swap3A_361 = tpu.vector_load %arg16[%swap3A_359, %swap3A_360] {strides = array<i32>} : memref<16x1024xf32, #tpu.memory_space<vmem>>, vector<1x16xf32>,
        %swap3A_362 = vector.shape_cast %swap3A_361 : vector<1x16xf32> to vector<16xf32>
        %swap3A_363 = vector.shape_cast %add3A_358 : vector<16xf32> to vector<1x16xf32>
        tpu.vector_store %arg16[%swap3A_359, %swap3A_360], %swap3A_363 {strides = array<i32>} : memref<16x1024xf32, #tpu.memory_space<vmem>>, vector<1x16xf32>,
        %get3A_364 = arith.index_cast %scan3A_76 : i32 to index
        %get3A_365 = arith.constant 272 : index
        %get3A_366 = tpu.vector_load %arg14[%get3A_364, %get3A_365] {strides = array<i32>} : memref<16x1024xf32, #tpu.memory_space<vmem>>, vector<1x16xf32>,
        %get3A_367 = vector.shape_cast %get3A_366 : vector<1x16xf32> to vector<16xf32>
        %mul3A_368 = arith.mulf %gather3A_84, %get3A_367 : vector<16xf32>
        %get3A_369 = arith.index_cast %scan3A_76 : i32 to index
        %get3A_370 = arith.constant 272 : index
        %get3A_371 = tpu.vector_load %arg15[%get3A_369, %get3A_370] {strides = array<i32>} : memref<16x1024xf32, #tpu.memory_space<vmem>>, vector<1x16xf32>,
        %get3A_372 = vector.shape_cast %get3A_371 : vector<1x16xf32> to vector<16xf32>
        %mul3A_373 = arith.mulf %gather3A_92, %get3A_372 : vector<16xf32>
        %add3A_374 = arith.addf %mul3A_368, %mul3A_373 : vector<16xf32>
        %swap3A_375 = arith.index_cast %scan3A_76 : i32 to index
        %swap3A_376 = arith.constant 272 : index
        %swap3A_377 = tpu.vector_load %arg16[%swap3A_375, %swap3A_376] {strides = array<i32>} : memref<16x1024xf32, #tpu.memory_space<vmem>>, vector<1x16xf32>,
        %swap3A_378 = vector.shape_cast %swap3A_377 : vector<1x16xf32> to vector<16xf32>
        %swap3A_379 = vector.shape_cast %add3A_374 : vector<16xf32> to vector<1x16xf32>
        tpu.vector_store %arg16[%swap3A_375, %swap3A_376], %swap3A_379 {strides = array<i32>} : memref<16x1024xf32, #tpu.memory_space<vmem>>, vector<1x16xf32>,
        %get3A_380 = arith.index_cast %scan3A_76 : i32 to index
        %get3A_381 = arith.constant 288 : index
        %get3A_382 = tpu.vector_load %arg14[%get3A_380, %get3A_381] {strides = array<i32>} : memref<16x1024xf32, #tpu.memory_space<vmem>>, vector<1x16xf32>,
        %get3A_383 = vector.shape_cast %get3A_382 : vector<1x16xf32> to vector<16xf32>
        %mul3A_384 = arith.mulf %gather3A_84, %get3A_383 : vector<16xf32>
        %get3A_385 = arith.index_cast %scan3A_76 : i32 to index
        %get3A_386 = arith.constant 288 : index
        %get3A_387 = tpu.vector_load %arg15[%get3A_385, %get3A_386] {strides = array<i32>} : memref<16x1024xf32, #tpu.memory_space<vmem>>, vector<1x16xf32>,
        %get3A_388 = vector.shape_cast %get3A_387 : vector<1x16xf32> to vector<16xf32>
        %mul3A_389 = arith.mulf %gather3A_92, %get3A_388 : vector<16xf32>
        %add3A_390 = arith.addf %mul3A_384, %mul3A_389 : vector<16xf32>
        %swap3A_391 = arith.index_cast %scan3A_76 : i32 to index
        %swap3A_392 = arith.constant 288 : index
        %swap3A_393 = tpu.vector_load %arg16[%swap3A_391, %swap3A_392] {strides = array<i32>} : memref<16x1024xf32, #tpu.memory_space<vmem>>, vector<1x16xf32>,
        %swap3A_394 = vector.shape_cast %swap3A_393 : vector<1x16xf32> to vector<16xf32>
        %swap3A_395 = vector.shape_cast %add3A_390 : vector<16xf32> to vector<1x16xf32>
        tpu.vector_store %arg16[%swap3A_391, %swap3A_392], %swap3A_395 {strides = array<i32>} : memref<16x1024xf32, #tpu.memory_space<vmem>>, vector<1x16xf32>,
        %get3A_396 = arith.index_cast %scan3A_76 : i32 to index
        %get3A_397 = arith.constant 304 : index
        %get3A_398 = tpu.vector_load %arg14[%get3A_396, %get3A_397] {strides = array<i32>} : memref<16x1024xf32, #tpu.memory_space<vmem>>, vector<1x16xf32>,
        %get3A_399 = vector.shape_cast %get3A_398 : vector<1x16xf32> to vector<16xf32>
        %mul3A_400 = arith.mulf %gather3A_84, %get3A_399 : vector<16xf32>
        %get3A_401 = arith.index_cast %scan3A_76 : i32 to index
        %get3A_402 = arith.constant 304 : index
        %get3A_403 = tpu.vector_load %arg15[%get3A_401, %get3A_402] {strides = array<i32>} : memref<16x1024xf32, #tpu.memory_space<vmem>>, vector<1x16xf32>,
        %get3A_404 = vector.shape_cast %get3A_403 : vector<1x16xf32> to vector<16xf32>
        %mul3A_405 = arith.mulf %gather3A_92, %get3A_404 : vector<16xf32>
        %add3A_406 = arith.addf %mul3A_400, %mul3A_405 : vector<16xf32>
        %swap3A_407 = arith.index_cast %scan3A_76 : i32 to index
        %swap3A_408 = arith.constant 304 : index
        %swap3A_409 = tpu.vector_load %arg16[%swap3A_407, %swap3A_408] {strides = array<i32>} : memref<16x1024xf32, #tpu.memory_space<vmem>>, vector<1x16xf32>,
        %swap3A_410 = vector.shape_cast %swap3A_409 : vector<1x16xf32> to vector<16xf32>
        %swap3A_411 = vector.shape_cast %add3A_406 : vector<16xf32> to vector<1x16xf32>
        tpu.vector_store %arg16[%swap3A_407, %swap3A_408], %swap3A_411 {strides = array<i32>} : memref<16x1024xf32, #tpu.memory_space<vmem>>, vector<1x16xf32>,
        %get3A_412 = arith.index_cast %scan3A_76 : i32 to index
        %get3A_413 = arith.constant 320 : index
        %get3A_414 = tpu.vector_load %arg14[%get3A_412, %get3A_413] {strides = array<i32>} : memref<16x1024xf32, #tpu.memory_space<vmem>>, vector<1x16xf32>,
        %get3A_415 = vector.shape_cast %get3A_414 : vector<1x16xf32> to vector<16xf32>
        %mul3A_416 = arith.mulf %gather3A_84, %get3A_415 : vector<16xf32>
        %get3A_417 = arith.index_cast %scan3A_76 : i32 to index
        %get3A_418 = arith.constant 320 : index
        %get3A_419 = tpu.vector_load %arg15[%get3A_417, %get3A_418] {strides = array<i32>} : memref<16x1024xf32, #tpu.memory_space<vmem>>, vector<1x16xf32>,
        %get3A_420 = vector.shape_cast %get3A_419 : vector<1x16xf32> to vector<16xf32>
        %mul3A_421 = arith.mulf %gather3A_92, %get3A_420 : vector<16xf32>
        %add3A_422 = arith.addf %mul3A_416, %mul3A_421 : vector<16xf32>
        %swap3A_423 = arith.index_cast %scan3A_76 : i32 to index
        %swap3A_424 = arith.constant 320 : index
        %swap3A_425 = tpu.vector_load %arg16[%swap3A_423, %swap3A_424] {strides = array<i32>} : memref<16x1024xf32, #tpu.memory_space<vmem>>, vector<1x16xf32>,
        %swap3A_426 = vector.shape_cast %swap3A_425 : vector<1x16xf32> to vector<16xf32>
        %swap3A_427 = vector.shape_cast %add3A_422 : vector<16xf32> to vector<1x16xf32>
        tpu.vector_store %arg16[%swap3A_423, %swap3A_424], %swap3A_427 {strides = array<i32>} : memref<16x1024xf32, #tpu.memory_space<vmem>>, vector<1x16xf32>,
        %get3A_428 = arith.index_cast %scan3A_76 : i32 to index
        %get3A_429 = arith.constant 336 : index
        %get3A_430 = tpu.vector_load %arg14[%get3A_428, %get3A_429] {strides = array<i32>} : memref<16x1024xf32, #tpu.memory_space<vmem>>, vector<1x16xf32>,
        %get3A_431 = vector.shape_cast %get3A_430 : vector<1x16xf32> to vector<16xf32>
        %mul3A_432 = arith.mulf %gather3A_84, %get3A_431 : vector<16xf32>
        %get3A_433 = arith.index_cast %scan3A_76 : i32 to index
        %get3A_434 = arith.constant 336 : index
        %get3A_435 = tpu.vector_load %arg15[%get3A_433, %get3A_434] {strides = array<i32>} : memref<16x1024xf32, #tpu.memory_space<vmem>>, vector<1x16xf32>,
        %get3A_436 = vector.shape_cast %get3A_435 : vector<1x16xf32> to vector<16xf32>
        %mul3A_437 = arith.mulf %gather3A_92, %get3A_436 : vector<16xf32>
        %add3A_438 = arith.addf %mul3A_432, %mul3A_437 : vector<16xf32>
        %swap3A_439 = arith.index_cast %scan3A_76 : i32 to index
        %swap3A_440 = arith.constant 336 : index
        %swap3A_441 = tpu.vector_load %arg16[%swap3A_439, %swap3A_440] {strides = array<i32>} : memref<16x1024xf32, #tpu.memory_space<vmem>>, vector<1x16xf32>,
        %swap3A_442 = vector.shape_cast %swap3A_441 : vector<1x16xf32> to vector<16xf32>
        %swap3A_443 = vector.shape_cast %add3A_438 : vector<16xf32> to vector<1x16xf32>
        tpu.vector_store %arg16[%swap3A_439, %swap3A_440], %swap3A_443 {strides = array<i32>} : memref<16x1024xf32, #tpu.memory_space<vmem>>, vector<1x16xf32>,
        %get3A_444 = arith.index_cast %scan3A_76 : i32 to index
        %get3A_445 = arith.constant 352 : index
        %get3A_446 = tpu.vector_load %arg14[%get3A_444, %get3A_445] {strides = array<i32>} : memref<16x1024xf32, #tpu.memory_space<vmem>>, vector<1x16xf32>,
        %get3A_447 = vector.shape_cast %get3A_446 : vector<1x16xf32> to vector<16xf32>
        %mul3A_448 = arith.mulf %gather3A_84, %get3A_447 : vector<16xf32>
        %get3A_449 = arith.index_cast %scan3A_76 : i32 to index
        %get3A_450 = arith.constant 352 : index
        %get3A_451 = tpu.vector_load %arg15[%get3A_449, %get3A_450] {strides = array<i32>} : memref<16x1024xf32, #tpu.memory_space<vmem>>, vector<1x16xf32>,
        %get3A_452 = vector.shape_cast %get3A_451 : vector<1x16xf32> to vector<16xf32>
        %mul3A_453 = arith.mulf %gather3A_92, %get3A_452 : vector<16xf32>
        %add3A_454 = arith.addf %mul3A_448, %mul3A_453 : vector<16xf32>
        %swap3A_455 = arith.index_cast %scan3A_76 : i32 to index
        %swap3A_456 = arith.constant 352 : index
        %swap3A_457 = tpu.vector_load %arg16[%swap3A_455, %swap3A_456] {strides = array<i32>} : memref<16x1024xf32, #tpu.memory_space<vmem>>, vector<1x16xf32>,
        %swap3A_458 = vector.shape_cast %swap3A_457 : vector<1x16xf32> to vector<16xf32>
        %swap3A_459 = vector.shape_cast %add3A_454 : vector<16xf32> to vector<1x16xf32>
        tpu.vector_store %arg16[%swap3A_455, %swap3A_456], %swap3A_459 {strides = array<i32>} : memref<16x1024xf32, #tpu.memory_space<vmem>>, vector<1x16xf32>,
        %get3A_460 = arith.index_cast %scan3A_76 : i32 to index
        %get3A_461 = arith.constant 368 : index
        %get3A_462 = tpu.vector_load %arg14[%get3A_460, %get3A_461] {strides = array<i32>} : memref<16x1024xf32, #tpu.memory_space<vmem>>, vector<1x16xf32>,
        %get3A_463 = vector.shape_cast %get3A_462 : vector<1x16xf32> to vector<16xf32>
        %mul3A_464 = arith.mulf %gather3A_84, %get3A_463 : vector<16xf32>
        %get3A_465 = arith.index_cast %scan3A_76 : i32 to index
        %get3A_466 = arith.constant 368 : index
        %get3A_467 = tpu.vector_load %arg15[%get3A_465, %get3A_466] {strides = array<i32>} : memref<16x1024xf32, #tpu.memory_space<vmem>>, vector<1x16xf32>,
        %get3A_468 = vector.shape_cast %get3A_467 : vector<1x16xf32> to vector<16xf32>
        %mul3A_469 = arith.mulf %gather3A_92, %get3A_468 : vector<16xf32>
        %add3A_470 = arith.addf %mul3A_464, %mul3A_469 : vector<16xf32>
        %swap3A_471 = arith.index_cast %scan3A_76 : i32 to index
        %swap3A_472 = arith.constant 368 : index
        %swap3A_473 = tpu.vector_load %arg16[%swap3A_471, %swap3A_472] {strides = array<i32>} : memref<16x1024xf32, #tpu.memory_space<vmem>>, vector<1x16xf32>,
        %swap3A_474 = vector.shape_cast %swap3A_473 : vector<1x16xf32> to vector<16xf32>
        %swap3A_475 = vector.shape_cast %add3A_470 : vector<16xf32> to vector<1x16xf32>
        tpu.vector_store %arg16[%swap3A_471, %swap3A_472], %swap3A_475 {strides = array<i32>} : memref<16x1024xf32, #tpu.memory_space<vmem>>, vector<1x16xf32>,
        %get3A_476 = arith.index_cast %scan3A_76 : i32 to index
        %get3A_477 = arith.constant 384 : index
        %get3A_478 = tpu.vector_load %arg14[%get3A_476, %get3A_477] {strides = array<i32>} : memref<16x1024xf32, #tpu.memory_space<vmem>>, vector<1x16xf32>,
        %get3A_479 = vector.shape_cast %get3A_478 : vector<1x16xf32> to vector<16xf32>
        %mul3A_480 = arith.mulf %gather3A_84, %get3A_479 : vector<16xf32>
        %get3A_481 = arith.index_cast %scan3A_76 : i32 to index
        %get3A_482 = arith.constant 384 : index
        %get3A_483 = tpu.vector_load %arg15[%get3A_481, %get3A_482] {strides = array<i32>} : memref<16x1024xf32, #tpu.memory_space<vmem>>, vector<1x16xf32>,
        %get3A_484 = vector.shape_cast %get3A_483 : vector<1x16xf32> to vector<16xf32>
        %mul3A_485 = arith.mulf %gather3A_92, %get3A_484 : vector<16xf32>
        %add3A_486 = arith.addf %mul3A_480, %mul3A_485 : vector<16xf32>
        %swap3A_487 = arith.index_cast %scan3A_76 : i32 to index
        %swap3A_488 = arith.constant 384 : index
        %swap3A_489 = tpu.vector_load %arg16[%swap3A_487, %swap3A_488] {strides = array<i32>} : memref<16x1024xf32, #tpu.memory_space<vmem>>, vector<1x16xf32>,
        %swap3A_490 = vector.shape_cast %swap3A_489 : vector<1x16xf32> to vector<16xf32>
        %swap3A_491 = vector.shape_cast %add3A_486 : vector<16xf32> to vector<1x16xf32>
        tpu.vector_store %arg16[%swap3A_487, %swap3A_488], %swap3A_491 {strides = array<i32>} : memref<16x1024xf32, #tpu.memory_space<vmem>>, vector<1x16xf32>,
        %get3A_492 = arith.index_cast %scan3A_76 : i32 to index
        %get3A_493 = arith.constant 400 : index
        %get3A_494 = tpu.vector_load %arg14[%get3A_492, %get3A_493] {strides = array<i32>} : memref<16x1024xf32, #tpu.memory_space<vmem>>, vector<1x16xf32>,
        %get3A_495 = vector.shape_cast %get3A_494 : vector<1x16xf32> to vector<16xf32>
        %mul3A_496 = arith.mulf %gather3A_84, %get3A_495 : vector<16xf32>
        %get3A_497 = arith.index_cast %scan3A_76 : i32 to index
        %get3A_498 = arith.constant 400 : index
        %get3A_499 = tpu.vector_load %arg15[%get3A_497, %get3A_498] {strides = array<i32>} : memref<16x1024xf32, #tpu.memory_space<vmem>>, vector<1x16xf32>,
        %get3A_500 = vector.shape_cast %get3A_499 : vector<1x16xf32> to vector<16xf32>
        %mul3A_501 = arith.mulf %gather3A_92, %get3A_500 : vector<16xf32>
        %add3A_502 = arith.addf %mul3A_496, %mul3A_501 : vector<16xf32>
        %swap3A_503 = arith.index_cast %scan3A_76 : i32 to index
        %swap3A_504 = arith.constant 400 : index
        %swap3A_505 = tpu.vector_load %arg16[%swap3A_503, %swap3A_504] {strides = array<i32>} : memref<16x1024xf32, #tpu.memory_space<vmem>>, vector<1x16xf32>,
        %swap3A_506 = vector.shape_cast %swap3A_505 : vector<1x16xf32> to vector<16xf32>
        %swap3A_507 = vector.shape_cast %add3A_502 : vector<16xf32> to vector<1x16xf32>
        tpu.vector_store %arg16[%swap3A_503, %swap3A_504], %swap3A_507 {strides = array<i32>} : memref<16x1024xf32, #tpu.memory_space<vmem>>, vector<1x16xf32>,
        %get3A_508 = arith.index_cast %scan3A_76 : i32 to index
        %get3A_509 = arith.constant 416 : index
        %get3A_510 = tpu.vector_load %arg14[%get3A_508, %get3A_509] {strides = array<i32>} : memref<16x1024xf32, #tpu.memory_space<vmem>>, vector<1x16xf32>,
        %get3A_511 = vector.shape_cast %get3A_510 : vector<1x16xf32> to vector<16xf32>
        %mul3A_512 = arith.mulf %gather3A_84, %get3A_511 : vector<16xf32>
        %get3A_513 = arith.index_cast %scan3A_76 : i32 to index
        %get3A_514 = arith.constant 416 : index
        %get3A_515 = tpu.vector_load %arg15[%get3A_513, %get3A_514] {strides = array<i32>} : memref<16x1024xf32, #tpu.memory_space<vmem>>, vector<1x16xf32>,
        %get3A_516 = vector.shape_cast %get3A_515 : vector<1x16xf32> to vector<16xf32>
        %mul3A_517 = arith.mulf %gather3A_92, %get3A_516 : vector<16xf32>
        %add3A_518 = arith.addf %mul3A_512, %mul3A_517 : vector<16xf32>
        %swap3A_519 = arith.index_cast %scan3A_76 : i32 to index
        %swap3A_520 = arith.constant 416 : index
        %swap3A_521 = tpu.vector_load %arg16[%swap3A_519, %swap3A_520] {strides = array<i32>} : memref<16x1024xf32, #tpu.memory_space<vmem>>, vector<1x16xf32>,
        %swap3A_522 = vector.shape_cast %swap3A_521 : vector<1x16xf32> to vector<16xf32>
        %swap3A_523 = vector.shape_cast %add3A_518 : vector<16xf32> to vector<1x16xf32>
        tpu.vector_store %arg16[%swap3A_519, %swap3A_520], %swap3A_523 {strides = array<i32>} : memref<16x1024xf32, #tpu.memory_space<vmem>>, vector<1x16xf32>,
        %get3A_524 = arith.index_cast %scan3A_76 : i32 to index
        %get3A_525 = arith.constant 432 : index
        %get3A_526 = tpu.vector_load %arg14[%get3A_524, %get3A_525] {strides = array<i32>} : memref<16x1024xf32, #tpu.memory_space<vmem>>, vector<1x16xf32>,
        %get3A_527 = vector.shape_cast %get3A_526 : vector<1x16xf32> to vector<16xf32>
        %mul3A_528 = arith.mulf %gather3A_84, %get3A_527 : vector<16xf32>
        %get3A_529 = arith.index_cast %scan3A_76 : i32 to index
        %get3A_530 = arith.constant 432 : index
        %get3A_531 = tpu.vector_load %arg15[%get3A_529, %get3A_530] {strides = array<i32>} : memref<16x1024xf32, #tpu.memory_space<vmem>>, vector<1x16xf32>,
        %get3A_532 = vector.shape_cast %get3A_531 : vector<1x16xf32> to vector<16xf32>
        %mul3A_533 = arith.mulf %gather3A_92, %get3A_532 : vector<16xf32>
        %add3A_534 = arith.addf %mul3A_528, %mul3A_533 : vector<16xf32>
        %swap3A_535 = arith.index_cast %scan3A_76 : i32 to index
        %swap3A_536 = arith.constant 432 : index
        %swap3A_537 = tpu.vector_load %arg16[%swap3A_535, %swap3A_536] {strides = array<i32>} : memref<16x1024xf32, #tpu.memory_space<vmem>>, vector<1x16xf32>,
        %swap3A_538 = vector.shape_cast %swap3A_537 : vector<1x16xf32> to vector<16xf32>
        %swap3A_539 = vector.shape_cast %add3A_534 : vector<16xf32> to vector<1x16xf32>
        tpu.vector_store %arg16[%swap3A_535, %swap3A_536], %swap3A_539 {strides = array<i32>} : memref<16x1024xf32, #tpu.memory_space<vmem>>, vector<1x16xf32>,
        %get3A_540 = arith.index_cast %scan3A_76 : i32 to index
        %get3A_541 = arith.constant 448 : index
        %get3A_542 = tpu.vector_load %arg14[%get3A_540, %get3A_541] {strides = array<i32>} : memref<16x1024xf32, #tpu.memory_space<vmem>>, vector<1x16xf32>,
        %get3A_543 = vector.shape_cast %get3A_542 : vector<1x16xf32> to vector<16xf32>
        %mul3A_544 = arith.mulf %gather3A_84, %get3A_543 : vector<16xf32>
        %get3A_545 = arith.index_cast %scan3A_76 : i32 to index
        %get3A_546 = arith.constant 448 : index
        %get3A_547 = tpu.vector_load %arg15[%get3A_545, %get3A_546] {strides = array<i32>} : memref<16x1024xf32, #tpu.memory_space<vmem>>, vector<1x16xf32>,
        %get3A_548 = vector.shape_cast %get3A_547 : vector<1x16xf32> to vector<16xf32>
        %mul3A_549 = arith.mulf %gather3A_92, %get3A_548 : vector<16xf32>
        %add3A_550 = arith.addf %mul3A_544, %mul3A_549 : vector<16xf32>
        %swap3A_551 = arith.index_cast %scan3A_76 : i32 to index
        %swap3A_552 = arith.constant 448 : index
        %swap3A_553 = tpu.vector_load %arg16[%swap3A_551, %swap3A_552] {strides = array<i32>} : memref<16x1024xf32, #tpu.memory_space<vmem>>, vector<1x16xf32>,
        %swap3A_554 = vector.shape_cast %swap3A_553 : vector<1x16xf32> to vector<16xf32>
        %swap3A_555 = vector.shape_cast %add3A_550 : vector<16xf32> to vector<1x16xf32>
        tpu.vector_store %arg16[%swap3A_551, %swap3A_552], %swap3A_555 {strides = array<i32>} : memref<16x1024xf32, #tpu.memory_space<vmem>>, vector<1x16xf32>,
        %get3A_556 = arith.index_cast %scan3A_76 : i32 to index
        %get3A_557 = arith.constant 464 : index
        %get3A_558 = tpu.vector_load %arg14[%get3A_556, %get3A_557] {strides = array<i32>} : memref<16x1024xf32, #tpu.memory_space<vmem>>, vector<1x16xf32>,
        %get3A_559 = vector.shape_cast %get3A_558 : vector<1x16xf32> to vector<16xf32>
        %mul3A_560 = arith.mulf %gather3A_84, %get3A_559 : vector<16xf32>
        %get3A_561 = arith.index_cast %scan3A_76 : i32 to index
        %get3A_562 = arith.constant 464 : index
        %get3A_563 = tpu.vector_load %arg15[%get3A_561, %get3A_562] {strides = array<i32>} : memref<16x1024xf32, #tpu.memory_space<vmem>>, vector<1x16xf32>,
        %get3A_564 = vector.shape_cast %get3A_563 : vector<1x16xf32> to vector<16xf32>
        %mul3A_565 = arith.mulf %gather3A_92, %get3A_564 : vector<16xf32>
        %add3A_566 = arith.addf %mul3A_560, %mul3A_565 : vector<16xf32>
        %swap3A_567 = arith.index_cast %scan3A_76 : i32 to index
        %swap3A_568 = arith.constant 464 : index
        %swap3A_569 = tpu.vector_load %arg16[%swap3A_567, %swap3A_568] {strides = array<i32>} : memref<16x1024xf32, #tpu.memory_space<vmem>>, vector<1x16xf32>,
        %swap3A_570 = vector.shape_cast %swap3A_569 : vector<1x16xf32> to vector<16xf32>
        %swap3A_571 = vector.shape_cast %add3A_566 : vector<16xf32> to vector<1x16xf32>
        tpu.vector_store %arg16[%swap3A_567, %swap3A_568], %swap3A_571 {strides = array<i32>} : memref<16x1024xf32, #tpu.memory_space<vmem>>, vector<1x16xf32>,
        %get3A_572 = arith.index_cast %scan3A_76 : i32 to index
        %get3A_573 = arith.constant 480 : index
        %get3A_574 = tpu.vector_load %arg14[%get3A_572, %get3A_573] {strides = array<i32>} : memref<16x1024xf32, #tpu.memory_space<vmem>>, vector<1x16xf32>,
        %get3A_575 = vector.shape_cast %get3A_574 : vector<1x16xf32> to vector<16xf32>
        %mul3A_576 = arith.mulf %gather3A_84, %get3A_575 : vector<16xf32>
        %get3A_577 = arith.index_cast %scan3A_76 : i32 to index
        %get3A_578 = arith.constant 480 : index
        %get3A_579 = tpu.vector_load %arg15[%get3A_577, %get3A_578] {strides = array<i32>} : memref<16x1024xf32, #tpu.memory_space<vmem>>, vector<1x16xf32>,
        %get3A_580 = vector.shape_cast %get3A_579 : vector<1x16xf32> to vector<16xf32>
        %mul3A_581 = arith.mulf %gather3A_92, %get3A_580 : vector<16xf32>
        %add3A_582 = arith.addf %mul3A_576, %mul3A_581 : vector<16xf32>
        %swap3A_583 = arith.index_cast %scan3A_76 : i32 to index
        %swap3A_584 = arith.constant 480 : index
        %swap3A_585 = tpu.vector_load %arg16[%swap3A_583, %swap3A_584] {strides = array<i32>} : memref<16x1024xf32, #tpu.memory_space<vmem>>, vector<1x16xf32>,
        %swap3A_586 = vector.shape_cast %swap3A_585 : vector<1x16xf32> to vector<16xf32>
        %swap3A_587 = vector.shape_cast %add3A_582 : vector<16xf32> to vector<1x16xf32>
        tpu.vector_store %arg16[%swap3A_583, %swap3A_584], %swap3A_587 {strides = array<i32>} : memref<16x1024xf32, #tpu.memory_space<vmem>>, vector<1x16xf32>,
        %get3A_588 = arith.index_cast %scan3A_76 : i32 to index
        %get3A_589 = arith.constant 496 : index
        %get3A_590 = tpu.vector_load %arg14[%get3A_588, %get3A_589] {strides = array<i32>} : memref<16x1024xf32, #tpu.memory_space<vmem>>, vector<1x16xf32>,
        %get3A_591 = vector.shape_cast %get3A_590 : vector<1x16xf32> to vector<16xf32>
        %mul3A_592 = arith.mulf %gather3A_84, %get3A_591 : vector<16xf32>
        %get3A_593 = arith.index_cast %scan3A_76 : i32 to index
        %get3A_594 = arith.constant 496 : index
        %get3A_595 = tpu.vector_load %arg15[%get3A_593, %get3A_594] {strides = array<i32>} : memref<16x1024xf32, #tpu.memory_space<vmem>>, vector<1x16xf32>,
        %get3A_596 = vector.shape_cast %get3A_595 : vector<1x16xf32> to vector<16xf32>
        %mul3A_597 = arith.mulf %gather3A_92, %get3A_596 : vector<16xf32>
        %add3A_598 = arith.addf %mul3A_592, %mul3A_597 : vector<16xf32>
        %swap3A_599 = arith.index_cast %scan3A_76 : i32 to index
        %swap3A_600 = arith.constant 496 : index
        %swap3A_601 = tpu.vector_load %arg16[%swap3A_599, %swap3A_600] {strides = array<i32>} : memref<16x1024xf32, #tpu.memory_space<vmem>>, vector<1x16xf32>,
        %swap3A_602 = vector.shape_cast %swap3A_601 : vector<1x16xf32> to vector<16xf32>
        %swap3A_603 = vector.shape_cast %add3A_598 : vector<16xf32> to vector<1x16xf32>
        tpu.vector_store %arg16[%swap3A_599, %swap3A_600], %swap3A_603 {strides = array<i32>} : memref<16x1024xf32, #tpu.memory_space<vmem>>, vector<1x16xf32>,
        %get3A_604 = arith.index_cast %scan3A_76 : i32 to index
        %get3A_605 = arith.constant 512 : index
        %get3A_606 = tpu.vector_load %arg14[%get3A_604, %get3A_605] {strides = array<i32>} : memref<16x1024xf32, #tpu.memory_space<vmem>>, vector<1x16xf32>,
        %get3A_607 = vector.shape_cast %get3A_606 : vector<1x16xf32> to vector<16xf32>
        %mul3A_608 = arith.mulf %gather3A_84, %get3A_607 : vector<16xf32>
        %get3A_609 = arith.index_cast %scan3A_76 : i32 to index
        %get3A_610 = arith.constant 512 : index
        %get3A_611 = tpu.vector_load %arg15[%get3A_609, %get3A_610] {strides = array<i32>} : memref<16x1024xf32, #tpu.memory_space<vmem>>, vector<1x16xf32>,
        %get3A_612 = vector.shape_cast %get3A_611 : vector<1x16xf32> to vector<16xf32>
        %mul3A_613 = arith.mulf %gather3A_92, %get3A_612 : vector<16xf32>
        %add3A_614 = arith.addf %mul3A_608, %mul3A_613 : vector<16xf32>
        %swap3A_615 = arith.index_cast %scan3A_76 : i32 to index
        %swap3A_616 = arith.constant 512 : index
        %swap3A_617 = tpu.vector_load %arg16[%swap3A_615, %swap3A_616] {strides = array<i32>} : memref<16x1024xf32, #tpu.memory_space<vmem>>, vector<1x16xf32>,
        %swap3A_618 = vector.shape_cast %swap3A_617 : vector<1x16xf32> to vector<16xf32>
        %swap3A_619 = vector.shape_cast %add3A_614 : vector<16xf32> to vector<1x16xf32>
        tpu.vector_store %arg16[%swap3A_615, %swap3A_616], %swap3A_619 {strides = array<i32>} : memref<16x1024xf32, #tpu.memory_space<vmem>>, vector<1x16xf32>,
        %get3A_620 = arith.index_cast %scan3A_76 : i32 to index
        %get3A_621 = arith.constant 528 : index
        %get3A_622 = tpu.vector_load %arg14[%get3A_620, %get3A_621] {strides = array<i32>} : memref<16x1024xf32, #tpu.memory_space<vmem>>, vector<1x16xf32>,
        %get3A_623 = vector.shape_cast %get3A_622 : vector<1x16xf32> to vector<16xf32>
        %mul3A_624 = arith.mulf %gather3A_84, %get3A_623 : vector<16xf32>
        %get3A_625 = arith.index_cast %scan3A_76 : i32 to index
        %get3A_626 = arith.constant 528 : index
        %get3A_627 = tpu.vector_load %arg15[%get3A_625, %get3A_626] {strides = array<i32>} : memref<16x1024xf32, #tpu.memory_space<vmem>>, vector<1x16xf32>,
        %get3A_628 = vector.shape_cast %get3A_627 : vector<1x16xf32> to vector<16xf32>
        %mul3A_629 = arith.mulf %gather3A_92, %get3A_628 : vector<16xf32>
        %add3A_630 = arith.addf %mul3A_624, %mul3A_629 : vector<16xf32>
        %swap3A_631 = arith.index_cast %scan3A_76 : i32 to index
        %swap3A_632 = arith.constant 528 : index
        %swap3A_633 = tpu.vector_load %arg16[%swap3A_631, %swap3A_632] {strides = array<i32>} : memref<16x1024xf32, #tpu.memory_space<vmem>>, vector<1x16xf32>,
        %swap3A_634 = vector.shape_cast %swap3A_633 : vector<1x16xf32> to vector<16xf32>
        %swap3A_635 = vector.shape_cast %add3A_630 : vector<16xf32> to vector<1x16xf32>
        tpu.vector_store %arg16[%swap3A_631, %swap3A_632], %swap3A_635 {strides = array<i32>} : memref<16x1024xf32, #tpu.memory_space<vmem>>, vector<1x16xf32>,
        %get3A_636 = arith.index_cast %scan3A_76 : i32 to index
        %get3A_637 = arith.constant 544 : index
        %get3A_638 = tpu.vector_load %arg14[%get3A_636, %get3A_637] {strides = array<i32>} : memref<16x1024xf32, #tpu.memory_space<vmem>>, vector<1x16xf32>,
        %get3A_639 = vector.shape_cast %get3A_638 : vector<1x16xf32> to vector<16xf32>
        %mul3A_640 = arith.mulf %gather3A_84, %get3A_639 : vector<16xf32>
        %get3A_641 = arith.index_cast %scan3A_76 : i32 to index
        %get3A_642 = arith.constant 544 : index
        %get3A_643 = tpu.vector_load %arg15[%get3A_641, %get3A_642] {strides = array<i32>} : memref<16x1024xf32, #tpu.memory_space<vmem>>, vector<1x16xf32>,
        %get3A_644 = vector.shape_cast %get3A_643 : vector<1x16xf32> to vector<16xf32>
        %mul3A_645 = arith.mulf %gather3A_92, %get3A_644 : vector<16xf32>
        %add3A_646 = arith.addf %mul3A_640, %mul3A_645 : vector<16xf32>
        %swap3A_647 = arith.index_cast %scan3A_76 : i32 to index
        %swap3A_648 = arith.constant 544 : index
        %swap3A_649 = tpu.vector_load %arg16[%swap3A_647, %swap3A_648] {strides = array<i32>} : memref<16x1024xf32, #tpu.memory_space<vmem>>, vector<1x16xf32>,
        %swap3A_650 = vector.shape_cast %swap3A_649 : vector<1x16xf32> to vector<16xf32>
        %swap3A_651 = vector.shape_cast %add3A_646 : vector<16xf32> to vector<1x16xf32>
        tpu.vector_store %arg16[%swap3A_647, %swap3A_648], %swap3A_651 {strides = array<i32>} : memref<16x1024xf32, #tpu.memory_space<vmem>>, vector<1x16xf32>,
        %get3A_652 = arith.index_cast %scan3A_76 : i32 to index
        %get3A_653 = arith.constant 560 : index
        %get3A_654 = tpu.vector_load %arg14[%get3A_652, %get3A_653] {strides = array<i32>} : memref<16x1024xf32, #tpu.memory_space<vmem>>, vector<1x16xf32>,
        %get3A_655 = vector.shape_cast %get3A_654 : vector<1x16xf32> to vector<16xf32>
        %mul3A_656 = arith.mulf %gather3A_84, %get3A_655 : vector<16xf32>
        %get3A_657 = arith.index_cast %scan3A_76 : i32 to index
        %get3A_658 = arith.constant 560 : index
        %get3A_659 = tpu.vector_load %arg15[%get3A_657, %get3A_658] {strides = array<i32>} : memref<16x1024xf32, #tpu.memory_space<vmem>>, vector<1x16xf32>,
        %get3A_660 = vector.shape_cast %get3A_659 : vector<1x16xf32> to vector<16xf32>
        %mul3A_661 = arith.mulf %gather3A_92, %get3A_660 : vector<16xf32>
        %add3A_662 = arith.addf %mul3A_656, %mul3A_661 : vector<16xf32>
        %swap3A_663 = arith.index_cast %scan3A_76 : i32 to index
        %swap3A_664 = arith.constant 560 : index
        %swap3A_665 = tpu.vector_load %arg16[%swap3A_663, %swap3A_664] {strides = array<i32>} : memref<16x1024xf32, #tpu.memory_space<vmem>>, vector<1x16xf32>,
        %swap3A_666 = vector.shape_cast %swap3A_665 : vector<1x16xf32> to vector<16xf32>
        %swap3A_667 = vector.shape_cast %add3A_662 : vector<16xf32> to vector<1x16xf32>
        tpu.vector_store %arg16[%swap3A_663, %swap3A_664], %swap3A_667 {strides = array<i32>} : memref<16x1024xf32, #tpu.memory_space<vmem>>, vector<1x16xf32>,
        %get3A_668 = arith.index_cast %scan3A_76 : i32 to index
        %get3A_669 = arith.constant 576 : index
        %get3A_670 = tpu.vector_load %arg14[%get3A_668, %get3A_669] {strides = array<i32>} : memref<16x1024xf32, #tpu.memory_space<vmem>>, vector<1x16xf32>,
        %get3A_671 = vector.shape_cast %get3A_670 : vector<1x16xf32> to vector<16xf32>
        %mul3A_672 = arith.mulf %gather3A_84, %get3A_671 : vector<16xf32>
        %get3A_673 = arith.index_cast %scan3A_76 : i32 to index
        %get3A_674 = arith.constant 576 : index
        %get3A_675 = tpu.vector_load %arg15[%get3A_673, %get3A_674] {strides = array<i32>} : memref<16x1024xf32, #tpu.memory_space<vmem>>, vector<1x16xf32>,
        %get3A_676 = vector.shape_cast %get3A_675 : vector<1x16xf32> to vector<16xf32>
        %mul3A_677 = arith.mulf %gather3A_92, %get3A_676 : vector<16xf32>
        %add3A_678 = arith.addf %mul3A_672, %mul3A_677 : vector<16xf32>
        %swap3A_679 = arith.index_cast %scan3A_76 : i32 to index
        %swap3A_680 = arith.constant 576 : index
        %swap3A_681 = tpu.vector_load %arg16[%swap3A_679, %swap3A_680] {strides = array<i32>} : memref<16x1024xf32, #tpu.memory_space<vmem>>, vector<1x16xf32>,
        %swap3A_682 = vector.shape_cast %swap3A_681 : vector<1x16xf32> to vector<16xf32>
        %swap3A_683 = vector.shape_cast %add3A_678 : vector<16xf32> to vector<1x16xf32>
        tpu.vector_store %arg16[%swap3A_679, %swap3A_680], %swap3A_683 {strides = array<i32>} : memref<16x1024xf32, #tpu.memory_space<vmem>>, vector<1x16xf32>,
        %get3A_684 = arith.index_cast %scan3A_76 : i32 to index
        %get3A_685 = arith.constant 592 : index
        %get3A_686 = tpu.vector_load %arg14[%get3A_684, %get3A_685] {strides = array<i32>} : memref<16x1024xf32, #tpu.memory_space<vmem>>, vector<1x16xf32>,
        %get3A_687 = vector.shape_cast %get3A_686 : vector<1x16xf32> to vector<16xf32>
        %mul3A_688 = arith.mulf %gather3A_84, %get3A_687 : vector<16xf32>
        %get3A_689 = arith.index_cast %scan3A_76 : i32 to index
        %get3A_690 = arith.constant 592 : index
        %get3A_691 = tpu.vector_load %arg15[%get3A_689, %get3A_690] {strides = array<i32>} : memref<16x1024xf32, #tpu.memory_space<vmem>>, vector<1x16xf32>,
        %get3A_692 = vector.shape_cast %get3A_691 : vector<1x16xf32> to vector<16xf32>
        %mul3A_693 = arith.mulf %gather3A_92, %get3A_692 : vector<16xf32>
        %add3A_694 = arith.addf %mul3A_688, %mul3A_693 : vector<16xf32>
        %swap3A_695 = arith.index_cast %scan3A_76 : i32 to index
        %swap3A_696 = arith.constant 592 : index
        %swap3A_697 = tpu.vector_load %arg16[%swap3A_695, %swap3A_696] {strides = array<i32>} : memref<16x1024xf32, #tpu.memory_space<vmem>>, vector<1x16xf32>,
        %swap3A_698 = vector.shape_cast %swap3A_697 : vector<1x16xf32> to vector<16xf32>
        %swap3A_699 = vector.shape_cast %add3A_694 : vector<16xf32> to vector<1x16xf32>
        tpu.vector_store %arg16[%swap3A_695, %swap3A_696], %swap3A_699 {strides = array<i32>} : memref<16x1024xf32, #tpu.memory_space<vmem>>, vector<1x16xf32>,
        %get3A_700 = arith.index_cast %scan3A_76 : i32 to index
        %get3A_701 = arith.constant 608 : index
        %get3A_702 = tpu.vector_load %arg14[%get3A_700, %get3A_701] {strides = array<i32>} : memref<16x1024xf32, #tpu.memory_space<vmem>>, vector<1x16xf32>,
        %get3A_703 = vector.shape_cast %get3A_702 : vector<1x16xf32> to vector<16xf32>
        %mul3A_704 = arith.mulf %gather3A_84, %get3A_703 : vector<16xf32>
        %get3A_705 = arith.index_cast %scan3A_76 : i32 to index
        %get3A_706 = arith.constant 608 : index
        %get3A_707 = tpu.vector_load %arg15[%get3A_705, %get3A_706] {strides = array<i32>} : memref<16x1024xf32, #tpu.memory_space<vmem>>, vector<1x16xf32>,
        %get3A_708 = vector.shape_cast %get3A_707 : vector<1x16xf32> to vector<16xf32>
        %mul3A_709 = arith.mulf %gather3A_92, %get3A_708 : vector<16xf32>
        %add3A_710 = arith.addf %mul3A_704, %mul3A_709 : vector<16xf32>
        %swap3A_711 = arith.index_cast %scan3A_76 : i32 to index
        %swap3A_712 = arith.constant 608 : index
        %swap3A_713 = tpu.vector_load %arg16[%swap3A_711, %swap3A_712] {strides = array<i32>} : memref<16x1024xf32, #tpu.memory_space<vmem>>, vector<1x16xf32>,
        %swap3A_714 = vector.shape_cast %swap3A_713 : vector<1x16xf32> to vector<16xf32>
        %swap3A_715 = vector.shape_cast %add3A_710 : vector<16xf32> to vector<1x16xf32>
        tpu.vector_store %arg16[%swap3A_711, %swap3A_712], %swap3A_715 {strides = array<i32>} : memref<16x1024xf32, #tpu.memory_space<vmem>>, vector<1x16xf32>,
        %get3A_716 = arith.index_cast %scan3A_76 : i32 to index
        %get3A_717 = arith.constant 624 : index
        %get3A_718 = tpu.vector_load %arg14[%get3A_716, %get3A_717] {strides = array<i32>} : memref<16x1024xf32, #tpu.memory_space<vmem>>, vector<1x16xf32>,
        %get3A_719 = vector.shape_cast %get3A_718 : vector<1x16xf32> to vector<16xf32>
        %mul3A_720 = arith.mulf %gather3A_84, %get3A_719 : vector<16xf32>
        %get3A_721 = arith.index_cast %scan3A_76 : i32 to index
        %get3A_722 = arith.constant 624 : index
        %get3A_723 = tpu.vector_load %arg15[%get3A_721, %get3A_722] {strides = array<i32>} : memref<16x1024xf32, #tpu.memory_space<vmem>>, vector<1x16xf32>,
        %get3A_724 = vector.shape_cast %get3A_723 : vector<1x16xf32> to vector<16xf32>
        %mul3A_725 = arith.mulf %gather3A_92, %get3A_724 : vector<16xf32>
        %add3A_726 = arith.addf %mul3A_720, %mul3A_725 : vector<16xf32>
        %swap3A_727 = arith.index_cast %scan3A_76 : i32 to index
        %swap3A_728 = arith.constant 624 : index
        %swap3A_729 = tpu.vector_load %arg16[%swap3A_727, %swap3A_728] {strides = array<i32>} : memref<16x1024xf32, #tpu.memory_space<vmem>>, vector<1x16xf32>,
        %swap3A_730 = vector.shape_cast %swap3A_729 : vector<1x16xf32> to vector<16xf32>
        %swap3A_731 = vector.shape_cast %add3A_726 : vector<16xf32> to vector<1x16xf32>
        tpu.vector_store %arg16[%swap3A_727, %swap3A_728], %swap3A_731 {strides = array<i32>} : memref<16x1024xf32, #tpu.memory_space<vmem>>, vector<1x16xf32>,
        %get3A_732 = arith.index_cast %scan3A_76 : i32 to index
        %get3A_733 = arith.constant 640 : index
        %get3A_734 = tpu.vector_load %arg14[%get3A_732, %get3A_733] {strides = array<i32>} : memref<16x1024xf32, #tpu.memory_space<vmem>>, vector<1x16xf32>,
        %get3A_735 = vector.shape_cast %get3A_734 : vector<1x16xf32> to vector<16xf32>
        %mul3A_736 = arith.mulf %gather3A_84, %get3A_735 : vector<16xf32>
        %get3A_737 = arith.index_cast %scan3A_76 : i32 to index
        %get3A_738 = arith.constant 640 : index
        %get3A_739 = tpu.vector_load %arg15[%get3A_737, %get3A_738] {strides = array<i32>} : memref<16x1024xf32, #tpu.memory_space<vmem>>, vector<1x16xf32>,
        %get3A_740 = vector.shape_cast %get3A_739 : vector<1x16xf32> to vector<16xf32>
        %mul3A_741 = arith.mulf %gather3A_92, %get3A_740 : vector<16xf32>
        %add3A_742 = arith.addf %mul3A_736, %mul3A_741 : vector<16xf32>
        %swap3A_743 = arith.index_cast %scan3A_76 : i32 to index
        %swap3A_744 = arith.constant 640 : index
        %swap3A_745 = tpu.vector_load %arg16[%swap3A_743, %swap3A_744] {strides = array<i32>} : memref<16x1024xf32, #tpu.memory_space<vmem>>, vector<1x16xf32>,
        %swap3A_746 = vector.shape_cast %swap3A_745 : vector<1x16xf32> to vector<16xf32>
        %swap3A_747 = vector.shape_cast %add3A_742 : vector<16xf32> to vector<1x16xf32>
        tpu.vector_store %arg16[%swap3A_743, %swap3A_744], %swap3A_747 {strides = array<i32>} : memref<16x1024xf32, #tpu.memory_space<vmem>>, vector<1x16xf32>,
        %get3A_748 = arith.index_cast %scan3A_76 : i32 to index
        %get3A_749 = arith.constant 656 : index
        %get3A_750 = tpu.vector_load %arg14[%get3A_748, %get3A_749] {strides = array<i32>} : memref<16x1024xf32, #tpu.memory_space<vmem>>, vector<1x16xf32>,
        %get3A_751 = vector.shape_cast %get3A_750 : vector<1x16xf32> to vector<16xf32>
        %mul3A_752 = arith.mulf %gather3A_84, %get3A_751 : vector<16xf32>
        %get3A_753 = arith.index_cast %scan3A_76 : i32 to index
        %get3A_754 = arith.constant 656 : index
        %get3A_755 = tpu.vector_load %arg15[%get3A_753, %get3A_754] {strides = array<i32>} : memref<16x1024xf32, #tpu.memory_space<vmem>>, vector<1x16xf32>,
        %get3A_756 = vector.shape_cast %get3A_755 : vector<1x16xf32> to vector<16xf32>
        %mul3A_757 = arith.mulf %gather3A_92, %get3A_756 : vector<16xf32>
        %add3A_758 = arith.addf %mul3A_752, %mul3A_757 : vector<16xf32>
        %swap3A_759 = arith.index_cast %scan3A_76 : i32 to index
        %swap3A_760 = arith.constant 656 : index
        %swap3A_761 = tpu.vector_load %arg16[%swap3A_759, %swap3A_760] {strides = array<i32>} : memref<16x1024xf32, #tpu.memory_space<vmem>>, vector<1x16xf32>,
        %swap3A_762 = vector.shape_cast %swap3A_761 : vector<1x16xf32> to vector<16xf32>
        %swap3A_763 = vector.shape_cast %add3A_758 : vector<16xf32> to vector<1x16xf32>
        tpu.vector_store %arg16[%swap3A_759, %swap3A_760], %swap3A_763 {strides = array<i32>} : memref<16x1024xf32, #tpu.memory_space<vmem>>, vector<1x16xf32>,
        %get3A_764 = arith.index_cast %scan3A_76 : i32 to index
        %get3A_765 = arith.constant 672 : index
        %get3A_766 = tpu.vector_load %arg14[%get3A_764, %get3A_765] {strides = array<i32>} : memref<16x1024xf32, #tpu.memory_space<vmem>>, vector<1x16xf32>,
        %get3A_767 = vector.shape_cast %get3A_766 : vector<1x16xf32> to vector<16xf32>
        %mul3A_768 = arith.mulf %gather3A_84, %get3A_767 : vector<16xf32>
        %get3A_769 = arith.index_cast %scan3A_76 : i32 to index
        %get3A_770 = arith.constant 672 : index
        %get3A_771 = tpu.vector_load %arg15[%get3A_769, %get3A_770] {strides = array<i32>} : memref<16x1024xf32, #tpu.memory_space<vmem>>, vector<1x16xf32>,
        %get3A_772 = vector.shape_cast %get3A_771 : vector<1x16xf32> to vector<16xf32>
        %mul3A_773 = arith.mulf %gather3A_92, %get3A_772 : vector<16xf32>
        %add3A_774 = arith.addf %mul3A_768, %mul3A_773 : vector<16xf32>
        %swap3A_775 = arith.index_cast %scan3A_76 : i32 to index
        %swap3A_776 = arith.constant 672 : index
        %swap3A_777 = tpu.vector_load %arg16[%swap3A_775, %swap3A_776] {strides = array<i32>} : memref<16x1024xf32, #tpu.memory_space<vmem>>, vector<1x16xf32>,
        %swap3A_778 = vector.shape_cast %swap3A_777 : vector<1x16xf32> to vector<16xf32>
        %swap3A_779 = vector.shape_cast %add3A_774 : vector<16xf32> to vector<1x16xf32>
        tpu.vector_store %arg16[%swap3A_775, %swap3A_776], %swap3A_779 {strides = array<i32>} : memref<16x1024xf32, #tpu.memory_space<vmem>>, vector<1x16xf32>,
        %get3A_780 = arith.index_cast %scan3A_76 : i32 to index
        %get3A_781 = arith.constant 688 : index
        %get3A_782 = tpu.vector_load %arg14[%get3A_780, %get3A_781] {strides = array<i32>} : memref<16x1024xf32, #tpu.memory_space<vmem>>, vector<1x16xf32>,
        %get3A_783 = vector.shape_cast %get3A_782 : vector<1x16xf32> to vector<16xf32>
        %mul3A_784 = arith.mulf %gather3A_84, %get3A_783 : vector<16xf32>
        %get3A_785 = arith.index_cast %scan3A_76 : i32 to index
        %get3A_786 = arith.constant 688 : index
        %get3A_787 = tpu.vector_load %arg15[%get3A_785, %get3A_786] {strides = array<i32>} : memref<16x1024xf32, #tpu.memory_space<vmem>>, vector<1x16xf32>,
        %get3A_788 = vector.shape_cast %get3A_787 : vector<1x16xf32> to vector<16xf32>
        %mul3A_789 = arith.mulf %gather3A_92, %get3A_788 : vector<16xf32>
        %add3A_790 = arith.addf %mul3A_784, %mul3A_789 : vector<16xf32>
        %swap3A_791 = arith.index_cast %scan3A_76 : i32 to index
        %swap3A_792 = arith.constant 688 : index
        %swap3A_793 = tpu.vector_load %arg16[%swap3A_791, %swap3A_792] {strides = array<i32>} : memref<16x1024xf32, #tpu.memory_space<vmem>>, vector<1x16xf32>,
        %swap3A_794 = vector.shape_cast %swap3A_793 : vector<1x16xf32> to vector<16xf32>
        %swap3A_795 = vector.shape_cast %add3A_790 : vector<16xf32> to vector<1x16xf32>
        tpu.vector_store %arg16[%swap3A_791, %swap3A_792], %swap3A_795 {strides = array<i32>} : memref<16x1024xf32, #tpu.memory_space<vmem>>, vector<1x16xf32>,
        %get3A_796 = arith.index_cast %scan3A_76 : i32 to index
        %get3A_797 = arith.constant 704 : index
        %get3A_798 = tpu.vector_load %arg14[%get3A_796, %get3A_797] {strides = array<i32>} : memref<16x1024xf32, #tpu.memory_space<vmem>>, vector<1x16xf32>,
        %get3A_799 = vector.shape_cast %get3A_798 : vector<1x16xf32> to vector<16xf32>
        %mul3A_800 = arith.mulf %gather3A_84, %get3A_799 : vector<16xf32>
        %get3A_801 = arith.index_cast %scan3A_76 : i32 to index
        %get3A_802 = arith.constant 704 : index
        %get3A_803 = tpu.vector_load %arg15[%get3A_801, %get3A_802] {strides = array<i32>} : memref<16x1024xf32, #tpu.memory_space<vmem>>, vector<1x16xf32>,
        %get3A_804 = vector.shape_cast %get3A_803 : vector<1x16xf32> to vector<16xf32>
        %mul3A_805 = arith.mulf %gather3A_92, %get3A_804 : vector<16xf32>
        %add3A_806 = arith.addf %mul3A_800, %mul3A_805 : vector<16xf32>
        %swap3A_807 = arith.index_cast %scan3A_76 : i32 to index
        %swap3A_808 = arith.constant 704 : index
        %swap3A_809 = tpu.vector_load %arg16[%swap3A_807, %swap3A_808] {strides = array<i32>} : memref<16x1024xf32, #tpu.memory_space<vmem>>, vector<1x16xf32>,
        %swap3A_810 = vector.shape_cast %swap3A_809 : vector<1x16xf32> to vector<16xf32>
        %swap3A_811 = vector.shape_cast %add3A_806 : vector<16xf32> to vector<1x16xf32>
        tpu.vector_store %arg16[%swap3A_807, %swap3A_808], %swap3A_811 {strides = array<i32>} : memref<16x1024xf32, #tpu.memory_space<vmem>>, vector<1x16xf32>,
        %get3A_812 = arith.index_cast %scan3A_76 : i32 to index
        %get3A_813 = arith.constant 720 : index
        %get3A_814 = tpu.vector_load %arg14[%get3A_812, %get3A_813] {strides = array<i32>} : memref<16x1024xf32, #tpu.memory_space<vmem>>, vector<1x16xf32>,
        %get3A_815 = vector.shape_cast %get3A_814 : vector<1x16xf32> to vector<16xf32>
        %mul3A_816 = arith.mulf %gather3A_84, %get3A_815 : vector<16xf32>
        %get3A_817 = arith.index_cast %scan3A_76 : i32 to index
        %get3A_818 = arith.constant 720 : index
        %get3A_819 = tpu.vector_load %arg15[%get3A_817, %get3A_818] {strides = array<i32>} : memref<16x1024xf32, #tpu.memory_space<vmem>>, vector<1x16xf32>,
        %get3A_820 = vector.shape_cast %get3A_819 : vector<1x16xf32> to vector<16xf32>
        %mul3A_821 = arith.mulf %gather3A_92, %get3A_820 : vector<16xf32>
        %add3A_822 = arith.addf %mul3A_816, %mul3A_821 : vector<16xf32>
        %swap3A_823 = arith.index_cast %scan3A_76 : i32 to index
        %swap3A_824 = arith.constant 720 : index
        %swap3A_825 = tpu.vector_load %arg16[%swap3A_823, %swap3A_824] {strides = array<i32>} : memref<16x1024xf32, #tpu.memory_space<vmem>>, vector<1x16xf32>,
        %swap3A_826 = vector.shape_cast %swap3A_825 : vector<1x16xf32> to vector<16xf32>
        %swap3A_827 = vector.shape_cast %add3A_822 : vector<16xf32> to vector<1x16xf32>
        tpu.vector_store %arg16[%swap3A_823, %swap3A_824], %swap3A_827 {strides = array<i32>} : memref<16x1024xf32, #tpu.memory_space<vmem>>, vector<1x16xf32>,
        %get3A_828 = arith.index_cast %scan3A_76 : i32 to index
        %get3A_829 = arith.constant 736 : index
        %get3A_830 = tpu.vector_load %arg14[%get3A_828, %get3A_829] {strides = array<i32>} : memref<16x1024xf32, #tpu.memory_space<vmem>>, vector<1x16xf32>,
        %get3A_831 = vector.shape_cast %get3A_830 : vector<1x16xf32> to vector<16xf32>
        %mul3A_832 = arith.mulf %gather3A_84, %get3A_831 : vector<16xf32>
        %get3A_833 = arith.index_cast %scan3A_76 : i32 to index
        %get3A_834 = arith.constant 736 : index
        %get3A_835 = tpu.vector_load %arg15[%get3A_833, %get3A_834] {strides = array<i32>} : memref<16x1024xf32, #tpu.memory_space<vmem>>, vector<1x16xf32>,
        %get3A_836 = vector.shape_cast %get3A_835 : vector<1x16xf32> to vector<16xf32>
        %mul3A_837 = arith.mulf %gather3A_92, %get3A_836 : vector<16xf32>
        %add3A_838 = arith.addf %mul3A_832, %mul3A_837 : vector<16xf32>
        %swap3A_839 = arith.index_cast %scan3A_76 : i32 to index
        %swap3A_840 = arith.constant 736 : index
        %swap3A_841 = tpu.vector_load %arg16[%swap3A_839, %swap3A_840] {strides = array<i32>} : memref<16x1024xf32, #tpu.memory_space<vmem>>, vector<1x16xf32>,
        %swap3A_842 = vector.shape_cast %swap3A_841 : vector<1x16xf32> to vector<16xf32>
        %swap3A_843 = vector.shape_cast %add3A_838 : vector<16xf32> to vector<1x16xf32>
        tpu.vector_store %arg16[%swap3A_839, %swap3A_840], %swap3A_843 {strides = array<i32>} : memref<16x1024xf32, #tpu.memory_space<vmem>>, vector<1x16xf32>,
        %get3A_844 = arith.index_cast %scan3A_76 : i32 to index
        %get3A_845 = arith.constant 752 : index
        %get3A_846 = tpu.vector_load %arg14[%get3A_844, %get3A_845] {strides = array<i32>} : memref<16x1024xf32, #tpu.memory_space<vmem>>, vector<1x16xf32>,
        %get3A_847 = vector.shape_cast %get3A_846 : vector<1x16xf32> to vector<16xf32>
        %mul3A_848 = arith.mulf %gather3A_84, %get3A_847 : vector<16xf32>
        %get3A_849 = arith.index_cast %scan3A_76 : i32 to index
        %get3A_850 = arith.constant 752 : index
        %get3A_851 = tpu.vector_load %arg15[%get3A_849, %get3A_850] {strides = array<i32>} : memref<16x1024xf32, #tpu.memory_space<vmem>>, vector<1x16xf32>,
        %get3A_852 = vector.shape_cast %get3A_851 : vector<1x16xf32> to vector<16xf32>
        %mul3A_853 = arith.mulf %gather3A_92, %get3A_852 : vector<16xf32>
        %add3A_854 = arith.addf %mul3A_848, %mul3A_853 : vector<16xf32>
        %swap3A_855 = arith.index_cast %scan3A_76 : i32 to index
        %swap3A_856 = arith.constant 752 : index
        %swap3A_857 = tpu.vector_load %arg16[%swap3A_855, %swap3A_856] {strides = array<i32>} : memref<16x1024xf32, #tpu.memory_space<vmem>>, vector<1x16xf32>,
        %swap3A_858 = vector.shape_cast %swap3A_857 : vector<1x16xf32> to vector<16xf32>
        %swap3A_859 = vector.shape_cast %add3A_854 : vector<16xf32> to vector<1x16xf32>
        tpu.vector_store %arg16[%swap3A_855, %swap3A_856], %swap3A_859 {strides = array<i32>} : memref<16x1024xf32, #tpu.memory_space<vmem>>, vector<1x16xf32>,
        %get3A_860 = arith.index_cast %scan3A_76 : i32 to index
        %get3A_861 = arith.constant 768 : index
        %get3A_862 = tpu.vector_load %arg14[%get3A_860, %get3A_861] {strides = array<i32>} : memref<16x1024xf32, #tpu.memory_space<vmem>>, vector<1x16xf32>,
        %get3A_863 = vector.shape_cast %get3A_862 : vector<1x16xf32> to vector<16xf32>
        %mul3A_864 = arith.mulf %gather3A_84, %get3A_863 : vector<16xf32>
        %get3A_865 = arith.index_cast %scan3A_76 : i32 to index
        %get3A_866 = arith.constant 768 : index
        %get3A_867 = tpu.vector_load %arg15[%get3A_865, %get3A_866] {strides = array<i32>} : memref<16x1024xf32, #tpu.memory_space<vmem>>, vector<1x16xf32>,
        %get3A_868 = vector.shape_cast %get3A_867 : vector<1x16xf32> to vector<16xf32>
        %mul3A_869 = arith.mulf %gather3A_92, %get3A_868 : vector<16xf32>
        %add3A_870 = arith.addf %mul3A_864, %mul3A_869 : vector<16xf32>
        %swap3A_871 = arith.index_cast %scan3A_76 : i32 to index
        %swap3A_872 = arith.constant 768 : index
        %swap3A_873 = tpu.vector_load %arg16[%swap3A_871, %swap3A_872] {strides = array<i32>} : memref<16x1024xf32, #tpu.memory_space<vmem>>, vector<1x16xf32>,
        %swap3A_874 = vector.shape_cast %swap3A_873 : vector<1x16xf32> to vector<16xf32>
        %swap3A_875 = vector.shape_cast %add3A_870 : vector<16xf32> to vector<1x16xf32>
        tpu.vector_store %arg16[%swap3A_871, %swap3A_872], %swap3A_875 {strides = array<i32>} : memref<16x1024xf32, #tpu.memory_space<vmem>>, vector<1x16xf32>,
        %get3A_876 = arith.index_cast %scan3A_76 : i32 to index
        %get3A_877 = arith.constant 784 : index
        %get3A_878 = tpu.vector_load %arg14[%get3A_876, %get3A_877] {strides = array<i32>} : memref<16x1024xf32, #tpu.memory_space<vmem>>, vector<1x16xf32>,
        %get3A_879 = vector.shape_cast %get3A_878 : vector<1x16xf32> to vector<16xf32>
        %mul3A_880 = arith.mulf %gather3A_84, %get3A_879 : vector<16xf32>
        %get3A_881 = arith.index_cast %scan3A_76 : i32 to index
        %get3A_882 = arith.constant 784 : index
        %get3A_883 = tpu.vector_load %arg15[%get3A_881, %get3A_882] {strides = array<i32>} : memref<16x1024xf32, #tpu.memory_space<vmem>>, vector<1x16xf32>,
        %get3A_884 = vector.shape_cast %get3A_883 : vector<1x16xf32> to vector<16xf32>
        %mul3A_885 = arith.mulf %gather3A_92, %get3A_884 : vector<16xf32>
        %add3A_886 = arith.addf %mul3A_880, %mul3A_885 : vector<16xf32>
        %swap3A_887 = arith.index_cast %scan3A_76 : i32 to index
        %swap3A_888 = arith.constant 784 : index
        %swap3A_889 = tpu.vector_load %arg16[%swap3A_887, %swap3A_888] {strides = array<i32>} : memref<16x1024xf32, #tpu.memory_space<vmem>>, vector<1x16xf32>,
        %swap3A_890 = vector.shape_cast %swap3A_889 : vector<1x16xf32> to vector<16xf32>
        %swap3A_891 = vector.shape_cast %add3A_886 : vector<16xf32> to vector<1x16xf32>
        tpu.vector_store %arg16[%swap3A_887, %swap3A_888], %swap3A_891 {strides = array<i32>} : memref<16x1024xf32, #tpu.memory_space<vmem>>, vector<1x16xf32>,
        %get3A_892 = arith.index_cast %scan3A_76 : i32 to index
        %get3A_893 = arith.constant 800 : index
        %get3A_894 = tpu.vector_load %arg14[%get3A_892, %get3A_893] {strides = array<i32>} : memref<16x1024xf32, #tpu.memory_space<vmem>>, vector<1x16xf32>,
        %get3A_895 = vector.shape_cast %get3A_894 : vector<1x16xf32> to vector<16xf32>
        %mul3A_896 = arith.mulf %gather3A_84, %get3A_895 : vector<16xf32>
        %get3A_897 = arith.index_cast %scan3A_76 : i32 to index
        %get3A_898 = arith.constant 800 : index
        %get3A_899 = tpu.vector_load %arg15[%get3A_897, %get3A_898] {strides = array<i32>} : memref<16x1024xf32, #tpu.memory_space<vmem>>, vector<1x16xf32>,
        %get3A_900 = vector.shape_cast %get3A_899 : vector<1x16xf32> to vector<16xf32>
        %mul3A_901 = arith.mulf %gather3A_92, %get3A_900 : vector<16xf32>
        %add3A_902 = arith.addf %mul3A_896, %mul3A_901 : vector<16xf32>
        %swap3A_903 = arith.index_cast %scan3A_76 : i32 to index
        %swap3A_904 = arith.constant 800 : index
        %swap3A_905 = tpu.vector_load %arg16[%swap3A_903, %swap3A_904] {strides = array<i32>} : memref<16x1024xf32, #tpu.memory_space<vmem>>, vector<1x16xf32>,
        %swap3A_906 = vector.shape_cast %swap3A_905 : vector<1x16xf32> to vector<16xf32>
        %swap3A_907 = vector.shape_cast %add3A_902 : vector<16xf32> to vector<1x16xf32>
        tpu.vector_store %arg16[%swap3A_903, %swap3A_904], %swap3A_907 {strides = array<i32>} : memref<16x1024xf32, #tpu.memory_space<vmem>>, vector<1x16xf32>,
        %get3A_908 = arith.index_cast %scan3A_76 : i32 to index
        %get3A_909 = arith.constant 816 : index
        %get3A_910 = tpu.vector_load %arg14[%get3A_908, %get3A_909] {strides = array<i32>} : memref<16x1024xf32, #tpu.memory_space<vmem>>, vector<1x16xf32>,
        %get3A_911 = vector.shape_cast %get3A_910 : vector<1x16xf32> to vector<16xf32>
        %mul3A_912 = arith.mulf %gather3A_84, %get3A_911 : vector<16xf32>
        %get3A_913 = arith.index_cast %scan3A_76 : i32 to index
        %get3A_914 = arith.constant 816 : index
        %get3A_915 = tpu.vector_load %arg15[%get3A_913, %get3A_914] {strides = array<i32>} : memref<16x1024xf32, #tpu.memory_space<vmem>>, vector<1x16xf32>,
        %get3A_916 = vector.shape_cast %get3A_915 : vector<1x16xf32> to vector<16xf32>
        %mul3A_917 = arith.mulf %gather3A_92, %get3A_916 : vector<16xf32>
        %add3A_918 = arith.addf %mul3A_912, %mul3A_917 : vector<16xf32>
        %swap3A_919 = arith.index_cast %scan3A_76 : i32 to index
        %swap3A_920 = arith.constant 816 : index
        %swap3A_921 = tpu.vector_load %arg16[%swap3A_919, %swap3A_920] {strides = array<i32>} : memref<16x1024xf32, #tpu.memory_space<vmem>>, vector<1x16xf32>,
        %swap3A_922 = vector.shape_cast %swap3A_921 : vector<1x16xf32> to vector<16xf32>
        %swap3A_923 = vector.shape_cast %add3A_918 : vector<16xf32> to vector<1x16xf32>
        tpu.vector_store %arg16[%swap3A_919, %swap3A_920], %swap3A_923 {strides = array<i32>} : memref<16x1024xf32, #tpu.memory_space<vmem>>, vector<1x16xf32>,
        %get3A_924 = arith.index_cast %scan3A_76 : i32 to index
        %get3A_925 = arith.constant 832 : index
        %get3A_926 = tpu.vector_load %arg14[%get3A_924, %get3A_925] {strides = array<i32>} : memref<16x1024xf32, #tpu.memory_space<vmem>>, vector<1x16xf32>,
        %get3A_927 = vector.shape_cast %get3A_926 : vector<1x16xf32> to vector<16xf32>
        %mul3A_928 = arith.mulf %gather3A_84, %get3A_927 : vector<16xf32>
        %get3A_929 = arith.index_cast %scan3A_76 : i32 to index
        %get3A_930 = arith.constant 832 : index
        %get3A_931 = tpu.vector_load %arg15[%get3A_929, %get3A_930] {strides = array<i32>} : memref<16x1024xf32, #tpu.memory_space<vmem>>, vector<1x16xf32>,
        %get3A_932 = vector.shape_cast %get3A_931 : vector<1x16xf32> to vector<16xf32>
        %mul3A_933 = arith.mulf %gather3A_92, %get3A_932 : vector<16xf32>
        %add3A_934 = arith.addf %mul3A_928, %mul3A_933 : vector<16xf32>
        %swap3A_935 = arith.index_cast %scan3A_76 : i32 to index
        %swap3A_936 = arith.constant 832 : index
        %swap3A_937 = tpu.vector_load %arg16[%swap3A_935, %swap3A_936] {strides = array<i32>} : memref<16x1024xf32, #tpu.memory_space<vmem>>, vector<1x16xf32>,
        %swap3A_938 = vector.shape_cast %swap3A_937 : vector<1x16xf32> to vector<16xf32>
        %swap3A_939 = vector.shape_cast %add3A_934 : vector<16xf32> to vector<1x16xf32>
        tpu.vector_store %arg16[%swap3A_935, %swap3A_936], %swap3A_939 {strides = array<i32>} : memref<16x1024xf32, #tpu.memory_space<vmem>>, vector<1x16xf32>,
        %get3A_940 = arith.index_cast %scan3A_76 : i32 to index
        %get3A_941 = arith.constant 848 : index
        %get3A_942 = tpu.vector_load %arg14[%get3A_940, %get3A_941] {strides = array<i32>} : memref<16x1024xf32, #tpu.memory_space<vmem>>, vector<1x16xf32>,
        %get3A_943 = vector.shape_cast %get3A_942 : vector<1x16xf32> to vector<16xf32>
        %mul3A_944 = arith.mulf %gather3A_84, %get3A_943 : vector<16xf32>
        %get3A_945 = arith.index_cast %scan3A_76 : i32 to index
        %get3A_946 = arith.constant 848 : index
        %get3A_947 = tpu.vector_load %arg15[%get3A_945, %get3A_946] {strides = array<i32>} : memref<16x1024xf32, #tpu.memory_space<vmem>>, vector<1x16xf32>,
        %get3A_948 = vector.shape_cast %get3A_947 : vector<1x16xf32> to vector<16xf32>
        %mul3A_949 = arith.mulf %gather3A_92, %get3A_948 : vector<16xf32>
        %add3A_950 = arith.addf %mul3A_944, %mul3A_949 : vector<16xf32>
        %swap3A_951 = arith.index_cast %scan3A_76 : i32 to index
        %swap3A_952 = arith.constant 848 : index
        %swap3A_953 = tpu.vector_load %arg16[%swap3A_951, %swap3A_952] {strides = array<i32>} : memref<16x1024xf32, #tpu.memory_space<vmem>>, vector<1x16xf32>,
        %swap3A_954 = vector.shape_cast %swap3A_953 : vector<1x16xf32> to vector<16xf32>
        %swap3A_955 = vector.shape_cast %add3A_950 : vector<16xf32> to vector<1x16xf32>
        tpu.vector_store %arg16[%swap3A_951, %swap3A_952], %swap3A_955 {strides = array<i32>} : memref<16x1024xf32, #tpu.memory_space<vmem>>, vector<1x16xf32>,
        %get3A_956 = arith.index_cast %scan3A_76 : i32 to index
        %get3A_957 = arith.constant 864 : index
        %get3A_958 = tpu.vector_load %arg14[%get3A_956, %get3A_957] {strides = array<i32>} : memref<16x1024xf32, #tpu.memory_space<vmem>>, vector<1x16xf32>,
        %get3A_959 = vector.shape_cast %get3A_958 : vector<1x16xf32> to vector<16xf32>
        %mul3A_960 = arith.mulf %gather3A_84, %get3A_959 : vector<16xf32>
        %get3A_961 = arith.index_cast %scan3A_76 : i32 to index
        %get3A_962 = arith.constant 864 : index
        %get3A_963 = tpu.vector_load %arg15[%get3A_961, %get3A_962] {strides = array<i32>} : memref<16x1024xf32, #tpu.memory_space<vmem>>, vector<1x16xf32>,
        %get3A_964 = vector.shape_cast %get3A_963 : vector<1x16xf32> to vector<16xf32>
        %mul3A_965 = arith.mulf %gather3A_92, %get3A_964 : vector<16xf32>
        %add3A_966 = arith.addf %mul3A_960, %mul3A_965 : vector<16xf32>
        %swap3A_967 = arith.index_cast %scan3A_76 : i32 to index
        %swap3A_968 = arith.constant 864 : index
        %swap3A_969 = tpu.vector_load %arg16[%swap3A_967, %swap3A_968] {strides = array<i32>} : memref<16x1024xf32, #tpu.memory_space<vmem>>, vector<1x16xf32>,
        %swap3A_970 = vector.shape_cast %swap3A_969 : vector<1x16xf32> to vector<16xf32>
        %swap3A_971 = vector.shape_cast %add3A_966 : vector<16xf32> to vector<1x16xf32>
        tpu.vector_store %arg16[%swap3A_967, %swap3A_968], %swap3A_971 {strides = array<i32>} : memref<16x1024xf32, #tpu.memory_space<vmem>>, vector<1x16xf32>,
        %get3A_972 = arith.index_cast %scan3A_76 : i32 to index
        %get3A_973 = arith.constant 880 : index
        %get3A_974 = tpu.vector_load %arg14[%get3A_972, %get3A_973] {strides = array<i32>} : memref<16x1024xf32, #tpu.memory_space<vmem>>, vector<1x16xf32>,
        %get3A_975 = vector.shape_cast %get3A_974 : vector<1x16xf32> to vector<16xf32>
        %mul3A_976 = arith.mulf %gather3A_84, %get3A_975 : vector<16xf32>
        %get3A_977 = arith.index_cast %scan3A_76 : i32 to index
        %get3A_978 = arith.constant 880 : index
        %get3A_979 = tpu.vector_load %arg15[%get3A_977, %get3A_978] {strides = array<i32>} : memref<16x1024xf32, #tpu.memory_space<vmem>>, vector<1x16xf32>,
        %get3A_980 = vector.shape_cast %get3A_979 : vector<1x16xf32> to vector<16xf32>
        %mul3A_981 = arith.mulf %gather3A_92, %get3A_980 : vector<16xf32>
        %add3A_982 = arith.addf %mul3A_976, %mul3A_981 : vector<16xf32>
        %swap3A_983 = arith.index_cast %scan3A_76 : i32 to index
        %swap3A_984 = arith.constant 880 : index
        %swap3A_985 = tpu.vector_load %arg16[%swap3A_983, %swap3A_984] {strides = array<i32>} : memref<16x1024xf32, #tpu.memory_space<vmem>>, vector<1x16xf32>,
        %swap3A_986 = vector.shape_cast %swap3A_985 : vector<1x16xf32> to vector<16xf32>
        %swap3A_987 = vector.shape_cast %add3A_982 : vector<16xf32> to vector<1x16xf32>
        tpu.vector_store %arg16[%swap3A_983, %swap3A_984], %swap3A_987 {strides = array<i32>} : memref<16x1024xf32, #tpu.memory_space<vmem>>, vector<1x16xf32>,
        %get3A_988 = arith.index_cast %scan3A_76 : i32 to index
        %get3A_989 = arith.constant 896 : index
        %get3A_990 = tpu.vector_load %arg14[%get3A_988, %get3A_989] {strides = array<i32>} : memref<16x1024xf32, #tpu.memory_space<vmem>>, vector<1x16xf32>,
        %get3A_991 = vector.shape_cast %get3A_990 : vector<1x16xf32> to vector<16xf32>
        %mul3A_992 = arith.mulf %gather3A_84, %get3A_991 : vector<16xf32>
        %get3A_993 = arith.index_cast %scan3A_76 : i32 to index
        %get3A_994 = arith.constant 896 : index
        %get3A_995 = tpu.vector_load %arg15[%get3A_993, %get3A_994] {strides = array<i32>} : memref<16x1024xf32, #tpu.memory_space<vmem>>, vector<1x16xf32>,
        %get3A_996 = vector.shape_cast %get3A_995 : vector<1x16xf32> to vector<16xf32>
        %mul3A_997 = arith.mulf %gather3A_92, %get3A_996 : vector<16xf32>
        %add3A_998 = arith.addf %mul3A_992, %mul3A_997 : vector<16xf32>
        %swap3A_999 = arith.index_cast %scan3A_76 : i32 to index
        %swap3A_1000 = arith.constant 896 : index
        %swap3A_1001 = tpu.vector_load %arg16[%swap3A_999, %swap3A_1000] {strides = array<i32>} : memref<16x1024xf32, #tpu.memory_space<vmem>>, vector<1x16xf32>,
        %swap3A_1002 = vector.shape_cast %swap3A_1001 : vector<1x16xf32> to vector<16xf32>
        %swap3A_1003 = vector.shape_cast %add3A_998 : vector<16xf32> to vector<1x16xf32>
        tpu.vector_store %arg16[%swap3A_999, %swap3A_1000], %swap3A_1003 {strides = array<i32>} : memref<16x1024xf32, #tpu.memory_space<vmem>>, vector<1x16xf32>,
        %get3A_1004 = arith.index_cast %scan3A_76 : i32 to index
        %get3A_1005 = arith.constant 912 : index
        %get3A_1006 = tpu.vector_load %arg14[%get3A_1004, %get3A_1005] {strides = array<i32>} : memref<16x1024xf32, #tpu.memory_space<vmem>>, vector<1x16xf32>,
        %get3A_1007 = vector.shape_cast %get3A_1006 : vector<1x16xf32> to vector<16xf32>
        %mul3A_1008 = arith.mulf %gather3A_84, %get3A_1007 : vector<16xf32>
        %get3A_1009 = arith.index_cast %scan3A_76 : i32 to index
        %get3A_1010 = arith.constant 912 : index
        %get3A_1011 = tpu.vector_load %arg15[%get3A_1009, %get3A_1010] {strides = array<i32>} : memref<16x1024xf32, #tpu.memory_space<vmem>>, vector<1x16xf32>,
        %get3A_1012 = vector.shape_cast %get3A_1011 : vector<1x16xf32> to vector<16xf32>
        %mul3A_1013 = arith.mulf %gather3A_92, %get3A_1012 : vector<16xf32>
        %add3A_1014 = arith.addf %mul3A_1008, %mul3A_1013 : vector<16xf32>
        %swap3A_1015 = arith.index_cast %scan3A_76 : i32 to index
        %swap3A_1016 = arith.constant 912 : index
        %swap3A_1017 = tpu.vector_load %arg16[%swap3A_1015, %swap3A_1016] {strides = array<i32>} : memref<16x1024xf32, #tpu.memory_space<vmem>>, vector<1x16xf32>,
        %swap3A_1018 = vector.shape_cast %swap3A_1017 : vector<1x16xf32> to vector<16xf32>
        %swap3A_1019 = vector.shape_cast %add3A_1014 : vector<16xf32> to vector<1x16xf32>
        tpu.vector_store %arg16[%swap3A_1015, %swap3A_1016], %swap3A_1019 {strides = array<i32>} : memref<16x1024xf32, #tpu.memory_space<vmem>>, vector<1x16xf32>,
        %get3A_1020 = arith.index_cast %scan3A_76 : i32 to index
        %get3A_1021 = arith.constant 928 : index
        %get3A_1022 = tpu.vector_load %arg14[%get3A_1020, %get3A_1021] {strides = array<i32>} : memref<16x1024xf32, #tpu.memory_space<vmem>>, vector<1x16xf32>,
        %get3A_1023 = vector.shape_cast %get3A_1022 : vector<1x16xf32> to vector<16xf32>
        %mul3A_1024 = arith.mulf %gather3A_84, %get3A_1023 : vector<16xf32>
        %get3A_1025 = arith.index_cast %scan3A_76 : i32 to index
        %get3A_1026 = arith.constant 928 : index
        %get3A_1027 = tpu.vector_load %arg15[%get3A_1025, %get3A_1026] {strides = array<i32>} : memref<16x1024xf32, #tpu.memory_space<vmem>>, vector<1x16xf32>,
        %get3A_1028 = vector.shape_cast %get3A_1027 : vector<1x16xf32> to vector<16xf32>
        %mul3A_1029 = arith.mulf %gather3A_92, %get3A_1028 : vector<16xf32>
        %add3A_1030 = arith.addf %mul3A_1024, %mul3A_1029 : vector<16xf32>
        %swap3A_1031 = arith.index_cast %scan3A_76 : i32 to index
        %swap3A_1032 = arith.constant 928 : index
        %swap3A_1033 = tpu.vector_load %arg16[%swap3A_1031, %swap3A_1032] {strides = array<i32>} : memref<16x1024xf32, #tpu.memory_space<vmem>>, vector<1x16xf32>,
        %swap3A_1034 = vector.shape_cast %swap3A_1033 : vector<1x16xf32> to vector<16xf32>
        %swap3A_1035 = vector.shape_cast %add3A_1030 : vector<16xf32> to vector<1x16xf32>
        tpu.vector_store %arg16[%swap3A_1031, %swap3A_1032], %swap3A_1035 {strides = array<i32>} : memref<16x1024xf32, #tpu.memory_space<vmem>>, vector<1x16xf32>,
        %get3A_1036 = arith.index_cast %scan3A_76 : i32 to index
        %get3A_1037 = arith.constant 944 : index
        %get3A_1038 = tpu.vector_load %arg14[%get3A_1036, %get3A_1037] {strides = array<i32>} : memref<16x1024xf32, #tpu.memory_space<vmem>>, vector<1x16xf32>,
        %get3A_1039 = vector.shape_cast %get3A_1038 : vector<1x16xf32> to vector<16xf32>
        %mul3A_1040 = arith.mulf %gather3A_84, %get3A_1039 : vector<16xf32>
        %get3A_1041 = arith.index_cast %scan3A_76 : i32 to index
        %get3A_1042 = arith.constant 944 : index
        %get3A_1043 = tpu.vector_load %arg15[%get3A_1041, %get3A_1042] {strides = array<i32>} : memref<16x1024xf32, #tpu.memory_space<vmem>>, vector<1x16xf32>,
        %get3A_1044 = vector.shape_cast %get3A_1043 : vector<1x16xf32> to vector<16xf32>
        %mul3A_1045 = arith.mulf %gather3A_92, %get3A_1044 : vector<16xf32>
        %add3A_1046 = arith.addf %mul3A_1040, %mul3A_1045 : vector<16xf32>
        %swap3A_1047 = arith.index_cast %scan3A_76 : i32 to index
        %swap3A_1048 = arith.constant 944 : index
        %swap3A_1049 = tpu.vector_load %arg16[%swap3A_1047, %swap3A_1048] {strides = array<i32>} : memref<16x1024xf32, #tpu.memory_space<vmem>>, vector<1x16xf32>,
        %swap3A_1050 = vector.shape_cast %swap3A_1049 : vector<1x16xf32> to vector<16xf32>
        %swap3A_1051 = vector.shape_cast %add3A_1046 : vector<16xf32> to vector<1x16xf32>
        tpu.vector_store %arg16[%swap3A_1047, %swap3A_1048], %swap3A_1051 {strides = array<i32>} : memref<16x1024xf32, #tpu.memory_space<vmem>>, vector<1x16xf32>,
        %get3A_1052 = arith.index_cast %scan3A_76 : i32 to index
        %get3A_1053 = arith.constant 960 : index
        %get3A_1054 = tpu.vector_load %arg14[%get3A_1052, %get3A_1053] {strides = array<i32>} : memref<16x1024xf32, #tpu.memory_space<vmem>>, vector<1x16xf32>,
        %get3A_1055 = vector.shape_cast %get3A_1054 : vector<1x16xf32> to vector<16xf32>
        %mul3A_1056 = arith.mulf %gather3A_84, %get3A_1055 : vector<16xf32>
        %get3A_1057 = arith.index_cast %scan3A_76 : i32 to index
        %get3A_1058 = arith.constant 960 : index
        %get3A_1059 = tpu.vector_load %arg15[%get3A_1057, %get3A_1058] {strides = array<i32>} : memref<16x1024xf32, #tpu.memory_space<vmem>>, vector<1x16xf32>,
        %get3A_1060 = vector.shape_cast %get3A_1059 : vector<1x16xf32> to vector<16xf32>
        %mul3A_1061 = arith.mulf %gather3A_92, %get3A_1060 : vector<16xf32>
        %add3A_1062 = arith.addf %mul3A_1056, %mul3A_1061 : vector<16xf32>
        %swap3A_1063 = arith.index_cast %scan3A_76 : i32 to index
        %swap3A_1064 = arith.constant 960 : index
        %swap3A_1065 = tpu.vector_load %arg16[%swap3A_1063, %swap3A_1064] {strides = array<i32>} : memref<16x1024xf32, #tpu.memory_space<vmem>>, vector<1x16xf32>,
        %swap3A_1066 = vector.shape_cast %swap3A_1065 : vector<1x16xf32> to vector<16xf32>
        %swap3A_1067 = vector.shape_cast %add3A_1062 : vector<16xf32> to vector<1x16xf32>
        tpu.vector_store %arg16[%swap3A_1063, %swap3A_1064], %swap3A_1067 {strides = array<i32>} : memref<16x1024xf32, #tpu.memory_space<vmem>>, vector<1x16xf32>,
        %get3A_1068 = arith.index_cast %scan3A_76 : i32 to index
        %get3A_1069 = arith.constant 976 : index
        %get3A_1070 = tpu.vector_load %arg14[%get3A_1068, %get3A_1069] {strides = array<i32>} : memref<16x1024xf32, #tpu.memory_space<vmem>>, vector<1x16xf32>,
        %get3A_1071 = vector.shape_cast %get3A_1070 : vector<1x16xf32> to vector<16xf32>
        %mul3A_1072 = arith.mulf %gather3A_84, %get3A_1071 : vector<16xf32>
        %get3A_1073 = arith.index_cast %scan3A_76 : i32 to index
        %get3A_1074 = arith.constant 976 : index
        %get3A_1075 = tpu.vector_load %arg15[%get3A_1073, %get3A_1074] {strides = array<i32>} : memref<16x1024xf32, #tpu.memory_space<vmem>>, vector<1x16xf32>,
        %get3A_1076 = vector.shape_cast %get3A_1075 : vector<1x16xf32> to vector<16xf32>
        %mul3A_1077 = arith.mulf %gather3A_92, %get3A_1076 : vector<16xf32>
        %add3A_1078 = arith.addf %mul3A_1072, %mul3A_1077 : vector<16xf32>
        %swap3A_1079 = arith.index_cast %scan3A_76 : i32 to index
        %swap3A_1080 = arith.constant 976 : index
        %swap3A_1081 = tpu.vector_load %arg16[%swap3A_1079, %swap3A_1080] {strides = array<i32>} : memref<16x1024xf32, #tpu.memory_space<vmem>>, vector<1x16xf32>,
        %swap3A_1082 = vector.shape_cast %swap3A_1081 : vector<1x16xf32> to vector<16xf32>
        %swap3A_1083 = vector.shape_cast %add3A_1078 : vector<16xf32> to vector<1x16xf32>
        tpu.vector_store %arg16[%swap3A_1079, %swap3A_1080], %swap3A_1083 {strides = array<i32>} : memref<16x1024xf32, #tpu.memory_space<vmem>>, vector<1x16xf32>,
        %get3A_1084 = arith.index_cast %scan3A_76 : i32 to index
        %get3A_1085 = arith.constant 992 : index
        %get3A_1086 = tpu.vector_load %arg14[%get3A_1084, %get3A_1085] {strides = array<i32>} : memref<16x1024xf32, #tpu.memory_space<vmem>>, vector<1x16xf32>,
        %get3A_1087 = vector.shape_cast %get3A_1086 : vector<1x16xf32> to vector<16xf32>
        %mul3A_1088 = arith.mulf %gather3A_84, %get3A_1087 : vector<16xf32>
        %get3A_1089 = arith.index_cast %scan3A_76 : i32 to index
        %get3A_1090 = arith.constant 992 : index
        %get3A_1091 = tpu.vector_load %arg15[%get3A_1089, %get3A_1090] {strides = array<i32>} : memref<16x1024xf32, #tpu.memory_space<vmem>>, vector<1x16xf32>,
        %get3A_1092 = vector.shape_cast %get3A_1091 : vector<1x16xf32> to vector<16xf32>
        %mul3A_1093 = arith.mulf %gather3A_92, %get3A_1092 : vector<16xf32>
        %add3A_1094 = arith.addf %mul3A_1088, %mul3A_1093 : vector<16xf32>
        %swap3A_1095 = arith.index_cast %scan3A_76 : i32 to index
        %swap3A_1096 = arith.constant 992 : index
        %swap3A_1097 = tpu.vector_load %arg16[%swap3A_1095, %swap3A_1096] {strides = array<i32>} : memref<16x1024xf32, #tpu.memory_space<vmem>>, vector<1x16xf32>,
        %swap3A_1098 = vector.shape_cast %swap3A_1097 : vector<1x16xf32> to vector<16xf32>
        %swap3A_1099 = vector.shape_cast %add3A_1094 : vector<16xf32> to vector<1x16xf32>
        tpu.vector_store %arg16[%swap3A_1095, %swap3A_1096], %swap3A_1099 {strides = array<i32>} : memref<16x1024xf32, #tpu.memory_space<vmem>>, vector<1x16xf32>,
        %get3A_1100 = arith.index_cast %scan3A_76 : i32 to index
        %get3A_1101 = arith.constant 1008 : index
        %get3A_1102 = tpu.vector_load %arg14[%get3A_1100, %get3A_1101] {strides = array<i32>} : memref<16x1024xf32, #tpu.memory_space<vmem>>, vector<1x16xf32>,
        %get3A_1103 = vector.shape_cast %get3A_1102 : vector<1x16xf32> to vector<16xf32>
        %mul3A_1104 = arith.mulf %gather3A_84, %get3A_1103 : vector<16xf32>
        %get3A_1105 = arith.index_cast %scan3A_76 : i32 to index
        %get3A_1106 = arith.constant 1008 : index
        %get3A_1107 = tpu.vector_load %arg15[%get3A_1105, %get3A_1106] {strides = array<i32>} : memref<16x1024xf32, #tpu.memory_space<vmem>>, vector<1x16xf32>,
        %get3A_1108 = vector.shape_cast %get3A_1107 : vector<1x16xf32> to vector<16xf32>
        %mul3A_1109 = arith.mulf %gather3A_92, %get3A_1108 : vector<16xf32>
        %add3A_1110 = arith.addf %mul3A_1104, %mul3A_1109 : vector<16xf32>
        %swap3A_1111 = arith.index_cast %scan3A_76 : i32 to index
        %swap3A_1112 = arith.constant 1008 : index
        %swap3A_1113 = tpu.vector_load %arg16[%swap3A_1111, %swap3A_1112] {strides = array<i32>} : memref<16x1024xf32, #tpu.memory_space<vmem>>, vector<1x16xf32>,
        %swap3A_1114 = vector.shape_cast %swap3A_1113 : vector<1x16xf32> to vector<16xf32>
        %swap3A_1115 = vector.shape_cast %add3A_1110 : vector<16xf32> to vector<1x16xf32>
        tpu.vector_store %arg16[%swap3A_1111, %swap3A_1112], %swap3A_1115 {strides = array<i32>} : memref<16x1024xf32, #tpu.memory_space<vmem>>, vector<1x16xf32>,
      }
      %scan3A_72 = arith.constant 16 : i32
      %mul3A_73 = arith.constant 16 : i32
      %mul3A_74 = arith.muli %add3A_47, %mul3A_73 : i32
      %add3A_75 = arith.addi %mul3A_2, %mul3A_74 : i32
      "tpu.region"() ({
        %run_scoped3A = tpu.sem_alloc : memref<!tpu.dma_semaphore, #tpu.memory_space<semaphore_mem>>
        %dma_start3A_76 = arith.constant 0 : i32
        %dma_start3A_77 = tpu.memref_slice %arg7[%add3A_75, %dma_start3A_76] : memref<8192x1024xf32, #tpu.memory_space<hbm>> -> memref<16x1024xf32, #tpu.memory_space<hbm>>
        %dma_start3A_78 = arith.constant 0 : i32
        %dma_start3A_79 = tpu.memref_slice %arg7[%add3A_75, %dma_start3A_78] : memref<8192x1024xf32, #tpu.memory_space<hbm>> -> memref<16x1024xf32, #tpu.memory_space<hbm>>
        tpu.enqueue_dma source(%arg16 : memref<16x1024xf32, #tpu.memory_space<vmem>>) target(%dma_start3A_79 : memref<16x1024xf32, #tpu.memory_space<hbm>>) target_semaphore(%run_scoped3A : memref<!tpu.dma_semaphore, #tpu.memory_space<semaphore_mem>>)
        %dma_wait3A_80 = arith.constant 0 : i32
        %dma_wait3A_81 = tpu.memref_slice %arg7[%add3A_75, %dma_wait3A_80] : memref<8192x1024xf32, #tpu.memory_space<hbm>> -> memref<16x1024xf32, #tpu.memory_space<hbm>>
        %dma_wait3A_82 = arith.constant 0 : i32
        %dma_wait3A_83 = tpu.memref_slice %arg7[%add3A_75, %dma_wait3A_82] : memref<8192x1024xf32, #tpu.memory_space<hbm>> -> memref<16x1024xf32, #tpu.memory_space<hbm>>
        tpu.wait_dma2 semaphore(%run_scoped3A : memref<!tpu.dma_semaphore, #tpu.memory_space<semaphore_mem>>) src(%arg16 : memref<16x1024xf32, #tpu.memory_space<vmem>>) dst(%dma_wait3A_83 : memref<16x1024xf32, #tpu.memory_space<hbm>>)
        tpu.yield
      }) : () -> ()
    }
    %scan3A_16 = arith.constant 8 : i32
    return
  }
}

module attributes {stable_mosaic.version = 14 : i64} {
  func.func @_gmm_kernel(%arg0: i32, %arg1: memref<3x128xi32, #tpu.memory_space<smem>>, %arg2: memref<256x1024xf32, #tpu.memory_space<vmem>>, %arg3: memref<1x1024x1024xf32, #tpu.memory_space<vmem>>, %arg4: memref<256x1024xf32, #tpu.memory_space<vmem>>) attributes {dimension_semantics = [#tpu.dimension_semantics<arbitrary>], iteration_bounds = array<i64: 128>, scalar_prefetch = 1 : i64, scratch_operands = 0 : i64, tpu.core_type = #tpu.core_type<tc>, window_params = [{transform_indices = @transform_0, window_bounds = array<i64: 256, 1024>}, {transform_indices = @transform_1, window_bounds = array<i64: 1, 1024, 1024>}, {transform_indices = @transform_2, window_bounds = array<i64: 256, 1024>}]} {
    %get3A = arith.constant 2 : index
    %get3A_0 = arith.index_cast %arg0 : i32 to index
    %get3A_1 = memref.load %arg1[%get3A, %get3A_0] : memref<3x128xi32, #tpu.memory_space<smem>>
    %eq3A = arith.constant 1 : i32
    %eq3A_2 = arith.cmpi eq, %get3A_1, %eq3A : i32
    %convert_element_type3A = arith.extui %eq3A_2 : i1 to i32
    %cond3A = arith.constant 0 : i32
    %cond3A_3 = arith.cmpi ne, %convert_element_type3A, %cond3A : i32
    scf.if %cond3A_3 {
      %get3A_4 = arith.constant 0 : index
      %get3A_5 = arith.constant 0 : index
      %get3A_6 = vector.load %arg2[%get3A_4, %get3A_5] : memref<256x1024xf32, #tpu.memory_space<vmem>>, vector<256x1024xf32>
      %convert_element_type3A_7 = arith.truncf %get3A_6 : vector<256x1024xf32> to vector<256x1024xbf16>
      %get3A_8 = arith.constant 0 : index
      %get3A_9 = arith.constant 0 : index
      %get3A_10 = arith.constant 0 : index
      %get3A_11 = vector.load %arg3[%get3A_8, %get3A_9, %get3A_10] : memref<1x1024x1024xf32, #tpu.memory_space<vmem>>, vector<1x1024x1024xf32>
      %get3A_12 = vector.shape_cast %get3A_11 : vector<1x1024x1024xf32> to vector<1024x1024xf32>
      %convert_element_type3A_13 = arith.truncf %get3A_12 : vector<1024x1024xf32> to vector<1024x1024xbf16>
      %dot_general3A = arith.constant dense<0.000000e+00> : vector<256x1024xf32>
      %dot_general3A_14 = tpu.matmul %convert_element_type3A_7, %convert_element_type3A_13, %dot_general3A {dimension_numbers = #tpu.dot_dimension_numbers<[1], [0], [0], [1], [0, 0, 1, 1], [], []>, transpose_lhs_hint = false} : vector<256x1024xbf16>, vector<1024x1024xbf16>, vector<256x1024xf32> -> vector<256x1024xf32>
      %swap3A = arith.constant 0 : index
      %swap3A_15 = arith.constant 0 : index
      %swap3A_16 = vector.load %arg4[%swap3A, %swap3A_15] : memref<256x1024xf32, #tpu.memory_space<vmem>>, vector<256x1024xf32>
      tpu.vector_store %arg4[%swap3A, %swap3A_15], %dot_general3A_14 {strides = array<i32>} : memref<256x1024xf32, #tpu.memory_space<vmem>>, vector<256x1024xf32>,
    } else {
    }
    return
  }
  func.func @transform_0(%arg0: i32, %arg1: memref<3x128xi32, #tpu.memory_space<smem>>) -> (i32, i32) {
    %get3A = arith.constant 0 : index
    %get3A_0 = arith.index_cast %arg0 : i32 to index
    %get3A_1 = memref.load %arg1[%get3A, %get3A_0] : memref<3x128xi32, #tpu.memory_space<smem>>
    %c0_i32 = arith.constant 0 : i32
    %c0_i32_2 = arith.constant 0 : i32
    return %get3A_1, %c0_i32 : i32, i32
  }
  func.func @transform_1(%arg0: i32, %arg1: memref<3x128xi32, #tpu.memory_space<smem>>) -> (i32, i32, i32) {
    %get3A = arith.constant 1 : index
    %get3A_0 = arith.index_cast %arg0 : i32 to index
    %get3A_1 = memref.load %arg1[%get3A, %get3A_0] : memref<3x128xi32, #tpu.memory_space<smem>>
    %c0_i32 = arith.constant 0 : i32
    %c0_i32_2 = arith.constant 0 : i32
    %c0_i32_3 = arith.constant 0 : i32
    return %get3A_1, %c0_i32, %c0_i32_2 : i32, i32, i32
  }
  func.func @transform_2(%arg0: i32, %arg1: memref<3x128xi32, #tpu.memory_space<smem>>) -> (i32, i32) {
    %get3A = arith.constant 0 : index
    %get3A_0 = arith.index_cast %arg0 : i32 to index
    %get3A_1 = memref.load %arg1[%get3A, %get3A_0] : memref<3x128xi32, #tpu.memory_space<smem>>
    %c0_i32 = arith.constant 0 : i32
    %c0_i32_2 = arith.constant 0 : i32
    return %get3A_1, %c0_i32 : i32, i32
  }
}

module attributes {stable_mosaic.version = 14 : i64} {
  func.func @_gate_kernel(%arg0: i32, %arg1: memref<512x1024xf32, #tpu.memory_space<vmem>>, %arg2: memref<1024x64xf32, #tpu.memory_space<vmem>>, %arg3: memref<512xf32, #tpu.memory_space<vmem>>, %arg4: memref<512xf32, #tpu.memory_space<vmem>>, %arg5: memref<512xi32, #tpu.memory_space<vmem>>, %arg6: memref<512xi32, #tpu.memory_space<vmem>>, %arg7: memref<3x128xi32, #tpu.memory_space<vmem>>, %arg8: memref<512x512xf32, #tpu.memory_space<vmem>>, %arg9: memref<64x64xf32, #tpu.memory_space<vmem>>, %arg10: memref<16x512x1xi32, #tpu.memory_space<vmem>>, %arg11: memref<16x512x1xi32, #tpu.memory_space<vmem>>, %arg12: memref<16x512x1xf32, #tpu.memory_space<vmem>>, %arg13: memref<16x512x1xf32, #tpu.memory_space<vmem>>, %arg14: memref<16x512x1xf32, #tpu.memory_space<vmem>>, %arg15: memref<16x512x1xf32, #tpu.memory_space<vmem>>, %arg16: memref<1x64xf32, #tpu.memory_space<vmem>>) attributes {dimension_semantics = [#tpu.dimension_semantics<arbitrary>], iteration_bounds = array<i64: 32>, scalar_prefetch = 0 : i64, scratch_operands = 9 : i64, tpu.core_type = #tpu.core_type<tc>, window_params = [{transform_indices = @transform_0, window_bounds = array<i64: 512, 1024>}, {pipeline_mode = #tpu.pipeline_mode<synchronous>, transform_indices = @transform_1, window_bounds = array<i64: 1024, 64>}, {transform_indices = @transform_2, window_bounds = array<i64: 512>}, {transform_indices = @transform_3, window_bounds = array<i64: 512>}, {transform_indices = @transform_4, window_bounds = array<i64: 512>}, {transform_indices = @transform_5, window_bounds = array<i64: 512>}, {pipeline_mode = #tpu.pipeline_mode<synchronous>, transform_indices = @transform_6, window_bounds = array<i64: 3, 128>}]} {
    %lt3A = arith.constant 16 : i32
    %lt3A_0 = arith.cmpi slt, %arg0, %lt3A : i32
    %sub3A = arith.constant 16 : i32
    %sub3A_1 = arith.subi %arg0, %sub3A : i32
    %select_n3A = arith.select %lt3A_0, %arg0, %sub3A_1 : i32
    %eq3A = arith.constant 0 : i32
    %eq3A_2 = arith.cmpi eq, %arg0, %eq3A : i32
    %convert_element_type3A = arith.extui %eq3A_2 : i1 to i32
    %cond3A = arith.constant 0 : i32
    %cond3A_3 = arith.cmpi ne, %convert_element_type3A, %cond3A : i32
    scf.if %cond3A_3 {
      %iota3A = tpu.iota {dimensions = array<i32: 0>} : vector<512x512xi32>
      %iota3A_13 = tpu.iota {dimensions = array<i32: 1>} : vector<512x512xi32>
      %gt3A = arith.cmpi sgt, %iota3A, %iota3A_13 : vector<512x512xi32>
      %convert_element_type3A_14 = arith.extui %gt3A : vector<512x512xi1> to vector<512x512xi32>
      %convert_element_type3A_15 = arith.sitofp %convert_element_type3A_14 : vector<512x512xi32> to vector<512x512xf32>
      %swap3A = arith.constant 0 : index
      %swap3A_16 = arith.constant 0 : index
      %swap3A_17 = vector.load %arg8[%swap3A, %swap3A_16] : memref<512x512xf32, #tpu.memory_space<vmem>>, vector<512x512xf32>
      tpu.vector_store %arg8[%swap3A, %swap3A_16], %convert_element_type3A_15 {strides = array<i32>} : memref<512x512xf32, #tpu.memory_space<vmem>>, vector<512x512xf32>,
      %iota3A_18 = tpu.iota {dimensions = array<i32: 0>} : vector<64x64xi32>
      %iota3A_19 = tpu.iota {dimensions = array<i32: 1>} : vector<64x64xi32>
      %lt3A_20 = arith.cmpi slt, %iota3A_18, %iota3A_19 : vector<64x64xi32>
      %convert_element_type3A_21 = arith.extui %lt3A_20 : vector<64x64xi1> to vector<64x64xi32>
      %convert_element_type3A_22 = arith.sitofp %convert_element_type3A_21 : vector<64x64xi32> to vector<64x64xf32>
      %swap3A_23 = arith.constant 0 : index
      %swap3A_24 = arith.constant 0 : index
      %swap3A_25 = vector.load %arg9[%swap3A_23, %swap3A_24] : memref<64x64xf32, #tpu.memory_space<vmem>>, vector<64x64xf32>
      tpu.vector_store %arg9[%swap3A_23, %swap3A_24], %convert_element_type3A_22 {strides = array<i32>} : memref<64x64xf32, #tpu.memory_space<vmem>>, vector<64x64xf32>,
    } else {
    }
    %lt3A_4 = arith.constant 16 : i32
    %lt3A_5 = arith.cmpi slt, %arg0, %lt3A_4 : i32
    %convert_element_type3A_6 = arith.extui %lt3A_5 : i1 to i32
    %cond3A_7 = arith.constant 0 : i32
    %cond3A_8 = arith.cmpi ne, %convert_element_type3A_6, %cond3A_7 : i32
    scf.if %cond3A_8 {
      %get3A = arith.constant 0 : index
      %get3A_13 = arith.constant 0 : index
      %get3A_14 = vector.load %arg1[%get3A, %get3A_13] : memref<512x1024xf32, #tpu.memory_space<vmem>>, vector<512x1024xf32>
      %get3A_15 = arith.constant 0 : index
      %get3A_16 = arith.constant 0 : index
      %get3A_17 = vector.load %arg2[%get3A_15, %get3A_16] : memref<1024x64xf32, #tpu.memory_space<vmem>>, vector<1024x64xf32>
      %dot_general3A = arith.constant dense<0.000000e+00> : vector<512x64xf32>
      %dot_general3A_18 = tpu.matmul %get3A_14, %get3A_17, %dot_general3A {dimension_numbers = #tpu.dot_dimension_numbers<[1], [0], [0], [1], [0, 0, 1, 1], [], []>, transpose_lhs_hint = false} : vector<512x1024xf32>, vector<1024x64xf32>, vector<512x64xf32> -> vector<512x64xf32>
      %logistic3A = arith.negf %dot_general3A_18 : vector<512x64xf32>
      %logistic3A_19 = math.exp %logistic3A : vector<512x64xf32>
      %logistic3A_20 = arith.constant 1.000000e+00 : f32
      %logistic3A_21 = vector.broadcast %logistic3A_20 : f32 to vector<512x64xf32>
      %logistic3A_22 = arith.addf %logistic3A_21, %logistic3A_19 : vector<512x64xf32>
      %logistic3A_23 = arith.divf %logistic3A_21, %logistic3A_22 : vector<512x64xf32>
      %iota3A = tpu.iota {dimensions = array<i32: 1>} : vector<512x64xi32>
      %reduce_max3A = arith.constant dense<0xFF800000> : vector<512xf32>
      %reduce_max3A_24 = vector.multi_reduction <maximumf>, %logistic3A_23, %reduce_max3A [1] : vector<512x64xf32> to vector<512xf32>
      %broadcast_in_dim3A = vector.shape_cast %reduce_max3A_24 : vector<512xf32> to vector<512x1xf32>
      %eq3A_25 = vector.broadcast %broadcast_in_dim3A : vector<512x1xf32> to vector<512x64xf32>
      %eq3A_26 = arith.cmpf oeq, %logistic3A_23, %eq3A_25 : vector<512x64xf32>
      %jit3A = arith.constant 64 : i32
      %broadcast_in_dim3A_27 = vector.broadcast %jit3A : i32 to vector<512x64xi32>
      %select_n3A_28 = arith.select %eq3A_26, %iota3A, %broadcast_in_dim3A_27 : vector<512x64xi1>, vector<512x64xi32>
      %reduce_min3A = arith.constant dense<2147483647> : vector<512xi32>
      %reduce_min3A_29 = vector.multi_reduction <minsi>, %select_n3A_28, %reduce_min3A [1] : vector<512x64xi32> to vector<512xi32>
      %broadcast_in_dim3A_30 = vector.shape_cast %reduce_min3A_29 : vector<512xi32> to vector<512x1xi32>
      %eq3A_31 = vector.broadcast %broadcast_in_dim3A_30 : vector<512x1xi32> to vector<512x64xi32>
      %eq3A_32 = arith.cmpi eq, %iota3A, %eq3A_31 : vector<512x64xi32>
      %jit3A_33 = arith.constant -1.000000e+00 : f32
      %broadcast_in_dim3A_34 = vector.broadcast %jit3A_33 : f32 to vector<512x64xf32>
      %select_n3A_35 = arith.select %eq3A_32, %broadcast_in_dim3A_34, %logistic3A_23 : vector<512x64xi1>, vector<512x64xf32>
      %reduce_max3A_36 = arith.constant dense<0xFF800000> : vector<512xf32>
      %reduce_max3A_37 = vector.multi_reduction <maximumf>, %select_n3A_35, %reduce_max3A_36 [1] : vector<512x64xf32> to vector<512xf32>
      %broadcast_in_dim3A_38 = vector.shape_cast %reduce_max3A_37 : vector<512xf32> to vector<512x1xf32>
      %eq3A_39 = vector.broadcast %broadcast_in_dim3A_38 : vector<512x1xf32> to vector<512x64xf32>
      %eq3A_40 = arith.cmpf oeq, %select_n3A_35, %eq3A_39 : vector<512x64xf32>
      %jit3A_41 = arith.constant 64 : i32
      %broadcast_in_dim3A_42 = vector.broadcast %jit3A_41 : i32 to vector<512x64xi32>
      %select_n3A_43 = arith.select %eq3A_40, %iota3A, %broadcast_in_dim3A_42 : vector<512x64xi1>, vector<512x64xi32>
      %reduce_min3A_44 = arith.constant dense<2147483647> : vector<512xi32>
      %reduce_min3A_45 = vector.multi_reduction <minsi>, %select_n3A_43, %reduce_min3A_44 [1] : vector<512x64xi32> to vector<512xi32>
      %broadcast_in_dim3A_46 = vector.shape_cast %reduce_min3A_45 : vector<512xi32> to vector<512x1xi32>
      %eq3A_47 = vector.broadcast %broadcast_in_dim3A_30 : vector<512x1xi32> to vector<512x64xi32>
      %eq3A_48 = arith.cmpi eq, %iota3A, %eq3A_47 : vector<512x64xi32>
      %convert_element_type3A_49 = arith.extui %eq3A_48 : vector<512x64xi1> to vector<512x64xi32>
      %convert_element_type3A_50 = arith.sitofp %convert_element_type3A_49 : vector<512x64xi32> to vector<512x64xf32>
      %eq3A_51 = vector.broadcast %broadcast_in_dim3A_46 : vector<512x1xi32> to vector<512x64xi32>
      %eq3A_52 = arith.cmpi eq, %iota3A, %eq3A_51 : vector<512x64xi32>
      %convert_element_type3A_53 = arith.extui %eq3A_52 : vector<512x64xi1> to vector<512x64xi32>
      %convert_element_type3A_54 = arith.sitofp %convert_element_type3A_53 : vector<512x64xi32> to vector<512x64xf32>
      %add3A = arith.addf %convert_element_type3A_50, %convert_element_type3A_54 : vector<512x64xf32>
      %get3A_55 = arith.constant 0 : index
      %get3A_56 = arith.constant 0 : index
      %get3A_57 = vector.load %arg8[%get3A_55, %get3A_56] : memref<512x512xf32, #tpu.memory_space<vmem>>, vector<512x512xf32>
      %dot_general3A_58 = arith.constant dense<0.000000e+00> : vector<512x64xf32>
      %dot_general3A_59 = tpu.matmul %get3A_57, %add3A, %dot_general3A_58 {dimension_numbers = #tpu.dot_dimension_numbers<[1], [0], [0], [1], [0, 0, 1, 1], [], []>, transpose_lhs_hint = false} : vector<512x512xf32>, vector<512x64xf32>, vector<512x64xf32> -> vector<512x64xf32>
      %eq3A_60 = arith.constant 0 : i32
      %eq3A_61 = arith.cmpi eq, %arg0, %eq3A_60 : i32
      %get3A_62 = arith.constant 0 : index
      %get3A_63 = arith.constant 0 : index
      %get3A_64 = vector.load %arg16[%get3A_62, %get3A_63] : memref<1x64xf32, #tpu.memory_space<vmem>>, vector<1x64xf32>
      %jit3A_65 = arith.constant 0.000000e+00 : f32
      %broadcast_in_dim3A_66 = vector.broadcast %jit3A_65 : f32 to vector<1x64xf32>
      %select_n3A_67 = arith.select %eq3A_61, %broadcast_in_dim3A_66, %get3A_64 : vector<1x64xf32>
      %add3A_68 = vector.broadcast %select_n3A_67 : vector<1x64xf32> to vector<512x64xf32>
      %add3A_69 = arith.addf %dot_general3A_59, %add3A_68 : vector<512x64xf32>
      %mul3A = arith.mulf %add3A_69, %convert_element_type3A_50 : vector<512x64xf32>
      %reduce_sum3A = arith.constant dense<0.000000e+00> : vector<512xf32>
      %reduce_sum3A_70 = vector.multi_reduction <add>, %mul3A, %reduce_sum3A [1] : vector<512x64xf32> to vector<512xf32>
      %broadcast_in_dim3A_71 = vector.shape_cast %reduce_sum3A_70 : vector<512xf32> to vector<512x1xf32>
      %add3A_72 = vector.broadcast %select_n3A_67 : vector<1x64xf32> to vector<512x64xf32>
      %add3A_73 = arith.addf %dot_general3A_59, %add3A_72 : vector<512x64xf32>
      %mul3A_74 = arith.mulf %add3A_73, %convert_element_type3A_54 : vector<512x64xf32>
      %reduce_sum3A_75 = arith.constant dense<0.000000e+00> : vector<512xf32>
      %reduce_sum3A_76 = vector.multi_reduction <add>, %mul3A_74, %reduce_sum3A_75 [1] : vector<512x64xf32> to vector<512xf32>
      %broadcast_in_dim3A_77 = vector.shape_cast %reduce_sum3A_76 : vector<512xf32> to vector<512x1xf32>
      %swap3A = arith.index_cast %select_n3A : i32 to index
      %swap3A_78 = arith.constant 0 : index
      %swap3A_79 = arith.constant 0 : index
      %swap3A_80 = vector.load %arg10[%swap3A, %swap3A_78, %swap3A_79] : memref<16x512x1xi32, #tpu.memory_space<vmem>>, vector<1x512x1xi32>
      %swap3A_81 = vector.shape_cast %swap3A_80 : vector<1x512x1xi32> to vector<512x1xi32>
      %swap3A_82 = vector.shape_cast %broadcast_in_dim3A_30 : vector<512x1xi32> to vector<1x512x1xi32>
      tpu.vector_store %arg10[%swap3A, %swap3A_78, %swap3A_79], %swap3A_82 {strides = array<i32>} : memref<16x512x1xi32, #tpu.memory_space<vmem>>, vector<1x512x1xi32>,
      %swap3A_83 = arith.index_cast %select_n3A : i32 to index
      %swap3A_84 = arith.constant 0 : index
      %swap3A_85 = arith.constant 0 : index
      %swap3A_86 = vector.load %arg11[%swap3A_83, %swap3A_84, %swap3A_85] : memref<16x512x1xi32, #tpu.memory_space<vmem>>, vector<1x512x1xi32>
      %swap3A_87 = vector.shape_cast %swap3A_86 : vector<1x512x1xi32> to vector<512x1xi32>
      %swap3A_88 = vector.shape_cast %broadcast_in_dim3A_46 : vector<512x1xi32> to vector<1x512x1xi32>
      tpu.vector_store %arg11[%swap3A_83, %swap3A_84, %swap3A_85], %swap3A_88 {strides = array<i32>} : memref<16x512x1xi32, #tpu.memory_space<vmem>>, vector<1x512x1xi32>,
      %swap3A_89 = arith.index_cast %select_n3A : i32 to index
      %swap3A_90 = arith.constant 0 : index
      %swap3A_91 = arith.constant 0 : index
      %swap3A_92 = vector.load %arg12[%swap3A_89, %swap3A_90, %swap3A_91] : memref<16x512x1xf32, #tpu.memory_space<vmem>>, vector<1x512x1xf32>
      %swap3A_93 = vector.shape_cast %swap3A_92 : vector<1x512x1xf32> to vector<512x1xf32>
      %swap3A_94 = vector.shape_cast %broadcast_in_dim3A_71 : vector<512x1xf32> to vector<1x512x1xf32>
      tpu.vector_store %arg12[%swap3A_89, %swap3A_90, %swap3A_91], %swap3A_94 {strides = array<i32>} : memref<16x512x1xf32, #tpu.memory_space<vmem>>, vector<1x512x1xf32>,
      %swap3A_95 = arith.index_cast %select_n3A : i32 to index
      %swap3A_96 = arith.constant 0 : index
      %swap3A_97 = arith.constant 0 : index
      %swap3A_98 = vector.load %arg13[%swap3A_95, %swap3A_96, %swap3A_97] : memref<16x512x1xf32, #tpu.memory_space<vmem>>, vector<1x512x1xf32>
      %swap3A_99 = vector.shape_cast %swap3A_98 : vector<1x512x1xf32> to vector<512x1xf32>
      %swap3A_100 = vector.shape_cast %broadcast_in_dim3A_77 : vector<512x1xf32> to vector<1x512x1xf32>
      tpu.vector_store %arg13[%swap3A_95, %swap3A_96, %swap3A_97], %swap3A_100 {strides = array<i32>} : memref<16x512x1xf32, #tpu.memory_space<vmem>>, vector<1x512x1xf32>,
      %swap3A_101 = arith.index_cast %select_n3A : i32 to index
      %swap3A_102 = arith.constant 0 : index
      %swap3A_103 = arith.constant 0 : index
      %swap3A_104 = vector.load %arg14[%swap3A_101, %swap3A_102, %swap3A_103] : memref<16x512x1xf32, #tpu.memory_space<vmem>>, vector<1x512x1xf32>
      %swap3A_105 = vector.shape_cast %swap3A_104 : vector<1x512x1xf32> to vector<512x1xf32>
      %swap3A_106 = vector.shape_cast %broadcast_in_dim3A : vector<512x1xf32> to vector<1x512x1xf32>
      tpu.vector_store %arg14[%swap3A_101, %swap3A_102, %swap3A_103], %swap3A_106 {strides = array<i32>} : memref<16x512x1xf32, #tpu.memory_space<vmem>>, vector<1x512x1xf32>,
      %swap3A_107 = arith.index_cast %select_n3A : i32 to index
      %swap3A_108 = arith.constant 0 : index
      %swap3A_109 = arith.constant 0 : index
      %swap3A_110 = vector.load %arg15[%swap3A_107, %swap3A_108, %swap3A_109] : memref<16x512x1xf32, #tpu.memory_space<vmem>>, vector<1x512x1xf32>
      %swap3A_111 = vector.shape_cast %swap3A_110 : vector<1x512x1xf32> to vector<512x1xf32>
      %swap3A_112 = vector.shape_cast %broadcast_in_dim3A_38 : vector<512x1xf32> to vector<1x512x1xf32>
      tpu.vector_store %arg15[%swap3A_107, %swap3A_108, %swap3A_109], %swap3A_112 {strides = array<i32>} : memref<16x512x1xf32, #tpu.memory_space<vmem>>, vector<1x512x1xf32>,
      %reduce_sum3A_113 = arith.constant dense<0.000000e+00> : vector<64xf32>
      %reduce_sum3A_114 = vector.multi_reduction <add>, %add3A, %reduce_sum3A_113 [0] : vector<512x64xf32> to vector<64xf32>
      %broadcast_in_dim3A_115 = vector.shape_cast %reduce_sum3A_114 : vector<64xf32> to vector<1x64xf32>
      %add3A_116 = arith.addf %select_n3A_67, %broadcast_in_dim3A_115 : vector<1x64xf32>
      %swap3A_117 = arith.constant 0 : index
      %swap3A_118 = arith.constant 0 : index
      %swap3A_119 = vector.load %arg16[%swap3A_117, %swap3A_118] : memref<1x64xf32, #tpu.memory_space<vmem>>, vector<1x64xf32>
      tpu.vector_store %arg16[%swap3A_117, %swap3A_118], %add3A_116 {strides = array<i32>} : memref<1x64xf32, #tpu.memory_space<vmem>>, vector<1x64xf32>,
    } else {
    }
    %ge3A = arith.constant 16 : i32
    %ge3A_9 = arith.cmpi sge, %arg0, %ge3A : i32
    %convert_element_type3A_10 = arith.extui %ge3A_9 : i1 to i32
    %cond3A_11 = arith.constant 0 : i32
    %cond3A_12 = arith.cmpi ne, %convert_element_type3A_10, %cond3A_11 : i32
    scf.if %cond3A_12 {
      %eq3A_13 = arith.constant 16 : i32
      %eq3A_14 = arith.cmpi eq, %arg0, %eq3A_13 : i32
      %convert_element_type3A_15 = arith.extui %eq3A_14 : i1 to i32
      %cond3A_16 = arith.constant 0 : i32
      %cond3A_17 = arith.cmpi ne, %convert_element_type3A_15, %cond3A_16 : i32
      scf.if %cond3A_17 {
        %get3A_78 = arith.constant 0 : index
        %get3A_79 = arith.constant 0 : index
        %get3A_80 = vector.load %arg16[%get3A_78, %get3A_79] : memref<1x64xf32, #tpu.memory_space<vmem>>, vector<1x64xf32>
        %add3A_81 = arith.constant 2.550000e+02 : f32
        %add3A_82 = vector.broadcast %add3A_81 : f32 to vector<1x64xf32>
        %add3A_83 = arith.addf %get3A_80, %add3A_82 : vector<1x64xf32>
        %mul3A_84 = arith.constant 3.906250e-03 : f32
        %mul3A_85 = vector.broadcast %mul3A_84 : f32 to vector<1x64xf32>
        %mul3A_86 = arith.mulf %add3A_83, %mul3A_85 : vector<1x64xf32>
        %floor3A = math.floor %mul3A_86 : vector<1x64xf32>
        %get3A_87 = arith.constant 0 : index
        %get3A_88 = arith.constant 0 : index
        %get3A_89 = vector.load %arg9[%get3A_87, %get3A_88] : memref<64x64xf32, #tpu.memory_space<vmem>>, vector<64x64xf32>
        %dot_general3A = arith.constant dense<0.000000e+00> : vector<1x64xf32>
        %dot_general3A_90 = tpu.matmul %floor3A, %get3A_89, %dot_general3A {dimension_numbers = #tpu.dot_dimension_numbers<[1], [0], [0], [1], [0, 0, 1, 1], [], []>, transpose_lhs_hint = false} : vector<1x64xf32>, vector<64x64xf32>, vector<1x64xf32> -> vector<1x64xf32>
        %reduce_sum3A_91 = vector.shape_cast %floor3A : vector<1x64xf32> to vector<1x1x64xf32>
        %reduce_sum3A_92 = arith.constant dense<0.000000e+00> : vector<1xf32>
        %reduce_sum3A_93 = vector.multi_reduction <add>, %reduce_sum3A_91, %reduce_sum3A_92 [1, 2] : vector<1x1x64xf32> to vector<1xf32>
        %reduce_sum3A_94 = vector.shape_cast %reduce_sum3A_93 : vector<1xf32> to vector<1x1x1xf32>
        %reduce_sum3A_95 = vector.extract %reduce_sum3A_94[0, 0, 0] : f32 from vector<1x1x1xf32>
        %iota3A_96 = tpu.iota {dimensions = array<i32: 0>} : vector<128x64xi32>
        %convert_element_type3A_97 = arith.sitofp %iota3A_96 : vector<128x64xi32> to vector<128x64xf32>
        %ge3A_98 = vector.broadcast %dot_general3A_90 : vector<1x64xf32> to vector<128x64xf32>
        %ge3A_99 = arith.cmpf oge, %convert_element_type3A_97, %ge3A_98 : vector<128x64xf32>
        %add3A_100 = arith.addf %dot_general3A_90, %floor3A : vector<1x64xf32>
        %lt3A_101 = vector.broadcast %add3A_100 : vector<1x64xf32> to vector<128x64xf32>
        %lt3A_102 = arith.cmpf olt, %convert_element_type3A_97, %lt3A_101 : vector<128x64xf32>
        %and3A = arith.andi %ge3A_99, %lt3A_102 : vector<128x64xi1>
        %iota3A_103 = tpu.iota {dimensions = array<i32: 1>} : vector<128x64xi32>
        %convert_element_type3A_104 = arith.sitofp %iota3A_103 : vector<128x64xi32> to vector<128x64xf32>
        %jit3A = arith.constant 0.000000e+00 : f32
        %broadcast_in_dim3A_105 = vector.broadcast %jit3A : f32 to vector<128x64xf32>
        %select_n3A_106 = arith.select %and3A, %convert_element_type3A_104, %broadcast_in_dim3A_105 : vector<128x64xi1>, vector<128x64xf32>
        %reduce_sum3A_107 = arith.constant dense<0.000000e+00> : vector<128xf32>
        %reduce_sum3A_108 = vector.multi_reduction <add>, %select_n3A_106, %reduce_sum3A_107 [1] : vector<128x64xf32> to vector<128xf32>
        %convert_element_type3A_109 = arith.extui %and3A : vector<128x64xi1> to vector<128x64xi32>
        %convert_element_type3A_110 = arith.sitofp %convert_element_type3A_109 : vector<128x64xi32> to vector<128x64xf32>
        %reduce_sum3A_111 = arith.constant dense<0.000000e+00> : vector<128xf32>
        %reduce_sum3A_112 = vector.multi_reduction <add>, %convert_element_type3A_110, %reduce_sum3A_111 [1] : vector<128x64xf32> to vector<128xf32>
        %iota3A_113 = tpu.iota {dimensions = array<i32: 1>} : vector<1x128xi32>
        %iota3A_114 = vector.shape_cast %iota3A_113 : vector<1x128xi32> to vector<128xi32>
        %convert_element_type3A_115 = arith.sitofp %iota3A_114 : vector<128xi32> to vector<128xf32>
        %sub3A_116 = arith.constant 1.000000e+00 : f32
        %sub3A_117 = arith.subf %reduce_sum3A_95, %sub3A_116 : f32
        %eq3A_118 = vector.broadcast %sub3A_117 : f32 to vector<128xf32>
        %eq3A_119 = arith.cmpf oeq, %convert_element_type3A_115, %eq3A_118 : vector<128xf32>
        %jit3A_120 = arith.constant 0.000000e+00 : f32
        %broadcast_in_dim3A_121 = vector.broadcast %jit3A_120 : f32 to vector<128xf32>
        %select_n3A_122 = arith.select %eq3A_119, %reduce_sum3A_108, %broadcast_in_dim3A_121 : vector<128xi1>, vector<128xf32>
        %reduce_sum3A_123 = vector.shape_cast %select_n3A_122 : vector<128xf32> to vector<1x128xf32>
        %reduce_sum3A_124 = arith.constant dense<0.000000e+00> : vector<1xf32>
        %reduce_sum3A_125 = vector.multi_reduction <add>, %reduce_sum3A_123, %reduce_sum3A_124 [1] : vector<1x128xf32> to vector<1xf32>
        %reduce_sum3A_126 = vector.shape_cast %reduce_sum3A_125 : vector<1xf32> to vector<1x1xf32>
        %reduce_sum3A_127 = vector.extract %reduce_sum3A_126[0, 0] : f32 from vector<1x1xf32>
        %gt3A = arith.constant 0.000000e+00 : f32
        %gt3A_128 = vector.broadcast %gt3A : f32 to vector<128xf32>
        %gt3A_129 = arith.cmpf ogt, %reduce_sum3A_112, %gt3A_128 : vector<128xf32>
        %sub3A_130 = arith.constant 1.000000e+00 : f32
        %sub3A_131 = arith.subf %reduce_sum3A_95, %sub3A_130 : f32
        %broadcast_in_dim3A_132 = vector.broadcast %sub3A_131 : f32 to vector<128xf32>
        %select_n3A_133 = arith.select %gt3A_129, %convert_element_type3A_115, %broadcast_in_dim3A_132 : vector<128xi1>, vector<128xf32>
        %convert_element_type3A_134 = arith.fptosi %select_n3A_133 : vector<128xf32> to vector<128xi32>
        %swap3A_135 = arith.constant 0 : index
        %swap3A_136 = arith.constant 0 : index
        %swap3A_137 = vector.load %arg7[%swap3A_135, %swap3A_136] : memref<3x128xi32, #tpu.memory_space<vmem>>, vector<1x128xi32>
        %swap3A_138 = vector.shape_cast %swap3A_137 : vector<1x128xi32> to vector<128xi32>
        %swap3A_139 = vector.shape_cast %convert_element_type3A_134 : vector<128xi32> to vector<1x128xi32>
        tpu.vector_store %arg7[%swap3A_135, %swap3A_136], %swap3A_139 {strides = array<i32>} : memref<3x128xi32, #tpu.memory_space<vmem>>, vector<1x128xi32>,
        %gt3A_140 = arith.constant 0.000000e+00 : f32
        %gt3A_141 = vector.broadcast %gt3A_140 : f32 to vector<128xf32>
        %gt3A_142 = arith.cmpf ogt, %reduce_sum3A_112, %gt3A_141 : vector<128xf32>
        %broadcast_in_dim3A_143 = vector.broadcast %reduce_sum3A_127 : f32 to vector<128xf32>
        %select_n3A_144 = arith.select %gt3A_142, %reduce_sum3A_108, %broadcast_in_dim3A_143 : vector<128xi1>, vector<128xf32>
        %convert_element_type3A_145 = arith.fptosi %select_n3A_144 : vector<128xf32> to vector<128xi32>
        %swap3A_146 = arith.constant 1 : index
        %swap3A_147 = arith.constant 0 : index
        %swap3A_148 = vector.load %arg7[%swap3A_146, %swap3A_147] : memref<3x128xi32, #tpu.memory_space<vmem>>, vector<1x128xi32>
        %swap3A_149 = vector.shape_cast %swap3A_148 : vector<1x128xi32> to vector<128xi32>
        %swap3A_150 = vector.shape_cast %convert_element_type3A_145 : vector<128xi32> to vector<1x128xi32>
        tpu.vector_store %arg7[%swap3A_146, %swap3A_147], %swap3A_150 {strides = array<i32>} : memref<3x128xi32, #tpu.memory_space<vmem>>, vector<1x128xi32>,
        %convert_element_type3A_151 = arith.fptosi %reduce_sum3A_112 : vector<128xf32> to vector<128xi32>
        %swap3A_152 = arith.constant 2 : index
        %swap3A_153 = arith.constant 0 : index
        %swap3A_154 = vector.load %arg7[%swap3A_152, %swap3A_153] : memref<3x128xi32, #tpu.memory_space<vmem>>, vector<1x128xi32>
        %swap3A_155 = vector.shape_cast %swap3A_154 : vector<1x128xi32> to vector<128xi32>
        %swap3A_156 = vector.shape_cast %convert_element_type3A_151 : vector<128xi32> to vector<1x128xi32>
        tpu.vector_store %arg7[%swap3A_152, %swap3A_153], %swap3A_156 {strides = array<i32>} : memref<3x128xi32, #tpu.memory_space<vmem>>, vector<1x128xi32>,
        %mul3A_157 = arith.constant 2.560000e+02 : f32
        %mul3A_158 = vector.broadcast %mul3A_157 : f32 to vector<1x64xf32>
        %mul3A_159 = arith.mulf %dot_general3A_90, %mul3A_158 : vector<1x64xf32>
        %swap3A_160 = arith.constant 0 : index
        %swap3A_161 = arith.constant 0 : index
        %swap3A_162 = vector.load %arg16[%swap3A_160, %swap3A_161] : memref<1x64xf32, #tpu.memory_space<vmem>>, vector<1x64xf32>
        tpu.vector_store %arg16[%swap3A_160, %swap3A_161], %mul3A_159 {strides = array<i32>} : memref<1x64xf32, #tpu.memory_space<vmem>>, vector<1x64xf32>,
      } else {
      }
      %iota3A = tpu.iota {dimensions = array<i32: 1>} : vector<512x64xi32>
      %get3A = arith.constant 0 : index
      %get3A_18 = arith.constant 0 : index
      %get3A_19 = vector.load %arg16[%get3A, %get3A_18] : memref<1x64xf32, #tpu.memory_space<vmem>>, vector<1x64xf32>
      %get3A_20 = arith.index_cast %select_n3A : i32 to index
      %get3A_21 = arith.constant 0 : index
      %get3A_22 = arith.constant 0 : index
      %get3A_23 = vector.load %arg10[%get3A_20, %get3A_21, %get3A_22] : memref<16x512x1xi32, #tpu.memory_space<vmem>>, vector<1x512x1xi32>
      %get3A_24 = vector.shape_cast %get3A_23 : vector<1x512x1xi32> to vector<512x1xi32>
      %eq3A_25 = vector.broadcast %get3A_24 : vector<512x1xi32> to vector<512x64xi32>
      %eq3A_26 = arith.cmpi eq, %eq3A_25, %iota3A : vector<512x64xi32>
      %convert_element_type3A_27 = arith.extui %eq3A_26 : vector<512x64xi1> to vector<512x64xi32>
      %convert_element_type3A_28 = arith.sitofp %convert_element_type3A_27 : vector<512x64xi32> to vector<512x64xf32>
      %get3A_29 = arith.index_cast %select_n3A : i32 to index
      %get3A_30 = arith.constant 0 : index
      %get3A_31 = arith.constant 0 : index
      %get3A_32 = vector.load %arg11[%get3A_29, %get3A_30, %get3A_31] : memref<16x512x1xi32, #tpu.memory_space<vmem>>, vector<1x512x1xi32>
      %get3A_33 = vector.shape_cast %get3A_32 : vector<1x512x1xi32> to vector<512x1xi32>
      %eq3A_34 = vector.broadcast %get3A_33 : vector<512x1xi32> to vector<512x64xi32>
      %eq3A_35 = arith.cmpi eq, %eq3A_34, %iota3A : vector<512x64xi32>
      %convert_element_type3A_36 = arith.extui %eq3A_35 : vector<512x64xi1> to vector<512x64xi32>
      %convert_element_type3A_37 = arith.sitofp %convert_element_type3A_36 : vector<512x64xi32> to vector<512x64xf32>
      %mul3A = vector.broadcast %get3A_19 : vector<1x64xf32> to vector<512x64xf32>
      %mul3A_38 = arith.mulf %convert_element_type3A_28, %mul3A : vector<512x64xf32>
      %reduce_sum3A = arith.constant dense<0.000000e+00> : vector<512xf32>
      %reduce_sum3A_39 = vector.multi_reduction <add>, %mul3A_38, %reduce_sum3A [1] : vector<512x64xf32> to vector<512xf32>
      %broadcast_in_dim3A = vector.shape_cast %reduce_sum3A_39 : vector<512xf32> to vector<512x1xf32>
      %get3A_40 = arith.index_cast %select_n3A : i32 to index
      %get3A_41 = arith.constant 0 : index
      %get3A_42 = arith.constant 0 : index
      %get3A_43 = vector.load %arg12[%get3A_40, %get3A_41, %get3A_42] : memref<16x512x1xf32, #tpu.memory_space<vmem>>, vector<1x512x1xf32>
      %get3A_44 = vector.shape_cast %get3A_43 : vector<1x512x1xf32> to vector<512x1xf32>
      %add3A = arith.addf %broadcast_in_dim3A, %get3A_44 : vector<512x1xf32>
      %mul3A_45 = vector.broadcast %get3A_19 : vector<1x64xf32> to vector<512x64xf32>
      %mul3A_46 = arith.mulf %convert_element_type3A_37, %mul3A_45 : vector<512x64xf32>
      %reduce_sum3A_47 = arith.constant dense<0.000000e+00> : vector<512xf32>
      %reduce_sum3A_48 = vector.multi_reduction <add>, %mul3A_46, %reduce_sum3A_47 [1] : vector<512x64xf32> to vector<512xf32>
      %broadcast_in_dim3A_49 = vector.shape_cast %reduce_sum3A_48 : vector<512xf32> to vector<512x1xf32>
      %get3A_50 = arith.index_cast %select_n3A : i32 to index
      %get3A_51 = arith.constant 0 : index
      %get3A_52 = arith.constant 0 : index
      %get3A_53 = vector.load %arg13[%get3A_50, %get3A_51, %get3A_52] : memref<16x512x1xf32, #tpu.memory_space<vmem>>, vector<1x512x1xf32>
      %get3A_54 = vector.shape_cast %get3A_53 : vector<1x512x1xf32> to vector<512x1xf32>
      %add3A_55 = arith.addf %broadcast_in_dim3A_49, %get3A_54 : vector<512x1xf32>
      %reshape3A = vector.shape_cast %add3A : vector<512x1xf32> to vector<512xf32>
      %convert_element_type3A_56 = arith.fptosi %reshape3A : vector<512xf32> to vector<512xi32>
      %swap3A = arith.constant 0 : index
      %swap3A_57 = vector.load %arg5[%swap3A] : memref<512xi32, #tpu.memory_space<vmem>>, vector<512xi32>
      tpu.vector_store %arg5[%swap3A], %convert_element_type3A_56 {strides = array<i32>} : memref<512xi32, #tpu.memory_space<vmem>>, vector<512xi32>,
      %reshape3A_58 = vector.shape_cast %add3A_55 : vector<512x1xf32> to vector<512xf32>
      %convert_element_type3A_59 = arith.fptosi %reshape3A_58 : vector<512xf32> to vector<512xi32>
      %swap3A_60 = arith.constant 0 : index
      %swap3A_61 = vector.load %arg6[%swap3A_60] : memref<512xi32, #tpu.memory_space<vmem>>, vector<512xi32>
      tpu.vector_store %arg6[%swap3A_60], %convert_element_type3A_59 {strides = array<i32>} : memref<512xi32, #tpu.memory_space<vmem>>, vector<512xi32>,
      %get3A_62 = arith.index_cast %select_n3A : i32 to index
      %get3A_63 = arith.constant 0 : index
      %get3A_64 = arith.constant 0 : index
      %get3A_65 = vector.load %arg14[%get3A_62, %get3A_63, %get3A_64] : memref<16x512x1xf32, #tpu.memory_space<vmem>>, vector<1x512x1xf32>
      %get3A_66 = vector.shape_cast %get3A_65 : vector<1x512x1xf32> to vector<512x1xf32>
      %reshape3A_67 = vector.shape_cast %get3A_66 : vector<512x1xf32> to vector<512xf32>
      %swap3A_68 = arith.constant 0 : index
      %swap3A_69 = vector.load %arg3[%swap3A_68] : memref<512xf32, #tpu.memory_space<vmem>>, vector<512xf32>
      tpu.vector_store %arg3[%swap3A_68], %reshape3A_67 {strides = array<i32>} : memref<512xf32, #tpu.memory_space<vmem>>, vector<512xf32>,
      %get3A_70 = arith.index_cast %select_n3A : i32 to index
      %get3A_71 = arith.constant 0 : index
      %get3A_72 = arith.constant 0 : index
      %get3A_73 = vector.load %arg15[%get3A_70, %get3A_71, %get3A_72] : memref<16x512x1xf32, #tpu.memory_space<vmem>>, vector<1x512x1xf32>
      %get3A_74 = vector.shape_cast %get3A_73 : vector<1x512x1xf32> to vector<512x1xf32>
      %reshape3A_75 = vector.shape_cast %get3A_74 : vector<512x1xf32> to vector<512xf32>
      %swap3A_76 = arith.constant 0 : index
      %swap3A_77 = vector.load %arg4[%swap3A_76] : memref<512xf32, #tpu.memory_space<vmem>>, vector<512xf32>
      tpu.vector_store %arg4[%swap3A_76], %reshape3A_75 {strides = array<i32>} : memref<512xf32, #tpu.memory_space<vmem>>, vector<512xf32>,
    } else {
    }
    return
  }
  func.func @transform_0(%arg0: i32) -> (i32, i32) {
    %lt3A = arith.constant 16 : i32
    %lt3A_0 = arith.cmpi slt, %arg0, %lt3A : i32
    %jit3A = arith.constant 0 : i32
    %select_n3A = arith.select %lt3A_0, %arg0, %jit3A : i32
    %c0_i32 = arith.constant 0 : i32
    %c0_i32_1 = arith.constant 0 : i32
    return %select_n3A, %c0_i32 : i32, i32
  }
  func.func @transform_1(%arg0: i32) -> (i32, i32) {
    %c0_i32 = arith.constant 0 : i32
    %c0_i32_0 = arith.constant 0 : i32
    %c0_i32_1 = arith.constant 0 : i32
    return %c0_i32, %c0_i32_0 : i32, i32
  }
  func.func @transform_2(%arg0: i32) -> i32 {
    %lt3A = arith.constant 16 : i32
    %lt3A_0 = arith.cmpi slt, %arg0, %lt3A : i32
    %sub3A = arith.constant 16 : i32
    %sub3A_1 = arith.subi %arg0, %sub3A : i32
    %select_n3A = arith.select %lt3A_0, %arg0, %sub3A_1 : i32
    %c0_i32 = arith.constant 0 : i32
    return %select_n3A : i32
  }
  func.func @transform_3(%arg0: i32) -> i32 {
    %lt3A = arith.constant 16 : i32
    %lt3A_0 = arith.cmpi slt, %arg0, %lt3A : i32
    %sub3A = arith.constant 16 : i32
    %sub3A_1 = arith.subi %arg0, %sub3A : i32
    %select_n3A = arith.select %lt3A_0, %arg0, %sub3A_1 : i32
    %c0_i32 = arith.constant 0 : i32
    return %select_n3A : i32
  }
  func.func @transform_4(%arg0: i32) -> i32 {
    %lt3A = arith.constant 16 : i32
    %lt3A_0 = arith.cmpi slt, %arg0, %lt3A : i32
    %sub3A = arith.constant 16 : i32
    %sub3A_1 = arith.subi %arg0, %sub3A : i32
    %select_n3A = arith.select %lt3A_0, %arg0, %sub3A_1 : i32
    %c0_i32 = arith.constant 0 : i32
    return %select_n3A : i32
  }
  func.func @transform_5(%arg0: i32) -> i32 {
    %lt3A = arith.constant 16 : i32
    %lt3A_0 = arith.cmpi slt, %arg0, %lt3A : i32
    %sub3A = arith.constant 16 : i32
    %sub3A_1 = arith.subi %arg0, %sub3A : i32
    %select_n3A = arith.select %lt3A_0, %arg0, %sub3A_1 : i32
    %c0_i32 = arith.constant 0 : i32
    return %select_n3A : i32
  }
  func.func @transform_6(%arg0: i32) -> (i32, i32) {
    %c0_i32 = arith.constant 0 : i32
    %c0_i32_0 = arith.constant 0 : i32
    %c0_i32_1 = arith.constant 0 : i32
    return %c0_i32, %c0_i32_0 : i32, i32
  }
}

</mosaic_0001>

<sc_bundles>
// kernel: kernel.6.cloned.1.call-start
scs
__scs_entry_jumppad:
0x0: {  	(pc) =	sbr.rel $0x88, $3  }
0x1: {  	(tag) =	ssettag $0x0;
	lr =	simm.s32 $0x1  }
0x2: {  	[smem:$0x3F9E] =	sst lr;
	_ =	strace $0xD0000000  }
0x3: {  	_ = 	snop  }
0x4: {  	_ = 	snop  }
0x5: {  	_ = 	snop  }
0x6: {  	_ = 	snop  }
0x7: {  	_ = 	snop  }
__scs_overlays_trampoline_lowered:
0x8: {  	[smem:$0x3FAD] =	sst s0  }
0x9: {  	[smem:$0x3FAE] =	sst s1  }
0xa: {  	[smem:$0x3FAF] =	sst s2  }
0xb: {  	[smem:$0x3FB0] =	sst s3  }
0xc: {  	[smem:$0x3FB1] =	sst s4  }
0xd: {  	[smem:$0x3FB2] =	sst s5  }
0xe: {  	[smem:$0x3FB3] =	sst s6  }
0xf: {  	[smem:$0x3FB4] =	sst s7  }
0x10: {  	[smem:$0x3FB5] =	sst s8  }
0x11: {  	[smem:$0x3FB6] =	sst s9;
	s0 =	simm.s32 @!p0 $0x0  }
0x12: {  	s1 =	sld [smem:$0x3F9C];
	s0 =	simm.s32 @p0 $0x1  }
0x13: {  	[smem:$0x3FB7] =	sst s0;
	s0 =	simm.s32 @!p1 $0x0  }
0x14: {  	s2 =	sld [smem:$0x3F9B];
	s0 =	simm.s32 @p1 $0x1  }
0x15: {  	[smem:$0x3FB8] =	sst s0;
	s0 =	simm.s32 @!p2 $0x0  }
0x16: {  	s3 =	sld [smem:$0x3FDB];
	s0 =	simm.s32 @p2 $0x1  }
0x17: {  	s4 =	simm.s32 $0x1BF5;
	[smem:$0x3FBA] =	sst s0  }
0x18: {  	s0 =	sld [smem:$0x3F9D];
	_ =	swait.ge [sflag:s4], $0x0  }
0x19: {  	s7 =	sld [smem:$0x3F9E]  }
0x1a: {  	s8 =	sadd.s32 $0xFFFFE003, lr  }
0x1b: {  	s9 =	sadd.s32 $0xFFFFFEF7, lr;
	s5 =	simm.s32 $0xFFFFFFFF;
	p2 =	slt.u32 s8, $0xFFFFF086  }
0x1c: {  	p1 =	slt.u32 s9, $0xF7A;
	s5 =	simm.s32 @!p2 $0x0  }
0x1d: {  	s5 =	simm.s32 @p1 $0x1;
	p0 =	seq.s32 s7, s2  }
0x1e: {  	s7 =	smul.u32 @!p0 $0xF7A, s2;
	p2 =	seq.s32 @!p0 s5, $0x0  }
0x1f: {  	s9 =	smul.u32 $0xF7A, s1;
	s8 =	simm.s32 @!p0 $0x1BF5;
	p2 =	por !p2, p0  }
0x20: {  	[sflag:s8] =	ssyncset.s32 @!p0 $0xFFFFF086;
	s6 =	sadd.s32 @!p0 s3, s7;
	s7 =	simm.s32 @!p0 $0x108  }
0x21: {  	s3 =	sadd.s32 s3, s9;
	s6 =	sadd.s32 @!p0 $0x88, s6;
	s7 =	simm.s32 @p2 $0x1082  }
0x22: {  	[simem:s7], [sflag:s8] =	dma.local @!p0 [hbm:s6], $0xF7A  }
0x23: {  	s9 =	sor.u32 $0xD0000000, s2;
	s6 =	simm.s32 $0x108;
	_ =	swait.ge @!p0 [sflag:s8], $0x0  }
0x24: {  	s3 =	sadd.s32 $0x88, s3;
	s6 =	simm.s32 @!p1 $0x1082;
	[sflag:s4] =	ssyncset.s32 $0xFFFFF086  }
0x25: {  	[simem:s6], [sflag:s4] =	dma.local [hbm:s3], $0xF7A  }
0x26: {  	[smem:$0x3F9E] =	sst s1;
	(tag) =	ssettag s2;
	_ =	strace s9  }
0x27: {  	s1 =	sld [smem:$0x3FAE]  }
0x28: {  	s2 =	sld [smem:$0x3FAF]  }
0x29: {  	s4 =	sld [smem:$0x3FB1]  }
0x2a: {  	p0 =	seq.s32 s5, $0x0;
	s5 =	sld [smem:$0x3FB2]  }
0x2b: {  	s6 =	sld [smem:$0x3FB3]  }
0x2c: {  	s7 =	sld [smem:$0x3FB4]  }
0x2d: {  	s3 =	simm.s32 $0x108;
	s8 =	sld [smem:$0x3FB5]  }
0x2e: {  	s3 =	simm.s32 @!p0 $0x1082;
	s9 =	sld [smem:$0x3FB6]  }
0x2f: {  	lr =	sadd.s32 s0, s3;
	s0 =	sld [smem:$0x3FAD]  }
0x30: {  	s3 =	sld [smem:$0x3FB0]  }
0x31: {  	[smem:$0x3FB9] =	sst s10  }
0x32: {  	s10 =	sld [smem:$0x3FB7];
	_ =	sdelay $0x3  }
0x33: {  	p0 =	seq.s32 s10, $0x1;
	s10 =	sld [smem:$0x3FB9];
	_ =	sdelay $0x3  }
0x34: {  	[smem:$0x3FB9] =	sst s10  }
0x35: {  	s10 =	sld [smem:$0x3FB8];
	_ =	sdelay $0x3  }
0x36: {  	p1 =	seq.s32 s10, $0x1;
	s10 =	sld [smem:$0x3FB9];
	_ =	sdelay $0x3  }
0x37: {  	[smem:$0x3FB9] =	sst s10  }
0x38: {  	s10 =	sld [smem:$0x3FBA]  }
0x39: {  	_ = 	snop;
	(pc) =	sbr.ind lr, $3  }
0x3a: {  	_ = 	snop  }
0x3b: {  	_ = 	snop  }
0x3c: {  	p2 =	seq.s32 s10, $0x1;
	s10 =	sld [smem:$0x3FB9]  }
0x3d: {  	_ =	shalt  }
0x3e: {  	_ =	shalt  }
0x3f: {  	_ =	shalt  }
0x40: {  	_ =	shalt  }
0x41: {  	_ =	shalt  }
0x42: {  	_ =	shalt  }
0x43: {  	_ =	shalt  }
0x44: {  	_ =	shalt  }
0x45: {  	_ =	shalt  }
0x46: {  	_ =	shalt  }
0x47: {  	_ =	shalt  }
0x48: {  	_ =	shalt  }
0x49: {  	_ =	shalt  }
0x4a: {  	_ =	shalt  }
0x4b: {  	_ =	shalt  }
0x4c: {  	_ =	shalt  }
0x4d: {  	_ =	shalt  }
0x4e: {  	_ =	shalt  }
0x4f: {  	_ =	shalt  }
0x50: {  	_ =	shalt  }
0x51: {  	_ =	shalt  }
0x52: {  	_ =	shalt  }
0x53: {  	_ =	shalt  }
0x54: {  	_ =	shalt  }
0x55: {  	_ =	shalt  }
0x56: {  	_ =	shalt  }
0x57: {  	_ =	shalt  }
0x58: {  	_ =	shalt  }
0x59: {  	_ =	shalt  }
0x5a: {  	_ =	shalt  }
0x5b: {  	_ =	shalt  }
0x5c: {  	_ =	shalt  }
0x5d: {  	_ =	shalt  }
0x5e: {  	_ =	shalt  }
0x5f: {  	_ =	shalt  }
0x60: {  	_ =	shalt  }
0x61: {  	_ =	shalt  }
0x62: {  	_ =	shalt  }
0x63: {  	_ =	shalt  }
0x64: {  	_ =	shalt  }
0x65: {  	_ =	shalt  }
0x66: {  	_ =	shalt  }
0x67: {  	_ =	shalt  }
0x68: {  	_ =	shalt  }
0x69: {  	_ =	shalt  }
0x6a: {  	_ =	shalt  }
0x6b: {  	_ =	shalt  }
0x6c: {  	_ =	shalt  }
0x6d: {  	_ =	shalt  }
0x6e: {  	_ =	shalt  }
0x6f: {  	_ =	shalt  }
0x70: {  	_ =	shalt  }
0x71: {  	_ =	shalt  }
0x72: {  	_ =	shalt  }
0x73: {  	_ =	shalt  }
0x74: {  	_ =	shalt  }
0x75: {  	_ =	shalt  }
0x76: {  	_ =	shalt  }
0x77: {  	_ =	shalt  }
0x78: {  	_ =	shalt  }
0x79: {  	_ =	shalt  }
0x7a: {  	_ =	shalt  }
0x7b: {  	_ =	shalt  }
0x7c: {  	_ =	shalt  }
0x7d: {  	_ =	shalt  }
0x7e: {  	_ =	shalt  }
0x7f: {  	_ =	shalt  }
0x80: {  	_ =	shalt  }
0x81: {  	_ =	shalt  }
0x82: {  	_ =	shalt  }
0x83: {  	_ =	shalt  }
0x84: {  	_ =	shalt  }
0x85: {  	_ =	shalt  }
0x86: {  	_ =	shalt  }
0x87: {  	_ =	shalt  }
.Lfunc_end0:
.L_simem_size_0:
called_computation_lowered:
.L_overlay_start_0:
0x88: {  	s2 =	sld [smem:$0x3FD9]  }
0x89: {  	s3 =	sld [smem:$0x3FFE];
	_ =	sdelay $0x1  }
0x8a: {  	s1 =	srdreg.scid  }
0x8b: {  	s0 =	sand.u32 $0x1, s1  }
0x8c: {  	s17 =	sshll.u32 s0, $0xA;
	s2 =	sadd.s32 s3, s2  }
0x8d: {  	s2 =	sadd.s32 s2, s17  }
0x8e: {  	[smem:$0x3FC5] =	sst s2  }
0x8f: {  	_ = 	snop  }
0x90: {  	s2 =	sld [smem:$0x3FC9]  }
0x91: {  	s18 =	sld [smem:$0x3FD0];
	(tm) =	ssettm $0x1  }
0x92: {  	s4 =	sld [smem:$0x3FFB];
	_ =	sdelay $0x3  }
0x93: {  	_ =	strace s4  }
0x94: {  	s4 =	sld [smem:$0x3FFC];
	_ =	sdelay $0x3  }
0x95: {  	_ =	strace s4  }
0x96: {  	s4 =	sld [smem:$0x3FFD];
	_ =	sdelay $0x3  }
0x97: {  	_ =	strace s4  }
0x98: {  	_ =	strace $0x8FFFFFFF  }
0x99: {  	s19 =	sld [smem:$0x3FDB];
	_ =	sdelay $0x1  }
0x9a: {  	s5 =	simm.s32 $_scs_section_size  }
0x9b: {  	s6 =	simm.s32 $_size__tile_overlayer_lowered;
	s7 =	simm.s32 $_tile_overlayer_lowered  }
0x9c: {  	s22 =	simm.s32 $0x1BFF;
	s21 =	sshll.u32 s7, $0x1;
	s4 =	sadd.s32 s5, s19  }
0x9d: {  	s8 =	simm.s32 $0x0;
	s20 =	sshll.u32 s6, $0x1;
	s6 =	sadd.s32 s21, s4  }
0x9e: {  	[timem:s8], [sflag:s22] =	dma.local [hbm:s6], s20  }
0x9f: {  	_ =	swait.ge [sflag:s22], s20  }
0xa0: {  	s5 =	ssub.s32 $0x0, s20;
	[sflag:s22] =	ssyncset.done $0x0  }
0xa1: {  	[sflag:s22] =	ssyncadd.s32 s5;
	_ =	sdelay $0x1  }
0xa2: {  	s23 =	simm.s32 $0x1B8B  }
0xa3: {  	_ =	swait.ge [sflag:s23], $0x1  }
0xa4: {  	[sflag:s23] =	ssyncset.done $0x0  }
0xa5: {  	s25 =	simm.s32 $0x1B8E;
	s24 =	sld [smem:$0x3FFE];
	[sflag:s23] =	ssyncadd.s32 $0xFFFFFFFF  }
0xa6: {  	s26 =	simm.s32 $execute0_lowered;
	[smem:$0x3FD2] =	sst s25  }
0xa7: {  	s6 =	sshll.u32 s26, $0x1;
	_ =	strace $0x80000046;
	[dreg:$0x1] =	wrdreg $0xFFFFFFFF  }
0xa8: {  	s28 =	simm.s32 $_size_execute0_lowered;
	s4 =	sadd.s32 s4, s6;
	[dreg:$0x0] =	wrdreg $0x0  }
0xa9: {  	s6 =	sshll.u32 s28, $0x1;
	[dreg:$0x2] =	wrdreg s4  }
0xaa: {  	[dreg:$0x3] =	wrdreg s6  }
0xab: {  	[dreg:$0x4] =	wrdreg $0xC0  }
0xac: {  	_ =	task [dreg:s8], $0x5FFFF  }
0xad: {  	[dreg:$0x1] =	wrdreg $0xFFFFFFFF  }
0xae: {  	[dreg:$0x0] =	wrdreg $0x60  }
0xaf: {  	[dreg:$0x2] =	wrdreg s2  }
0xb0: {  	[dreg:$0x3] =	wrdreg s18  }
0xb1: {  	[dreg:$0x4] =	wrdreg s24  }
0xb2: {  	[dreg:$0x5] =	wrdreg $0x9  }
0xb3: {  	_ =	task.clear_ibuf [dreg:s8], $0x6FFFF;
	_ =	strace $0x90000046  }
0xb4: {  	s29 =	simm.s32 $0x9;
	_ =	strace $0x80000048  }
0xb5: {  	_ =	swait.ge [sflag:s29], $0x1  }
0xb6: {  	[sflag:s29] =	ssyncadd.s32 $0xFFFFFFFF  }
0xb7: {  	_ =	strace $0x90000048  }
0xb8: {  	_ =	sfence  }
0xb9: {  	s30 =	sld [smem:$0x0];
	_ =	sdelay $0x2  }
0xba: {  	s31 =	sshll.u32 s1, $0xD;
	s1 =	sshrl.u32 s1, $0x2  }
0xbb: {  	s3 =	sand.u32 $0x4000, s31;
	s1 =	sadd.s32 s1, s30  }
0xbc: {  	s0 =	sor.u32 s3, s0;
	s1 =	sshll.u32 s1, $0x11  }
0xbd: {  	s0 =	sor.u32 s1, s0  }
0xbe: {  	s0 =	sadd.s32 $0x8F2B, s0  }
0xbf: {  	[sflag:s0] =	ssyncadd.remote.s32 $0x1  }
0xc0: {  	_ =	sfence.sel $0xFFFF  }
0xc1: {  	[dreg:$0x0] =	wrdreg $0xFFFFFFFF;
	(pc) =	sbr.abs _section_cstart, $3  }
0xc2: {  	[dreg:$0x1] =	wrdreg $0xFFFFFFFF  }
0xc3: {  	_ =	task.clear_ibuf [dreg:s8], $0x2FFFF;
	_ =	strace $0x9FFFFFFF  }
0xc4: {  	(tm) =	ssettm $0x7FFFFFFF  }
0xc5: {  	_ =	shalt  }
tec
execute0_lowered:
.L_overlay_start_1:
0x0: {  	(tag) =	ssettag $0x1  }
0x1: {  	s0 =	rddreg [dreg:$0x0]  }
0x2: {  	s1 =	rddreg [dreg:$0x1]  }
0x3: {  	s4 =	rddreg [dreg:$0x2];
	s3 =	srdreg.scid;
	s2 =	simm.s32 $0x0  }
0x4: {  	s10 =	stileid.u32;
	s11 =	simm.s32 $0x5;
	s13 =	simm.s32 $0x800  }
0x5: {  	s24 =	simm.s32 $0x1000;
	s30 =	simm.s32 $0x8800;
	s16 =	simm.s32 $0x5000  }
0x6: {  	s17 =	simm.s32 $0x5800;
	s18 =	simm.s32 $0x6000;
	s19 =	simm.s32 $0x6800  }
0x7: {  	s20 =	simm.s32 $0x7000;
	s5 =	sand.u32 $0x1, s3;
	[smem:$0x7FF] =	sst s2  }
0x8: {  	s25 =	sshll.u32 s10, $0x8;
	s3 =	sadd.s32 $0x3800, s4;
	s26 =	sshll.u32 s10, $0x10  }
0x9: {  	s6 =	sshll.u32 s5, $0x7;
	_ =	strace $0x80000047;
	s7 =	ssub.s32 $0x2, s5  }
0xa: {  	s0 =	sadd.s32 s26, s0;
	s29 =	sshll.u32 s5, $0xF;
	s26 =	simm.s32 $0x8000  }
0xb: {  	s6 =	sor.u32 s6, s25;
	s9 =	sshrl.u32 s7, $0x1;
	s0 =	sadd.s32 s29, s0  }
0xc: {  	s25 =	simm.s32 $0x7800;
	s8 =	sadd.s32 s6, s4;
	s1 =	sadd.s32 s1, s6  }
0xd: {  	s9 =	ssub.s32 s7, s9;
	s0 =	sadd.s32 $0x1000, s0;
	[dreg:$0x4] =	wrdreg s1  }
0xe: {  	v2 =	vlaneseq.u32;
	s6 =	sadd.s32 $0x3900, s4;
	s28 =	sadd.s32 $0x2800, s8;
	[dreg:$0x7] =	wrdreg s0  }
0xf: {  	vm0 =	vmmov $0xffff;
	v1 =	vshrl.u32 v2, $0x3;
	s7 =	sadd.s32 $0x3A00, s4;
	s31 =	smax.u32 s9, $0x1;
	[dreg:$0x5] =	wrdreg s28  }
0x10: {  	v0 =	vand.u32 $0x7, v2;
	v2 =	vor.u32 $0x8, v2;
	v1 =	vmul.u32 $0x8, v1;
	s8 =	sadd.s32 $0x3B00, s4;
	s1 =	simm.s32 $0x0;
	[dreg:$0x6] =	wrdreg s31  }
.LBB2_1:
0x11: {  	[dreg:$0x8] =	wrdreg s1  }
0x12: {  	s21 =	rddreg [dreg:$0x4]  }
0x13: {  	[tilespmem:s2], [sflag:$0x5] =	stream.linear.gather [hbm4b:s21+s2], $0x400, $0x38;
	[tilespmem:$0x10800] =	vst v63  }
0x14: {  	_ =	swait.ge [sflag:s11], $0x400  }
0x15: {  	[sflag:s11] =	ssyncset.done $0x0  }
0x16: {  	s22 =	simm.s32 $0x400;
	s31 =	rddreg [dreg:$0x5];
	[sflag:s11] =	ssyncadd.s32 $0xFFFFFC00  }
0x17: {  	[tilespmem:s22], [sflag:$0x5] =	stream.linear.gather [hbm4b:s31+s2], $0x400, $0x38;
	[tilespmem:$0x10800] =	vst v63  }
0x18: {  	_ =	swait.ge [sflag:s11], $0x400  }
0x19: {  	[sflag:s11] =	ssyncset.done $0x0  }
0x1a: {  	s22 =	simm.s32 $0x0;
	s21 =	rddreg [dreg:$0x7];
	[sflag:s11] =	ssyncadd.s32 $0xFFFFFC00  }
.LBB2_2:
0x1b: {  	p0 =	seq.s32 s22, $0x0  }
0x1c: {  	s23 =	simm.s32 @!p0 $0x1  }
0x1d: {  	_ =	swait.ge @!p0 [sflag:s23], $0x8000  }
0x1e: {  	[sflag:s23] =	ssyncset.done @!p0 $0x0  }
0x1f: {  	[sflag:s23] =	ssyncadd.s32 @!p0 $0xFFFF8000;
	s23 =	simm.s32 @!p0 $0x2  }
0x20: {  	_ =	swait.ge @!p0 [sflag:s23], $0x8000  }
0x21: {  	[sflag:s23] =	ssyncset.done @!p0 $0x0  }
0x22: {  	s12 =	sadd.s32 $0xFFFFF000, s21;
	[sflag:s23] =	ssyncadd.s32 @!p0 $0xFFFF8000  }
0x23: {  	[tilespmem:s13], [sflag:$0x5] =	stream.linear.gather [hbm4b:s12+s2], $0x8000, $0x38;
	[tilespmem:$0x10800] =	vst v63  }
0x24: {  	_ =	swait.ge [sflag:s11], $0x8000  }
0x25: {  	[sflag:s11] =	ssyncset.done $0x0  }
0x26: {  	s23 =	sshra.s32 s22, $0x2;
	[sflag:s11] =	ssyncadd.s32 $0xFFFF8000  }
0x27: {  	v3 =	vld [tilespmem:s23+$0x0];
	_ =	sdelay $0x4  }
0x28: {  	v4 =	vshll.u32 v3, $0x3  }
0x29: {  	v3 =	vand.u32 $0x7, v3;
	v4 =	vand.u32 $0xFFFFFFC0, v4  }
0x2a: {  	v3 =	vor.u32 v3, v4  }
0x2b: {  	v4 =	vperm.xlane v3, v0;
	_ =	sdelay $0x1  }
0x2c: {  	v4 =	vadd.s32 v1, v4;
	_ =	sdelay $0x4  }
0x2d: {  	[hbm4b:s3+s2] =	stream.indirect_vreg.scatter [tilespmem:s13], [sflag:$0x1], $0x80, v4, vm0, $0xb8;
	[tilespmem:$0x10800] =	vst v63  }
0x2e: {  	v3 =	vperm.xlane v3, v2  }
0x2f: {  	[hbm4b:s6+s2] =	stream.indirect_vreg.scatter [tilespmem:s24], [sflag:$0x1], $0x80, v4, vm0, $0xb8;
	[tilespmem:$0x10800] =	vst v63  }
0x30: {  	s12 =	simm.s32 $0x1800;
	v3 =	vadd.s32 v1, v3  }
0x31: {  	[hbm4b:s7+s2] =	stream.indirect_vreg.scatter [tilespmem:s12], [sflag:$0x1], $0x80, v4, vm0, $0xb8;
	[tilespmem:$0x10800] =	vst v63  }
0x32: {  	s4 =	simm.s32 $0x2000  }
0x33: {  	[hbm4b:s8+s2] =	stream.indirect_vreg.scatter [tilespmem:s4], [sflag:$0x1], $0x80, v4, vm0, $0xb8;
	[tilespmem:$0x10800] =	vst v63  }
0x34: {  	s5 =	simm.s32 $0x2800  }
0x35: {  	[hbm4b:s3+s2] =	stream.indirect_vreg.scatter [tilespmem:s5], [sflag:$0x1], $0x80, v3, vm0, $0xb8;
	[tilespmem:$0x10800] =	vst v63  }
0x36: {  	s9 =	simm.s32 $0x3000  }
0x37: {  	[hbm4b:s6+s2] =	stream.indirect_vreg.scatter [tilespmem:s9], [sflag:$0x1], $0x80, v3, vm0, $0xb8;
	[tilespmem:$0x10800] =	vst v63  }
0x38: {  	s10 =	simm.s32 $0x3800  }
0x39: {  	[hbm4b:s7+s2] =	stream.indirect_vreg.scatter [tilespmem:s10], [sflag:$0x1], $0x80, v3, vm0, $0xb8;
	[tilespmem:$0x10800] =	vst v63  }
0x3a: {  	s14 =	simm.s32 $0x4000  }
0x3b: {  	[hbm4b:s8+s2] =	stream.indirect_vreg.scatter [tilespmem:s14], [sflag:$0x1], $0x80, v3, vm0, $0xb8;
	[tilespmem:$0x10800] =	vst v63  }
0x3c: {  	v3 =	vld [tilespmem:s23+$0x10];
	_ =	sdelay $0x4  }
0x3d: {  	v57 =	vshll.u32 v3, $0x3  }
0x3e: {  	v3 =	vand.u32 $0x7, v3;
	v4 =	vand.u32 $0xFFFFFFC0, v57  }
0x3f: {  	v3 =	vor.u32 v3, v4  }
0x40: {  	v4 =	vperm.xlane v3, v0;
	_ =	sdelay $0x1  }
0x41: {  	v4 =	vadd.s32 v1, v4;
	_ =	sdelay $0x3  }
0x42: {  	s15 =	simm.s32 $0x4800  }
0x43: {  	[hbm4b:s3+s2] =	stream.indirect_vreg.scatter [tilespmem:s15], [sflag:$0x1], $0x80, v4, vm0, $0xb8;
	[tilespmem:$0x10800] =	vst v63  }
0x44: {  	v3 =	vperm.xlane v3, v2  }
0x45: {  	[hbm4b:s6+s2] =	stream.indirect_vreg.scatter [tilespmem:s16], [sflag:$0x1], $0x80, v4, vm0, $0xb8;
	[tilespmem:$0x10800] =	vst v63  }
0x46: {  	v3 =	vadd.s32 v1, v3  }
0x47: {  	[hbm4b:s7+s2] =	stream.indirect_vreg.scatter [tilespmem:s17], [sflag:$0x1], $0x80, v4, vm0, $0xb8;
	[tilespmem:$0x10800] =	vst v63  }
0x48: {  	_ = 	snop  }
0x49: {  	[hbm4b:s8+s2] =	stream.indirect_vreg.scatter [tilespmem:s18], [sflag:$0x1], $0x80, v4, vm0, $0xb8;
	[tilespmem:$0x10800] =	vst v63  }
0x4a: {  	_ = 	snop  }
0x4b: {  	[hbm4b:s3+s2] =	stream.indirect_vreg.scatter [tilespmem:s19], [sflag:$0x1], $0x80, v3, vm0, $0xb8;
	[tilespmem:$0x10800] =	vst v63  }
0x4c: {  	_ = 	snop  }
0x4d: {  	[hbm4b:s6+s2] =	stream.indirect_vreg.scatter [tilespmem:s20], [sflag:$0x1], $0x80, v3, vm0, $0xb8;
	[tilespmem:$0x10800] =	vst v63  }
0x4e: {  	_ = 	snop  }
0x4f: {  	[hbm4b:s7+s2] =	stream.indirect_vreg.scatter [tilespmem:s25], [sflag:$0x1], $0x80, v3, vm0, $0xb8;
	[tilespmem:$0x10800] =	vst v63  }
0x50: {  	_ = 	snop  }
0x51: {  	[hbm4b:s8+s2] =	stream.indirect_vreg.scatter [tilespmem:s26], [sflag:$0x1], $0x80, v3, vm0, $0xb8;
	[tilespmem:$0x10800] =	vst v63  }
0x52: {  	v3 =	vld [tilespmem:s23+$0x400];
	_ =	sdelay $0x4  }
0x53: {  	v58 =	vshll.u32 v3, $0x3  }
0x54: {  	v3 =	vand.u32 $0x7, v3;
	v4 =	vand.u32 $0xFFFFFFC0, v58  }
0x55: {  	v3 =	vor.u32 v3, v4  }
0x56: {  	v4 =	vperm.xlane v3, v0;
	_ =	sdelay $0x1  }
0x57: {  	v4 =	vadd.s32 v1, v4;
	_ =	sdelay $0x4  }
0x58: {  	[hbm4b:s3+s2] =	stream.indirect_vreg.scatter [tilespmem:s13], [sflag:$0x2], $0x80, v4, vm0, $0xb8;
	[tilespmem:$0x10800] =	vst v63  }
0x59: {  	v3 =	vperm.xlane v3, v2  }
0x5a: {  	[hbm4b:s6+s2] =	stream.indirect_vreg.scatter [tilespmem:s24], [sflag:$0x2], $0x80, v4, vm0, $0xb8;
	[tilespmem:$0x10800] =	vst v63  }
0x5b: {  	v3 =	vadd.s32 v1, v3  }
0x5c: {  	[hbm4b:s7+s2] =	stream.indirect_vreg.scatter [tilespmem:s12], [sflag:$0x2], $0x80, v4, vm0, $0xb8;
	[tilespmem:$0x10800] =	vst v63  }
0x5d: {  	_ = 	snop  }
0x5e: {  	[hbm4b:s8+s2] =	stream.indirect_vreg.scatter [tilespmem:s4], [sflag:$0x2], $0x80, v4, vm0, $0xb8;
	[tilespmem:$0x10800] =	vst v63  }
0x5f: {  	_ = 	snop  }
0x60: {  	[hbm4b:s3+s2] =	stream.indirect_vreg.scatter [tilespmem:s5], [sflag:$0x2], $0x80, v3, vm0, $0xb8;
	[tilespmem:$0x10800] =	vst v63  }
0x61: {  	_ = 	snop  }
0x62: {  	[hbm4b:s6+s2] =	stream.indirect_vreg.scatter [tilespmem:s9], [sflag:$0x2], $0x80, v3, vm0, $0xb8;
	[tilespmem:$0x10800] =	vst v63  }
0x63: {  	_ = 	snop  }
0x64: {  	[hbm4b:s7+s2] =	stream.indirect_vreg.scatter [tilespmem:s10], [sflag:$0x2], $0x80, v3, vm0, $0xb8;
	[tilespmem:$0x10800] =	vst v63  }
0x65: {  	_ = 	snop  }
0x66: {  	[hbm4b:s8+s2] =	stream.indirect_vreg.scatter [tilespmem:s14], [sflag:$0x2], $0x80, v3, vm0, $0xb8;
	[tilespmem:$0x10800] =	vst v63  }
0x67: {  	v3 =	vld [tilespmem:s23+$0x410];
	_ =	sdelay $0x4  }
0x68: {  	v59 =	vshll.u32 v3, $0x3  }
0x69: {  	v3 =	vand.u32 $0x7, v3;
	v4 =	vand.u32 $0xFFFFFFC0, v59  }
0x6a: {  	v3 =	vor.u32 v3, v4  }
0x6b: {  	v4 =	vperm.xlane v3, v0;
	_ =	sdelay $0x1  }
0x6c: {  	v4 =	vadd.s32 v1, v4;
	_ =	sdelay $0x4  }
0x6d: {  	[hbm4b:s3+s2] =	stream.indirect_vreg.scatter [tilespmem:s15], [sflag:$0x2], $0x80, v4, vm0, $0xb8;
	[tilespmem:$0x10800] =	vst v63  }
0x6e: {  	v3 =	vperm.xlane v3, v2  }
0x6f: {  	[hbm4b:s6+s2] =	stream.indirect_vreg.scatter [tilespmem:s16], [sflag:$0x2], $0x80, v4, vm0, $0xb8;
	[tilespmem:$0x10800] =	vst v63  }
0x70: {  	v3 =	vadd.s32 v1, v3  }
0x71: {  	[hbm4b:s7+s2] =	stream.indirect_vreg.scatter [tilespmem:s17], [sflag:$0x2], $0x80, v4, vm0, $0xb8;
	[tilespmem:$0x10800] =	vst v63  }
0x72: {  	_ = 	snop  }
0x73: {  	[hbm4b:s8+s2] =	stream.indirect_vreg.scatter [tilespmem:s18], [sflag:$0x2], $0x80, v4, vm0, $0xb8;
	[tilespmem:$0x10800] =	vst v63  }
0x74: {  	_ = 	snop  }
0x75: {  	[hbm4b:s3+s2] =	stream.indirect_vreg.scatter [tilespmem:s19], [sflag:$0x2], $0x80, v3, vm0, $0xb8;
	[tilespmem:$0x10800] =	vst v63  }
0x76: {  	_ = 	snop  }
0x77: {  	[hbm4b:s6+s2] =	stream.indirect_vreg.scatter [tilespmem:s20], [sflag:$0x2], $0x80, v3, vm0, $0xb8;
	[tilespmem:$0x10800] =	vst v63  }
0x78: {  	_ = 	snop  }
0x79: {  	[hbm4b:s7+s2] =	stream.indirect_vreg.scatter [tilespmem:s25], [sflag:$0x2], $0x80, v3, vm0, $0xb8;
	[tilespmem:$0x10800] =	vst v63  }
0x7a: {  	s24 =	simm.s32 @!p0 $0x3  }
0x7b: {  	[hbm4b:s8+s2] =	stream.indirect_vreg.scatter [tilespmem:s26], [sflag:$0x2], $0x80, v3, vm0, $0xb8;
	[tilespmem:$0x10800] =	vst v63  }
0x7c: {  	_ =	swait.ge @!p0 [sflag:s24], $0x8000  }
0x7d: {  	[sflag:s24] =	ssyncset.done @!p0 $0x0  }
0x7e: {  	[sflag:s24] =	ssyncadd.s32 @!p0 $0xFFFF8000;
	s24 =	simm.s32 @!p0 $0x4  }
0x7f: {  	_ =	swait.ge @!p0 [sflag:s24], $0x8000  }
0x80: {  	[sflag:s24] =	ssyncset.done @!p0 $0x0  }
0x81: {  	[sflag:s24] =	ssyncadd.s32 @!p0 $0xFFFF8000  }
0x82: {  	[tilespmem:s30], [sflag:$0x5] =	stream.linear.gather [hbm4b:s21+s2], $0x8000, $0x38;
	[tilespmem:$0x10800] =	vst v63  }
0x83: {  	_ =	swait.ge [sflag:s11], $0x8000  }
0x84: {  	[sflag:s11] =	ssyncset.done $0x0  }
0x85: {  	[sflag:s11] =	ssyncadd.s32 $0xFFFF8000  }
0x86: {  	v3 =	vld [tilespmem:s23+$0x80];
	_ =	sdelay $0x4  }
0x87: {  	v60 =	vshll.u32 v3, $0x3  }
0x88: {  	v3 =	vand.u32 $0x7, v3;
	v4 =	vand.u32 $0xFFFFFFC0, v60  }
0x89: {  	v3 =	vor.u32 v3, v4  }
0x8a: {  	v4 =	vperm.xlane v3, v0;
	_ =	sdelay $0x1  }
0x8b: {  	v4 =	vadd.s32 v1, v4;
	_ =	sdelay $0x4  }
0x8c: {  	[hbm4b:s3+s2] =	stream.indirect_vreg.scatter [tilespmem:s30], [sflag:$0x3], $0x80, v4, vm0, $0xb8;
	[tilespmem:$0x10800] =	vst v63  }
0x8d: {  	s4 =	simm.s32 $0x9000;
	v3 =	vperm.xlane v3, v2  }
0x8e: {  	[hbm4b:s6+s2] =	stream.indirect_vreg.scatter [tilespmem:s4], [sflag:$0x3], $0x80, v4, vm0, $0xb8;
	[tilespmem:$0x10800] =	vst v63  }
0x8f: {  	s5 =	simm.s32 $0x9800;
	v3 =	vadd.s32 v1, v3  }
0x90: {  	[hbm4b:s7+s2] =	stream.indirect_vreg.scatter [tilespmem:s5], [sflag:$0x3], $0x80, v4, vm0, $0xb8;
	[tilespmem:$0x10800] =	vst v63  }
0x91: {  	s9 =	simm.s32 $0xA000  }
0x92: {  	[hbm4b:s8+s2] =	stream.indirect_vreg.scatter [tilespmem:s9], [sflag:$0x3], $0x80, v4, vm0, $0xb8;
	[tilespmem:$0x10800] =	vst v63  }
0x93: {  	s10 =	simm.s32 $0xA800  }
0x94: {  	[hbm4b:s3+s2] =	stream.indirect_vreg.scatter [tilespmem:s10], [sflag:$0x3], $0x80, v3, vm0, $0xb8;
	[tilespmem:$0x10800] =	vst v63  }
0x95: {  	s12 =	simm.s32 $0xB000  }
0x96: {  	[hbm4b:s6+s2] =	stream.indirect_vreg.scatter [tilespmem:s12], [sflag:$0x3], $0x80, v3, vm0, $0xb8;
	[tilespmem:$0x10800] =	vst v63  }
0x97: {  	s14 =	simm.s32 $0xB800  }
0x98: {  	[hbm4b:s7+s2] =	stream.indirect_vreg.scatter [tilespmem:s14], [sflag:$0x3], $0x80, v3, vm0, $0xb8;
	[tilespmem:$0x10800] =	vst v63  }
0x99: {  	s15 =	simm.s32 $0xC000  }
0x9a: {  	[hbm4b:s8+s2] =	stream.indirect_vreg.scatter [tilespmem:s15], [sflag:$0x3], $0x80, v3, vm0, $0xb8;
	[tilespmem:$0x10800] =	vst v63  }
0x9b: {  	v3 =	vld [tilespmem:s23+$0x90];
	_ =	sdelay $0x4  }
0x9c: {  	v61 =	vshll.u32 v3, $0x3  }
0x9d: {  	v3 =	vand.u32 $0x7, v3;
	v4 =	vand.u32 $0xFFFFFFC0, v61  }
0x9e: {  	v3 =	vor.u32 v3, v4  }
0x9f: {  	v4 =	vperm.xlane v3, v0;
	_ =	sdelay $0x1  }
0xa0: {  	v4 =	vadd.s32 v1, v4;
	_ =	sdelay $0x3  }
0xa1: {  	s28 =	simm.s32 $0xC800  }
0xa2: {  	[hbm4b:s3+s2] =	stream.indirect_vreg.scatter [tilespmem:s28], [sflag:$0x3], $0x80, v4, vm0, $0xb8;
	[tilespmem:$0x10800] =	vst v63  }
0xa3: {  	v3 =	vperm.xlane v3, v2;
	s28 =	simm.s32 $0xD000  }
0xa4: {  	[hbm4b:s6+s2] =	stream.indirect_vreg.scatter [tilespmem:s28], [sflag:$0x3], $0x80, v4, vm0, $0xb8;
	[tilespmem:$0x10800] =	vst v63  }
0xa5: {  	s29 =	simm.s32 $0xD800;
	v3 =	vadd.s32 v1, v3  }
0xa6: {  	[hbm4b:s7+s2] =	stream.indirect_vreg.scatter [tilespmem:s29], [sflag:$0x3], $0x80, v4, vm0, $0xb8;
	[tilespmem:$0x10800] =	vst v63  }
0xa7: {  	s29 =	simm.s32 $0xE000  }
0xa8: {  	[hbm4b:s8+s2] =	stream.indirect_vreg.scatter [tilespmem:s29], [sflag:$0x3], $0x80, v4, vm0, $0xb8;
	[tilespmem:$0x10800] =	vst v63  }
0xa9: {  	s31 =	simm.s32 $0xE800  }
0xaa: {  	[hbm4b:s3+s2] =	stream.indirect_vreg.scatter [tilespmem:s31], [sflag:$0x3], $0x80, v3, vm0, $0xb8;
	[tilespmem:$0x10800] =	vst v63  }
0xab: {  	s31 =	simm.s32 $0xF000  }
0xac: {  	[hbm4b:s6+s2] =	stream.indirect_vreg.scatter [tilespmem:s31], [sflag:$0x3], $0x80, v3, vm0, $0xb8;
	[tilespmem:$0x10800] =	vst v63  }
0xad: {  	s0 =	simm.s32 $0xF800  }
0xae: {  	[hbm4b:s7+s2] =	stream.indirect_vreg.scatter [tilespmem:s0], [sflag:$0x3], $0x80, v3, vm0, $0xb8;
	[tilespmem:$0x10800] =	vst v63  }
0xaf: {  	s1 =	simm.s32 $0x10000  }
0xb0: {  	[hbm4b:s8+s2] =	stream.indirect_vreg.scatter [tilespmem:s1], [sflag:$0x3], $0x80, v3, vm0, $0xb8;
	[tilespmem:$0x10800] =	vst v63  }
0xb1: {  	v3 =	vld [tilespmem:s23+$0x480];
	_ =	sdelay $0x4  }
0xb2: {  	v62 =	vshll.u32 v3, $0x3  }
0xb3: {  	v3 =	vand.u32 $0x7, v3;
	v4 =	vand.u32 $0xFFFFFFC0, v62  }
0xb4: {  	v3 =	vor.u32 v3, v4  }
0xb5: {  	v4 =	vperm.xlane v3, v0;
	_ =	sdelay $0x1  }
0xb6: {  	v4 =	vadd.s32 v1, v4;
	_ =	sdelay $0x4  }
0xb7: {  	[hbm4b:s3+s2] =	stream.indirect_vreg.scatter [tilespmem:s30], [sflag:$0x4], $0x80, v4, vm0, $0xb8;
	[tilespmem:$0x10800] =	vst v63  }
0xb8: {  	v3 =	vperm.xlane v3, v2  }
0xb9: {  	[hbm4b:s6+s2] =	stream.indirect_vreg.scatter [tilespmem:s4], [sflag:$0x4], $0x80, v4, vm0, $0xb8;
	[tilespmem:$0x10800] =	vst v63  }
0xba: {  	v3 =	vadd.s32 v1, v3  }
0xbb: {  	[hbm4b:s7+s2] =	stream.indirect_vreg.scatter [tilespmem:s5], [sflag:$0x4], $0x80, v4, vm0, $0xb8;
	[tilespmem:$0x10800] =	vst v63  }
0xbc: {  	_ = 	snop  }
0xbd: {  	[hbm4b:s8+s2] =	stream.indirect_vreg.scatter [tilespmem:s9], [sflag:$0x4], $0x80, v4, vm0, $0xb8;
	[tilespmem:$0x10800] =	vst v63  }
0xbe: {  	_ = 	snop  }
0xbf: {  	[hbm4b:s3+s2] =	stream.indirect_vreg.scatter [tilespmem:s10], [sflag:$0x4], $0x80, v3, vm0, $0xb8;
	[tilespmem:$0x10800] =	vst v63  }
0xc0: {  	_ = 	snop  }
0xc1: {  	[hbm4b:s6+s2] =	stream.indirect_vreg.scatter [tilespmem:s12], [sflag:$0x4], $0x80, v3, vm0, $0xb8;
	[tilespmem:$0x10800] =	vst v63  }
0xc2: {  	_ = 	snop  }
0xc3: {  	[hbm4b:s7+s2] =	stream.indirect_vreg.scatter [tilespmem:s14], [sflag:$0x4], $0x80, v3, vm0, $0xb8;
	[tilespmem:$0x10800] =	vst v63  }
0xc4: {  	_ = 	snop  }
0xc5: {  	[hbm4b:s8+s2] =	stream.indirect_vreg.scatter [tilespmem:s15], [sflag:$0x4], $0x80, v3, vm0, $0xb8;
	[tilespmem:$0x10800] =	vst v63  }
0xc6: {  	v3 =	vld [tilespmem:s23+$0x490];
	_ =	sdelay $0x4  }
0xc7: {  	v63 =	vshll.u32 v3, $0x3  }
0xc8: {  	v3 =	vand.u32 $0x7, v3;
	v4 =	vand.u32 $0xFFFFFFC0, v63  }
0xc9: {  	v3 =	vor.u32 v3, v4  }
0xca: {  	v4 =	vperm.xlane v3, v0;
	_ =	sdelay $0x1  }
0xcb: {  	v4 =	vadd.s32 v1, v4;
	_ =	sdelay $0x3  }
0xcc: {  	s14 =	simm.s32 $0xC800  }
0xcd: {  	[hbm4b:s3+s2] =	stream.indirect_vreg.scatter [tilespmem:s14], [sflag:$0x4], $0x80, v4, vm0, $0xb8;
	[tilespmem:$0x10800] =	vst v63  }
0xce: {  	v3 =	vperm.xlane v3, v2  }
0xcf: {  	[hbm4b:s6+s2] =	stream.indirect_vreg.scatter [tilespmem:s28], [sflag:$0x4], $0x80, v4, vm0, $0xb8;
	[tilespmem:$0x10800] =	vst v63  }
0xd0: {  	s15 =	simm.s32 $0xD800;
	v3 =	vadd.s32 v1, v3  }
0xd1: {  	[hbm4b:s7+s2] =	stream.indirect_vreg.scatter [tilespmem:s15], [sflag:$0x4], $0x80, v4, vm0, $0xb8;
	[tilespmem:$0x10800] =	vst v63  }
0xd2: {  	_ = 	snop  }
0xd3: {  	[hbm4b:s8+s2] =	stream.indirect_vreg.scatter [tilespmem:s29], [sflag:$0x4], $0x80, v4, vm0, $0xb8;
	[tilespmem:$0x10800] =	vst v63  }
0xd4: {  	s22 =	sadd.s32 $0x400, s22;
	s28 =	simm.s32 $0xE800  }
0xd5: {  	[hbm4b:s3+s2] =	stream.indirect_vreg.scatter [tilespmem:s28], [sflag:$0x4], $0x80, v3, vm0, $0xb8;
	[tilespmem:$0x10800] =	vst v63  }
0xd6: {  	p0 =	sne.s32 s22, $0x1000  }
0xd7: {  	[hbm4b:s6+s2] =	stream.indirect_vreg.scatter [tilespmem:s31], [sflag:$0x4], $0x80, v3, vm0, $0xb8;
	[tilespmem:$0x10800] =	vst v63  }
.Ltmp0:
0xd8: {  	_ = 	snop;
	(pc) =	sbr.rel @p0 .LBB2_2-.Ltmp0, $4  }
0xd9: {  	s29 =	simm.s32 $0xF800  }
0xda: {  	[hbm4b:s7+s2] =	stream.indirect_vreg.scatter [tilespmem:s29], [sflag:$0x4], $0x80, v3, vm0, $0xb8;
	[tilespmem:$0x10800] =	vst v63  }
0xdb: {  	s24 =	simm.s32 $0x1000;
	s21 =	sadd.s32 $0x2000, s21;
	s31 =	simm.s32 $0x10000  }
0xdc: {  	[hbm4b:s8+s2] =	stream.indirect_vreg.scatter [tilespmem:s31], [sflag:$0x4], $0x80, v3, vm0, $0xb8;
	[tilespmem:$0x10800] =	vst v63  }
0xdd: {  	s0 =	simm.s32 $0x1  }
0xde: {  	_ =	swait.ge [sflag:s0], $0x8000  }
0xdf: {  	[sflag:s0] =	ssyncset.done $0x0  }
0xe0: {  	s28 =	simm.s32 $0x2;
	[sflag:s0] =	ssyncadd.s32 $0xFFFF8000  }
0xe1: {  	_ =	swait.ge [sflag:s28], $0x8000  }
0xe2: {  	[sflag:s28] =	ssyncset.done $0x0  }
0xe3: {  	s29 =	simm.s32 $0x3;
	[sflag:s28] =	ssyncadd.s32 $0xFFFF8000  }
0xe4: {  	_ =	swait.ge [sflag:s29], $0x8000  }
0xe5: {  	[sflag:s29] =	ssyncset.done $0x0  }
0xe6: {  	s31 =	simm.s32 $0x4;
	[sflag:s29] =	ssyncadd.s32 $0xFFFF8000  }
0xe7: {  	_ =	swait.ge [sflag:s31], $0x8000  }
0xe8: {  	s1 =	rddreg [dreg:$0x8]  }
0xe9: {  	s21 =	rddreg [dreg:$0x6];
	s1 =	sadd.s32 $0x1, s1  }
0xea: {  	p0 =	sne.s32 s1, s21  }
.Ltmp1:
0xeb: {  	_ = 	snop;
	(pc) =	sbr.rel @p0 .LBB2_1-.Ltmp1, $3  }
0xec: {  	_ =	sdelay $0x1  }
0xed: {  	[sflag:s31] =	ssyncset.done $0x0  }
0xee: {  	[sflag:s31] =	ssyncadd.s32 $0xFFFF8000  }
0xef: {  	_ =	sfence.sel $0x180000  }
0xf0: {  	[bflag:$0x0] =	sbarrier.arrive $0xFFFF  }
0xf1: {  	_ =	strace $0x90000047  }
0xf2: {  	s0 =	stileid.u32;
	[bflag:$0x2] =	sbarrier.arrive $0xFFFF  }
0xf3: {  	p0 =	sne.s32 s0, $0x0;
	s0 =	rddreg [dreg:$0x3]  }
0xf4: {  	s0 =	sadd.s32 @!p0 $0x100000, s0  }
0xf5: {  	[sflag:s0] =	ssyncadd.tile.s32 @!p0 $0x1;
	_ =	shalt  }
.Lfunc_end2:
_tile_overlayer_lowered:
.L_overlay_start_2:
0xf6: {  	(tag) =	ssettag $0x2  }
0xf7: {  	s0 =	rddreg [dreg:$0x0];
	s2 =	stileid.u32  }
0xf8: {  	s1 =	rddreg [dreg:$0x1];
	p0 =	sne.s32 s2, $0x0  }
0xf9: {  	s3 =	rddreg [dreg:$0x2];
	[bflag:$0x3] =	sbarrier.arrive $0xFFFF;
	s2 =	simm.s32 @!p0 $0x1C05  }
0xfa: {  	[timem:s3], [sflag:s2] =	dma.local @!p0 [hbm:s0], s1  }
0xfb: {  	s0 =	simm.s32 @!p0 $0x5  }
0xfc: {  	_ =	swait.ge @!p0 [sflag:s0], s1  }
0xfd: {  	s1 =	ssub.s32 @!p0 $0x0, s1;
	[sflag:s0] =	ssyncset.done @!p0 $0x0  }
0xfe: {  	[sflag:s0] =	ssyncadd.s32 @!p0 s1  }
0xff: {  	[bflag:$0x3] =	sbarrier.arrive $0xFFFF  }
0x100: {  	_ =	shalt  }

// kernel: kernel.9.cloned.1.call-start
scs
__scs_entry_jumppad:
0x0: {  	(pc) =	sbr.rel $0x88, $3  }
0x1: {  	(tag) =	ssettag $0x0;
	lr =	simm.s32 $0x1  }
0x2: {  	[smem:$0x3F9E] =	sst lr;
	_ =	strace $0xD0000000  }
0x3: {  	_ = 	snop  }
0x4: {  	_ = 	snop  }
0x5: {  	_ = 	snop  }
0x6: {  	_ = 	snop  }
0x7: {  	_ = 	snop  }
__scs_overlays_trampoline_lowered:
0x8: {  	[smem:$0x3FAD] =	sst s0  }
0x9: {  	[smem:$0x3FAE] =	sst s1  }
0xa: {  	[smem:$0x3FAF] =	sst s2  }
0xb: {  	[smem:$0x3FB0] =	sst s3  }
0xc: {  	[smem:$0x3FB1] =	sst s4  }
0xd: {  	[smem:$0x3FB2] =	sst s5  }
0xe: {  	[smem:$0x3FB3] =	sst s6  }
0xf: {  	[smem:$0x3FB4] =	sst s7  }
0x10: {  	[smem:$0x3FB5] =	sst s8  }
0x11: {  	[smem:$0x3FB6] =	sst s9;
	s0 =	simm.s32 @!p0 $0x0  }
0x12: {  	s1 =	sld [smem:$0x3F9C];
	s0 =	simm.s32 @p0 $0x1  }
0x13: {  	[smem:$0x3FB7] =	sst s0;
	s0 =	simm.s32 @!p1 $0x0  }
0x14: {  	s2 =	sld [smem:$0x3F9B];
	s0 =	simm.s32 @p1 $0x1  }
0x15: {  	[smem:$0x3FB8] =	sst s0;
	s0 =	simm.s32 @!p2 $0x0  }
0x16: {  	s3 =	sld [smem:$0x3FDB];
	s0 =	simm.s32 @p2 $0x1  }
0x17: {  	s4 =	simm.s32 $0x1BF5;
	[smem:$0x3FBA] =	sst s0  }
0x18: {  	s0 =	sld [smem:$0x3F9D];
	_ =	swait.ge [sflag:s4], $0x0  }
0x19: {  	s7 =	sld [smem:$0x3F9E]  }
0x1a: {  	s8 =	sadd.s32 $0xFFFFE003, lr  }
0x1b: {  	s9 =	sadd.s32 $0xFFFFFEF7, lr;
	s5 =	simm.s32 $0xFFFFFFFF;
	p2 =	slt.u32 s8, $0xFFFFF086  }
0x1c: {  	p1 =	slt.u32 s9, $0xF7A;
	s5 =	simm.s32 @!p2 $0x0  }
0x1d: {  	s5 =	simm.s32 @p1 $0x1;
	p0 =	seq.s32 s7, s2  }
0x1e: {  	s7 =	smul.u32 @!p0 $0xF7A, s2;
	p2 =	seq.s32 @!p0 s5, $0x0  }
0x1f: {  	s9 =	smul.u32 $0xF7A, s1;
	s8 =	simm.s32 @!p0 $0x1BF5;
	p2 =	por !p2, p0  }
0x20: {  	[sflag:s8] =	ssyncset.s32 @!p0 $0xFFFFF086;
	s6 =	sadd.s32 @!p0 s3, s7;
	s7 =	simm.s32 @!p0 $0x108  }
0x21: {  	s3 =	sadd.s32 s3, s9;
	s6 =	sadd.s32 @!p0 $0x88, s6;
	s7 =	simm.s32 @p2 $0x1082  }
0x22: {  	[simem:s7], [sflag:s8] =	dma.local @!p0 [hbm:s6], $0xF7A  }
0x23: {  	s9 =	sor.u32 $0xD0000000, s2;
	s6 =	simm.s32 $0x108;
	_ =	swait.ge @!p0 [sflag:s8], $0x0  }
0x24: {  	s3 =	sadd.s32 $0x88, s3;
	s6 =	simm.s32 @!p1 $0x1082;
	[sflag:s4] =	ssyncset.s32 $0xFFFFF086  }
0x25: {  	[simem:s6], [sflag:s4] =	dma.local [hbm:s3], $0xF7A  }
0x26: {  	[smem:$0x3F9E] =	sst s1;
	(tag) =	ssettag s2;
	_ =	strace s9  }
0x27: {  	s1 =	sld [smem:$0x3FAE]  }
0x28: {  	s2 =	sld [smem:$0x3FAF]  }
0x29: {  	s4 =	sld [smem:$0x3FB1]  }
0x2a: {  	p0 =	seq.s32 s5, $0x0;
	s5 =	sld [smem:$0x3FB2]  }
0x2b: {  	s6 =	sld [smem:$0x3FB3]  }
0x2c: {  	s7 =	sld [smem:$0x3FB4]  }
0x2d: {  	s3 =	simm.s32 $0x108;
	s8 =	sld [smem:$0x3FB5]  }
0x2e: {  	s3 =	simm.s32 @!p0 $0x1082;
	s9 =	sld [smem:$0x3FB6]  }
0x2f: {  	lr =	sadd.s32 s0, s3;
	s0 =	sld [smem:$0x3FAD]  }
0x30: {  	s3 =	sld [smem:$0x3FB0]  }
0x31: {  	[smem:$0x3FB9] =	sst s10  }
0x32: {  	s10 =	sld [smem:$0x3FB7];
	_ =	sdelay $0x3  }
0x33: {  	p0 =	seq.s32 s10, $0x1;
	s10 =	sld [smem:$0x3FB9];
	_ =	sdelay $0x3  }
0x34: {  	[smem:$0x3FB9] =	sst s10  }
0x35: {  	s10 =	sld [smem:$0x3FB8];
	_ =	sdelay $0x3  }
0x36: {  	p1 =	seq.s32 s10, $0x1;
	s10 =	sld [smem:$0x3FB9];
	_ =	sdelay $0x3  }
0x37: {  	[smem:$0x3FB9] =	sst s10  }
0x38: {  	s10 =	sld [smem:$0x3FBA]  }
0x39: {  	_ = 	snop;
	(pc) =	sbr.ind lr, $3  }
0x3a: {  	_ = 	snop  }
0x3b: {  	_ = 	snop  }
0x3c: {  	p2 =	seq.s32 s10, $0x1;
	s10 =	sld [smem:$0x3FB9]  }
0x3d: {  	_ =	shalt  }
0x3e: {  	_ =	shalt  }
0x3f: {  	_ =	shalt  }
0x40: {  	_ =	shalt  }
0x41: {  	_ =	shalt  }
0x42: {  	_ =	shalt  }
0x43: {  	_ =	shalt  }
0x44: {  	_ =	shalt  }
0x45: {  	_ =	shalt  }
0x46: {  	_ =	shalt  }
0x47: {  	_ =	shalt  }
0x48: {  	_ =	shalt  }
0x49: {  	_ =	shalt  }
0x4a: {  	_ =	shalt  }
0x4b: {  	_ =	shalt  }
0x4c: {  	_ =	shalt  }
0x4d: {  	_ =	shalt  }
0x4e: {  	_ =	shalt  }
0x4f: {  	_ =	shalt  }
0x50: {  	_ =	shalt  }
0x51: {  	_ =	shalt  }
0x52: {  	_ =	shalt  }
0x53: {  	_ =	shalt  }
0x54: {  	_ =	shalt  }
0x55: {  	_ =	shalt  }
0x56: {  	_ =	shalt  }
0x57: {  	_ =	shalt  }
0x58: {  	_ =	shalt  }
0x59: {  	_ =	shalt  }
0x5a: {  	_ =	shalt  }
0x5b: {  	_ =	shalt  }
0x5c: {  	_ =	shalt  }
0x5d: {  	_ =	shalt  }
0x5e: {  	_ =	shalt  }
0x5f: {  	_ =	shalt  }
0x60: {  	_ =	shalt  }
0x61: {  	_ =	shalt  }
0x62: {  	_ =	shalt  }
0x63: {  	_ =	shalt  }
0x64: {  	_ =	shalt  }
0x65: {  	_ =	shalt  }
0x66: {  	_ =	shalt  }
0x67: {  	_ =	shalt  }
0x68: {  	_ =	shalt  }
0x69: {  	_ =	shalt  }
0x6a: {  	_ =	shalt  }
0x6b: {  	_ =	shalt  }
0x6c: {  	_ =	shalt  }
0x6d: {  	_ =	shalt  }
0x6e: {  	_ =	shalt  }
0x6f: {  	_ =	shalt  }
0x70: {  	_ =	shalt  }
0x71: {  	_ =	shalt  }
0x72: {  	_ =	shalt  }
0x73: {  	_ =	shalt  }
0x74: {  	_ =	shalt  }
0x75: {  	_ =	shalt  }
0x76: {  	_ =	shalt  }
0x77: {  	_ =	shalt  }
0x78: {  	_ =	shalt  }
0x79: {  	_ =	shalt  }
0x7a: {  	_ =	shalt  }
0x7b: {  	_ =	shalt  }
0x7c: {  	_ =	shalt  }
0x7d: {  	_ =	shalt  }
0x7e: {  	_ =	shalt  }
0x7f: {  	_ =	shalt  }
0x80: {  	_ =	shalt  }
0x81: {  	_ =	shalt  }
0x82: {  	_ =	shalt  }
0x83: {  	_ =	shalt  }
0x84: {  	_ =	shalt  }
0x85: {  	_ =	shalt  }
0x86: {  	_ =	shalt  }
0x87: {  	_ =	shalt  }
.Lfunc_end0:
.L_simem_size_0:
called_computation.1_lowered:
.L_overlay_start_0:
0x88: {  	s2 =	sld [smem:$0x3FD9]  }
0x89: {  	s3 =	sld [smem:$0x3FFE];
	_ =	sdelay $0x1  }
0x8a: {  	s1 =	srdreg.scid  }
0x8b: {  	s0 =	sand.u32 $0x1, s1  }
0x8c: {  	s17 =	sshll.u32 s0, $0xA;
	s2 =	sadd.s32 s3, s2  }
0x8d: {  	s2 =	sadd.s32 s2, s17  }
0x8e: {  	[smem:$0x3FC5] =	sst s2  }
0x8f: {  	_ = 	snop  }
0x90: {  	s2 =	sld [smem:$0x3FD0];
	(tm) =	ssettm $0x1  }
0x91: {  	s18 =	sld [smem:$0x3FFB];
	_ =	sdelay $0x3  }
0x92: {  	_ =	strace s18  }
0x93: {  	s3 =	sld [smem:$0x3FFC];
	_ =	sdelay $0x3  }
0x94: {  	_ =	strace s3  }
0x95: {  	s3 =	sld [smem:$0x3FFD];
	_ =	sdelay $0x3  }
0x96: {  	_ =	strace s3  }
0x97: {  	_ =	strace $0x8FFFFFFF  }
0x98: {  	s19 =	sld [smem:$0x3FDB];
	_ =	sdelay $0x1  }
0x99: {  	s4 =	simm.s32 $_scs_section_size  }
0x9a: {  	s5 =	simm.s32 $_size__tile_overlayer_lowered;
	s6 =	simm.s32 $_tile_overlayer_lowered  }
0x9b: {  	s22 =	simm.s32 $0x1BFF;
	s21 =	sshll.u32 s6, $0x1;
	s3 =	sadd.s32 s4, s19  }
0x9c: {  	s7 =	simm.s32 $0x0;
	s20 =	sshll.u32 s5, $0x1;
	s5 =	sadd.s32 s21, s3  }
0x9d: {  	[timem:s7], [sflag:s22] =	dma.local [hbm:s5], s20  }
0x9e: {  	_ =	swait.ge [sflag:s22], s20  }
0x9f: {  	s4 =	ssub.s32 $0x0, s20;
	[sflag:s22] =	ssyncset.done $0x0  }
0xa0: {  	[sflag:s22] =	ssyncadd.s32 s4;
	_ =	sdelay $0x1  }
0xa1: {  	s23 =	simm.s32 $0x1B8B  }
0xa2: {  	_ =	swait.ge [sflag:s23], $0x1  }
0xa3: {  	[sflag:s23] =	ssyncset.done $0x0  }
0xa4: {  	s25 =	simm.s32 $0x1B8E;
	s24 =	sld [smem:$0x3FFE];
	[sflag:s23] =	ssyncadd.s32 $0xFFFFFFFF  }
0xa5: {  	s26 =	simm.s32 $execute0_lowered;
	[smem:$0x3FD2] =	sst s25  }
0xa6: {  	s5 =	sshll.u32 s26, $0x1;
	_ =	strace $0x80000049;
	[dreg:$0x1] =	wrdreg $0xFFFFFFFF  }
0xa7: {  	s28 =	simm.s32 $_size_execute0_lowered;
	s3 =	sadd.s32 s3, s5;
	[dreg:$0x0] =	wrdreg $0x0  }
0xa8: {  	s5 =	sshll.u32 s28, $0x1;
	[dreg:$0x2] =	wrdreg s3  }
0xa9: {  	[dreg:$0x3] =	wrdreg s5  }
0xaa: {  	[dreg:$0x4] =	wrdreg $0xC0  }
0xab: {  	_ =	task [dreg:s7], $0x5FFFF  }
0xac: {  	[dreg:$0x1] =	wrdreg $0xFFFFFFFF  }
0xad: {  	[dreg:$0x0] =	wrdreg $0x60  }
0xae: {  	[dreg:$0x2] =	wrdreg s24  }
0xaf: {  	[dreg:$0x3] =	wrdreg s2  }
0xb0: {  	[dreg:$0x4] =	wrdreg $0x9  }
0xb1: {  	_ =	task.clear_ibuf [dreg:s7], $0x5FFFF;
	_ =	strace $0x90000049  }
0xb2: {  	s29 =	simm.s32 $0x9;
	_ =	strace $0x8000004B  }
0xb3: {  	_ =	swait.ge [sflag:s29], $0x1  }
0xb4: {  	[sflag:s29] =	ssyncadd.s32 $0xFFFFFFFF  }
0xb5: {  	_ =	strace $0x9000004B  }
0xb6: {  	_ =	sfence  }
0xb7: {  	s30 =	sld [smem:$0x0];
	_ =	sdelay $0x2  }
0xb8: {  	s31 =	sshll.u32 s1, $0xD;
	s1 =	sshrl.u32 s1, $0x2  }
0xb9: {  	s3 =	sand.u32 $0x4000, s31;
	s1 =	sadd.s32 s1, s30  }
0xba: {  	s0 =	sor.u32 s3, s0;
	s1 =	sshll.u32 s1, $0x11  }
0xbb: {  	s0 =	sor.u32 s1, s0  }
0xbc: {  	s0 =	sadd.s32 $0x8F2B, s0  }
0xbd: {  	[sflag:s0] =	ssyncadd.remote.s32 $0x1  }
0xbe: {  	_ =	sfence.sel $0xFFFF  }
0xbf: {  	[dreg:$0x0] =	wrdreg $0xFFFFFFFF;
	(pc) =	sbr.abs _section_cstart, $3  }
0xc0: {  	[dreg:$0x1] =	wrdreg $0xFFFFFFFF  }
0xc1: {  	_ =	task.clear_ibuf [dreg:s7], $0x2FFFF;
	_ =	strace $0x9FFFFFFF  }
0xc2: {  	(tm) =	ssettm $0x7FFFFFFF  }
0xc3: {  	_ =	shalt  }
tec
execute0_lowered:
.L_overlay_start_1:
0x0: {  	(tag) =	ssettag $0x1  }
0x1: {  	s0 =	srdreg.scid  }
0x2: {  	s1 =	rddreg [dreg:$0x0];
	s2 =	stileid.u32  }
0x3: {  	s4 =	rddreg [dreg:$0x1];
	s13 =	simm.s32 $0x5;
	s21 =	simm.s32 $0xBC00  }
0x4: {  	s22 =	simm.s32 $0xC400;
	s23 =	simm.s32 $0xCC00;
	s28 =	simm.s32 $0xEC00  }
0x5: {  	s29 =	simm.s32 $0xF400;
	s30 =	simm.s32 $0xFC00;
	s31 =	simm.s32 $0x1  }
0x6: {  	s0 =	sand.u32 $0x1, s0;
	s3 =	sshll.u32 s2, $0x9;
	s8 =	sadd.s32 $0x403900, s1  }
0x7: {  	s2 =	simm.s32 $0x0;
	s9 =	sadd.s32 $0x403A00, s1;
	s10 =	sadd.s32 $0x403B00, s1  }
0x8: {  	s5 =	sshll.u32 s0, $0x8;
	[smem:$0x7FF] =	sst s2;
	s0 =	ssub.s32 $0x2, s0  }
0x9: {  	s5 =	sor.u32 s5, s3;
	_ =	strace $0x8000004A;
	s7 =	sshrl.u32 s0, $0x1  }
0xa: {  	s3 =	sshrl.u32 s5, $0x3;
	s0 =	ssub.s32 s0, s7;
	s5 =	sshll.u32 s5, $0x7  }
0xb: {  	s7 =	simm.s32 $0x0;
	s6 =	sadd.s32 s3, s1;
	s0 =	smax.u32 s0, $0x1  }
0xc: {  	s3 =	sadd.s32 $0x403800, s1;
	s24 =	sadd.s32 $0x1600, s6;
	[dreg:$0x7] =	wrdreg s0  }
0xd: {  	v2 =	vlaneseq.u32;
	s11 =	sadd.s32 s4, s5;
	s25 =	sadd.s32 $0x1A00, s6;
	[dreg:$0x3] =	wrdreg s24  }
0xe: {  	v0 =	vand.u32 $0x7, v2;
	v1 =	vshrl.u32 v2, $0x3;
	s1 =	simm.s32 $0x2;
	s26 =	sadd.s32 $0x1E00, s6;
	[dreg:$0x4] =	wrdreg s25  }
0xf: {  	v63 =	vor.u32 $0x8, v2;
	v62 =	vmul.u32 $0x8, v1;
	[tilespmem:$0x1FFD0] =	vst v0;
	s4 =	simm.s32 $0x3;
	s6 =	sadd.s32 $0x2200, s6;
	[dreg:$0x5] =	wrdreg s26  }
0x10: {  	[tilespmem:$0x1FFF0] =	vst v63;
	s5 =	simm.s32 $0x4;
	s0 =	simm.s32 $0x10400;
	[dreg:$0x6] =	wrdreg s6  }
0x11: {  	vm0 =	vmmov $0xffff;
	[tilespmem:$0x1FFE0] =	vst v62;
	s24 =	simm.s32 $0xD400;
	s25 =	simm.s32 $0xDC00;
	s26 =	simm.s32 $0xE400  }
.LBB2_1:
0x12: {  	[dreg:$0x8] =	wrdreg s7  }
0x13: {  	s6 =	rddreg [dreg:$0x3]  }
0x14: {  	[tilespmem:s2], [sflag:$0x5] =	stream.linear.gather [hbm4b:s6+s2], $0x100, $0x38;
	[tilespmem:$0x14400] =	vst v63  }
0x15: {  	_ =	swait.ge [sflag:s13], $0x100  }
0x16: {  	[sflag:s13] =	ssyncset.done $0x0  }
0x17: {  	s18 =	simm.s32 $0x100;
	s17 =	rddreg [dreg:$0x4];
	[sflag:s13] =	ssyncadd.s32 $0xFFFFFF00  }
0x18: {  	[tilespmem:s18], [sflag:$0x5] =	stream.linear.gather [hbm4b:s17+s2], $0x100, $0x38;
	[tilespmem:$0x14400] =	vst v63  }
0x19: {  	_ =	swait.ge [sflag:s13], $0x100  }
0x1a: {  	[sflag:s13] =	ssyncset.done $0x0  }
0x1b: {  	s20 =	simm.s32 $0x200;
	s19 =	rddreg [dreg:$0x5];
	[sflag:s13] =	ssyncadd.s32 $0xFFFFFF00  }
0x1c: {  	[tilespmem:s20], [sflag:$0x5] =	stream.linear.gather [hbm4b:s19+s2], $0x100, $0x38;
	[tilespmem:$0x14400] =	vst v63  }
0x1d: {  	_ =	swait.ge [sflag:s13], $0x100  }
0x1e: {  	[sflag:s13] =	ssyncset.done $0x0  }
0x1f: {  	s12 =	simm.s32 $0x300;
	s7 =	rddreg [dreg:$0x6];
	[sflag:s13] =	ssyncadd.s32 $0xFFFFFF00  }
0x20: {  	[tilespmem:s12], [sflag:$0x5] =	stream.linear.gather [hbm4b:s7+s2], $0x100, $0x38;
	[tilespmem:$0x14400] =	vst v63  }
0x21: {  	_ =	swait.ge [sflag:s13], $0x100  }
0x22: {  	[sflag:s13] =	ssyncset.done $0x0  }
0x23: {  	[sflag:s13] =	ssyncadd.s32 $0xFFFFFF00  }
0x24: {  	v3 =	vld [tilespmem:$0x0];
	_ =	sdelay $0x2  }
0x25: {  	v0 =	vld [tilespmem:$0x1FFD0];
	_ =	sdelay $0x1  }
0x26: {  	v1 =	vld [tilespmem:$0x1FFE0];
	v4 =	vshll.u32 v3, $0x3  }
0x27: {  	v3 =	vand.u32 $0x7, v3;
	v4 =	vand.u32 $0xFFFFFFC0, v4  }
0x28: {  	v3 =	vor.u32 v3, v4  }
0x29: {  	v4 =	vperm.xlane v3, v0;
	_ =	sdelay $0x1  }
0x2a: {  	v4 =	vadd.s32 v1, v4  }
0x2b: {  	v2 =	vld [tilespmem:$0x1FFF0];
	_ =	sdelay $0x2  }
0x2c: {  	s14 =	simm.s32 $0x400  }
0x2d: {  	[tilespmem:s14], [sflag:$0x1] =	stream.indirect_vreg.gather [hbm4b:s3+s2], $0x80, v4, vm0, $0xb8;
	[tilespmem:$0x14400] =	vst v63  }
0x2e: {  	s15 =	simm.s32 $0xC00;
	v3 =	vperm.xlane v3, v2  }
0x2f: {  	[tilespmem:s15], [sflag:$0x1] =	stream.indirect_vreg.gather [hbm4b:s8+s2], $0x80, v4, vm0, $0xb8;
	[tilespmem:$0x14400] =	vst v63  }
0x30: {  	s16 =	simm.s32 $0x1400;
	v3 =	vadd.s32 v1, v3  }
0x31: {  	[tilespmem:s16], [sflag:$0x1] =	stream.indirect_vreg.gather [hbm4b:s9+s2], $0x80, v4, vm0, $0xb8;
	[tilespmem:$0x14400] =	vst v63  }
0x32: {  	s17 =	simm.s32 $0x1C00  }
0x33: {  	[tilespmem:s17], [sflag:$0x1] =	stream.indirect_vreg.gather [hbm4b:s10+s2], $0x80, v4, vm0, $0xb8;
	[tilespmem:$0x14400] =	vst v63  }
0x34: {  	s18 =	simm.s32 $0x2400  }
0x35: {  	[tilespmem:s18], [sflag:$0x1] =	stream.indirect_vreg.gather [hbm4b:s3+s2], $0x80, v3, vm0, $0xb8;
	[tilespmem:$0x14400] =	vst v63  }
0x36: {  	s19 =	simm.s32 $0x2C00  }
0x37: {  	[tilespmem:s19], [sflag:$0x1] =	stream.indirect_vreg.gather [hbm4b:s8+s2], $0x80, v3, vm0, $0xb8;
	[tilespmem:$0x14400] =	vst v63  }
0x38: {  	s20 =	simm.s32 $0x3400  }
0x39: {  	[tilespmem:s20], [sflag:$0x1] =	stream.indirect_vreg.gather [hbm4b:s9+s2], $0x80, v3, vm0, $0xb8;
	[tilespmem:$0x14400] =	vst v63  }
0x3a: {  	s7 =	simm.s32 $0x3C00  }
0x3b: {  	[tilespmem:s7], [sflag:$0x1] =	stream.indirect_vreg.gather [hbm4b:s10+s2], $0x80, v3, vm0, $0xb8;
	[tilespmem:$0x14400] =	vst v63  }
0x3c: {  	v3 =	vld [tilespmem:$0x100];
	_ =	sdelay $0x4  }
0x3d: {  	v63 =	vshll.u32 v3, $0x3  }
0x3e: {  	v3 =	vand.u32 $0x7, v3;
	v4 =	vand.u32 $0xFFFFFFC0, v63  }
0x3f: {  	v3 =	vor.u32 v3, v4  }
0x40: {  	v4 =	vperm.xlane v3, v0;
	_ =	sdelay $0x1  }
0x41: {  	v4 =	vadd.s32 v1, v4;
	_ =	sdelay $0x3  }
0x42: {  	s12 =	simm.s32 $0x4400  }
0x43: {  	[tilespmem:s12], [sflag:$0x2] =	stream.indirect_vreg.gather [hbm4b:s3+s2], $0x80, v4, vm0, $0xb8;
	[tilespmem:$0x14400] =	vst v63  }
0x44: {  	s14 =	simm.s32 $0x4C00;
	v3 =	vperm.xlane v3, v2  }
0x45: {  	[tilespmem:s14], [sflag:$0x2] =	stream.indirect_vreg.gather [hbm4b:s8+s2], $0x80, v4, vm0, $0xb8;
	[tilespmem:$0x14400] =	vst v63  }
0x46: {  	s15 =	simm.s32 $0x5400;
	v3 =	vadd.s32 v1, v3  }
0x47: {  	[tilespmem:s15], [sflag:$0x2] =	stream.indirect_vreg.gather [hbm4b:s9+s2], $0x80, v4, vm0, $0xb8;
	[tilespmem:$0x14400] =	vst v63  }
0x48: {  	s16 =	simm.s32 $0x5C00  }
0x49: {  	[tilespmem:s16], [sflag:$0x2] =	stream.indirect_vreg.gather [hbm4b:s10+s2], $0x80, v4, vm0, $0xb8;
	[tilespmem:$0x14400] =	vst v63  }
0x4a: {  	s17 =	simm.s32 $0x6400  }
0x4b: {  	[tilespmem:s17], [sflag:$0x2] =	stream.indirect_vreg.gather [hbm4b:s3+s2], $0x80, v3, vm0, $0xb8;
	[tilespmem:$0x14400] =	vst v63  }
0x4c: {  	s18 =	simm.s32 $0x6C00  }
0x4d: {  	[tilespmem:s18], [sflag:$0x2] =	stream.indirect_vreg.gather [hbm4b:s8+s2], $0x80, v3, vm0, $0xb8;
	[tilespmem:$0x14400] =	vst v63  }
0x4e: {  	s19 =	simm.s32 $0x7400  }
0x4f: {  	[tilespmem:s19], [sflag:$0x2] =	stream.indirect_vreg.gather [hbm4b:s9+s2], $0x80, v3, vm0, $0xb8;
	[tilespmem:$0x14400] =	vst v63  }
0x50: {  	s20 =	simm.s32 $0x7C00;
	s7 =	simm.s32 $0x0  }
0x51: {  	[tilespmem:s20], [sflag:$0x2] =	stream.indirect_vreg.gather [hbm4b:s10+s2], $0x80, v3, vm0, $0xb8;
	[tilespmem:$0x14400] =	vst v63  }
.LBB2_2:
0x52: {  	s12 =	sshllo.u32 s7, $0x1  }
0x53: {  	s6 =	sshll.u32 s12, $0x4  }
0x54: {  	v3 =	vld [tilespmem:s6+$0x0];
	_ =	sdelay $0x2  }
0x55: {  	v0 =	vld [tilespmem:$0x1FFD0];
	_ =	sdelay $0x1  }
0x56: {  	v1 =	vld [tilespmem:$0x1FFE0];
	v4 =	vshll.u32 v3, $0x3  }
0x57: {  	v3 =	vand.u32 $0x7, v3;
	v4 =	vand.u32 $0xFFFFFFC0, v4  }
0x58: {  	v3 =	vor.u32 v3, v4  }
0x59: {  	v4 =	vperm.xlane v3, v0;
	_ =	sdelay $0x1  }
0x5a: {  	v4 =	vadd.s32 v1, v4  }
0x5b: {  	v2 =	vld [tilespmem:$0x1FFF0];
	_ =	sdelay $0x2  }
0x5c: {  	s15 =	simm.s32 $0x0;
	s14 =	simm.s32 $0x8400  }
0x5d: {  	[tilespmem:s14], [sflag:$0x3] =	stream.indirect_vreg.gather [hbm4b:s3+s15], $0x80, v4, vm0, $0xb8;
	[tilespmem:$0x14400] =	vst v63  }
0x5e: {  	s20 =	simm.s32 $0x8C00;
	v3 =	vperm.xlane v3, v2  }
0x5f: {  	[tilespmem:s20], [sflag:$0x3] =	stream.indirect_vreg.gather [hbm4b:s8+s15], $0x80, v4, vm0, $0xb8;
	[tilespmem:$0x14400] =	vst v63  }
0x60: {  	s16 =	simm.s32 $0x9400;
	v3 =	vadd.s32 v1, v3  }
0x61: {  	[tilespmem:s16], [sflag:$0x3] =	stream.indirect_vreg.gather [hbm4b:s9+s15], $0x80, v4, vm0, $0xb8;
	[tilespmem:$0x14400] =	vst v63  }
0x62: {  	s17 =	simm.s32 $0x9C00  }
0x63: {  	[tilespmem:s17], [sflag:$0x3] =	stream.indirect_vreg.gather [hbm4b:s10+s15], $0x80, v4, vm0, $0xb8;
	[tilespmem:$0x14400] =	vst v63  }
0x64: {  	s18 =	simm.s32 $0xA400  }
0x65: {  	[tilespmem:s18], [sflag:$0x3] =	stream.indirect_vreg.gather [hbm4b:s3+s15], $0x80, v3, vm0, $0xb8;
	[tilespmem:$0x14400] =	vst v63  }
0x66: {  	s19 =	simm.s32 $0xAC00  }
0x67: {  	[tilespmem:s19], [sflag:$0x3] =	stream.indirect_vreg.gather [hbm4b:s8+s15], $0x80, v3, vm0, $0xb8;
	[tilespmem:$0x14400] =	vst v63  }
0x68: {  	s20 =	simm.s32 $0xB400  }
0x69: {  	[tilespmem:s20], [sflag:$0x3] =	stream.indirect_vreg.gather [hbm4b:s9+s15], $0x80, v3, vm0, $0xb8;
	[tilespmem:$0x14400] =	vst v63  }
0x6a: {  	_ = 	snop  }
0x6b: {  	[tilespmem:s21], [sflag:$0x3] =	stream.indirect_vreg.gather [hbm4b:s10+s15], $0x80, v3, vm0, $0xb8;
	[tilespmem:$0x14400] =	vst v63  }
0x6c: {  	v3 =	vld [tilespmem:s6+$0x100];
	_ =	sdelay $0x4  }
0x6d: {  	v63 =	vshll.u32 v3, $0x3  }
0x6e: {  	v3 =	vand.u32 $0x7, v3;
	v4 =	vand.u32 $0xFFFFFFC0, v63  }
0x6f: {  	v3 =	vor.u32 v3, v4  }
0x70: {  	v4 =	vperm.xlane v3, v0;
	_ =	sdelay $0x1  }
0x71: {  	v4 =	vadd.s32 v1, v4;
	_ =	sdelay $0x4  }
0x72: {  	[tilespmem:s22], [sflag:$0x4] =	stream.indirect_vreg.gather [hbm4b:s3+s15], $0x80, v4, vm0, $0xb8;
	[tilespmem:$0x14400] =	vst v63  }
0x73: {  	v3 =	vperm.xlane v3, v2  }
0x74: {  	[tilespmem:s23], [sflag:$0x4] =	stream.indirect_vreg.gather [hbm4b:s8+s15], $0x80, v4, vm0, $0xb8;
	[tilespmem:$0x14400] =	vst v63  }
0x75: {  	v3 =	vadd.s32 v1, v3  }
0x76: {  	[tilespmem:s24], [sflag:$0x4] =	stream.indirect_vreg.gather [hbm4b:s9+s15], $0x80, v4, vm0, $0xb8;
	[tilespmem:$0x14400] =	vst v63  }
0x77: {  	_ = 	snop  }
0x78: {  	[tilespmem:s25], [sflag:$0x4] =	stream.indirect_vreg.gather [hbm4b:s10+s15], $0x80, v4, vm0, $0xb8;
	[tilespmem:$0x14400] =	vst v63  }
0x79: {  	_ = 	snop  }
0x7a: {  	[tilespmem:s26], [sflag:$0x4] =	stream.indirect_vreg.gather [hbm4b:s3+s15], $0x80, v3, vm0, $0xb8;
	[tilespmem:$0x14400] =	vst v63  }
0x7b: {  	_ = 	snop  }
0x7c: {  	[tilespmem:s28], [sflag:$0x4] =	stream.indirect_vreg.gather [hbm4b:s8+s15], $0x80, v3, vm0, $0xb8;
	[tilespmem:$0x14400] =	vst v63  }
0x7d: {  	_ = 	snop  }
0x7e: {  	[tilespmem:s29], [sflag:$0x4] =	stream.indirect_vreg.gather [hbm4b:s9+s15], $0x80, v3, vm0, $0xb8;
	[tilespmem:$0x14400] =	vst v63  }
0x7f: {  	_ = 	snop  }
0x80: {  	[tilespmem:s30], [sflag:$0x4] =	stream.indirect_vreg.gather [hbm4b:s10+s15], $0x80, v3, vm0, $0xb8;
	[tilespmem:$0x14400] =	vst v63  }
0x81: {  	_ =	swait.ge [sflag:s31], $0x4000  }
0x82: {  	[sflag:s31] =	ssyncset.done $0x0  }
0x83: {  	[sflag:s31] =	ssyncadd.s32 $0xFFFFC000  }
0x84: {  	_ =	swait.ge [sflag:s1], $0x4000  }
0x85: {  	s14 =	sshll.u32 s7, $0x5;
	s16 =	simm.s32 $0x0;
	[sflag:s1] =	ssyncset.done $0x0  }
0x86: {  	s17 =	simm.s32 $0x0;
	s18 =	simm.s32 $0x0;
	[sflag:s1] =	ssyncadd.s32 $0xFFFFC000  }
.LBB2_3:
0x87: {  	v3 =	vld [tilespmem:s14+$0x200];
	s19 =	sand.u32 $0x2000, s16;
	s20 =	sand.u32 $0x380, s17  }
0x88: {  	v4 =	vld [tilespmem:s14+$0x300];
	s19 =	sor.u32 s20, s19  }
0x89: {  	v7 =	vld [tilespmem:s19+$0x400]  }
0x8a: {  	v8 =	vld [tilespmem:s19+$0x4400]  }
0x8b: {  	v13 =	vld [tilespmem:s19+$0x410]  }
0x8c: {  	v14 =	vld [tilespmem:s19+$0x4410]  }
0x8d: {  	v18 =	vld [tilespmem:s19+$0x420]  }
0x8e: {  	v19 =	vld [tilespmem:s19+$0x4420]  }
0x8f: {  	v24 =	vld [tilespmem:s19+$0x430]  }
0x90: {  	v25 =	vld [tilespmem:s19+$0x4430]  }
0x91: {  	v28 =	vld [tilespmem:s19+$0x440]  }
0x92: {  	v29 =	vld [tilespmem:s19+$0x4440]  }
0x93: {  	v30 =	vld [tilespmem:s19+$0x450]  }
0x94: {  	v31 =	vld [tilespmem:s19+$0x4450]  }
0x95: {  	v32 =	vld [tilespmem:s19+$0x460]  }
0x96: {  	v33 =	vld [tilespmem:s19+$0x4460]  }
0x97: {  	v34 =	vld [tilespmem:s19+$0x470]  }
0x98: {  	v35 =	vld [tilespmem:s19+$0x4470]  }
0x99: {  	v36 =	vld [tilespmem:s19+$0x800]  }
0x9a: {  	v37 =	vld [tilespmem:s19+$0x4800]  }
0x9b: {  	v38 =	vld [tilespmem:s19+$0x810]  }
0x9c: {  	v39 =	vld [tilespmem:s19+$0x4810]  }
0x9d: {  	v40 =	vld [tilespmem:s19+$0x820]  }
0x9e: {  	v41 =	vld [tilespmem:s19+$0x4820]  }
0x9f: {  	v42 =	vld [tilespmem:s19+$0x830]  }
0xa0: {  	v43 =	vld [tilespmem:s19+$0x4830]  }
0xa1: {  	v44 =	vld [tilespmem:s19+$0x840]  }
0xa2: {  	v45 =	vld [tilespmem:s19+$0x4840]  }
0xa3: {  	v46 =	vld [tilespmem:s19+$0x850]  }
0xa4: {  	v47 =	vld [tilespmem:s19+$0x4850]  }
0xa5: {  	v48 =	vld [tilespmem:s19+$0x860]  }
0xa6: {  	v49 =	vld [tilespmem:s19+$0x4860]  }
0xa7: {  	v50 =	vld [tilespmem:s19+$0x870]  }
0xa8: {  	v51 =	vld [tilespmem:s19+$0x4870]  }
0xa9: {  	v52 =	vld [tilespmem:s19+$0xC00]  }
0xaa: {  	v53 =	vld [tilespmem:s19+$0x4C00]  }
0xab: {  	v54 =	vld [tilespmem:s19+$0xC10]  }
0xac: {  	v55 =	vld [tilespmem:s19+$0x4C10]  }
0xad: {  	v56 =	vld [tilespmem:s19+$0xC20]  }
0xae: {  	v57 =	vld [tilespmem:s19+$0x4C20]  }
0xaf: {  	v58 =	vld [tilespmem:s19+$0xC30]  }
0xb0: {  	v59 =	vld [tilespmem:s19+$0x4C30]  }
0xb1: {  	v60 =	vld [tilespmem:s19+$0xC40]  }
0xb2: {  	v61 =	vld [tilespmem:s19+$0x4C40]  }
0xb3: {  	v62 =	vld [tilespmem:s19+$0xC50]  }
0xb4: {  	v63 =	vld [tilespmem:s19+$0x4C50]  }
0xb5: {  	v6 =	vld [tilespmem:s19+$0xC60]  }
0xb6: {  	v2 =	vld [tilespmem:s19+$0x4C60]  }
0xb7: {  	v26 =	vld [tilespmem:s19+$0xC70]  }
0xb8: {  	v27 =	vld [tilespmem:s19+$0x4C70]  }
0xb9: {  	v22 =	vld [tilespmem:s19+$0x1000]  }
0xba: {  	v23 =	vld [tilespmem:s19+$0x5000]  }
0xbb: {  	v20 =	vld [tilespmem:s19+$0x1010]  }
0xbc: {  	v21 =	vld [tilespmem:s19+$0x5010]  }
0xbd: {  	v16 =	vld [tilespmem:s19+$0x1020]  }
0xbe: {  	v17 =	vld [tilespmem:s19+$0x5020]  }
0xbf: {  	v5 =	vmov s18;
	v11 =	vld [tilespmem:s19+$0x1030]  }
0xc0: {  	v5 =	vand.u32 $0xF, v5;
	v0 =	vld [tilespmem:s19+$0x1050]  }
0xc1: {  	v15 =	vld [tilespmem:s19+$0x5030];
	v5 =	vbroadcast v5, $0x0  }
0xc2: {  	v9 =	vld [tilespmem:s19+$0x1040]  }
0xc3: {  	v12 =	vld [tilespmem:s19+$0x5040];
	v3 =	vperm.xlane v3, v5;
	v4 =	vperm.xlane v4, v5  }
0xc4: {  	v10 =	vld [tilespmem:s19+$0x5050]  }
0xc5: {  	v5 =	vld [tilespmem:s19+$0x1060];
	[tilespmem:$0x1FFC0] =	vst v0;
	v1 =	vmul.f32 v7, v3;
	v0 =	vmul.f32 v8, v4  }
0xc6: {  	v8 =	vld [tilespmem:s19+$0x5060];
	v13 =	vmul.f32 v13, v3;
	v14 =	vmul.f32 v14, v4  }
0xc7: {  	v7 =	vld [tilespmem:s19+$0x1070];
	v18 =	vmul.f32 v18, v3;
	v19 =	vmul.f32 v19, v4  }
0xc8: {  	v11 =	vmul.f32 v11, v3;
	v15 =	vmul.f32 v15, v4;
	v1 =	vadd.f32 v0, v1;
	v0 =	vld [tilespmem:s19+$0x5070]  }
0xc9: {  	v24 =	vmul.f32 v24, v3;
	v25 =	vmul.f32 v25, v4;
	v13 =	vadd.f32 v14, v13;
	v14 =	vld [tilespmem:s19+$0x1400]  }
0xca: {  	v28 =	vmul.f32 v28, v3;
	v29 =	vmul.f32 v29, v4;
	v11 =	vadd.f32 v15, v11;
	v15 =	vld [tilespmem:s19+$0x1C00]  }
0xcb: {  	v33 =	vmul.f32 v33, v4;
	v42 =	vmul.f32 v42, v3;
	[tilespmem:s19+$0x10400] =	vst v1;
	v1 =	vadd.f32 v19, v18;
	v18 =	vld [tilespmem:s19+$0x5400]  }
0xcc: {  	v43 =	vmul.f32 v43, v4;
	v20 =	vmul.f32 v20, v3;
	[tilespmem:s19+$0x10410] =	vst v13;
	v19 =	vld [tilespmem:s19+$0x1410]  }
0xcd: {  	v13 =	vadd.f32 v25, v24;
	v25 =	vmul.f32 v30, v3;
	v30 =	vmul.f32 v31, v4;
	v24 =	vld [tilespmem:s19+$0x5410];
	[tilespmem:s19+$0x11030] =	vst v11  }
0xce: {  	v31 =	vmul.f32 v35, v4;
	v35 =	vld [tilespmem:s19+$0x1440];
	[tilespmem:s19+$0x10420] =	vst v1;
	v1 =	vadd.f32 v29, v28;
	v28 =	vmul.f32 v32, v3  }
0xcf: {  	v21 =	vmul.f32 v21, v4;
	v11 =	vld [tilespmem:s19+$0x5860];
	[tilespmem:s19+$0x10430] =	vst v13;
	v13 =	vadd.f32 v30, v25;
	v30 =	vmul.f32 v34, v3  }
0xd0: {  	v25 =	vld [tilespmem:s19+$0x1420];
	v29 =	vmul.f32 v36, v3;
	v32 =	vmul.f32 v37, v4;
	[tilespmem:s19+$0x10440] =	vst v1;
	v1 =	vadd.f32 v33, v28  }
0xd1: {  	v36 =	vmul.f32 v38, v3;
	v37 =	vmul.f32 v39, v4;
	v34 =	vld [tilespmem:s19+$0x5430];
	[tilespmem:s19+$0x10450] =	vst v13;
	v13 =	vadd.f32 v31, v30  }
0xd2: {  	v7 =	vmul.f32 v7, v3;
	v39 =	vmul.f32 v40, v3;
	v28 =	vld [tilespmem:s19+$0x5420];
	v38 =	vadd.f32 v32, v29;
	[tilespmem:s19+$0x10460] =	vst v1  }
0xd3: {  	v40 =	vmul.f32 v41, v4;
	v0 =	vmul.f32 v0, v4;
	v33 =	vld [tilespmem:s19+$0x1430];
	v41 =	vadd.f32 v37, v36;
	[tilespmem:s19+$0x10470] =	vst v13  }
0xd4: {  	v44 =	vmul.f32 v44, v3;
	v54 =	vmul.f32 v54, v3;
	v36 =	vld [tilespmem:s19+$0x5440];
	v31 =	vadd.f32 v21, v20;
	[tilespmem:s19+$0x10800] =	vst v38  }
0xd5: {  	v55 =	vmul.f32 v55, v4;
	v6 =	vmul.f32 v6, v3;
	v37 =	vld [tilespmem:s19+$0x1450];
	v0 =	vadd.f32 v0, v7;
	[tilespmem:s19+$0x10810] =	vst v41  }
0xd6: {  	v2 =	vmul.f32 v2, v4;
	v29 =	vld [tilespmem:s19+$0x5810];
	v1 =	vadd.f32 v40, v39;
	v40 =	vmul.f32 v45, v4;
	[tilespmem:s19+$0x11010] =	vst v31  }
0xd7: {  	v30 =	vld [tilespmem:s19+$0x1820];
	v41 =	vadd.f32 v43, v42;
	v42 =	vmul.f32 v46, v3;
	v43 =	vmul.f32 v47, v4;
	[tilespmem:s19+$0x11070] =	vst v0  }
0xd8: {  	v20 =	vld [tilespmem:s19+$0x5C10];
	v45 =	vmul.f32 v48, v3;
	v46 =	vmul.f32 v49, v4;
	[tilespmem:s19+$0x10820] =	vst v1;
	v44 =	vadd.f32 v40, v44  }
0xd9: {  	v38 =	vld [tilespmem:s19+$0x5450];
	v48 =	vmul.f32 v50, v3;
	v49 =	vmul.f32 v51, v4;
	[tilespmem:s19+$0x10830] =	vst v41;
	v47 =	vadd.f32 v43, v42  }
0xda: {  	v39 =	vld [tilespmem:s19+$0x1460];
	v51 =	vmul.f32 v52, v3;
	v52 =	vmul.f32 v53, v4;
	v50 =	vadd.f32 v46, v45;
	[tilespmem:s19+$0x10840] =	vst v44  }
0xdb: {  	v26 =	vmul.f32 v26, v3;
	v27 =	vmul.f32 v27, v4;
	v13 =	vld [tilespmem:s19+$0x1850];
	v53 =	vadd.f32 v49, v48;
	[tilespmem:s19+$0x10850] =	vst v47  }
0xdc: {  	v40 =	vld [tilespmem:s19+$0x5460];
	v45 =	vadd.f32 v52, v51;
	v46 =	vmul.f32 v56, v3;
	v49 =	vmul.f32 v58, v3;
	[tilespmem:s19+$0x10860] =	vst v50  }
0xdd: {  	v41 =	vld [tilespmem:s19+$0x1470];
	v48 =	vadd.f32 v55, v54;
	v55 =	vmul.f32 v62, v3;
	v56 =	vmul.f32 v63, v4;
	[tilespmem:s19+$0x10870] =	vst v53  }
0xde: {  	v42 =	vld [tilespmem:s19+$0x5470];
	v52 =	vmul.f32 v60, v3;
	v60 =	vmul.f32 v22, v3;
	v62 =	vadd.f32 v27, v26;
	[tilespmem:s19+$0x10C00] =	vst v45  }
0xdf: {  	v43 =	vld [tilespmem:s19+$0x1800];
	v26 =	vmul.f32 v16, v3;
	v27 =	vmul.f32 v17, v4;
	[tilespmem:s19+$0x10C10] =	vst v48;
	v58 =	vadd.f32 v56, v55  }
0xe0: {  	v22 =	vld [tilespmem:s19+$0x5820];
	v47 =	vmul.f32 v57, v4;
	v50 =	vmul.f32 v59, v4;
	v59 =	vadd.f32 v2, v6;
	[tilespmem:s19+$0x10C70] =	vst v62  }
0xe1: {  	v16 =	vld [tilespmem:s19+$0x5830];
	v53 =	vmul.f32 v61, v4;
	v32 =	vadd.f32 v27, v26;
	[tilespmem:s19+$0x10C50] =	vst v58  }
0xe2: {  	v17 =	vld [tilespmem:s19+$0x1840];
	v61 =	vmul.f32 v23, v4;
	v55 =	vmul.f32 v18, v4;
	v51 =	vadd.f32 v47, v46;
	[tilespmem:s19+$0x10C60] =	vst v59  }
0xe3: {  	v44 =	vld [tilespmem:s19+$0x5800];
	v62 =	vmul.f32 v33, v3;
	v27 =	vmul.f32 v37, v3;
	v54 =	vadd.f32 v50, v49;
	[tilespmem:s19+$0x11020] =	vst v32  }
0xe4: {  	v45 =	vld [tilespmem:s19+$0x1810];
	v57 =	vadd.f32 v53, v52;
	v46 =	vmul.f32 v9, v3;
	v47 =	vmul.f32 v12, v4;
	[tilespmem:s19+$0x10C20] =	vst v51  }
0xe5: {  	v23 =	vld [tilespmem:s19+$0x1830];
	v63 =	vadd.f32 v61, v60;
	v59 =	vmul.f32 v25, v3;
	v60 =	vmul.f32 v28, v4;
	[tilespmem:s19+$0x10C30] =	vst v54  }
0xe6: {  	v48 =	vld [tilespmem:$0x1FFC0];
	v50 =	vmul.f32 v5, v3;
	v28 =	vmul.f32 v38, v4;
	[tilespmem:s19+$0x10C40] =	vst v57;
	v49 =	vadd.f32 v47, v46  }
0xe7: {  	v6 =	vld [tilespmem:s19+$0x5850];
	v32 =	vmul.f32 v39, v3;
	v33 =	vmul.f32 v40, v4;
	[tilespmem:s19+$0x11000] =	vst v63;
	v21 =	vadd.f32 v60, v59  }
0xe8: {  	v18 =	vld [tilespmem:s19+$0x5C00];
	v51 =	vmul.f32 v8, v4;
	v63 =	vmul.f32 v34, v4;
	v34 =	vadd.f32 v28, v27;
	[tilespmem:s19+$0x11040] =	vst v49  }
0xe9: {  	v56 =	vmul.f32 v19, v3;
	v19 =	vld [tilespmem:s19+$0x1C10];
	v54 =	vmul.f32 v14, v3;
	v37 =	vadd.f32 v33, v32;
	[tilespmem:s19+$0x11420] =	vst v21  }
0xea: {  	v9 =	vld [tilespmem:s19+$0x5840];
	v57 =	vmul.f32 v24, v4;
	v53 =	vadd.f32 v51, v50;
	[tilespmem:s19+$0x11450] =	vst v34  }
0xeb: {  	v10 =	vmul.f32 v10, v4;
	v40 =	vld [tilespmem:s19+$0x5C20];
	v58 =	vadd.f32 v55, v54;
	[tilespmem:s19+$0x11460] =	vst v37  }
0xec: {  	v25 =	vmul.f32 v36, v4;
	v14 =	vld [tilespmem:s19+$0x5870];
	v24 =	vmul.f32 v35, v3;
	v61 =	vadd.f32 v57, v56;
	[tilespmem:s19+$0x11060] =	vst v53  }
0xed: {  	v36 =	vmul.f32 v42, v4;
	v35 =	vmul.f32 v41, v3;
	v59 =	vld [tilespmem:s19+$0x1C50];
	v26 =	vadd.f32 v63, v62;
	[tilespmem:s19+$0x11400] =	vst v58  }
0xee: {  	v38 =	vmul.f32 v43, v3;
	v27 =	vld [tilespmem:s19+$0x1C60];
	v12 =	vmul.f32 v48, v3;
	v31 =	vadd.f32 v25, v24;
	[tilespmem:s19+$0x11410] =	vst v61  }
0xef: {  	v43 =	vmul.f32 v29, v4;
	v39 =	vmul.f32 v44, v4;
	v44 =	vld [tilespmem:s19+$0x1C30];
	v41 =	vadd.f32 v36, v35;
	[tilespmem:s19+$0x11430] =	vst v26  }
0xf0: {  	v29 =	vmul.f32 v15, v3;
	v42 =	vmul.f32 v45, v3;
	v48 =	vld [tilespmem:s19+$0x5C30];
	v52 =	vadd.f32 v10, v12;
	[tilespmem:s19+$0x11440] =	vst v31  }
0xf1: {  	v46 =	vmul.f32 v30, v3;
	v30 =	vmul.f32 v18, v4;
	v21 =	vld [tilespmem:s19+$0x1C20];
	v45 =	vadd.f32 v39, v38;
	[tilespmem:s19+$0x11470] =	vst v41  }
0xf2: {  	v47 =	vmul.f32 v22, v4;
	v6 =	vmul.f32 v6, v4;
	v63 =	vld [tilespmem:s19+$0x5C50];
	v49 =	vadd.f32 v43, v42;
	[tilespmem:s19+$0x11050] =	vst v52  }
0xf3: {  	v50 =	vmul.f32 v23, v3;
	v51 =	vmul.f32 v16, v4;
	v35 =	vld [tilespmem:s19+$0x1C70];
	v36 =	vadd.f32 v30, v29;
	[tilespmem:s19+$0x11800] =	vst v45  }
0xf4: {  	v33 =	vmul.f32 v19, v3;
	v34 =	vmul.f32 v20, v4;
	v10 =	vld [tilespmem:s19+$0x1860];
	v53 =	vadd.f32 v47, v46;
	[tilespmem:s19+$0x11810] =	vst v49  }
0xf5: {  	v54 =	vmul.f32 v17, v3;
	v12 =	vld [tilespmem:s19+$0x1870];
	v55 =	vmul.f32 v9, v4;
	v57 =	vadd.f32 v51, v50;
	[tilespmem:s19+$0x11C00] =	vst v36  }
0xf6: {  	v39 =	vld [tilespmem:s19+$0x5C70];
	v58 =	vmul.f32 v13, v3;
	v38 =	vmul.f32 v40, v4;
	v40 =	vadd.f32 v34, v33;
	[tilespmem:s19+$0x11820] =	vst v53  }
0xf7: {  	v31 =	vld [tilespmem:s19+$0x5C60];
	v60 =	vadd.f32 v55, v54;
	[tilespmem:s19+$0x11830] =	vst v57;
	v41 =	vmul.f32 v44, v3;
	v42 =	vmul.f32 v48, v4  }
0xf8: {  	v62 =	vmul.f32 v11, v4;
	v52 =	vld [tilespmem:s19+$0x1C40];
	v17 =	vadd.f32 v6, v58;
	[tilespmem:s19+$0x11C10] =	vst v40;
	v37 =	vmul.f32 v21, v3  }
0xf9: {  	v56 =	vld [tilespmem:s19+$0x5C40];
	v26 =	vmul.f32 v14, v4;
	[tilespmem:s19+$0x11840] =	vst v60;
	v61 =	vmul.f32 v10, v3;
	v46 =	vadd.f32 v42, v41  }
0xfa: {  	v47 =	vmul.f32 v59, v3;
	v23 =	vmul.f32 v12, v3;
	[tilespmem:s19+$0x11850] =	vst v17;
	v43 =	vadd.f32 v38, v37  }
0xfb: {  	v50 =	vmul.f32 v27, v3;
	v48 =	vmul.f32 v63, v4;
	v28 =	vadd.f32 v62, v61;
	[tilespmem:s19+$0x11C30] =	vst v46  }
0xfc: {  	v53 =	vmul.f32 v35, v3;
	v54 =	vmul.f32 v39, v4;
	v32 =	vadd.f32 v26, v23;
	[tilespmem:s19+$0x11C20] =	vst v43  }
0xfd: {  	v51 =	vmul.f32 v31, v4;
	v44 =	vmul.f32 v52, v3;
	v52 =	vadd.f32 v48, v47;
	[tilespmem:s19+$0x11860] =	vst v28  }
0xfe: {  	v45 =	vmul.f32 v56, v4;
	v56 =	vadd.f32 v54, v53;
	[tilespmem:s19+$0x11870] =	vst v32  }
0xff: {  	s20 =	sand.u32 $0x7, s15;
	v55 =	vadd.f32 v51, v50;
	[tilespmem:s19+$0x11C50] =	vst v52  }
0x100: {  	s20 =	sshll.u32 s20, $0x7;
	v49 =	vadd.f32 v45, v44;
	[tilespmem:s19+$0x11C70] =	vst v56  }
0x101: {  	s20 =	sadd.s32 s20, s16;
	[tilespmem:s19+$0x11C60] =	vst v55  }
0x102: {  	[tilespmem:s19+$0x11C40] =	vst v49;
	s19 =	sor.u32 $0x1C00, s20  }
0x103: {  	v0 =	vld [tilespmem:s19+$0x400]  }
0x104: {  	v1 =	vld [tilespmem:s19+$0x4400];
	_ =	sdelay $0x4  }
0x105: {  	v0 =	vmul.f32 v0, v3;
	v1 =	vmul.f32 v1, v4;
	_ =	sdelay $0x1  }
0x106: {  	v0 =	vadd.f32 v1, v0;
	_ =	sdelay $0x1  }
0x107: {  	[tilespmem:s19+$0x10400] =	vst v0;
	s19 =	sor.u32 $0x1C10, s20  }
0x108: {  	v0 =	vld [tilespmem:s19+$0x400]  }
0x109: {  	v57 =	vld [tilespmem:s19+$0x4400];
	_ =	sdelay $0x4  }
0x10a: {  	v0 =	vmul.f32 v0, v3;
	v1 =	vmul.f32 v57, v4;
	_ =	sdelay $0x1  }
0x10b: {  	v0 =	vadd.f32 v1, v0;
	_ =	sdelay $0x1  }
0x10c: {  	[tilespmem:s19+$0x10400] =	vst v0;
	s19 =	sor.u32 $0x1C20, s20  }
0x10d: {  	v0 =	vld [tilespmem:s19+$0x400]  }
0x10e: {  	v58 =	vld [tilespmem:s19+$0x4400];
	_ =	sdelay $0x4  }
0x10f: {  	v0 =	vmul.f32 v0, v3;
	v1 =	vmul.f32 v58, v4;
	_ =	sdelay $0x1  }
0x110: {  	v0 =	vadd.f32 v1, v0;
	_ =	sdelay $0x1  }
0x111: {  	[tilespmem:s19+$0x10400] =	vst v0;
	s19 =	sor.u32 $0x1C30, s20  }
0x112: {  	v0 =	vld [tilespmem:s19+$0x400]  }
0x113: {  	v59 =	vld [tilespmem:s19+$0x4400];
	_ =	sdelay $0x4  }
0x114: {  	v0 =	vmul.f32 v0, v3;
	v1 =	vmul.f32 v59, v4;
	_ =	sdelay $0x1  }
0x115: {  	v0 =	vadd.f32 v1, v0;
	_ =	sdelay $0x1  }
0x116: {  	[tilespmem:s19+$0x10400] =	vst v0;
	s19 =	sor.u32 $0x1C40, s20  }
0x117: {  	v0 =	vld [tilespmem:s19+$0x400]  }
0x118: {  	v60 =	vld [tilespmem:s19+$0x4400];
	_ =	sdelay $0x4  }
0x119: {  	v0 =	vmul.f32 v0, v3;
	v1 =	vmul.f32 v60, v4;
	_ =	sdelay $0x1  }
0x11a: {  	v0 =	vadd.f32 v1, v0;
	_ =	sdelay $0x1  }
0x11b: {  	[tilespmem:s19+$0x10400] =	vst v0;
	s19 =	sor.u32 $0x1C50, s20  }
0x11c: {  	v0 =	vld [tilespmem:s19+$0x400]  }
0x11d: {  	v61 =	vld [tilespmem:s19+$0x4400];
	_ =	sdelay $0x4  }
0x11e: {  	v0 =	vmul.f32 v0, v3;
	v1 =	vmul.f32 v61, v4;
	_ =	sdelay $0x1  }
0x11f: {  	v0 =	vadd.f32 v1, v0;
	_ =	sdelay $0x1  }
0x120: {  	[tilespmem:s19+$0x10400] =	vst v0;
	s19 =	sor.u32 $0x1C60, s20  }
0x121: {  	v0 =	vld [tilespmem:s19+$0x400]  }
0x122: {  	v62 =	vld [tilespmem:s19+$0x4400];
	_ =	sdelay $0x4  }
0x123: {  	v0 =	vmul.f32 v0, v3;
	v1 =	vmul.f32 v62, v4;
	_ =	sdelay $0x1  }
0x124: {  	v0 =	vadd.f32 v1, v0;
	_ =	sdelay $0x1  }
0x125: {  	s20 =	sor.u32 $0x1C70, s20;
	[tilespmem:s19+$0x10400] =	vst v0  }
0x126: {  	v0 =	vld [tilespmem:s20+$0x400]  }
0x127: {  	v63 =	vld [tilespmem:s20+$0x4400];
	_ =	sdelay $0x3  }
0x128: {  	p0 =	sne.s32 s18, $0xF  }
.Ltmp0:
0x129: {  	v0 =	vmul.f32 v0, v3;
	v1 =	vmul.f32 v63, v4;
	(pc) =	sbr.rel @p0 .LBB2_3-.Ltmp0, $4  }
0x12a: {  	_ = 	snop  }
0x12b: {  	v0 =	vadd.f32 v1, v0  }
0x12c: {  	s17 =	sadd.s32 $0x80, s17  }
0x12d: {  	s18 =	sadd.s32 $0x1, s18;
	s15 =	sadd.s32 $0x1, s15;
	s16 =	sadd.s32 $0x400, s16;
	[tilespmem:s20+$0x10400] =	vst v0  }
0x12e: {  	s15 =	sshll.u32 s7, $0xC  }
0x12f: {  	s15 =	sadd.s32 s15, s11  }
0x130: {  	[hbm4b:s15+s2] =	stream.linear.scatter [tilespmem:s0], [sflag:$0x5], $0x4000, $0x38;
	[tilespmem:$0x14400] =	vst v63  }
0x131: {  	_ =	swait.ge [sflag:s13], $0x4000  }
0x132: {  	[sflag:s13] =	ssyncset.done $0x0  }
0x133: {  	p0 =	seq.s32 s7, $0x7;
	[sflag:s13] =	ssyncadd.s32 $0xFFFFC000  }
0x134: {  	v0 =	vld @!p0 [tilespmem:s14+$0x20];
	_ =	sdelay $0x4  }
0x135: {  	v1 =	vshll.u32 @!p0 v0, $0x3  }
0x136: {  	v2 =	vlaneseq.u32 @!p0;
	v0 =	vand.u32 @!p0 $0x7, v0;
	v1 =	vand.u32 @!p0 $0xFFFFFFC0, v1  }
0x137: {  	v3 =	vshrl.u32 @!p0 v2, $0x3;
	v0 =	vor.u32 @!p0 v0, v1;
	v1 =	vand.u32 @!p0 $0x7, v2  }
0x138: {  	v3 =	vmul.u32 @!p0 $0x8, v3;
	v4 =	vperm.xlane @!p0 v0, v1;
	_ =	sdelay $0x1  }
0x139: {  	v4 =	vadd.s32 @!p0 v3, v4;
	_ =	sdelay $0x3  }
0x13a: {  	vm1 =	vmmov @!p0 $0xffff;
	s16 =	simm.s32 @!p0 $0x400;
	s15 =	simm.s32 @!p0 $0x0  }
0x13b: {  	v2 =	vor.u32 @!p0 $0x8, v2;
	[tilespmem:s16], [sflag:$0x1] =	stream.indirect_vreg.gather @!p0 [hbm4b:s3+s15], $0x80, v4, vm1, $0xb8;
	[tilespmem:$0x14400] =	vst v63  }
0x13c: {  	v0 =	vperm.xlane @!p0 v0, v2;
	s16 =	simm.s32 @!p0 $0xC00  }
0x13d: {  	[tilespmem:s16], [sflag:$0x1] =	stream.indirect_vreg.gather @!p0 [hbm4b:s8+s15], $0x80, v4, vm1, $0xb8;
	[tilespmem:$0x14400] =	vst v63  }
0x13e: {  	v0 =	vadd.s32 @!p0 v3, v0;
	s16 =	simm.s32 @!p0 $0x1400  }
0x13f: {  	[tilespmem:s16], [sflag:$0x1] =	stream.indirect_vreg.gather @!p0 [hbm4b:s9+s15], $0x80, v4, vm1, $0xb8;
	[tilespmem:$0x14400] =	vst v63  }
0x140: {  	s16 =	simm.s32 @!p0 $0x1C00  }
0x141: {  	[tilespmem:s16], [sflag:$0x1] =	stream.indirect_vreg.gather @!p0 [hbm4b:s10+s15], $0x80, v4, vm1, $0xb8;
	[tilespmem:$0x14400] =	vst v63  }
0x142: {  	s16 =	simm.s32 @!p0 $0x2400  }
0x143: {  	[tilespmem:s16], [sflag:$0x1] =	stream.indirect_vreg.gather @!p0 [hbm4b:s3+s15], $0x80, v0, vm1, $0xb8;
	[tilespmem:$0x14400] =	vst v63  }
0x144: {  	s16 =	simm.s32 @!p0 $0x2C00  }
0x145: {  	[tilespmem:s16], [sflag:$0x1] =	stream.indirect_vreg.gather @!p0 [hbm4b:s8+s15], $0x80, v0, vm1, $0xb8;
	[tilespmem:$0x14400] =	vst v63  }
0x146: {  	s16 =	simm.s32 @!p0 $0x3400  }
0x147: {  	[tilespmem:s16], [sflag:$0x1] =	stream.indirect_vreg.gather @!p0 [hbm4b:s9+s15], $0x80, v0, vm1, $0xb8;
	[tilespmem:$0x14400] =	vst v63  }
0x148: {  	s16 =	simm.s32 @!p0 $0x3C00  }
0x149: {  	[tilespmem:s16], [sflag:$0x1] =	stream.indirect_vreg.gather @!p0 [hbm4b:s10+s15], $0x80, v0, vm1, $0xb8;
	[tilespmem:$0x14400] =	vst v63  }
0x14a: {  	v0 =	vld @!p0 [tilespmem:s14+$0x120];
	_ =	sdelay $0x4  }
0x14b: {  	v4 =	vshll.u32 @!p0 v0, $0x3  }
0x14c: {  	v0 =	vand.u32 @!p0 $0x7, v0;
	v4 =	vand.u32 @!p0 $0xFFFFFFC0, v4  }
0x14d: {  	v0 =	vor.u32 @!p0 v0, v4  }
0x14e: {  	v1 =	vperm.xlane @!p0 v0, v1;
	_ =	sdelay $0x1  }
0x14f: {  	v1 =	vadd.s32 @!p0 v3, v1;
	_ =	sdelay $0x3  }
0x150: {  	s14 =	simm.s32 @!p0 $0x4400  }
0x151: {  	[tilespmem:s14], [sflag:$0x2] =	stream.indirect_vreg.gather @!p0 [hbm4b:s3+s15], $0x80, v1, vm1, $0xb8;
	[tilespmem:$0x14400] =	vst v63  }
0x152: {  	v0 =	vperm.xlane @!p0 v0, v2;
	s14 =	simm.s32 @!p0 $0x4C00  }
0x153: {  	[tilespmem:s14], [sflag:$0x2] =	stream.indirect_vreg.gather @!p0 [hbm4b:s8+s15], $0x80, v1, vm1, $0xb8;
	[tilespmem:$0x14400] =	vst v63  }
0x154: {  	v0 =	vadd.s32 @!p0 v3, v0;
	s14 =	simm.s32 @!p0 $0x5400  }
0x155: {  	[tilespmem:s14], [sflag:$0x2] =	stream.indirect_vreg.gather @!p0 [hbm4b:s9+s15], $0x80, v1, vm1, $0xb8;
	[tilespmem:$0x14400] =	vst v63  }
0x156: {  	s14 =	simm.s32 @!p0 $0x5C00  }
0x157: {  	[tilespmem:s14], [sflag:$0x2] =	stream.indirect_vreg.gather @!p0 [hbm4b:s10+s15], $0x80, v1, vm1, $0xb8;
	[tilespmem:$0x14400] =	vst v63  }
0x158: {  	s14 =	simm.s32 @!p0 $0x6400  }
0x159: {  	[tilespmem:s14], [sflag:$0x2] =	stream.indirect_vreg.gather @!p0 [hbm4b:s3+s15], $0x80, v0, vm1, $0xb8;
	[tilespmem:$0x14400] =	vst v63  }
0x15a: {  	s14 =	simm.s32 @!p0 $0x6C00  }
0x15b: {  	[tilespmem:s14], [sflag:$0x2] =	stream.indirect_vreg.gather @!p0 [hbm4b:s8+s15], $0x80, v0, vm1, $0xb8;
	[tilespmem:$0x14400] =	vst v63  }
0x15c: {  	s14 =	simm.s32 @!p0 $0x7400  }
0x15d: {  	[tilespmem:s14], [sflag:$0x2] =	stream.indirect_vreg.gather @!p0 [hbm4b:s9+s15], $0x80, v0, vm1, $0xb8;
	[tilespmem:$0x14400] =	vst v63  }
0x15e: {  	s14 =	simm.s32 @!p0 $0x7C00  }
0x15f: {  	[tilespmem:s14], [sflag:$0x2] =	stream.indirect_vreg.gather @!p0 [hbm4b:s10+s15], $0x80, v0, vm1, $0xb8;
	[tilespmem:$0x14400] =	vst v63  }
0x160: {  	_ =	swait.ge [sflag:s4], $0x4000  }
0x161: {  	[sflag:s4] =	ssyncset.done $0x0  }
0x162: {  	[sflag:s4] =	ssyncadd.s32 $0xFFFFC000  }
0x163: {  	_ =	swait.ge [sflag:s5], $0x4000  }
0x164: {  	s17 =	simm.s32 $0x0;
	s16 =	simm.s32 $0x0;
	[sflag:s5] =	ssyncset.done $0x0  }
0x165: {  	s14 =	simm.s32 $0x0;
	s15 =	simm.s32 $0x0;
	[sflag:s5] =	ssyncadd.s32 $0xFFFFC000  }
.LBB2_5:
0x166: {  	v0 =	vld [tilespmem:s6+$0x200];
	s18 =	sand.u32 $0x2000, s15;
	s19 =	sand.u32 $0x380, s16  }
0x167: {  	v1 =	vld [tilespmem:s6+$0x300];
	s18 =	sor.u32 s19, s18  }
0x168: {  	v2 =	vld [tilespmem:s18+$0x8400]  }
0x169: {  	v7 =	vld [tilespmem:s18+$0xC400]  }
0x16a: {  	v13 =	vld [tilespmem:s18+$0x8410]  }
0x16b: {  	v14 =	vld [tilespmem:s18+$0xC410]  }
0x16c: {  	v18 =	vld [tilespmem:s18+$0x8420]  }
0x16d: {  	v19 =	vld [tilespmem:s18+$0xC420]  }
0x16e: {  	v24 =	vld [tilespmem:s18+$0x8430]  }
0x16f: {  	v25 =	vld [tilespmem:s18+$0xC430]  }
0x170: {  	v28 =	vld [tilespmem:s18+$0x8440]  }
0x171: {  	v29 =	vld [tilespmem:s18+$0xC440]  }
0x172: {  	v30 =	vld [tilespmem:s18+$0x8450]  }
0x173: {  	v31 =	vld [tilespmem:s18+$0xC450]  }
0x174: {  	v32 =	vld [tilespmem:s18+$0x8460]  }
0x175: {  	v33 =	vld [tilespmem:s18+$0xC460]  }
0x176: {  	v34 =	vld [tilespmem:s18+$0x8470]  }
0x177: {  	v35 =	vld [tilespmem:s18+$0xC470]  }
0x178: {  	v36 =	vld [tilespmem:s18+$0x8800]  }
0x179: {  	v37 =	vld [tilespmem:s18+$0xC800]  }
0x17a: {  	v38 =	vld [tilespmem:s18+$0x8810]  }
0x17b: {  	v39 =	vld [tilespmem:s18+$0xC810]  }
0x17c: {  	v40 =	vld [tilespmem:s18+$0x8820]  }
0x17d: {  	v41 =	vld [tilespmem:s18+$0xC820]  }
0x17e: {  	v42 =	vld [tilespmem:s18+$0x8830]  }
0x17f: {  	v43 =	vld [tilespmem:s18+$0xC830]  }
0x180: {  	v44 =	vld [tilespmem:s18+$0x8840]  }
0x181: {  	v45 =	vld [tilespmem:s18+$0xC840]  }
0x182: {  	v46 =	vld [tilespmem:s18+$0x8850]  }
0x183: {  	v47 =	vld [tilespmem:s18+$0xC850]  }
0x184: {  	v48 =	vld [tilespmem:s18+$0x8860]  }
0x185: {  	v49 =	vld [tilespmem:s18+$0xC860]  }
0x186: {  	v50 =	vld [tilespmem:s18+$0x8870]  }
0x187: {  	v51 =	vld [tilespmem:s18+$0xC870]  }
0x188: {  	v52 =	vld [tilespmem:s18+$0x8C00]  }
0x189: {  	v53 =	vld [tilespmem:s18+$0xCC00]  }
0x18a: {  	v54 =	vld [tilespmem:s18+$0x8C10]  }
0x18b: {  	v55 =	vld [tilespmem:s18+$0xCC10]  }
0x18c: {  	v56 =	vld [tilespmem:s18+$0x8C20]  }
0x18d: {  	v57 =	vld [tilespmem:s18+$0xCC20]  }
0x18e: {  	v58 =	vld [tilespmem:s18+$0x8C30]  }
0x18f: {  	v59 =	vld [tilespmem:s18+$0xCC30]  }
0x190: {  	v60 =	vld [tilespmem:s18+$0x8C40]  }
0x191: {  	v61 =	vld [tilespmem:s18+$0xCC40]  }
0x192: {  	v62 =	vld [tilespmem:s18+$0x8C50]  }
0x193: {  	v63 =	vld [tilespmem:s18+$0xCC50]  }
0x194: {  	v5 =	vld [tilespmem:s18+$0x8C60]  }
0x195: {  	v6 =	vld [tilespmem:s18+$0xCC60]  }
0x196: {  	v26 =	vld [tilespmem:s18+$0x8C70]  }
0x197: {  	v27 =	vld [tilespmem:s18+$0xCC70]  }
0x198: {  	v22 =	vld [tilespmem:s18+$0x9000]  }
0x199: {  	v23 =	vld [tilespmem:s18+$0xD000]  }
0x19a: {  	v20 =	vld [tilespmem:s18+$0x9010]  }
0x19b: {  	v21 =	vld [tilespmem:s18+$0xD010]  }
0x19c: {  	v16 =	vld [tilespmem:s18+$0x9020]  }
0x19d: {  	v17 =	vld [tilespmem:s18+$0xD020]  }
0x19e: {  	v3 =	vmov s17;
	v11 =	vld [tilespmem:s18+$0x9030]  }
0x19f: {  	v3 =	vand.u32 $0xF, v3;
	v10 =	vld [tilespmem:s18+$0x9050]  }
0x1a0: {  	v4 =	vbroadcast v3, $0x0;
	v8 =	vld [tilespmem:s18+$0x9060]  }
0x1a1: {  	v15 =	vld [tilespmem:s18+$0xD030]  }
0x1a2: {  	v9 =	vld [tilespmem:s18+$0x9040];
	v3 =	vperm.xlane v0, v4;
	v4 =	vperm.xlane v1, v4  }
0x1a3: {  	v12 =	vld [tilespmem:s18+$0xD040]  }
0x1a4: {  	[tilespmem:$0x1FFA0] =	vst v10;
	v10 =	vld [tilespmem:s18+$0xD050];
	v1 =	vmul.f32 v2, v3;
	v2 =	vmul.f32 v7, v4  }
0x1a5: {  	[tilespmem:$0x1FFB0] =	vst v8;
	v8 =	vld [tilespmem:s18+$0xD060];
	v0 =	vmul.f32 v13, v3  }
0x1a6: {  	v14 =	vmul.f32 v14, v4;
	v7 =	vld [tilespmem:s18+$0x9070];
	v1 =	vadd.f32 v2, v1;
	v2 =	vmul.f32 v18, v3  }
0x1a7: {  	v13 =	vld [tilespmem:s18+$0xD070];
	v18 =	vmul.f32 v19, v4;
	v19 =	vmul.f32 v24, v3  }
0x1a8: {  	v0 =	vadd.f32 v14, v0;
	v24 =	vmul.f32 v25, v4;
	v14 =	vld [tilespmem:s18+$0x9400];
	v25 =	vmul.f32 v29, v4  }
0x1a9: {  	v29 =	vmul.f32 v31, v4;
	v31 =	vmul.f32 v9, v3;
	v9 =	vld [tilespmem:s18+$0xD840]  }
0x1aa: {  	v34 =	vmul.f32 v34, v3;
	v35 =	vmul.f32 v35, v4;
	[tilespmem:s18+$0x10400] =	vst v1;
	v1 =	vadd.f32 v18, v2;
	v18 =	vld [tilespmem:s18+$0xD400]  }
0x1ab: {  	v37 =	vmul.f32 v37, v4;
	v2 =	vmul.f32 v28, v3;
	[tilespmem:s18+$0x10410] =	vst v0;
	v0 =	vadd.f32 v24, v19;
	v19 =	vld [tilespmem:s18+$0x9410]  }
0x1ac: {  	v44 =	vmul.f32 v44, v3;
	v28 =	vmul.f32 v30, v3;
	v24 =	vld [tilespmem:s18+$0xD410]  }
0x1ad: {  	v30 =	vmul.f32 v33, v4;
	[tilespmem:s18+$0x10420] =	vst v1;
	v1 =	vadd.f32 v25, v2;
	v2 =	vmul.f32 v32, v3;
	v25 =	vld [tilespmem:s18+$0x9420]  }
0x1ae: {  	v45 =	vmul.f32 v45, v4;
	v56 =	vmul.f32 v56, v3;
	[tilespmem:s18+$0x10430] =	vst v0;
	v33 =	vadd.f32 v29, v28;
	v28 =	vld [tilespmem:s18+$0xD420]  }
0x1af: {  	v0 =	vadd.f32 v35, v34;
	v32 =	vld [tilespmem:s18+$0x9430];
	[tilespmem:s18+$0x10440] =	vst v1;
	v1 =	vadd.f32 v30, v2;
	v2 =	vmul.f32 v36, v3  }
0x1b0: {  	v29 =	vmul.f32 v38, v3;
	v34 =	vld [tilespmem:s18+$0x9440];
	[tilespmem:s18+$0x10450] =	vst v33;
	v36 =	vmul.f32 v39, v4  }
0x1b1: {  	v38 =	vmul.f32 v40, v3;
	v35 =	vld [tilespmem:s18+$0xD440];
	v39 =	vmul.f32 v41, v4;
	[tilespmem:s18+$0x10470] =	vst v0;
	v37 =	vadd.f32 v37, v2  }
0x1b2: {  	v33 =	vld [tilespmem:s18+$0xD430];
	v41 =	vmul.f32 v42, v3;
	v42 =	vmul.f32 v43, v4;
	[tilespmem:s18+$0x10460] =	vst v1;
	v40 =	vadd.f32 v36, v29  }
0x1b3: {  	v57 =	vmul.f32 v57, v4;
	v26 =	vmul.f32 v26, v3;
	v43 =	vadd.f32 v39, v38;
	v36 =	vld [tilespmem:s18+$0x9450];
	[tilespmem:s18+$0x10800] =	vst v37  }
0x1b4: {  	v38 =	vld [tilespmem:s18+$0x9460];
	[tilespmem:s18+$0x10810] =	vst v40;
	v40 =	vadd.f32 v42, v41;
	v41 =	vmul.f32 v46, v3;
	v42 =	vmul.f32 v47, v4  }
0x1b5: {  	v39 =	vld [tilespmem:s18+$0xD460];
	[tilespmem:s18+$0x10820] =	vst v43;
	v43 =	vadd.f32 v45, v44;
	v44 =	vmul.f32 v48, v3;
	v45 =	vmul.f32 v49, v4  }
0x1b6: {  	v29 =	vld [tilespmem:s18+$0x9820];
	v47 =	vmul.f32 v50, v3;
	v48 =	vmul.f32 v51, v4;
	[tilespmem:s18+$0x10830] =	vst v40;
	v46 =	vadd.f32 v42, v41  }
0x1b7: {  	v37 =	vld [tilespmem:s18+$0xD450];
	v50 =	vmul.f32 v52, v3;
	v51 =	vmul.f32 v53, v4;
	[tilespmem:s18+$0x10840] =	vst v43;
	v49 =	vadd.f32 v45, v44  }
0x1b8: {  	v53 =	vmul.f32 v54, v3;
	v54 =	vmul.f32 v55, v4;
	v52 =	vadd.f32 v48, v47;
	v40 =	vld [tilespmem:s18+$0x9470];
	[tilespmem:s18+$0x10850] =	vst v46  }
0x1b9: {  	v27 =	vmul.f32 v27, v4;
	v20 =	vmul.f32 v20, v3;
	v55 =	vadd.f32 v51, v50;
	v41 =	vld [tilespmem:s18+$0xD470];
	[tilespmem:s18+$0x10860] =	vst v49  }
0x1ba: {  	v21 =	vmul.f32 v21, v4;
	v45 =	vadd.f32 v54, v53;
	v47 =	vmul.f32 v59, v4;
	v42 =	vld [tilespmem:s18+$0x9800];
	[tilespmem:s18+$0x10870] =	vst v52  }
0x1bb: {  	v48 =	vadd.f32 v57, v56;
	v50 =	vmul.f32 v61, v4;
	v43 =	vld [tilespmem:s18+$0xD800];
	v53 =	vmul.f32 v63, v4;
	[tilespmem:s18+$0x10C00] =	vst v55  }
0x1bc: {  	v44 =	vld [tilespmem:s18+$0x9810];
	v61 =	vadd.f32 v27, v26;
	v63 =	vmul.f32 v16, v3;
	v26 =	vmul.f32 v17, v4;
	[tilespmem:s18+$0x10C10] =	vst v45  }
0x1bd: {  	v56 =	vmul.f32 v6, v4;
	v6 =	vld [tilespmem:s18+$0xD810];
	v27 =	vadd.f32 v21, v20;
	v46 =	vmul.f32 v58, v3;
	[tilespmem:s18+$0x10C20] =	vst v48  }
0x1be: {  	v59 =	vmul.f32 v22, v3;
	v22 =	vld [tilespmem:s18+$0xD820];
	v49 =	vmul.f32 v60, v3;
	[tilespmem:s18+$0x10C70] =	vst v61;
	v30 =	vadd.f32 v26, v63  }
0x1bf: {  	v16 =	vld [tilespmem:s18+$0xD830];
	v52 =	vmul.f32 v62, v3;
	[tilespmem:s18+$0x11010] =	vst v27;
	v51 =	vadd.f32 v47, v46  }
0x1c0: {  	v11 =	vmul.f32 v11, v3;
	v17 =	vld [tilespmem:s18+$0x9840];
	v55 =	vmul.f32 v5, v3;
	v54 =	vadd.f32 v50, v49;
	[tilespmem:s18+$0x11020] =	vst v30  }
0x1c1: {  	v15 =	vmul.f32 v15, v4;
	v20 =	vld [tilespmem:s18+$0x9C10];
	v60 =	vmul.f32 v23, v4;
	v57 =	vadd.f32 v53, v52;
	[tilespmem:s18+$0x10C30] =	vst v51  }
0x1c2: {  	v7 =	vmul.f32 v7, v3;
	v21 =	vmul.f32 v33, v4;
	v23 =	vld [tilespmem:s18+$0x9830];
	v58 =	vadd.f32 v56, v55;
	[tilespmem:s18+$0x10C40] =	vst v54  }
0x1c3: {  	v33 =	vmul.f32 v39, v4;
	v45 =	vmul.f32 v12, v4;
	v12 =	vld [tilespmem:s18+$0x9850];
	v62 =	vadd.f32 v60, v59;
	[tilespmem:s18+$0x10C50] =	vst v57  }
0x1c4: {  	v61 =	vmul.f32 v28, v4;
	v63 =	vmul.f32 v32, v3;
	v46 =	vadd.f32 v15, v11;
	v47 =	vld [tilespmem:$0x1FFA0];
	[tilespmem:s18+$0x10C60] =	vst v58  }
0x1c5: {  	v26 =	vmul.f32 v35, v4;
	v32 =	vmul.f32 v38, v3;
	v48 =	vadd.f32 v45, v31;
	v49 =	vld [tilespmem:$0x1FFB0];
	[tilespmem:s18+$0x11000] =	vst v62  }
0x1c6: {  	v50 =	vmul.f32 v8, v4;
	v8 =	vld [tilespmem:s18+$0xD850];
	v52 =	vmul.f32 v13, v4;
	v27 =	vadd.f32 v21, v63;
	[tilespmem:s18+$0x11030] =	vst v46  }
0x1c7: {  	v13 =	vld [tilespmem:s18+$0xD860];
	v60 =	vmul.f32 v25, v3;
	v30 =	vmul.f32 v37, v4;
	v37 =	vadd.f32 v33, v32;
	[tilespmem:s18+$0x11040] =	vst v48  }
0x1c8: {  	v28 =	vmul.f32 v36, v3;
	v15 =	vld [tilespmem:s18+$0xD870];
	v25 =	vmul.f32 v34, v3;
	v56 =	vadd.f32 v52, v7;
	[tilespmem:s18+$0x11430] =	vst v27  }
0x1c9: {  	v55 =	vmul.f32 v18, v4;
	v18 =	vld [tilespmem:s18+$0x9C00];
	v58 =	vmul.f32 v24, v4;
	v24 =	vadd.f32 v61, v60;
	[tilespmem:s18+$0x11460] =	vst v37  }
0x1ca: {  	v21 =	vld [tilespmem:s18+$0xDC10];
	v35 =	vmul.f32 v40, v3;
	v36 =	vmul.f32 v41, v4;
	v31 =	vadd.f32 v26, v25;
	[tilespmem:s18+$0x11070] =	vst v56  }
0x1cb: {  	v63 =	vld [tilespmem:s18+$0xDC50];
	v38 =	vmul.f32 v42, v3;
	v39 =	vmul.f32 v43, v4;
	v34 =	vadd.f32 v30, v28;
	[tilespmem:s18+$0x11420] =	vst v24  }
0x1cc: {  	v40 =	vld [tilespmem:s18+$0xDC20];
	v42 =	vmul.f32 v44, v3;
	v6 =	vmul.f32 v6, v4;
	v41 =	vadd.f32 v36, v35;
	[tilespmem:s18+$0x11440] =	vst v31  }
0x1cd: {  	v43 =	vld [tilespmem:s18+$0x9C30];
	v54 =	vmul.f32 v14, v3;
	v44 =	vadd.f32 v39, v38;
	[tilespmem:s18+$0x11450] =	vst v34  }
0x1ce: {  	v10 =	vmul.f32 v10, v4;
	v57 =	vmul.f32 v19, v3;
	v14 =	vld [tilespmem:s18+$0x9870];
	v48 =	vadd.f32 v6, v42;
	[tilespmem:s18+$0x11470] =	vst v41  }
0x1cf: {  	v45 =	vmul.f32 v29, v3;
	v19 =	vld [tilespmem:s18+$0xDC00];
	v46 =	vmul.f32 v22, v4;
	v59 =	vadd.f32 v55, v54;
	[tilespmem:s18+$0x11800] =	vst v44  }
0x1d0: {  	v33 =	vmul.f32 v20, v3;
	v27 =	vld [tilespmem:s18+$0x9C60];
	v62 =	vadd.f32 v58, v57;
	v11 =	vmul.f32 v47, v3;
	[tilespmem:s18+$0x11810] =	vst v48  }
0x1d1: {  	v35 =	vld [tilespmem:s18+$0x9C70];
	v52 =	vadd.f32 v46, v45;
	v57 =	vmul.f32 v12, v3;
	v2 =	vmul.f32 v49, v3;
	[tilespmem:s18+$0x11400] =	vst v59  }
0x1d2: {  	v39 =	vld [tilespmem:s18+$0xDC70];
	v49 =	vmul.f32 v23, v3;
	v34 =	vmul.f32 v21, v4;
	[tilespmem:s18+$0x11410] =	vst v62;
	v51 =	vadd.f32 v10, v11  }
0x1d3: {  	v24 =	vld [tilespmem:s18+$0x9C20];
	v58 =	vmul.f32 v8, v4;
	[tilespmem:s18+$0x11820] =	vst v52;
	v53 =	vadd.f32 v50, v2;
	v50 =	vmul.f32 v16, v4  }
0x1d4: {  	v47 =	vld [tilespmem:s18+$0xDC30];
	v26 =	vmul.f32 v15, v4;
	v38 =	vmul.f32 v40, v4;
	v40 =	vadd.f32 v34, v33;
	[tilespmem:s18+$0x11050] =	vst v51  }
0x1d5: {  	v29 =	vmul.f32 v18, v3;
	v59 =	vld [tilespmem:s18+$0x9C50];
	v23 =	vmul.f32 v14, v3;
	[tilespmem:s18+$0x11060] =	vst v53;
	v56 =	vadd.f32 v50, v49  }
0x1d6: {  	v55 =	vld [tilespmem:s18+$0xDC40];
	v30 =	vmul.f32 v19, v4;
	v53 =	vmul.f32 v17, v3;
	v17 =	vadd.f32 v58, v57;
	[tilespmem:s18+$0x11C10] =	vst v40  }
0x1d7: {  	v54 =	vmul.f32 v9, v4;
	v11 =	vld [tilespmem:s18+$0x9860];
	v32 =	vadd.f32 v26, v23;
	[tilespmem:s18+$0x11830] =	vst v56  }
0x1d8: {  	v51 =	vld [tilespmem:s18+$0x9C40];
	v36 =	vadd.f32 v30, v29;
	v37 =	vmul.f32 v24, v3;
	[tilespmem:s18+$0x11850] =	vst v17  }
0x1d9: {  	v31 =	vld [tilespmem:s18+$0xDC60];
	v41 =	vmul.f32 v43, v3;
	v42 =	vmul.f32 v47, v4;
	v60 =	vadd.f32 v54, v53;
	[tilespmem:s18+$0x11870] =	vst v32  }
0x1da: {  	v48 =	vmul.f32 v63, v4;
	[tilespmem:s18+$0x11C00] =	vst v36;
	v43 =	vadd.f32 v38, v37;
	v47 =	vmul.f32 v59, v3  }
0x1db: {  	v53 =	vmul.f32 v35, v3;
	v54 =	vmul.f32 v39, v4;
	v46 =	vadd.f32 v42, v41;
	[tilespmem:s18+$0x11840] =	vst v60  }
0x1dc: {  	v62 =	vmul.f32 v13, v4;
	v61 =	vmul.f32 v11, v3;
	[tilespmem:s18+$0x11C20] =	vst v43;
	v52 =	vadd.f32 v48, v47  }
0x1dd: {  	v45 =	vmul.f32 v55, v4;
	v56 =	vadd.f32 v54, v53;
	v44 =	vmul.f32 v51, v3;
	[tilespmem:s18+$0x11C30] =	vst v46  }
0x1de: {  	v50 =	vmul.f32 v27, v3;
	v28 =	vadd.f32 v62, v61;
	v51 =	vmul.f32 v31, v4;
	[tilespmem:s18+$0x11C50] =	vst v52  }
0x1df: {  	s20 =	sand.u32 $0x7, s14;
	[tilespmem:s18+$0x11C70] =	vst v56;
	v49 =	vadd.f32 v45, v44  }
0x1e0: {  	s19 =	sshll.u32 s20, $0x7;
	[tilespmem:s18+$0x11860] =	vst v28;
	v55 =	vadd.f32 v51, v50  }
0x1e1: {  	s19 =	sadd.s32 s19, s15;
	[tilespmem:s18+$0x11C40] =	vst v49  }
0x1e2: {  	s20 =	sor.u32 $0x1C00, s19;
	[tilespmem:s18+$0x11C60] =	vst v55  }
0x1e3: {  	v0 =	vld [tilespmem:s20+$0x8400]  }
0x1e4: {  	v1 =	vld [tilespmem:s20+$0xC400];
	_ =	sdelay $0x4  }
0x1e5: {  	v0 =	vmul.f32 v0, v3;
	v1 =	vmul.f32 v1, v4;
	_ =	sdelay $0x1  }
0x1e6: {  	v0 =	vadd.f32 v1, v0;
	_ =	sdelay $0x1  }
0x1e7: {  	[tilespmem:s20+$0x10400] =	vst v0;
	s20 =	sor.u32 $0x1C10, s19  }
0x1e8: {  	v0 =	vld [tilespmem:s20+$0x8400]  }
0x1e9: {  	v57 =	vld [tilespmem:s20+$0xC400];
	_ =	sdelay $0x4  }
0x1ea: {  	v0 =	vmul.f32 v0, v3;
	v1 =	vmul.f32 v57, v4;
	_ =	sdelay $0x1  }
0x1eb: {  	v0 =	vadd.f32 v1, v0;
	_ =	sdelay $0x1  }
0x1ec: {  	[tilespmem:s20+$0x10400] =	vst v0;
	s20 =	sor.u32 $0x1C20, s19  }
0x1ed: {  	v0 =	vld [tilespmem:s20+$0x8400]  }
0x1ee: {  	v58 =	vld [tilespmem:s20+$0xC400];
	_ =	sdelay $0x4  }
0x1ef: {  	v0 =	vmul.f32 v0, v3;
	v1 =	vmul.f32 v58, v4;
	_ =	sdelay $0x1  }
0x1f0: {  	v0 =	vadd.f32 v1, v0;
	_ =	sdelay $0x1  }
0x1f1: {  	[tilespmem:s20+$0x10400] =	vst v0;
	s20 =	sor.u32 $0x1C30, s19  }
0x1f2: {  	v0 =	vld [tilespmem:s20+$0x8400]  }
0x1f3: {  	v59 =	vld [tilespmem:s20+$0xC400];
	_ =	sdelay $0x4  }
0x1f4: {  	v0 =	vmul.f32 v0, v3;
	v1 =	vmul.f32 v59, v4;
	_ =	sdelay $0x1  }
0x1f5: {  	v0 =	vadd.f32 v1, v0;
	_ =	sdelay $0x1  }
0x1f6: {  	[tilespmem:s20+$0x10400] =	vst v0;
	s20 =	sor.u32 $0x1C40, s19  }
0x1f7: {  	v0 =	vld [tilespmem:s20+$0x8400]  }
0x1f8: {  	v60 =	vld [tilespmem:s20+$0xC400];
	_ =	sdelay $0x4  }
0x1f9: {  	v0 =	vmul.f32 v0, v3;
	v1 =	vmul.f32 v60, v4;
	_ =	sdelay $0x1  }
0x1fa: {  	v0 =	vadd.f32 v1, v0;
	_ =	sdelay $0x1  }
0x1fb: {  	[tilespmem:s20+$0x10400] =	vst v0;
	s20 =	sor.u32 $0x1C50, s19  }
0x1fc: {  	v0 =	vld [tilespmem:s20+$0x8400]  }
0x1fd: {  	v61 =	vld [tilespmem:s20+$0xC400];
	_ =	sdelay $0x4  }
0x1fe: {  	v0 =	vmul.f32 v0, v3;
	v1 =	vmul.f32 v61, v4;
	_ =	sdelay $0x1  }
0x1ff: {  	v0 =	vadd.f32 v1, v0;
	_ =	sdelay $0x1  }
0x200: {  	[tilespmem:s20+$0x10400] =	vst v0;
	s20 =	sor.u32 $0x1C60, s19  }
0x201: {  	v0 =	vld [tilespmem:s20+$0x8400]  }
0x202: {  	v62 =	vld [tilespmem:s20+$0xC400];
	_ =	sdelay $0x4  }
0x203: {  	v0 =	vmul.f32 v0, v3;
	v1 =	vmul.f32 v62, v4;
	_ =	sdelay $0x1  }
0x204: {  	v0 =	vadd.f32 v1, v0;
	_ =	sdelay $0x1  }
0x205: {  	[tilespmem:s20+$0x10400] =	vst v0;
	s20 =	sor.u32 $0x1C70, s19  }
0x206: {  	v0 =	vld [tilespmem:s20+$0x8400]  }
0x207: {  	v63 =	vld [tilespmem:s20+$0xC400];
	_ =	sdelay $0x3  }
0x208: {  	p0 =	sne.s32 s17, $0xF  }
.Ltmp1:
0x209: {  	v0 =	vmul.f32 v0, v3;
	v1 =	vmul.f32 v63, v4;
	(pc) =	sbr.rel @p0 .LBB2_5-.Ltmp1, $4  }
0x20a: {  	_ = 	snop  }
0x20b: {  	v0 =	vadd.f32 v1, v0  }
0x20c: {  	s16 =	sadd.s32 $0x80, s16  }
0x20d: {  	s14 =	sadd.s32 $0x1, s14;
	s17 =	sadd.s32 $0x1, s17;
	s15 =	sadd.s32 $0x400, s15;
	[tilespmem:s20+$0x10400] =	vst v0  }
0x20e: {  	s7 =	sadd.s32 $0x1, s7  }
0x20f: {  	s6 =	sshll.u32 s12, $0xB;
	p0 =	sne.s32 s7, $0x8  }
.Ltmp2:
0x210: {  	s6 =	sadd.s32 s6, s11;
	(pc) =	sbr.rel @p0 .LBB2_2-.Ltmp2, $4  }
0x211: {  	[hbm4b:s6+s2] =	stream.linear.scatter [tilespmem:s0], [sflag:$0x5], $0x4000, $0x38;
	[tilespmem:$0x14400] =	vst v63  }
0x212: {  	_ =	swait.ge [sflag:s13], $0x4000  }
0x213: {  	[sflag:s13] =	ssyncset.done $0x0  }
0x214: {  	[sflag:s13] =	ssyncadd.s32 $0xFFFFC000  }
0x215: {  	s7 =	rddreg [dreg:$0x8]  }
0x216: {  	s6 =	rddreg [dreg:$0x7];
	s7 =	sadd.s32 $0x1, s7  }
0x217: {  	p0 =	sne.s32 s7, s6  }
.Ltmp3:
0x218: {  	_ = 	snop;
	(pc) =	sbr.rel @p0 .LBB2_1-.Ltmp3, $1  }
0x219: {  	_ =	sdelay $0x3  }
0x21a: {  	_ =	sfence.sel $0x180000  }
0x21b: {  	[bflag:$0x0] =	sbarrier.arrive $0xFFFF  }
0x21c: {  	_ =	strace $0x9000004A  }
0x21d: {  	s0 =	stileid.u32;
	[bflag:$0x2] =	sbarrier.arrive $0xFFFF  }
0x21e: {  	p0 =	sne.s32 s0, $0x0;
	s0 =	rddreg [dreg:$0x2]  }
0x21f: {  	s0 =	sadd.s32 @!p0 $0x100000, s0  }
0x220: {  	[sflag:s0] =	ssyncadd.tile.s32 @!p0 $0x1;
	_ =	shalt  }
.Lfunc_end2:
_tile_overlayer_lowered:
.L_overlay_start_2:
0x221: {  	(tag) =	ssettag $0x2  }
0x222: {  	s0 =	rddreg [dreg:$0x0];
	s2 =	stileid.u32  }
0x223: {  	s1 =	rddreg [dreg:$0x1];
	p0 =	sne.s32 s2, $0x0  }
0x224: {  	s3 =	rddreg [dreg:$0x2];
	[bflag:$0x3] =	sbarrier.arrive $0xFFFF;
	s2 =	simm.s32 @!p0 $0x1C05  }
0x225: {  	[timem:s3], [sflag:s2] =	dma.local @!p0 [hbm:s0], s1  }
0x226: {  	s0 =	simm.s32 @!p0 $0x5  }
0x227: {  	_ =	swait.ge @!p0 [sflag:s0], s1  }
0x228: {  	s1 =	ssub.s32 @!p0 $0x0, s1;
	[sflag:s0] =	ssyncset.done @!p0 $0x0  }
0x229: {  	[sflag:s0] =	ssyncadd.s32 @!p0 s1  }
0x22a: {  	[bflag:$0x3] =	sbarrier.arrive $0xFFFF  }
0x22b: {  	_ =	shalt  }

</sc_bundles>
